<compile_context>
chip_gen: v7x
topology: tpu7x:2x2x1
jax: 0.10.2.dev20260603
libtpu: 0.0.44.dev20260713+nightly
codegen_flags: <defaults>
</compile_context>

<pallas_src>
import functools

import jax
import jax.numpy as jnp
from jax import lax
from jax.experimental import pallas as pl
from jax.experimental.pallas import tpu as pltpu
from jax.experimental.pallas import tpu_sc as plsc

FEATS = 512
ROWS = 16
NTIMES = 16384
NC, NS, L = 2, 16, 16
NW = NC * NS
CPW = NTIMES // NW
NGROUPS = CPW // L
EBLK = 16
NBLK = CPW // EBLK
NCH = FEATS // L

_mesh = plsc.VectorSubcoreMesh(core_axis_name="c", subcore_axis_name="s")


@functools.partial(
    pl.kernel,
    mesh=_mesh,
    compiler_params=pltpu.CompilerParams(needs_layout_passes=False),
    out_type=jax.ShapeDtypeStruct((NTIMES, FEATS), jnp.float32),
    scratch_types=[
        pltpu.VMEM((CPW,), jnp.float32),
        pltpu.VMEM((ROWS * FEATS,), jnp.float32),
        pltpu.VMEM((CPW + L,), jnp.int32),
        pltpu.VMEM((CPW + L,), jnp.int32),
        pltpu.VMEM((CPW + L,), jnp.float32),
        pltpu.VMEM((EBLK, FEATS), jnp.float32),
        pltpu.VMEM((EBLK, FEATS), jnp.float32),
        pltpu.SemaphoreType.DMA,
        pltpu.SemaphoreType.DMA,
    ],
)
def _sc_interp(times_hbm, table_hbm, out_hbm,
               times_v, table_v, lb_v, rb_v, lw_v,
               out0_v, out1_v, sem0, sem1):
    wid = lax.axis_index("s") * NC + lax.axis_index("c")
    base = wid * CPW
    pltpu.sync_copy(times_hbm.at[pl.ds(base, CPW)], times_v)
    pltpu.sync_copy(table_hbm, table_v)

    @plsc.parallel_loop(0, NGROUPS, unroll=4)
    def weight_body(g):
        t = times_v[pl.ds(g * L, L)]
        data = t * float(ROWS)
        li = jnp.clip(data, 0.0, float(ROWS - 1)).astype(jnp.int32)
        ri = jnp.minimum(li + 1, ROWS - 1)
        lw = data - li.astype(jnp.float32)
        sl = pl.ds(g * L, L)
        lb_v[sl] = li * FEATS
        rb_v[sl] = ri * FEATS
        lw_v[sl] = lw

    iota_c = lax.iota(jnp.int32, L)

    def compute_block(b, buf):
        eb = b * EBLK

        @plsc.parallel_loop(0, EBLK, unroll=4)
        def elem_body(e):
            eidx = jnp.full((L,), eb + e, dtype=jnp.int32)
            lbv = plsc.load_gather(lb_v, [eidx]) + iota_c
            rbv = plsc.load_gather(rb_v, [eidx]) + iota_c
            lwv = plsc.load_gather(lw_v, [eidx])
            rwv = 1.0 - lwv
            for k in range(NCH):
                le = plsc.load_gather(table_v, [lbv + (k * L)])
                re = plsc.load_gather(table_v, [rbv + (k * L)])
                buf[e, pl.ds(k * L, L)] = rwv * le + lwv * re

    def out_slice(b):
        return out_hbm.at[pl.ds(base + b * EBLK, EBLK)]

    compute_block(0, out0_v)
    pltpu.async_copy(out0_v, out_slice(0), sem0)
    compute_block(1, out1_v)
    pltpu.async_copy(out1_v, out_slice(1), sem1)

    def pair_body(p, carry):
        b0 = 2 * p
        pltpu.make_async_copy(out0_v, out_slice(b0), sem0).wait()
        compute_block(b0, out0_v)
        pltpu.async_copy(out0_v, out_slice(b0), sem0)
        b1 = 2 * p + 1
        pltpu.make_async_copy(out1_v, out_slice(b1), sem1).wait()
        compute_block(b1, out1_v)
        pltpu.async_copy(out1_v, out_slice(b1), sem1)
        return carry

    lax.fori_loop(1, NBLK // 2, pair_body, 0)

    pltpu.make_async_copy(out0_v, out_slice(0), sem0).wait()
    pltpu.make_async_copy(out1_v, out_slice(1), sem1).wait()


def kernel(times, table):
    return _sc_interp(times, table.reshape(ROWS * FEATS))

# --- scband reference (transcript-rebuilt; emitter-appended) ---
"""Pipeline reference for scband-temporal-embedding-86182813762088 (READ-ONLY COPY).

The authoritative reference and input builder live on the scoring server;
editing this copy changes nothing except your own understanding.
"""

import jax, jax.numpy as jnp
import numpy as np

FEATURES = 512
LEARN_EMB_NUM = 16
N = 16384


def setup_inputs(seed: int = 0) -> dict:
    key = jax.random.key(seed)
    k1, k2 = jax.random.split(key)
    times = jax.random.uniform(k1, (N,), dtype=jnp.float32)
    # learned embedding table (nn.Embedding weight), sized per init_kwargs
    table = jax.random.normal(k2, (LEARN_EMB_NUM, FEATURES), dtype=jnp.float32)
    return {"times": times, "table": table}


def reference(times, table):
    # _compute_weights
    data = times * LEARN_EMB_NUM
    left_index = jnp.clip(data, 0, LEARN_EMB_NUM - 1).astype(jnp.int32)
    right_index = jnp.clip(left_index + 1, 0, LEARN_EMB_NUM - 1)
    left_weight = data - left_index.astype(jnp.float32)
    right_weight = 1.0 - left_weight
    # _learned_embedding: gather left/right rows and interpolate
    le = jnp.take(table, left_index, axis=0)
    re = jnp.take(table, right_index, axis=0)
    temp_emb = left_weight[:, None] * re + right_weight[:, None] * le
    return temp_emb.reshape(times.shape[0], FEATURES)

if __name__ == "__main__":
    import jax
    _d = setup_inputs()
    print(jax.jit(kernel)(*tuple(_d.values())))

</pallas_src>

<mosaic_0001>
#map = affine_map<(d0, d1) -> (0)>
#map1 = affine_map<(d0, d1) -> (0, 0)>
module attributes {stable_mosaic.version = 14 : i64} {
  func.func @_sc_interp(%arg0: i32, %arg1: i32, %arg2: memref<16384xf32, #tpu.memory_space<hbm>>, %arg3: memref<8192xf32, #tpu.memory_space<hbm>>, %arg4: memref<16384x512xf32, #tpu.memory_space<hbm>>, %arg5: memref<512xf32, #tpu.memory_space<vmem>>, %arg6: memref<8192xf32, #tpu.memory_space<vmem>>, %arg7: memref<528xi32, #tpu.memory_space<vmem>>, %arg8: memref<528xi32, #tpu.memory_space<vmem>>, %arg9: memref<528xf32, #tpu.memory_space<vmem>>, %arg10: memref<16x512xf32, #tpu.memory_space<vmem>>, %arg11: memref<16x512xf32, #tpu.memory_space<vmem>>, %arg12: memref<!tpu.dma_semaphore, #tpu.memory_space<semaphore_mem>>, %arg13: memref<!tpu.dma_semaphore, #tpu.memory_space<semaphore_mem>>) attributes {dimension_semantics = [#tpu.dimension_semantics<core_parallel>, #tpu.dimension_semantics<subcore_parallel>], iteration_bounds = array<i64: 2, 16>, scalar_prefetch = 0 : i64, scratch_operands = 9 : i64, tpu.core_type = #tpu.core_type<sc_vector_subcore>, window_params = [{transform_indices = #map}, {transform_indices = #map}, {transform_indices = #map1}]} {
    %mul3A = arith.constant 2 : i32
    %mul3A_0 = arith.muli %arg1, %mul3A : i32
    %add3A = arith.addi %mul3A_0, %arg0 : i32
    %mul3A_1 = arith.constant 512 : i32
    %mul3A_2 = arith.muli %add3A, %mul3A_1 : i32
    "tpu.region"() ({
      %run_scoped3A = tpu.sem_alloc : memref<!tpu.dma_semaphore, #tpu.memory_space<semaphore_mem>>
      %dma_start3A_38 = tpu.memref_slice %arg2[%mul3A_2] : memref<16384xf32, #tpu.memory_space<hbm>> -> memref<512xf32, #tpu.memory_space<hbm>>
      %dma_start3A_39 = tpu.memref_slice %arg2[%mul3A_2] : memref<16384xf32, #tpu.memory_space<hbm>> -> memref<512xf32, #tpu.memory_space<hbm>>
      tpu.enqueue_dma source(%dma_start3A_39 : memref<512xf32, #tpu.memory_space<hbm>>) target(%arg5 : memref<512xf32, #tpu.memory_space<vmem>>) target_semaphore(%run_scoped3A : memref<!tpu.dma_semaphore, #tpu.memory_space<semaphore_mem>>)
      %dma_wait3A_40 = tpu.memref_slice %arg2[%mul3A_2] : memref<16384xf32, #tpu.memory_space<hbm>> -> memref<512xf32, #tpu.memory_space<hbm>>
      %dma_wait3A_41 = tpu.memref_slice %arg2[%mul3A_2] : memref<16384xf32, #tpu.memory_space<hbm>> -> memref<512xf32, #tpu.memory_space<hbm>>
      tpu.wait_dma2 semaphore(%run_scoped3A : memref<!tpu.dma_semaphore, #tpu.memory_space<semaphore_mem>>) src(%dma_wait3A_41 : memref<512xf32, #tpu.memory_space<hbm>>) dst(%arg5 : memref<512xf32, #tpu.memory_space<vmem>>)
      tpu.yield
    }) : () -> ()
    "tpu.region"() ({
      %run_scoped3A = tpu.sem_alloc : memref<!tpu.dma_semaphore, #tpu.memory_space<semaphore_mem>>
      tpu.enqueue_dma source(%arg3 : memref<8192xf32, #tpu.memory_space<hbm>>) target(%arg6 : memref<8192xf32, #tpu.memory_space<vmem>>) target_semaphore(%run_scoped3A : memref<!tpu.dma_semaphore, #tpu.memory_space<semaphore_mem>>)
      tpu.wait_dma2 semaphore(%run_scoped3A : memref<!tpu.dma_semaphore, #tpu.memory_space<semaphore_mem>>) src(%arg3 : memref<8192xf32, #tpu.memory_space<hbm>>) dst(%arg6 : memref<8192xf32, #tpu.memory_space<vmem>>)
      tpu.yield
    }) : () -> ()
    %parallel_loop3A = arith.constant 0 : i32
    %parallel_loop3A_3 = arith.constant 32 : i32
    %parallel_loop3A_4 = arith.constant 1 : i32
    scf.for %parallel_loop3A_38 = %parallel_loop3A to %parallel_loop3A_3 step %parallel_loop3A_4  : i32 {
      %parallel_loop3A_39 = arith.constant 16 : i32
      %parallel_loop3A_40 = arith.muli %parallel_loop3A_38, %parallel_loop3A_39 : i32
      %parallel_loop3A_41 = arith.index_cast %parallel_loop3A_40 : i32 to index
      %parallel_loop3A_42 = tpu.vector_load %arg5[%parallel_loop3A_41] {strides = array<i32>} : memref<512xf32, #tpu.memory_space<vmem>>, vector<16xf32>,
      %parallel_loop3A_43 = arith.constant 1.600000e+01 : f32
      %parallel_loop3A_44 = vector.broadcast %parallel_loop3A_43 : f32 to vector<16xf32>
      %parallel_loop3A_45 = arith.mulf %parallel_loop3A_42, %parallel_loop3A_44 : vector<16xf32>
      %parallel_loop3A_46 = arith.constant 0.000000e+00 : f32
      %parallel_loop3A_47 = arith.constant 1.500000e+01 : f32
      %parallel_loop3A_48 = vector.broadcast %parallel_loop3A_46 : f32 to vector<16xf32>
      %parallel_loop3A_49 = arith.maximumf %parallel_loop3A_48, %parallel_loop3A_45 : vector<16xf32>
      %parallel_loop3A_50 = vector.broadcast %parallel_loop3A_47 : f32 to vector<16xf32>
      %parallel_loop3A_51 = arith.minimumf %parallel_loop3A_50, %parallel_loop3A_49 : vector<16xf32>
      %parallel_loop3A_52 = arith.fptosi %parallel_loop3A_51 : vector<16xf32> to vector<16xi32>
      %parallel_loop3A_53 = arith.constant 1 : i32
      %parallel_loop3A_54 = vector.broadcast %parallel_loop3A_53 : i32 to vector<16xi32>
      %parallel_loop3A_55 = arith.addi %parallel_loop3A_52, %parallel_loop3A_54 : vector<16xi32>
      %parallel_loop3A_56 = arith.constant 15 : i32
      %parallel_loop3A_57 = vector.broadcast %parallel_loop3A_56 : i32 to vector<16xi32>
      %parallel_loop3A_58 = arith.minsi %parallel_loop3A_55, %parallel_loop3A_57 : vector<16xi32>
      %parallel_loop3A_59 = arith.sitofp %parallel_loop3A_52 : vector<16xi32> to vector<16xf32>
      %parallel_loop3A_60 = arith.subf %parallel_loop3A_45, %parallel_loop3A_59 : vector<16xf32>
      %parallel_loop3A_61 = arith.constant 16 : i32
      %parallel_loop3A_62 = arith.muli %parallel_loop3A_38, %parallel_loop3A_61 : i32
      %parallel_loop3A_63 = arith.constant 512 : i32
      %parallel_loop3A_64 = vector.broadcast %parallel_loop3A_63 : i32 to vector<16xi32>
      %parallel_loop3A_65 = arith.muli %parallel_loop3A_52, %parallel_loop3A_64 : vector<16xi32>
      %parallel_loop3A_66 = arith.index_cast %parallel_loop3A_62 : i32 to index
      %parallel_loop3A_67 = tpu.vector_load %arg7[%parallel_loop3A_66] {strides = array<i32>} : memref<528xi32, #tpu.memory_space<vmem>>, vector<16xi32>,
      tpu.vector_store %arg7[%parallel_loop3A_66], %parallel_loop3A_65 {strides = array<i32>} : memref<528xi32, #tpu.memory_space<vmem>>, vector<16xi32>,
      %parallel_loop3A_68 = arith.constant 512 : i32
      %parallel_loop3A_69 = vector.broadcast %parallel_loop3A_68 : i32 to vector<16xi32>
      %parallel_loop3A_70 = arith.muli %parallel_loop3A_58, %parallel_loop3A_69 : vector<16xi32>
      %parallel_loop3A_71 = arith.index_cast %parallel_loop3A_62 : i32 to index
      %parallel_loop3A_72 = tpu.vector_load %arg8[%parallel_loop3A_71] {strides = array<i32>} : memref<528xi32, #tpu.memory_space<vmem>>, vector<16xi32>,
      tpu.vector_store %arg8[%parallel_loop3A_71], %parallel_loop3A_70 {strides = array<i32>} : memref<528xi32, #tpu.memory_space<vmem>>, vector<16xi32>,
      %parallel_loop3A_73 = arith.index_cast %parallel_loop3A_62 : i32 to index
      %parallel_loop3A_74 = tpu.vector_load %arg9[%parallel_loop3A_73] {strides = array<i32>} : memref<528xf32, #tpu.memory_space<vmem>>, vector<16xf32>,
      tpu.vector_store %arg9[%parallel_loop3A_73], %parallel_loop3A_60 {strides = array<i32>} : memref<528xf32, #tpu.memory_space<vmem>>, vector<16xf32>,
    } {sc.loop_unroll_factor = 4 : i64, sc.parallel_access}
    %iota3A = tpu.iota {dimensions = array<i32: 0>} : vector<16xi32>
    %parallel_loop3A_5 = arith.constant 0 : i32
    %parallel_loop3A_6 = arith.constant 16 : i32
    %parallel_loop3A_7 = arith.constant 1 : i32
    scf.for %parallel_loop3A_38 = %parallel_loop3A_5 to %parallel_loop3A_6 step %parallel_loop3A_7  : i32 {
      %parallel_loop3A_39 = arith.constant 0 : i32
      %parallel_loop3A_40 = arith.addi %parallel_loop3A_39, %parallel_loop3A_38 : i32
      %parallel_loop3A_41 = vector.broadcast %parallel_loop3A_40 : i32 to vector<16xi32>
      %parallel_loop3A_42 = tpu.vector_load_idx %arg7[%parallel_loop3A_41] : memref<528xi32, #tpu.memory_space<vmem>>[vector<16xi32>], vector<16xi32>,
      %parallel_loop3A_43 = arith.addi %parallel_loop3A_42, %iota3A : vector<16xi32>
      %parallel_loop3A_44 = tpu.vector_load_idx %arg8[%parallel_loop3A_41] : memref<528xi32, #tpu.memory_space<vmem>>[vector<16xi32>], vector<16xi32>,
      %parallel_loop3A_45 = arith.addi %parallel_loop3A_44, %iota3A : vector<16xi32>
      %parallel_loop3A_46 = tpu.vector_load_idx %arg9[%parallel_loop3A_41] : memref<528xf32, #tpu.memory_space<vmem>>[vector<16xi32>], vector<16xf32>,
      %parallel_loop3A_47 = arith.constant 1.000000e+00 : f32
      %parallel_loop3A_48 = vector.broadcast %parallel_loop3A_47 : f32 to vector<16xf32>
      %parallel_loop3A_49 = arith.subf %parallel_loop3A_48, %parallel_loop3A_46 : vector<16xf32>
      %parallel_loop3A_50 = arith.constant 0 : i32
      %parallel_loop3A_51 = vector.broadcast %parallel_loop3A_50 : i32 to vector<16xi32>
      %parallel_loop3A_52 = arith.addi %parallel_loop3A_43, %parallel_loop3A_51 : vector<16xi32>
      %parallel_loop3A_53 = tpu.vector_load_idx %arg6[%parallel_loop3A_52] : memref<8192xf32, #tpu.memory_space<vmem>>[vector<16xi32>], vector<16xf32>,
      %parallel_loop3A_54 = arith.constant 0 : i32
      %parallel_loop3A_55 = vector.broadcast %parallel_loop3A_54 : i32 to vector<16xi32>
      %parallel_loop3A_56 = arith.addi %parallel_loop3A_45, %parallel_loop3A_55 : vector<16xi32>
      %parallel_loop3A_57 = tpu.vector_load_idx %arg6[%parallel_loop3A_56] : memref<8192xf32, #tpu.memory_space<vmem>>[vector<16xi32>], vector<16xf32>,
      %parallel_loop3A_58 = arith.mulf %parallel_loop3A_49, %parallel_loop3A_53 : vector<16xf32>
      %parallel_loop3A_59 = arith.mulf %parallel_loop3A_46, %parallel_loop3A_57 : vector<16xf32>
      %parallel_loop3A_60 = arith.addf %parallel_loop3A_58, %parallel_loop3A_59 : vector<16xf32>
      %parallel_loop3A_61 = arith.index_cast %parallel_loop3A_38 : i32 to index
      %parallel_loop3A_62 = arith.constant 0 : index
      %parallel_loop3A_63 = tpu.vector_load %arg10[%parallel_loop3A_61, %parallel_loop3A_62] {strides = array<i32>} : memref<16x512xf32, #tpu.memory_space<vmem>>, vector<16xf32>,
      tpu.vector_store %arg10[%parallel_loop3A_61, %parallel_loop3A_62], %parallel_loop3A_60 {strides = array<i32>} : memref<16x512xf32, #tpu.memory_space<vmem>>, vector<16xf32>,
      %parallel_loop3A_64 = arith.constant 16 : i32
      %parallel_loop3A_65 = vector.broadcast %parallel_loop3A_64 : i32 to vector<16xi32>
      %parallel_loop3A_66 = arith.addi %parallel_loop3A_43, %parallel_loop3A_65 : vector<16xi32>
      %parallel_loop3A_67 = tpu.vector_load_idx %arg6[%parallel_loop3A_66] : memref<8192xf32, #tpu.memory_space<vmem>>[vector<16xi32>], vector<16xf32>,
      %parallel_loop3A_68 = arith.constant 16 : i32
      %parallel_loop3A_69 = vector.broadcast %parallel_loop3A_68 : i32 to vector<16xi32>
      %parallel_loop3A_70 = arith.addi %parallel_loop3A_45, %parallel_loop3A_69 : vector<16xi32>
      %parallel_loop3A_71 = tpu.vector_load_idx %arg6[%parallel_loop3A_70] : memref<8192xf32, #tpu.memory_space<vmem>>[vector<16xi32>], vector<16xf32>,
      %parallel_loop3A_72 = arith.mulf %parallel_loop3A_49, %parallel_loop3A_67 : vector<16xf32>
      %parallel_loop3A_73 = arith.mulf %parallel_loop3A_46, %parallel_loop3A_71 : vector<16xf32>
      %parallel_loop3A_74 = arith.addf %parallel_loop3A_72, %parallel_loop3A_73 : vector<16xf32>
      %parallel_loop3A_75 = arith.index_cast %parallel_loop3A_38 : i32 to index
      %parallel_loop3A_76 = arith.constant 16 : index
      %parallel_loop3A_77 = tpu.vector_load %arg10[%parallel_loop3A_75, %parallel_loop3A_76] {strides = array<i32>} : memref<16x512xf32, #tpu.memory_space<vmem>>, vector<16xf32>,
      tpu.vector_store %arg10[%parallel_loop3A_75, %parallel_loop3A_76], %parallel_loop3A_74 {strides = array<i32>} : memref<16x512xf32, #tpu.memory_space<vmem>>, vector<16xf32>,
      %parallel_loop3A_78 = arith.constant 32 : i32
      %parallel_loop3A_79 = vector.broadcast %parallel_loop3A_78 : i32 to vector<16xi32>
      %parallel_loop3A_80 = arith.addi %parallel_loop3A_43, %parallel_loop3A_79 : vector<16xi32>
      %parallel_loop3A_81 = tpu.vector_load_idx %arg6[%parallel_loop3A_80] : memref<8192xf32, #tpu.memory_space<vmem>>[vector<16xi32>], vector<16xf32>,
      %parallel_loop3A_82 = arith.constant 32 : i32
      %parallel_loop3A_83 = vector.broadcast %parallel_loop3A_82 : i32 to vector<16xi32>
      %parallel_loop3A_84 = arith.addi %parallel_loop3A_45, %parallel_loop3A_83 : vector<16xi32>
      %parallel_loop3A_85 = tpu.vector_load_idx %arg6[%parallel_loop3A_84] : memref<8192xf32, #tpu.memory_space<vmem>>[vector<16xi32>], vector<16xf32>,
      %parallel_loop3A_86 = arith.mulf %parallel_loop3A_49, %parallel_loop3A_81 : vector<16xf32>
      %parallel_loop3A_87 = arith.mulf %parallel_loop3A_46, %parallel_loop3A_85 : vector<16xf32>
      %parallel_loop3A_88 = arith.addf %parallel_loop3A_86, %parallel_loop3A_87 : vector<16xf32>
      %parallel_loop3A_89 = arith.index_cast %parallel_loop3A_38 : i32 to index
      %parallel_loop3A_90 = arith.constant 32 : index
      %parallel_loop3A_91 = tpu.vector_load %arg10[%parallel_loop3A_89, %parallel_loop3A_90] {strides = array<i32>} : memref<16x512xf32, #tpu.memory_space<vmem>>, vector<16xf32>,
      tpu.vector_store %arg10[%parallel_loop3A_89, %parallel_loop3A_90], %parallel_loop3A_88 {strides = array<i32>} : memref<16x512xf32, #tpu.memory_space<vmem>>, vector<16xf32>,
      %parallel_loop3A_92 = arith.constant 48 : i32
      %parallel_loop3A_93 = vector.broadcast %parallel_loop3A_92 : i32 to vector<16xi32>
      %parallel_loop3A_94 = arith.addi %parallel_loop3A_43, %parallel_loop3A_93 : vector<16xi32>
      %parallel_loop3A_95 = tpu.vector_load_idx %arg6[%parallel_loop3A_94] : memref<8192xf32, #tpu.memory_space<vmem>>[vector<16xi32>], vector<16xf32>,
      %parallel_loop3A_96 = arith.constant 48 : i32
      %parallel_loop3A_97 = vector.broadcast %parallel_loop3A_96 : i32 to vector<16xi32>
      %parallel_loop3A_98 = arith.addi %parallel_loop3A_45, %parallel_loop3A_97 : vector<16xi32>
      %parallel_loop3A_99 = tpu.vector_load_idx %arg6[%parallel_loop3A_98] : memref<8192xf32, #tpu.memory_space<vmem>>[vector<16xi32>], vector<16xf32>,
      %parallel_loop3A_100 = arith.mulf %parallel_loop3A_49, %parallel_loop3A_95 : vector<16xf32>
      %parallel_loop3A_101 = arith.mulf %parallel_loop3A_46, %parallel_loop3A_99 : vector<16xf32>
      %parallel_loop3A_102 = arith.addf %parallel_loop3A_100, %parallel_loop3A_101 : vector<16xf32>
      %parallel_loop3A_103 = arith.index_cast %parallel_loop3A_38 : i32 to index
      %parallel_loop3A_104 = arith.constant 48 : index
      %parallel_loop3A_105 = tpu.vector_load %arg10[%parallel_loop3A_103, %parallel_loop3A_104] {strides = array<i32>} : memref<16x512xf32, #tpu.memory_space<vmem>>, vector<16xf32>,
      tpu.vector_store %arg10[%parallel_loop3A_103, %parallel_loop3A_104], %parallel_loop3A_102 {strides = array<i32>} : memref<16x512xf32, #tpu.memory_space<vmem>>, vector<16xf32>,
      %parallel_loop3A_106 = arith.constant 64 : i32
      %parallel_loop3A_107 = vector.broadcast %parallel_loop3A_106 : i32 to vector<16xi32>
      %parallel_loop3A_108 = arith.addi %parallel_loop3A_43, %parallel_loop3A_107 : vector<16xi32>
      %parallel_loop3A_109 = tpu.vector_load_idx %arg6[%parallel_loop3A_108] : memref<8192xf32, #tpu.memory_space<vmem>>[vector<16xi32>], vector<16xf32>,
      %parallel_loop3A_110 = arith.constant 64 : i32
      %parallel_loop3A_111 = vector.broadcast %parallel_loop3A_110 : i32 to vector<16xi32>
      %parallel_loop3A_112 = arith.addi %parallel_loop3A_45, %parallel_loop3A_111 : vector<16xi32>
      %parallel_loop3A_113 = tpu.vector_load_idx %arg6[%parallel_loop3A_112] : memref<8192xf32, #tpu.memory_space<vmem>>[vector<16xi32>], vector<16xf32>,
      %parallel_loop3A_114 = arith.mulf %parallel_loop3A_49, %parallel_loop3A_109 : vector<16xf32>
      %parallel_loop3A_115 = arith.mulf %parallel_loop3A_46, %parallel_loop3A_113 : vector<16xf32>
      %parallel_loop3A_116 = arith.addf %parallel_loop3A_114, %parallel_loop3A_115 : vector<16xf32>
      %parallel_loop3A_117 = arith.index_cast %parallel_loop3A_38 : i32 to index
      %parallel_loop3A_118 = arith.constant 64 : index
      %parallel_loop3A_119 = tpu.vector_load %arg10[%parallel_loop3A_117, %parallel_loop3A_118] {strides = array<i32>} : memref<16x512xf32, #tpu.memory_space<vmem>>, vector<16xf32>,
      tpu.vector_store %arg10[%parallel_loop3A_117, %parallel_loop3A_118], %parallel_loop3A_116 {strides = array<i32>} : memref<16x512xf32, #tpu.memory_space<vmem>>, vector<16xf32>,
      %parallel_loop3A_120 = arith.constant 80 : i32
      %parallel_loop3A_121 = vector.broadcast %parallel_loop3A_120 : i32 to vector<16xi32>
      %parallel_loop3A_122 = arith.addi %parallel_loop3A_43, %parallel_loop3A_121 : vector<16xi32>
      %parallel_loop3A_123 = tpu.vector_load_idx %arg6[%parallel_loop3A_122] : memref<8192xf32, #tpu.memory_space<vmem>>[vector<16xi32>], vector<16xf32>,
      %parallel_loop3A_124 = arith.constant 80 : i32
      %parallel_loop3A_125 = vector.broadcast %parallel_loop3A_124 : i32 to vector<16xi32>
      %parallel_loop3A_126 = arith.addi %parallel_loop3A_45, %parallel_loop3A_125 : vector<16xi32>
      %parallel_loop3A_127 = tpu.vector_load_idx %arg6[%parallel_loop3A_126] : memref<8192xf32, #tpu.memory_space<vmem>>[vector<16xi32>], vector<16xf32>,
      %parallel_loop3A_128 = arith.mulf %parallel_loop3A_49, %parallel_loop3A_123 : vector<16xf32>
      %parallel_loop3A_129 = arith.mulf %parallel_loop3A_46, %parallel_loop3A_127 : vector<16xf32>
      %parallel_loop3A_130 = arith.addf %parallel_loop3A_128, %parallel_loop3A_129 : vector<16xf32>
      %parallel_loop3A_131 = arith.index_cast %parallel_loop3A_38 : i32 to index
      %parallel_loop3A_132 = arith.constant 80 : index
      %parallel_loop3A_133 = tpu.vector_load %arg10[%parallel_loop3A_131, %parallel_loop3A_132] {strides = array<i32>} : memref<16x512xf32, #tpu.memory_space<vmem>>, vector<16xf32>,
      tpu.vector_store %arg10[%parallel_loop3A_131, %parallel_loop3A_132], %parallel_loop3A_130 {strides = array<i32>} : memref<16x512xf32, #tpu.memory_space<vmem>>, vector<16xf32>,
      %parallel_loop3A_134 = arith.constant 96 : i32
      %parallel_loop3A_135 = vector.broadcast %parallel_loop3A_134 : i32 to vector<16xi32>
      %parallel_loop3A_136 = arith.addi %parallel_loop3A_43, %parallel_loop3A_135 : vector<16xi32>
      %parallel_loop3A_137 = tpu.vector_load_idx %arg6[%parallel_loop3A_136] : memref<8192xf32, #tpu.memory_space<vmem>>[vector<16xi32>], vector<16xf32>,
      %parallel_loop3A_138 = arith.constant 96 : i32
      %parallel_loop3A_139 = vector.broadcast %parallel_loop3A_138 : i32 to vector<16xi32>
      %parallel_loop3A_140 = arith.addi %parallel_loop3A_45, %parallel_loop3A_139 : vector<16xi32>
      %parallel_loop3A_141 = tpu.vector_load_idx %arg6[%parallel_loop3A_140] : memref<8192xf32, #tpu.memory_space<vmem>>[vector<16xi32>], vector<16xf32>,
      %parallel_loop3A_142 = arith.mulf %parallel_loop3A_49, %parallel_loop3A_137 : vector<16xf32>
      %parallel_loop3A_143 = arith.mulf %parallel_loop3A_46, %parallel_loop3A_141 : vector<16xf32>
      %parallel_loop3A_144 = arith.addf %parallel_loop3A_142, %parallel_loop3A_143 : vector<16xf32>
      %parallel_loop3A_145 = arith.index_cast %parallel_loop3A_38 : i32 to index
      %parallel_loop3A_146 = arith.constant 96 : index
      %parallel_loop3A_147 = tpu.vector_load %arg10[%parallel_loop3A_145, %parallel_loop3A_146] {strides = array<i32>} : memref<16x512xf32, #tpu.memory_space<vmem>>, vector<16xf32>,
      tpu.vector_store %arg10[%parallel_loop3A_145, %parallel_loop3A_146], %parallel_loop3A_144 {strides = array<i32>} : memref<16x512xf32, #tpu.memory_space<vmem>>, vector<16xf32>,
      %parallel_loop3A_148 = arith.constant 112 : i32
      %parallel_loop3A_149 = vector.broadcast %parallel_loop3A_148 : i32 to vector<16xi32>
      %parallel_loop3A_150 = arith.addi %parallel_loop3A_43, %parallel_loop3A_149 : vector<16xi32>
      %parallel_loop3A_151 = tpu.vector_load_idx %arg6[%parallel_loop3A_150] : memref<8192xf32, #tpu.memory_space<vmem>>[vector<16xi32>], vector<16xf32>,
      %parallel_loop3A_152 = arith.constant 112 : i32
      %parallel_loop3A_153 = vector.broadcast %parallel_loop3A_152 : i32 to vector<16xi32>
      %parallel_loop3A_154 = arith.addi %parallel_loop3A_45, %parallel_loop3A_153 : vector<16xi32>
      %parallel_loop3A_155 = tpu.vector_load_idx %arg6[%parallel_loop3A_154] : memref<8192xf32, #tpu.memory_space<vmem>>[vector<16xi32>], vector<16xf32>,
      %parallel_loop3A_156 = arith.mulf %parallel_loop3A_49, %parallel_loop3A_151 : vector<16xf32>
      %parallel_loop3A_157 = arith.mulf %parallel_loop3A_46, %parallel_loop3A_155 : vector<16xf32>
      %parallel_loop3A_158 = arith.addf %parallel_loop3A_156, %parallel_loop3A_157 : vector<16xf32>
      %parallel_loop3A_159 = arith.index_cast %parallel_loop3A_38 : i32 to index
      %parallel_loop3A_160 = arith.constant 112 : index
      %parallel_loop3A_161 = tpu.vector_load %arg10[%parallel_loop3A_159, %parallel_loop3A_160] {strides = array<i32>} : memref<16x512xf32, #tpu.memory_space<vmem>>, vector<16xf32>,
      tpu.vector_store %arg10[%parallel_loop3A_159, %parallel_loop3A_160], %parallel_loop3A_158 {strides = array<i32>} : memref<16x512xf32, #tpu.memory_space<vmem>>, vector<16xf32>,
      %parallel_loop3A_162 = arith.constant 128 : i32
      %parallel_loop3A_163 = vector.broadcast %parallel_loop3A_162 : i32 to vector<16xi32>
      %parallel_loop3A_164 = arith.addi %parallel_loop3A_43, %parallel_loop3A_163 : vector<16xi32>
      %parallel_loop3A_165 = tpu.vector_load_idx %arg6[%parallel_loop3A_164] : memref<8192xf32, #tpu.memory_space<vmem>>[vector<16xi32>], vector<16xf32>,
      %parallel_loop3A_166 = arith.constant 128 : i32
      %parallel_loop3A_167 = vector.broadcast %parallel_loop3A_166 : i32 to vector<16xi32>
      %parallel_loop3A_168 = arith.addi %parallel_loop3A_45, %parallel_loop3A_167 : vector<16xi32>
      %parallel_loop3A_169 = tpu.vector_load_idx %arg6[%parallel_loop3A_168] : memref<8192xf32, #tpu.memory_space<vmem>>[vector<16xi32>], vector<16xf32>,
      %parallel_loop3A_170 = arith.mulf %parallel_loop3A_49, %parallel_loop3A_165 : vector<16xf32>
      %parallel_loop3A_171 = arith.mulf %parallel_loop3A_46, %parallel_loop3A_169 : vector<16xf32>
      %parallel_loop3A_172 = arith.addf %parallel_loop3A_170, %parallel_loop3A_171 : vector<16xf32>
      %parallel_loop3A_173 = arith.index_cast %parallel_loop3A_38 : i32 to index
      %parallel_loop3A_174 = arith.constant 128 : index
      %parallel_loop3A_175 = tpu.vector_load %arg10[%parallel_loop3A_173, %parallel_loop3A_174] {strides = array<i32>} : memref<16x512xf32, #tpu.memory_space<vmem>>, vector<16xf32>,
      tpu.vector_store %arg10[%parallel_loop3A_173, %parallel_loop3A_174], %parallel_loop3A_172 {strides = array<i32>} : memref<16x512xf32, #tpu.memory_space<vmem>>, vector<16xf32>,
      %parallel_loop3A_176 = arith.constant 144 : i32
      %parallel_loop3A_177 = vector.broadcast %parallel_loop3A_176 : i32 to vector<16xi32>
      %parallel_loop3A_178 = arith.addi %parallel_loop3A_43, %parallel_loop3A_177 : vector<16xi32>
      %parallel_loop3A_179 = tpu.vector_load_idx %arg6[%parallel_loop3A_178] : memref<8192xf32, #tpu.memory_space<vmem>>[vector<16xi32>], vector<16xf32>,
      %parallel_loop3A_180 = arith.constant 144 : i32
      %parallel_loop3A_181 = vector.broadcast %parallel_loop3A_180 : i32 to vector<16xi32>
      %parallel_loop3A_182 = arith.addi %parallel_loop3A_45, %parallel_loop3A_181 : vector<16xi32>
      %parallel_loop3A_183 = tpu.vector_load_idx %arg6[%parallel_loop3A_182] : memref<8192xf32, #tpu.memory_space<vmem>>[vector<16xi32>], vector<16xf32>,
      %parallel_loop3A_184 = arith.mulf %parallel_loop3A_49, %parallel_loop3A_179 : vector<16xf32>
      %parallel_loop3A_185 = arith.mulf %parallel_loop3A_46, %parallel_loop3A_183 : vector<16xf32>
      %parallel_loop3A_186 = arith.addf %parallel_loop3A_184, %parallel_loop3A_185 : vector<16xf32>
      %parallel_loop3A_187 = arith.index_cast %parallel_loop3A_38 : i32 to index
      %parallel_loop3A_188 = arith.constant 144 : index
      %parallel_loop3A_189 = tpu.vector_load %arg10[%parallel_loop3A_187, %parallel_loop3A_188] {strides = array<i32>} : memref<16x512xf32, #tpu.memory_space<vmem>>, vector<16xf32>,
      tpu.vector_store %arg10[%parallel_loop3A_187, %parallel_loop3A_188], %parallel_loop3A_186 {strides = array<i32>} : memref<16x512xf32, #tpu.memory_space<vmem>>, vector<16xf32>,
      %parallel_loop3A_190 = arith.constant 160 : i32
      %parallel_loop3A_191 = vector.broadcast %parallel_loop3A_190 : i32 to vector<16xi32>
      %parallel_loop3A_192 = arith.addi %parallel_loop3A_43, %parallel_loop3A_191 : vector<16xi32>
      %parallel_loop3A_193 = tpu.vector_load_idx %arg6[%parallel_loop3A_192] : memref<8192xf32, #tpu.memory_space<vmem>>[vector<16xi32>], vector<16xf32>,
      %parallel_loop3A_194 = arith.constant 160 : i32
      %parallel_loop3A_195 = vector.broadcast %parallel_loop3A_194 : i32 to vector<16xi32>
      %parallel_loop3A_196 = arith.addi %parallel_loop3A_45, %parallel_loop3A_195 : vector<16xi32>
      %parallel_loop3A_197 = tpu.vector_load_idx %arg6[%parallel_loop3A_196] : memref<8192xf32, #tpu.memory_space<vmem>>[vector<16xi32>], vector<16xf32>,
      %parallel_loop3A_198 = arith.mulf %parallel_loop3A_49, %parallel_loop3A_193 : vector<16xf32>
      %parallel_loop3A_199 = arith.mulf %parallel_loop3A_46, %parallel_loop3A_197 : vector<16xf32>
      %parallel_loop3A_200 = arith.addf %parallel_loop3A_198, %parallel_loop3A_199 : vector<16xf32>
      %parallel_loop3A_201 = arith.index_cast %parallel_loop3A_38 : i32 to index
      %parallel_loop3A_202 = arith.constant 160 : index
      %parallel_loop3A_203 = tpu.vector_load %arg10[%parallel_loop3A_201, %parallel_loop3A_202] {strides = array<i32>} : memref<16x512xf32, #tpu.memory_space<vmem>>, vector<16xf32>,
      tpu.vector_store %arg10[%parallel_loop3A_201, %parallel_loop3A_202], %parallel_loop3A_200 {strides = array<i32>} : memref<16x512xf32, #tpu.memory_space<vmem>>, vector<16xf32>,
      %parallel_loop3A_204 = arith.constant 176 : i32
      %parallel_loop3A_205 = vector.broadcast %parallel_loop3A_204 : i32 to vector<16xi32>
      %parallel_loop3A_206 = arith.addi %parallel_loop3A_43, %parallel_loop3A_205 : vector<16xi32>
      %parallel_loop3A_207 = tpu.vector_load_idx %arg6[%parallel_loop3A_206] : memref<8192xf32, #tpu.memory_space<vmem>>[vector<16xi32>], vector<16xf32>,
      %parallel_loop3A_208 = arith.constant 176 : i32
      %parallel_loop3A_209 = vector.broadcast %parallel_loop3A_208 : i32 to vector<16xi32>
      %parallel_loop3A_210 = arith.addi %parallel_loop3A_45, %parallel_loop3A_209 : vector<16xi32>
      %parallel_loop3A_211 = tpu.vector_load_idx %arg6[%parallel_loop3A_210] : memref<8192xf32, #tpu.memory_space<vmem>>[vector<16xi32>], vector<16xf32>,
      %parallel_loop3A_212 = arith.mulf %parallel_loop3A_49, %parallel_loop3A_207 : vector<16xf32>
      %parallel_loop3A_213 = arith.mulf %parallel_loop3A_46, %parallel_loop3A_211 : vector<16xf32>
      %parallel_loop3A_214 = arith.addf %parallel_loop3A_212, %parallel_loop3A_213 : vector<16xf32>
      %parallel_loop3A_215 = arith.index_cast %parallel_loop3A_38 : i32 to index
      %parallel_loop3A_216 = arith.constant 176 : index
      %parallel_loop3A_217 = tpu.vector_load %arg10[%parallel_loop3A_215, %parallel_loop3A_216] {strides = array<i32>} : memref<16x512xf32, #tpu.memory_space<vmem>>, vector<16xf32>,
      tpu.vector_store %arg10[%parallel_loop3A_215, %parallel_loop3A_216], %parallel_loop3A_214 {strides = array<i32>} : memref<16x512xf32, #tpu.memory_space<vmem>>, vector<16xf32>,
      %parallel_loop3A_218 = arith.constant 192 : i32
      %parallel_loop3A_219 = vector.broadcast %parallel_loop3A_218 : i32 to vector<16xi32>
      %parallel_loop3A_220 = arith.addi %parallel_loop3A_43, %parallel_loop3A_219 : vector<16xi32>
      %parallel_loop3A_221 = tpu.vector_load_idx %arg6[%parallel_loop3A_220] : memref<8192xf32, #tpu.memory_space<vmem>>[vector<16xi32>], vector<16xf32>,
      %parallel_loop3A_222 = arith.constant 192 : i32
      %parallel_loop3A_223 = vector.broadcast %parallel_loop3A_222 : i32 to vector<16xi32>
      %parallel_loop3A_224 = arith.addi %parallel_loop3A_45, %parallel_loop3A_223 : vector<16xi32>
      %parallel_loop3A_225 = tpu.vector_load_idx %arg6[%parallel_loop3A_224] : memref<8192xf32, #tpu.memory_space<vmem>>[vector<16xi32>], vector<16xf32>,
      %parallel_loop3A_226 = arith.mulf %parallel_loop3A_49, %parallel_loop3A_221 : vector<16xf32>
      %parallel_loop3A_227 = arith.mulf %parallel_loop3A_46, %parallel_loop3A_225 : vector<16xf32>
      %parallel_loop3A_228 = arith.addf %parallel_loop3A_226, %parallel_loop3A_227 : vector<16xf32>
      %parallel_loop3A_229 = arith.index_cast %parallel_loop3A_38 : i32 to index
      %parallel_loop3A_230 = arith.constant 192 : index
      %parallel_loop3A_231 = tpu.vector_load %arg10[%parallel_loop3A_229, %parallel_loop3A_230] {strides = array<i32>} : memref<16x512xf32, #tpu.memory_space<vmem>>, vector<16xf32>,
      tpu.vector_store %arg10[%parallel_loop3A_229, %parallel_loop3A_230], %parallel_loop3A_228 {strides = array<i32>} : memref<16x512xf32, #tpu.memory_space<vmem>>, vector<16xf32>,
      %parallel_loop3A_232 = arith.constant 208 : i32
      %parallel_loop3A_233 = vector.broadcast %parallel_loop3A_232 : i32 to vector<16xi32>
      %parallel_loop3A_234 = arith.addi %parallel_loop3A_43, %parallel_loop3A_233 : vector<16xi32>
      %parallel_loop3A_235 = tpu.vector_load_idx %arg6[%parallel_loop3A_234] : memref<8192xf32, #tpu.memory_space<vmem>>[vector<16xi32>], vector<16xf32>,
      %parallel_loop3A_236 = arith.constant 208 : i32
      %parallel_loop3A_237 = vector.broadcast %parallel_loop3A_236 : i32 to vector<16xi32>
      %parallel_loop3A_238 = arith.addi %parallel_loop3A_45, %parallel_loop3A_237 : vector<16xi32>
      %parallel_loop3A_239 = tpu.vector_load_idx %arg6[%parallel_loop3A_238] : memref<8192xf32, #tpu.memory_space<vmem>>[vector<16xi32>], vector<16xf32>,
      %parallel_loop3A_240 = arith.mulf %parallel_loop3A_49, %parallel_loop3A_235 : vector<16xf32>
      %parallel_loop3A_241 = arith.mulf %parallel_loop3A_46, %parallel_loop3A_239 : vector<16xf32>
      %parallel_loop3A_242 = arith.addf %parallel_loop3A_240, %parallel_loop3A_241 : vector<16xf32>
      %parallel_loop3A_243 = arith.index_cast %parallel_loop3A_38 : i32 to index
      %parallel_loop3A_244 = arith.constant 208 : index
      %parallel_loop3A_245 = tpu.vector_load %arg10[%parallel_loop3A_243, %parallel_loop3A_244] {strides = array<i32>} : memref<16x512xf32, #tpu.memory_space<vmem>>, vector<16xf32>,
      tpu.vector_store %arg10[%parallel_loop3A_243, %parallel_loop3A_244], %parallel_loop3A_242 {strides = array<i32>} : memref<16x512xf32, #tpu.memory_space<vmem>>, vector<16xf32>,
      %parallel_loop3A_246 = arith.constant 224 : i32
      %parallel_loop3A_247 = vector.broadcast %parallel_loop3A_246 : i32 to vector<16xi32>
      %parallel_loop3A_248 = arith.addi %parallel_loop3A_43, %parallel_loop3A_247 : vector<16xi32>
      %parallel_loop3A_249 = tpu.vector_load_idx %arg6[%parallel_loop3A_248] : memref<8192xf32, #tpu.memory_space<vmem>>[vector<16xi32>], vector<16xf32>,
      %parallel_loop3A_250 = arith.constant 224 : i32
      %parallel_loop3A_251 = vector.broadcast %parallel_loop3A_250 : i32 to vector<16xi32>
      %parallel_loop3A_252 = arith.addi %parallel_loop3A_45, %parallel_loop3A_251 : vector<16xi32>
      %parallel_loop3A_253 = tpu.vector_load_idx %arg6[%parallel_loop3A_252] : memref<8192xf32, #tpu.memory_space<vmem>>[vector<16xi32>], vector<16xf32>,
      %parallel_loop3A_254 = arith.mulf %parallel_loop3A_49, %parallel_loop3A_249 : vector<16xf32>
      %parallel_loop3A_255 = arith.mulf %parallel_loop3A_46, %parallel_loop3A_253 : vector<16xf32>
      %parallel_loop3A_256 = arith.addf %parallel_loop3A_254, %parallel_loop3A_255 : vector<16xf32>
      %parallel_loop3A_257 = arith.index_cast %parallel_loop3A_38 : i32 to index
      %parallel_loop3A_258 = arith.constant 224 : index
      %parallel_loop3A_259 = tpu.vector_load %arg10[%parallel_loop3A_257, %parallel_loop3A_258] {strides = array<i32>} : memref<16x512xf32, #tpu.memory_space<vmem>>, vector<16xf32>,
      tpu.vector_store %arg10[%parallel_loop3A_257, %parallel_loop3A_258], %parallel_loop3A_256 {strides = array<i32>} : memref<16x512xf32, #tpu.memory_space<vmem>>, vector<16xf32>,
      %parallel_loop3A_260 = arith.constant 240 : i32
      %parallel_loop3A_261 = vector.broadcast %parallel_loop3A_260 : i32 to vector<16xi32>
      %parallel_loop3A_262 = arith.addi %parallel_loop3A_43, %parallel_loop3A_261 : vector<16xi32>
      %parallel_loop3A_263 = tpu.vector_load_idx %arg6[%parallel_loop3A_262] : memref<8192xf32, #tpu.memory_space<vmem>>[vector<16xi32>], vector<16xf32>,
      %parallel_loop3A_264 = arith.constant 240 : i32
      %parallel_loop3A_265 = vector.broadcast %parallel_loop3A_264 : i32 to vector<16xi32>
      %parallel_loop3A_266 = arith.addi %parallel_loop3A_45, %parallel_loop3A_265 : vector<16xi32>
      %parallel_loop3A_267 = tpu.vector_load_idx %arg6[%parallel_loop3A_266] : memref<8192xf32, #tpu.memory_space<vmem>>[vector<16xi32>], vector<16xf32>,
      %parallel_loop3A_268 = arith.mulf %parallel_loop3A_49, %parallel_loop3A_263 : vector<16xf32>
      %parallel_loop3A_269 = arith.mulf %parallel_loop3A_46, %parallel_loop3A_267 : vector<16xf32>
      %parallel_loop3A_270 = arith.addf %parallel_loop3A_268, %parallel_loop3A_269 : vector<16xf32>
      %parallel_loop3A_271 = arith.index_cast %parallel_loop3A_38 : i32 to index
      %parallel_loop3A_272 = arith.constant 240 : index
      %parallel_loop3A_273 = tpu.vector_load %arg10[%parallel_loop3A_271, %parallel_loop3A_272] {strides = array<i32>} : memref<16x512xf32, #tpu.memory_space<vmem>>, vector<16xf32>,
      tpu.vector_store %arg10[%parallel_loop3A_271, %parallel_loop3A_272], %parallel_loop3A_270 {strides = array<i32>} : memref<16x512xf32, #tpu.memory_space<vmem>>, vector<16xf32>,
      %parallel_loop3A_274 = arith.constant 256 : i32
      %parallel_loop3A_275 = vector.broadcast %parallel_loop3A_274 : i32 to vector<16xi32>
      %parallel_loop3A_276 = arith.addi %parallel_loop3A_43, %parallel_loop3A_275 : vector<16xi32>
      %parallel_loop3A_277 = tpu.vector_load_idx %arg6[%parallel_loop3A_276] : memref<8192xf32, #tpu.memory_space<vmem>>[vector<16xi32>], vector<16xf32>,
      %parallel_loop3A_278 = arith.constant 256 : i32
      %parallel_loop3A_279 = vector.broadcast %parallel_loop3A_278 : i32 to vector<16xi32>
      %parallel_loop3A_280 = arith.addi %parallel_loop3A_45, %parallel_loop3A_279 : vector<16xi32>
      %parallel_loop3A_281 = tpu.vector_load_idx %arg6[%parallel_loop3A_280] : memref<8192xf32, #tpu.memory_space<vmem>>[vector<16xi32>], vector<16xf32>,
      %parallel_loop3A_282 = arith.mulf %parallel_loop3A_49, %parallel_loop3A_277 : vector<16xf32>
      %parallel_loop3A_283 = arith.mulf %parallel_loop3A_46, %parallel_loop3A_281 : vector<16xf32>
      %parallel_loop3A_284 = arith.addf %parallel_loop3A_282, %parallel_loop3A_283 : vector<16xf32>
      %parallel_loop3A_285 = arith.index_cast %parallel_loop3A_38 : i32 to index
      %parallel_loop3A_286 = arith.constant 256 : index
      %parallel_loop3A_287 = tpu.vector_load %arg10[%parallel_loop3A_285, %parallel_loop3A_286] {strides = array<i32>} : memref<16x512xf32, #tpu.memory_space<vmem>>, vector<16xf32>,
      tpu.vector_store %arg10[%parallel_loop3A_285, %parallel_loop3A_286], %parallel_loop3A_284 {strides = array<i32>} : memref<16x512xf32, #tpu.memory_space<vmem>>, vector<16xf32>,
      %parallel_loop3A_288 = arith.constant 272 : i32
      %parallel_loop3A_289 = vector.broadcast %parallel_loop3A_288 : i32 to vector<16xi32>
      %parallel_loop3A_290 = arith.addi %parallel_loop3A_43, %parallel_loop3A_289 : vector<16xi32>
      %parallel_loop3A_291 = tpu.vector_load_idx %arg6[%parallel_loop3A_290] : memref<8192xf32, #tpu.memory_space<vmem>>[vector<16xi32>], vector<16xf32>,
      %parallel_loop3A_292 = arith.constant 272 : i32
      %parallel_loop3A_293 = vector.broadcast %parallel_loop3A_292 : i32 to vector<16xi32>
      %parallel_loop3A_294 = arith.addi %parallel_loop3A_45, %parallel_loop3A_293 : vector<16xi32>
      %parallel_loop3A_295 = tpu.vector_load_idx %arg6[%parallel_loop3A_294] : memref<8192xf32, #tpu.memory_space<vmem>>[vector<16xi32>], vector<16xf32>,
      %parallel_loop3A_296 = arith.mulf %parallel_loop3A_49, %parallel_loop3A_291 : vector<16xf32>
      %parallel_loop3A_297 = arith.mulf %parallel_loop3A_46, %parallel_loop3A_295 : vector<16xf32>
      %parallel_loop3A_298 = arith.addf %parallel_loop3A_296, %parallel_loop3A_297 : vector<16xf32>
      %parallel_loop3A_299 = arith.index_cast %parallel_loop3A_38 : i32 to index
      %parallel_loop3A_300 = arith.constant 272 : index
      %parallel_loop3A_301 = tpu.vector_load %arg10[%parallel_loop3A_299, %parallel_loop3A_300] {strides = array<i32>} : memref<16x512xf32, #tpu.memory_space<vmem>>, vector<16xf32>,
      tpu.vector_store %arg10[%parallel_loop3A_299, %parallel_loop3A_300], %parallel_loop3A_298 {strides = array<i32>} : memref<16x512xf32, #tpu.memory_space<vmem>>, vector<16xf32>,
      %parallel_loop3A_302 = arith.constant 288 : i32
      %parallel_loop3A_303 = vector.broadcast %parallel_loop3A_302 : i32 to vector<16xi32>
      %parallel_loop3A_304 = arith.addi %parallel_loop3A_43, %parallel_loop3A_303 : vector<16xi32>
      %parallel_loop3A_305 = tpu.vector_load_idx %arg6[%parallel_loop3A_304] : memref<8192xf32, #tpu.memory_space<vmem>>[vector<16xi32>], vector<16xf32>,
      %parallel_loop3A_306 = arith.constant 288 : i32
      %parallel_loop3A_307 = vector.broadcast %parallel_loop3A_306 : i32 to vector<16xi32>
      %parallel_loop3A_308 = arith.addi %parallel_loop3A_45, %parallel_loop3A_307 : vector<16xi32>
      %parallel_loop3A_309 = tpu.vector_load_idx %arg6[%parallel_loop3A_308] : memref<8192xf32, #tpu.memory_space<vmem>>[vector<16xi32>], vector<16xf32>,
      %parallel_loop3A_310 = arith.mulf %parallel_loop3A_49, %parallel_loop3A_305 : vector<16xf32>
      %parallel_loop3A_311 = arith.mulf %parallel_loop3A_46, %parallel_loop3A_309 : vector<16xf32>
      %parallel_loop3A_312 = arith.addf %parallel_loop3A_310, %parallel_loop3A_311 : vector<16xf32>
      %parallel_loop3A_313 = arith.index_cast %parallel_loop3A_38 : i32 to index
      %parallel_loop3A_314 = arith.constant 288 : index
      %parallel_loop3A_315 = tpu.vector_load %arg10[%parallel_loop3A_313, %parallel_loop3A_314] {strides = array<i32>} : memref<16x512xf32, #tpu.memory_space<vmem>>, vector<16xf32>,
      tpu.vector_store %arg10[%parallel_loop3A_313, %parallel_loop3A_314], %parallel_loop3A_312 {strides = array<i32>} : memref<16x512xf32, #tpu.memory_space<vmem>>, vector<16xf32>,
      %parallel_loop3A_316 = arith.constant 304 : i32
      %parallel_loop3A_317 = vector.broadcast %parallel_loop3A_316 : i32 to vector<16xi32>
      %parallel_loop3A_318 = arith.addi %parallel_loop3A_43, %parallel_loop3A_317 : vector<16xi32>
      %parallel_loop3A_319 = tpu.vector_load_idx %arg6[%parallel_loop3A_318] : memref<8192xf32, #tpu.memory_space<vmem>>[vector<16xi32>], vector<16xf32>,
      %parallel_loop3A_320 = arith.constant 304 : i32
      %parallel_loop3A_321 = vector.broadcast %parallel_loop3A_320 : i32 to vector<16xi32>
      %parallel_loop3A_322 = arith.addi %parallel_loop3A_45, %parallel_loop3A_321 : vector<16xi32>
      %parallel_loop3A_323 = tpu.vector_load_idx %arg6[%parallel_loop3A_322] : memref<8192xf32, #tpu.memory_space<vmem>>[vector<16xi32>], vector<16xf32>,
      %parallel_loop3A_324 = arith.mulf %parallel_loop3A_49, %parallel_loop3A_319 : vector<16xf32>
      %parallel_loop3A_325 = arith.mulf %parallel_loop3A_46, %parallel_loop3A_323 : vector<16xf32>
      %parallel_loop3A_326 = arith.addf %parallel_loop3A_324, %parallel_loop3A_325 : vector<16xf32>
      %parallel_loop3A_327 = arith.index_cast %parallel_loop3A_38 : i32 to index
      %parallel_loop3A_328 = arith.constant 304 : index
      %parallel_loop3A_329 = tpu.vector_load %arg10[%parallel_loop3A_327, %parallel_loop3A_328] {strides = array<i32>} : memref<16x512xf32, #tpu.memory_space<vmem>>, vector<16xf32>,
      tpu.vector_store %arg10[%parallel_loop3A_327, %parallel_loop3A_328], %parallel_loop3A_326 {strides = array<i32>} : memref<16x512xf32, #tpu.memory_space<vmem>>, vector<16xf32>,
      %parallel_loop3A_330 = arith.constant 320 : i32
      %parallel_loop3A_331 = vector.broadcast %parallel_loop3A_330 : i32 to vector<16xi32>
      %parallel_loop3A_332 = arith.addi %parallel_loop3A_43, %parallel_loop3A_331 : vector<16xi32>
      %parallel_loop3A_333 = tpu.vector_load_idx %arg6[%parallel_loop3A_332] : memref<8192xf32, #tpu.memory_space<vmem>>[vector<16xi32>], vector<16xf32>,
      %parallel_loop3A_334 = arith.constant 320 : i32
      %parallel_loop3A_335 = vector.broadcast %parallel_loop3A_334 : i32 to vector<16xi32>
      %parallel_loop3A_336 = arith.addi %parallel_loop3A_45, %parallel_loop3A_335 : vector<16xi32>
      %parallel_loop3A_337 = tpu.vector_load_idx %arg6[%parallel_loop3A_336] : memref<8192xf32, #tpu.memory_space<vmem>>[vector<16xi32>], vector<16xf32>,
      %parallel_loop3A_338 = arith.mulf %parallel_loop3A_49, %parallel_loop3A_333 : vector<16xf32>
      %parallel_loop3A_339 = arith.mulf %parallel_loop3A_46, %parallel_loop3A_337 : vector<16xf32>
      %parallel_loop3A_340 = arith.addf %parallel_loop3A_338, %parallel_loop3A_339 : vector<16xf32>
      %parallel_loop3A_341 = arith.index_cast %parallel_loop3A_38 : i32 to index
      %parallel_loop3A_342 = arith.constant 320 : index
      %parallel_loop3A_343 = tpu.vector_load %arg10[%parallel_loop3A_341, %parallel_loop3A_342] {strides = array<i32>} : memref<16x512xf32, #tpu.memory_space<vmem>>, vector<16xf32>,
      tpu.vector_store %arg10[%parallel_loop3A_341, %parallel_loop3A_342], %parallel_loop3A_340 {strides = array<i32>} : memref<16x512xf32, #tpu.memory_space<vmem>>, vector<16xf32>,
      %parallel_loop3A_344 = arith.constant 336 : i32
      %parallel_loop3A_345 = vector.broadcast %parallel_loop3A_344 : i32 to vector<16xi32>
      %parallel_loop3A_346 = arith.addi %parallel_loop3A_43, %parallel_loop3A_345 : vector<16xi32>
      %parallel_loop3A_347 = tpu.vector_load_idx %arg6[%parallel_loop3A_346] : memref<8192xf32, #tpu.memory_space<vmem>>[vector<16xi32>], vector<16xf32>,
      %parallel_loop3A_348 = arith.constant 336 : i32
      %parallel_loop3A_349 = vector.broadcast %parallel_loop3A_348 : i32 to vector<16xi32>
      %parallel_loop3A_350 = arith.addi %parallel_loop3A_45, %parallel_loop3A_349 : vector<16xi32>
      %parallel_loop3A_351 = tpu.vector_load_idx %arg6[%parallel_loop3A_350] : memref<8192xf32, #tpu.memory_space<vmem>>[vector<16xi32>], vector<16xf32>,
      %parallel_loop3A_352 = arith.mulf %parallel_loop3A_49, %parallel_loop3A_347 : vector<16xf32>
      %parallel_loop3A_353 = arith.mulf %parallel_loop3A_46, %parallel_loop3A_351 : vector<16xf32>
      %parallel_loop3A_354 = arith.addf %parallel_loop3A_352, %parallel_loop3A_353 : vector<16xf32>
      %parallel_loop3A_355 = arith.index_cast %parallel_loop3A_38 : i32 to index
      %parallel_loop3A_356 = arith.constant 336 : index
      %parallel_loop3A_357 = tpu.vector_load %arg10[%parallel_loop3A_355, %parallel_loop3A_356] {strides = array<i32>} : memref<16x512xf32, #tpu.memory_space<vmem>>, vector<16xf32>,
      tpu.vector_store %arg10[%parallel_loop3A_355, %parallel_loop3A_356], %parallel_loop3A_354 {strides = array<i32>} : memref<16x512xf32, #tpu.memory_space<vmem>>, vector<16xf32>,
      %parallel_loop3A_358 = arith.constant 352 : i32
      %parallel_loop3A_359 = vector.broadcast %parallel_loop3A_358 : i32 to vector<16xi32>
      %parallel_loop3A_360 = arith.addi %parallel_loop3A_43, %parallel_loop3A_359 : vector<16xi32>
      %parallel_loop3A_361 = tpu.vector_load_idx %arg6[%parallel_loop3A_360] : memref<8192xf32, #tpu.memory_space<vmem>>[vector<16xi32>], vector<16xf32>,
      %parallel_loop3A_362 = arith.constant 352 : i32
      %parallel_loop3A_363 = vector.broadcast %parallel_loop3A_362 : i32 to vector<16xi32>
      %parallel_loop3A_364 = arith.addi %parallel_loop3A_45, %parallel_loop3A_363 : vector<16xi32>
      %parallel_loop3A_365 = tpu.vector_load_idx %arg6[%parallel_loop3A_364] : memref<8192xf32, #tpu.memory_space<vmem>>[vector<16xi32>], vector<16xf32>,
      %parallel_loop3A_366 = arith.mulf %parallel_loop3A_49, %parallel_loop3A_361 : vector<16xf32>
      %parallel_loop3A_367 = arith.mulf %parallel_loop3A_46, %parallel_loop3A_365 : vector<16xf32>
      %parallel_loop3A_368 = arith.addf %parallel_loop3A_366, %parallel_loop3A_367 : vector<16xf32>
      %parallel_loop3A_369 = arith.index_cast %parallel_loop3A_38 : i32 to index
      %parallel_loop3A_370 = arith.constant 352 : index
      %parallel_loop3A_371 = tpu.vector_load %arg10[%parallel_loop3A_369, %parallel_loop3A_370] {strides = array<i32>} : memref<16x512xf32, #tpu.memory_space<vmem>>, vector<16xf32>,
      tpu.vector_store %arg10[%parallel_loop3A_369, %parallel_loop3A_370], %parallel_loop3A_368 {strides = array<i32>} : memref<16x512xf32, #tpu.memory_space<vmem>>, vector<16xf32>,
      %parallel_loop3A_372 = arith.constant 368 : i32
      %parallel_loop3A_373 = vector.broadcast %parallel_loop3A_372 : i32 to vector<16xi32>
      %parallel_loop3A_374 = arith.addi %parallel_loop3A_43, %parallel_loop3A_373 : vector<16xi32>
      %parallel_loop3A_375 = tpu.vector_load_idx %arg6[%parallel_loop3A_374] : memref<8192xf32, #tpu.memory_space<vmem>>[vector<16xi32>], vector<16xf32>,
      %parallel_loop3A_376 = arith.constant 368 : i32
      %parallel_loop3A_377 = vector.broadcast %parallel_loop3A_376 : i32 to vector<16xi32>
      %parallel_loop3A_378 = arith.addi %parallel_loop3A_45, %parallel_loop3A_377 : vector<16xi32>
      %parallel_loop3A_379 = tpu.vector_load_idx %arg6[%parallel_loop3A_378] : memref<8192xf32, #tpu.memory_space<vmem>>[vector<16xi32>], vector<16xf32>,
      %parallel_loop3A_380 = arith.mulf %parallel_loop3A_49, %parallel_loop3A_375 : vector<16xf32>
      %parallel_loop3A_381 = arith.mulf %parallel_loop3A_46, %parallel_loop3A_379 : vector<16xf32>
      %parallel_loop3A_382 = arith.addf %parallel_loop3A_380, %parallel_loop3A_381 : vector<16xf32>
      %parallel_loop3A_383 = arith.index_cast %parallel_loop3A_38 : i32 to index
      %parallel_loop3A_384 = arith.constant 368 : index
      %parallel_loop3A_385 = tpu.vector_load %arg10[%parallel_loop3A_383, %parallel_loop3A_384] {strides = array<i32>} : memref<16x512xf32, #tpu.memory_space<vmem>>, vector<16xf32>,
      tpu.vector_store %arg10[%parallel_loop3A_383, %parallel_loop3A_384], %parallel_loop3A_382 {strides = array<i32>} : memref<16x512xf32, #tpu.memory_space<vmem>>, vector<16xf32>,
      %parallel_loop3A_386 = arith.constant 384 : i32
      %parallel_loop3A_387 = vector.broadcast %parallel_loop3A_386 : i32 to vector<16xi32>
      %parallel_loop3A_388 = arith.addi %parallel_loop3A_43, %parallel_loop3A_387 : vector<16xi32>
      %parallel_loop3A_389 = tpu.vector_load_idx %arg6[%parallel_loop3A_388] : memref<8192xf32, #tpu.memory_space<vmem>>[vector<16xi32>], vector<16xf32>,
      %parallel_loop3A_390 = arith.constant 384 : i32
      %parallel_loop3A_391 = vector.broadcast %parallel_loop3A_390 : i32 to vector<16xi32>
      %parallel_loop3A_392 = arith.addi %parallel_loop3A_45, %parallel_loop3A_391 : vector<16xi32>
      %parallel_loop3A_393 = tpu.vector_load_idx %arg6[%parallel_loop3A_392] : memref<8192xf32, #tpu.memory_space<vmem>>[vector<16xi32>], vector<16xf32>,
      %parallel_loop3A_394 = arith.mulf %parallel_loop3A_49, %parallel_loop3A_389 : vector<16xf32>
      %parallel_loop3A_395 = arith.mulf %parallel_loop3A_46, %parallel_loop3A_393 : vector<16xf32>
      %parallel_loop3A_396 = arith.addf %parallel_loop3A_394, %parallel_loop3A_395 : vector<16xf32>
      %parallel_loop3A_397 = arith.index_cast %parallel_loop3A_38 : i32 to index
      %parallel_loop3A_398 = arith.constant 384 : index
      %parallel_loop3A_399 = tpu.vector_load %arg10[%parallel_loop3A_397, %parallel_loop3A_398] {strides = array<i32>} : memref<16x512xf32, #tpu.memory_space<vmem>>, vector<16xf32>,
      tpu.vector_store %arg10[%parallel_loop3A_397, %parallel_loop3A_398], %parallel_loop3A_396 {strides = array<i32>} : memref<16x512xf32, #tpu.memory_space<vmem>>, vector<16xf32>,
      %parallel_loop3A_400 = arith.constant 400 : i32
      %parallel_loop3A_401 = vector.broadcast %parallel_loop3A_400 : i32 to vector<16xi32>
      %parallel_loop3A_402 = arith.addi %parallel_loop3A_43, %parallel_loop3A_401 : vector<16xi32>
      %parallel_loop3A_403 = tpu.vector_load_idx %arg6[%parallel_loop3A_402] : memref<8192xf32, #tpu.memory_space<vmem>>[vector<16xi32>], vector<16xf32>,
      %parallel_loop3A_404 = arith.constant 400 : i32
      %parallel_loop3A_405 = vector.broadcast %parallel_loop3A_404 : i32 to vector<16xi32>
      %parallel_loop3A_406 = arith.addi %parallel_loop3A_45, %parallel_loop3A_405 : vector<16xi32>
      %parallel_loop3A_407 = tpu.vector_load_idx %arg6[%parallel_loop3A_406] : memref<8192xf32, #tpu.memory_space<vmem>>[vector<16xi32>], vector<16xf32>,
      %parallel_loop3A_408 = arith.mulf %parallel_loop3A_49, %parallel_loop3A_403 : vector<16xf32>
      %parallel_loop3A_409 = arith.mulf %parallel_loop3A_46, %parallel_loop3A_407 : vector<16xf32>
      %parallel_loop3A_410 = arith.addf %parallel_loop3A_408, %parallel_loop3A_409 : vector<16xf32>
      %parallel_loop3A_411 = arith.index_cast %parallel_loop3A_38 : i32 to index
      %parallel_loop3A_412 = arith.constant 400 : index
      %parallel_loop3A_413 = tpu.vector_load %arg10[%parallel_loop3A_411, %parallel_loop3A_412] {strides = array<i32>} : memref<16x512xf32, #tpu.memory_space<vmem>>, vector<16xf32>,
      tpu.vector_store %arg10[%parallel_loop3A_411, %parallel_loop3A_412], %parallel_loop3A_410 {strides = array<i32>} : memref<16x512xf32, #tpu.memory_space<vmem>>, vector<16xf32>,
      %parallel_loop3A_414 = arith.constant 416 : i32
      %parallel_loop3A_415 = vector.broadcast %parallel_loop3A_414 : i32 to vector<16xi32>
      %parallel_loop3A_416 = arith.addi %parallel_loop3A_43, %parallel_loop3A_415 : vector<16xi32>
      %parallel_loop3A_417 = tpu.vector_load_idx %arg6[%parallel_loop3A_416] : memref<8192xf32, #tpu.memory_space<vmem>>[vector<16xi32>], vector<16xf32>,
      %parallel_loop3A_418 = arith.constant 416 : i32
      %parallel_loop3A_419 = vector.broadcast %parallel_loop3A_418 : i32 to vector<16xi32>
      %parallel_loop3A_420 = arith.addi %parallel_loop3A_45, %parallel_loop3A_419 : vector<16xi32>
      %parallel_loop3A_421 = tpu.vector_load_idx %arg6[%parallel_loop3A_420] : memref<8192xf32, #tpu.memory_space<vmem>>[vector<16xi32>], vector<16xf32>,
      %parallel_loop3A_422 = arith.mulf %parallel_loop3A_49, %parallel_loop3A_417 : vector<16xf32>
      %parallel_loop3A_423 = arith.mulf %parallel_loop3A_46, %parallel_loop3A_421 : vector<16xf32>
      %parallel_loop3A_424 = arith.addf %parallel_loop3A_422, %parallel_loop3A_423 : vector<16xf32>
      %parallel_loop3A_425 = arith.index_cast %parallel_loop3A_38 : i32 to index
      %parallel_loop3A_426 = arith.constant 416 : index
      %parallel_loop3A_427 = tpu.vector_load %arg10[%parallel_loop3A_425, %parallel_loop3A_426] {strides = array<i32>} : memref<16x512xf32, #tpu.memory_space<vmem>>, vector<16xf32>,
      tpu.vector_store %arg10[%parallel_loop3A_425, %parallel_loop3A_426], %parallel_loop3A_424 {strides = array<i32>} : memref<16x512xf32, #tpu.memory_space<vmem>>, vector<16xf32>,
      %parallel_loop3A_428 = arith.constant 432 : i32
      %parallel_loop3A_429 = vector.broadcast %parallel_loop3A_428 : i32 to vector<16xi32>
      %parallel_loop3A_430 = arith.addi %parallel_loop3A_43, %parallel_loop3A_429 : vector<16xi32>
      %parallel_loop3A_431 = tpu.vector_load_idx %arg6[%parallel_loop3A_430] : memref<8192xf32, #tpu.memory_space<vmem>>[vector<16xi32>], vector<16xf32>,
      %parallel_loop3A_432 = arith.constant 432 : i32
      %parallel_loop3A_433 = vector.broadcast %parallel_loop3A_432 : i32 to vector<16xi32>
      %parallel_loop3A_434 = arith.addi %parallel_loop3A_45, %parallel_loop3A_433 : vector<16xi32>
      %parallel_loop3A_435 = tpu.vector_load_idx %arg6[%parallel_loop3A_434] : memref<8192xf32, #tpu.memory_space<vmem>>[vector<16xi32>], vector<16xf32>,
      %parallel_loop3A_436 = arith.mulf %parallel_loop3A_49, %parallel_loop3A_431 : vector<16xf32>
      %parallel_loop3A_437 = arith.mulf %parallel_loop3A_46, %parallel_loop3A_435 : vector<16xf32>
      %parallel_loop3A_438 = arith.addf %parallel_loop3A_436, %parallel_loop3A_437 : vector<16xf32>
      %parallel_loop3A_439 = arith.index_cast %parallel_loop3A_38 : i32 to index
      %parallel_loop3A_440 = arith.constant 432 : index
      %parallel_loop3A_441 = tpu.vector_load %arg10[%parallel_loop3A_439, %parallel_loop3A_440] {strides = array<i32>} : memref<16x512xf32, #tpu.memory_space<vmem>>, vector<16xf32>,
      tpu.vector_store %arg10[%parallel_loop3A_439, %parallel_loop3A_440], %parallel_loop3A_438 {strides = array<i32>} : memref<16x512xf32, #tpu.memory_space<vmem>>, vector<16xf32>,
      %parallel_loop3A_442 = arith.constant 448 : i32
      %parallel_loop3A_443 = vector.broadcast %parallel_loop3A_442 : i32 to vector<16xi32>
      %parallel_loop3A_444 = arith.addi %parallel_loop3A_43, %parallel_loop3A_443 : vector<16xi32>
      %parallel_loop3A_445 = tpu.vector_load_idx %arg6[%parallel_loop3A_444] : memref<8192xf32, #tpu.memory_space<vmem>>[vector<16xi32>], vector<16xf32>,
      %parallel_loop3A_446 = arith.constant 448 : i32
      %parallel_loop3A_447 = vector.broadcast %parallel_loop3A_446 : i32 to vector<16xi32>
      %parallel_loop3A_448 = arith.addi %parallel_loop3A_45, %parallel_loop3A_447 : vector<16xi32>
      %parallel_loop3A_449 = tpu.vector_load_idx %arg6[%parallel_loop3A_448] : memref<8192xf32, #tpu.memory_space<vmem>>[vector<16xi32>], vector<16xf32>,
      %parallel_loop3A_450 = arith.mulf %parallel_loop3A_49, %parallel_loop3A_445 : vector<16xf32>
      %parallel_loop3A_451 = arith.mulf %parallel_loop3A_46, %parallel_loop3A_449 : vector<16xf32>
      %parallel_loop3A_452 = arith.addf %parallel_loop3A_450, %parallel_loop3A_451 : vector<16xf32>
      %parallel_loop3A_453 = arith.index_cast %parallel_loop3A_38 : i32 to index
      %parallel_loop3A_454 = arith.constant 448 : index
      %parallel_loop3A_455 = tpu.vector_load %arg10[%parallel_loop3A_453, %parallel_loop3A_454] {strides = array<i32>} : memref<16x512xf32, #tpu.memory_space<vmem>>, vector<16xf32>,
      tpu.vector_store %arg10[%parallel_loop3A_453, %parallel_loop3A_454], %parallel_loop3A_452 {strides = array<i32>} : memref<16x512xf32, #tpu.memory_space<vmem>>, vector<16xf32>,
      %parallel_loop3A_456 = arith.constant 464 : i32
      %parallel_loop3A_457 = vector.broadcast %parallel_loop3A_456 : i32 to vector<16xi32>
      %parallel_loop3A_458 = arith.addi %parallel_loop3A_43, %parallel_loop3A_457 : vector<16xi32>
      %parallel_loop3A_459 = tpu.vector_load_idx %arg6[%parallel_loop3A_458] : memref<8192xf32, #tpu.memory_space<vmem>>[vector<16xi32>], vector<16xf32>,
      %parallel_loop3A_460 = arith.constant 464 : i32
      %parallel_loop3A_461 = vector.broadcast %parallel_loop3A_460 : i32 to vector<16xi32>
      %parallel_loop3A_462 = arith.addi %parallel_loop3A_45, %parallel_loop3A_461 : vector<16xi32>
      %parallel_loop3A_463 = tpu.vector_load_idx %arg6[%parallel_loop3A_462] : memref<8192xf32, #tpu.memory_space<vmem>>[vector<16xi32>], vector<16xf32>,
      %parallel_loop3A_464 = arith.mulf %parallel_loop3A_49, %parallel_loop3A_459 : vector<16xf32>
      %parallel_loop3A_465 = arith.mulf %parallel_loop3A_46, %parallel_loop3A_463 : vector<16xf32>
      %parallel_loop3A_466 = arith.addf %parallel_loop3A_464, %parallel_loop3A_465 : vector<16xf32>
      %parallel_loop3A_467 = arith.index_cast %parallel_loop3A_38 : i32 to index
      %parallel_loop3A_468 = arith.constant 464 : index
      %parallel_loop3A_469 = tpu.vector_load %arg10[%parallel_loop3A_467, %parallel_loop3A_468] {strides = array<i32>} : memref<16x512xf32, #tpu.memory_space<vmem>>, vector<16xf32>,
      tpu.vector_store %arg10[%parallel_loop3A_467, %parallel_loop3A_468], %parallel_loop3A_466 {strides = array<i32>} : memref<16x512xf32, #tpu.memory_space<vmem>>, vector<16xf32>,
      %parallel_loop3A_470 = arith.constant 480 : i32
      %parallel_loop3A_471 = vector.broadcast %parallel_loop3A_470 : i32 to vector<16xi32>
      %parallel_loop3A_472 = arith.addi %parallel_loop3A_43, %parallel_loop3A_471 : vector<16xi32>
      %parallel_loop3A_473 = tpu.vector_load_idx %arg6[%parallel_loop3A_472] : memref<8192xf32, #tpu.memory_space<vmem>>[vector<16xi32>], vector<16xf32>,
      %parallel_loop3A_474 = arith.constant 480 : i32
      %parallel_loop3A_475 = vector.broadcast %parallel_loop3A_474 : i32 to vector<16xi32>
      %parallel_loop3A_476 = arith.addi %parallel_loop3A_45, %parallel_loop3A_475 : vector<16xi32>
      %parallel_loop3A_477 = tpu.vector_load_idx %arg6[%parallel_loop3A_476] : memref<8192xf32, #tpu.memory_space<vmem>>[vector<16xi32>], vector<16xf32>,
      %parallel_loop3A_478 = arith.mulf %parallel_loop3A_49, %parallel_loop3A_473 : vector<16xf32>
      %parallel_loop3A_479 = arith.mulf %parallel_loop3A_46, %parallel_loop3A_477 : vector<16xf32>
      %parallel_loop3A_480 = arith.addf %parallel_loop3A_478, %parallel_loop3A_479 : vector<16xf32>
      %parallel_loop3A_481 = arith.index_cast %parallel_loop3A_38 : i32 to index
      %parallel_loop3A_482 = arith.constant 480 : index
      %parallel_loop3A_483 = tpu.vector_load %arg10[%parallel_loop3A_481, %parallel_loop3A_482] {strides = array<i32>} : memref<16x512xf32, #tpu.memory_space<vmem>>, vector<16xf32>,
      tpu.vector_store %arg10[%parallel_loop3A_481, %parallel_loop3A_482], %parallel_loop3A_480 {strides = array<i32>} : memref<16x512xf32, #tpu.memory_space<vmem>>, vector<16xf32>,
      %parallel_loop3A_484 = arith.constant 496 : i32
      %parallel_loop3A_485 = vector.broadcast %parallel_loop3A_484 : i32 to vector<16xi32>
      %parallel_loop3A_486 = arith.addi %parallel_loop3A_43, %parallel_loop3A_485 : vector<16xi32>
      %parallel_loop3A_487 = tpu.vector_load_idx %arg6[%parallel_loop3A_486] : memref<8192xf32, #tpu.memory_space<vmem>>[vector<16xi32>], vector<16xf32>,
      %parallel_loop3A_488 = arith.constant 496 : i32
      %parallel_loop3A_489 = vector.broadcast %parallel_loop3A_488 : i32 to vector<16xi32>
      %parallel_loop3A_490 = arith.addi %parallel_loop3A_45, %parallel_loop3A_489 : vector<16xi32>
      %parallel_loop3A_491 = tpu.vector_load_idx %arg6[%parallel_loop3A_490] : memref<8192xf32, #tpu.memory_space<vmem>>[vector<16xi32>], vector<16xf32>,
      %parallel_loop3A_492 = arith.mulf %parallel_loop3A_49, %parallel_loop3A_487 : vector<16xf32>
      %parallel_loop3A_493 = arith.mulf %parallel_loop3A_46, %parallel_loop3A_491 : vector<16xf32>
      %parallel_loop3A_494 = arith.addf %parallel_loop3A_492, %parallel_loop3A_493 : vector<16xf32>
      %parallel_loop3A_495 = arith.index_cast %parallel_loop3A_38 : i32 to index
      %parallel_loop3A_496 = arith.constant 496 : index
      %parallel_loop3A_497 = tpu.vector_load %arg10[%parallel_loop3A_495, %parallel_loop3A_496] {strides = array<i32>} : memref<16x512xf32, #tpu.memory_space<vmem>>, vector<16xf32>,
      tpu.vector_store %arg10[%parallel_loop3A_495, %parallel_loop3A_496], %parallel_loop3A_494 {strides = array<i32>} : memref<16x512xf32, #tpu.memory_space<vmem>>, vector<16xf32>,
    } {sc.loop_unroll_factor = 4 : i64, sc.parallel_access}
    %add3A_8 = arith.constant 0 : i32
    %add3A_9 = arith.addi %mul3A_2, %add3A_8 : i32
    %dma_start3A = arith.constant 0 : i32
    %dma_start3A_10 = tpu.memref_slice %arg4[%add3A_9, %dma_start3A] : memref<16384x512xf32, #tpu.memory_space<hbm>> -> memref<16x512xf32, #tpu.memory_space<hbm>>
    %dma_start3A_11 = arith.constant 0 : i32
    %dma_start3A_12 = tpu.memref_slice %arg4[%add3A_9, %dma_start3A_11] : memref<16384x512xf32, #tpu.memory_space<hbm>> -> memref<16x512xf32, #tpu.memory_space<hbm>>
    tpu.enqueue_dma source(%arg10 : memref<16x512xf32, #tpu.memory_space<vmem>>) target(%dma_start3A_12 : memref<16x512xf32, #tpu.memory_space<hbm>>) target_semaphore(%arg12 : memref<!tpu.dma_semaphore, #tpu.memory_space<semaphore_mem>>)
    %parallel_loop3A_13 = arith.constant 0 : i32
    %parallel_loop3A_14 = arith.constant 16 : i32
    %parallel_loop3A_15 = arith.constant 1 : i32
    scf.for %parallel_loop3A_38 = %parallel_loop3A_13 to %parallel_loop3A_14 step %parallel_loop3A_15  : i32 {
      %parallel_loop3A_39 = arith.constant 16 : i32
      %parallel_loop3A_40 = arith.addi %parallel_loop3A_39, %parallel_loop3A_38 : i32
      %parallel_loop3A_41 = vector.broadcast %parallel_loop3A_40 : i32 to vector<16xi32>
      %parallel_loop3A_42 = tpu.vector_load_idx %arg7[%parallel_loop3A_41] : memref<528xi32, #tpu.memory_space<vmem>>[vector<16xi32>], vector<16xi32>,
      %parallel_loop3A_43 = arith.addi %parallel_loop3A_42, %iota3A : vector<16xi32>
      %parallel_loop3A_44 = tpu.vector_load_idx %arg8[%parallel_loop3A_41] : memref<528xi32, #tpu.memory_space<vmem>>[vector<16xi32>], vector<16xi32>,
      %parallel_loop3A_45 = arith.addi %parallel_loop3A_44, %iota3A : vector<16xi32>
      %parallel_loop3A_46 = tpu.vector_load_idx %arg9[%parallel_loop3A_41] : memref<528xf32, #tpu.memory_space<vmem>>[vector<16xi32>], vector<16xf32>,
      %parallel_loop3A_47 = arith.constant 1.000000e+00 : f32
      %parallel_loop3A_48 = vector.broadcast %parallel_loop3A_47 : f32 to vector<16xf32>
      %parallel_loop3A_49 = arith.subf %parallel_loop3A_48, %parallel_loop3A_46 : vector<16xf32>
      %parallel_loop3A_50 = arith.constant 0 : i32
      %parallel_loop3A_51 = vector.broadcast %parallel_loop3A_50 : i32 to vector<16xi32>
      %parallel_loop3A_52 = arith.addi %parallel_loop3A_43, %parallel_loop3A_51 : vector<16xi32>
      %parallel_loop3A_53 = tpu.vector_load_idx %arg6[%parallel_loop3A_52] : memref<8192xf32, #tpu.memory_space<vmem>>[vector<16xi32>], vector<16xf32>,
      %parallel_loop3A_54 = arith.constant 0 : i32
      %parallel_loop3A_55 = vector.broadcast %parallel_loop3A_54 : i32 to vector<16xi32>
      %parallel_loop3A_56 = arith.addi %parallel_loop3A_45, %parallel_loop3A_55 : vector<16xi32>
      %parallel_loop3A_57 = tpu.vector_load_idx %arg6[%parallel_loop3A_56] : memref<8192xf32, #tpu.memory_space<vmem>>[vector<16xi32>], vector<16xf32>,
      %parallel_loop3A_58 = arith.mulf %parallel_loop3A_49, %parallel_loop3A_53 : vector<16xf32>
      %parallel_loop3A_59 = arith.mulf %parallel_loop3A_46, %parallel_loop3A_57 : vector<16xf32>
      %parallel_loop3A_60 = arith.addf %parallel_loop3A_58, %parallel_loop3A_59 : vector<16xf32>
      %parallel_loop3A_61 = arith.index_cast %parallel_loop3A_38 : i32 to index
      %parallel_loop3A_62 = arith.constant 0 : index
      %parallel_loop3A_63 = tpu.vector_load %arg11[%parallel_loop3A_61, %parallel_loop3A_62] {strides = array<i32>} : memref<16x512xf32, #tpu.memory_space<vmem>>, vector<16xf32>,
      tpu.vector_store %arg11[%parallel_loop3A_61, %parallel_loop3A_62], %parallel_loop3A_60 {strides = array<i32>} : memref<16x512xf32, #tpu.memory_space<vmem>>, vector<16xf32>,
      %parallel_loop3A_64 = arith.constant 16 : i32
      %parallel_loop3A_65 = vector.broadcast %parallel_loop3A_64 : i32 to vector<16xi32>
      %parallel_loop3A_66 = arith.addi %parallel_loop3A_43, %parallel_loop3A_65 : vector<16xi32>
      %parallel_loop3A_67 = tpu.vector_load_idx %arg6[%parallel_loop3A_66] : memref<8192xf32, #tpu.memory_space<vmem>>[vector<16xi32>], vector<16xf32>,
      %parallel_loop3A_68 = arith.constant 16 : i32
      %parallel_loop3A_69 = vector.broadcast %parallel_loop3A_68 : i32 to vector<16xi32>
      %parallel_loop3A_70 = arith.addi %parallel_loop3A_45, %parallel_loop3A_69 : vector<16xi32>
      %parallel_loop3A_71 = tpu.vector_load_idx %arg6[%parallel_loop3A_70] : memref<8192xf32, #tpu.memory_space<vmem>>[vector<16xi32>], vector<16xf32>,
      %parallel_loop3A_72 = arith.mulf %parallel_loop3A_49, %parallel_loop3A_67 : vector<16xf32>
      %parallel_loop3A_73 = arith.mulf %parallel_loop3A_46, %parallel_loop3A_71 : vector<16xf32>
      %parallel_loop3A_74 = arith.addf %parallel_loop3A_72, %parallel_loop3A_73 : vector<16xf32>
      %parallel_loop3A_75 = arith.index_cast %parallel_loop3A_38 : i32 to index
      %parallel_loop3A_76 = arith.constant 16 : index
      %parallel_loop3A_77 = tpu.vector_load %arg11[%parallel_loop3A_75, %parallel_loop3A_76] {strides = array<i32>} : memref<16x512xf32, #tpu.memory_space<vmem>>, vector<16xf32>,
      tpu.vector_store %arg11[%parallel_loop3A_75, %parallel_loop3A_76], %parallel_loop3A_74 {strides = array<i32>} : memref<16x512xf32, #tpu.memory_space<vmem>>, vector<16xf32>,
      %parallel_loop3A_78 = arith.constant 32 : i32
      %parallel_loop3A_79 = vector.broadcast %parallel_loop3A_78 : i32 to vector<16xi32>
      %parallel_loop3A_80 = arith.addi %parallel_loop3A_43, %parallel_loop3A_79 : vector<16xi32>
      %parallel_loop3A_81 = tpu.vector_load_idx %arg6[%parallel_loop3A_80] : memref<8192xf32, #tpu.memory_space<vmem>>[vector<16xi32>], vector<16xf32>,
      %parallel_loop3A_82 = arith.constant 32 : i32
      %parallel_loop3A_83 = vector.broadcast %parallel_loop3A_82 : i32 to vector<16xi32>
      %parallel_loop3A_84 = arith.addi %parallel_loop3A_45, %parallel_loop3A_83 : vector<16xi32>
      %parallel_loop3A_85 = tpu.vector_load_idx %arg6[%parallel_loop3A_84] : memref<8192xf32, #tpu.memory_space<vmem>>[vector<16xi32>], vector<16xf32>,
      %parallel_loop3A_86 = arith.mulf %parallel_loop3A_49, %parallel_loop3A_81 : vector<16xf32>
      %parallel_loop3A_87 = arith.mulf %parallel_loop3A_46, %parallel_loop3A_85 : vector<16xf32>
      %parallel_loop3A_88 = arith.addf %parallel_loop3A_86, %parallel_loop3A_87 : vector<16xf32>
      %parallel_loop3A_89 = arith.index_cast %parallel_loop3A_38 : i32 to index
      %parallel_loop3A_90 = arith.constant 32 : index
      %parallel_loop3A_91 = tpu.vector_load %arg11[%parallel_loop3A_89, %parallel_loop3A_90] {strides = array<i32>} : memref<16x512xf32, #tpu.memory_space<vmem>>, vector<16xf32>,
      tpu.vector_store %arg11[%parallel_loop3A_89, %parallel_loop3A_90], %parallel_loop3A_88 {strides = array<i32>} : memref<16x512xf32, #tpu.memory_space<vmem>>, vector<16xf32>,
      %parallel_loop3A_92 = arith.constant 48 : i32
      %parallel_loop3A_93 = vector.broadcast %parallel_loop3A_92 : i32 to vector<16xi32>
      %parallel_loop3A_94 = arith.addi %parallel_loop3A_43, %parallel_loop3A_93 : vector<16xi32>
      %parallel_loop3A_95 = tpu.vector_load_idx %arg6[%parallel_loop3A_94] : memref<8192xf32, #tpu.memory_space<vmem>>[vector<16xi32>], vector<16xf32>,
      %parallel_loop3A_96 = arith.constant 48 : i32
      %parallel_loop3A_97 = vector.broadcast %parallel_loop3A_96 : i32 to vector<16xi32>
      %parallel_loop3A_98 = arith.addi %parallel_loop3A_45, %parallel_loop3A_97 : vector<16xi32>
      %parallel_loop3A_99 = tpu.vector_load_idx %arg6[%parallel_loop3A_98] : memref<8192xf32, #tpu.memory_space<vmem>>[vector<16xi32>], vector<16xf32>,
      %parallel_loop3A_100 = arith.mulf %parallel_loop3A_49, %parallel_loop3A_95 : vector<16xf32>
      %parallel_loop3A_101 = arith.mulf %parallel_loop3A_46, %parallel_loop3A_99 : vector<16xf32>
      %parallel_loop3A_102 = arith.addf %parallel_loop3A_100, %parallel_loop3A_101 : vector<16xf32>
      %parallel_loop3A_103 = arith.index_cast %parallel_loop3A_38 : i32 to index
      %parallel_loop3A_104 = arith.constant 48 : index
      %parallel_loop3A_105 = tpu.vector_load %arg11[%parallel_loop3A_103, %parallel_loop3A_104] {strides = array<i32>} : memref<16x512xf32, #tpu.memory_space<vmem>>, vector<16xf32>,
      tpu.vector_store %arg11[%parallel_loop3A_103, %parallel_loop3A_104], %parallel_loop3A_102 {strides = array<i32>} : memref<16x512xf32, #tpu.memory_space<vmem>>, vector<16xf32>,
      %parallel_loop3A_106 = arith.constant 64 : i32
      %parallel_loop3A_107 = vector.broadcast %parallel_loop3A_106 : i32 to vector<16xi32>
      %parallel_loop3A_108 = arith.addi %parallel_loop3A_43, %parallel_loop3A_107 : vector<16xi32>
      %parallel_loop3A_109 = tpu.vector_load_idx %arg6[%parallel_loop3A_108] : memref<8192xf32, #tpu.memory_space<vmem>>[vector<16xi32>], vector<16xf32>,
      %parallel_loop3A_110 = arith.constant 64 : i32
      %parallel_loop3A_111 = vector.broadcast %parallel_loop3A_110 : i32 to vector<16xi32>
      %parallel_loop3A_112 = arith.addi %parallel_loop3A_45, %parallel_loop3A_111 : vector<16xi32>
      %parallel_loop3A_113 = tpu.vector_load_idx %arg6[%parallel_loop3A_112] : memref<8192xf32, #tpu.memory_space<vmem>>[vector<16xi32>], vector<16xf32>,
      %parallel_loop3A_114 = arith.mulf %parallel_loop3A_49, %parallel_loop3A_109 : vector<16xf32>
      %parallel_loop3A_115 = arith.mulf %parallel_loop3A_46, %parallel_loop3A_113 : vector<16xf32>
      %parallel_loop3A_116 = arith.addf %parallel_loop3A_114, %parallel_loop3A_115 : vector<16xf32>
      %parallel_loop3A_117 = arith.index_cast %parallel_loop3A_38 : i32 to index
      %parallel_loop3A_118 = arith.constant 64 : index
      %parallel_loop3A_119 = tpu.vector_load %arg11[%parallel_loop3A_117, %parallel_loop3A_118] {strides = array<i32>} : memref<16x512xf32, #tpu.memory_space<vmem>>, vector<16xf32>,
      tpu.vector_store %arg11[%parallel_loop3A_117, %parallel_loop3A_118], %parallel_loop3A_116 {strides = array<i32>} : memref<16x512xf32, #tpu.memory_space<vmem>>, vector<16xf32>,
      %parallel_loop3A_120 = arith.constant 80 : i32
      %parallel_loop3A_121 = vector.broadcast %parallel_loop3A_120 : i32 to vector<16xi32>
      %parallel_loop3A_122 = arith.addi %parallel_loop3A_43, %parallel_loop3A_121 : vector<16xi32>
      %parallel_loop3A_123 = tpu.vector_load_idx %arg6[%parallel_loop3A_122] : memref<8192xf32, #tpu.memory_space<vmem>>[vector<16xi32>], vector<16xf32>,
      %parallel_loop3A_124 = arith.constant 80 : i32
      %parallel_loop3A_125 = vector.broadcast %parallel_loop3A_124 : i32 to vector<16xi32>
      %parallel_loop3A_126 = arith.addi %parallel_loop3A_45, %parallel_loop3A_125 : vector<16xi32>
      %parallel_loop3A_127 = tpu.vector_load_idx %arg6[%parallel_loop3A_126] : memref<8192xf32, #tpu.memory_space<vmem>>[vector<16xi32>], vector<16xf32>,
      %parallel_loop3A_128 = arith.mulf %parallel_loop3A_49, %parallel_loop3A_123 : vector<16xf32>
      %parallel_loop3A_129 = arith.mulf %parallel_loop3A_46, %parallel_loop3A_127 : vector<16xf32>
      %parallel_loop3A_130 = arith.addf %parallel_loop3A_128, %parallel_loop3A_129 : vector<16xf32>
      %parallel_loop3A_131 = arith.index_cast %parallel_loop3A_38 : i32 to index
      %parallel_loop3A_132 = arith.constant 80 : index
      %parallel_loop3A_133 = tpu.vector_load %arg11[%parallel_loop3A_131, %parallel_loop3A_132] {strides = array<i32>} : memref<16x512xf32, #tpu.memory_space<vmem>>, vector<16xf32>,
      tpu.vector_store %arg11[%parallel_loop3A_131, %parallel_loop3A_132], %parallel_loop3A_130 {strides = array<i32>} : memref<16x512xf32, #tpu.memory_space<vmem>>, vector<16xf32>,
      %parallel_loop3A_134 = arith.constant 96 : i32
      %parallel_loop3A_135 = vector.broadcast %parallel_loop3A_134 : i32 to vector<16xi32>
      %parallel_loop3A_136 = arith.addi %parallel_loop3A_43, %parallel_loop3A_135 : vector<16xi32>
      %parallel_loop3A_137 = tpu.vector_load_idx %arg6[%parallel_loop3A_136] : memref<8192xf32, #tpu.memory_space<vmem>>[vector<16xi32>], vector<16xf32>,
      %parallel_loop3A_138 = arith.constant 96 : i32
      %parallel_loop3A_139 = vector.broadcast %parallel_loop3A_138 : i32 to vector<16xi32>
      %parallel_loop3A_140 = arith.addi %parallel_loop3A_45, %parallel_loop3A_139 : vector<16xi32>
      %parallel_loop3A_141 = tpu.vector_load_idx %arg6[%parallel_loop3A_140] : memref<8192xf32, #tpu.memory_space<vmem>>[vector<16xi32>], vector<16xf32>,
      %parallel_loop3A_142 = arith.mulf %parallel_loop3A_49, %parallel_loop3A_137 : vector<16xf32>
      %parallel_loop3A_143 = arith.mulf %parallel_loop3A_46, %parallel_loop3A_141 : vector<16xf32>
      %parallel_loop3A_144 = arith.addf %parallel_loop3A_142, %parallel_loop3A_143 : vector<16xf32>
      %parallel_loop3A_145 = arith.index_cast %parallel_loop3A_38 : i32 to index
      %parallel_loop3A_146 = arith.constant 96 : index
      %parallel_loop3A_147 = tpu.vector_load %arg11[%parallel_loop3A_145, %parallel_loop3A_146] {strides = array<i32>} : memref<16x512xf32, #tpu.memory_space<vmem>>, vector<16xf32>,
      tpu.vector_store %arg11[%parallel_loop3A_145, %parallel_loop3A_146], %parallel_loop3A_144 {strides = array<i32>} : memref<16x512xf32, #tpu.memory_space<vmem>>, vector<16xf32>,
      %parallel_loop3A_148 = arith.constant 112 : i32
      %parallel_loop3A_149 = vector.broadcast %parallel_loop3A_148 : i32 to vector<16xi32>
      %parallel_loop3A_150 = arith.addi %parallel_loop3A_43, %parallel_loop3A_149 : vector<16xi32>
      %parallel_loop3A_151 = tpu.vector_load_idx %arg6[%parallel_loop3A_150] : memref<8192xf32, #tpu.memory_space<vmem>>[vector<16xi32>], vector<16xf32>,
      %parallel_loop3A_152 = arith.constant 112 : i32
      %parallel_loop3A_153 = vector.broadcast %parallel_loop3A_152 : i32 to vector<16xi32>
      %parallel_loop3A_154 = arith.addi %parallel_loop3A_45, %parallel_loop3A_153 : vector<16xi32>
      %parallel_loop3A_155 = tpu.vector_load_idx %arg6[%parallel_loop3A_154] : memref<8192xf32, #tpu.memory_space<vmem>>[vector<16xi32>], vector<16xf32>,
      %parallel_loop3A_156 = arith.mulf %parallel_loop3A_49, %parallel_loop3A_151 : vector<16xf32>
      %parallel_loop3A_157 = arith.mulf %parallel_loop3A_46, %parallel_loop3A_155 : vector<16xf32>
      %parallel_loop3A_158 = arith.addf %parallel_loop3A_156, %parallel_loop3A_157 : vector<16xf32>
      %parallel_loop3A_159 = arith.index_cast %parallel_loop3A_38 : i32 to index
      %parallel_loop3A_160 = arith.constant 112 : index
      %parallel_loop3A_161 = tpu.vector_load %arg11[%parallel_loop3A_159, %parallel_loop3A_160] {strides = array<i32>} : memref<16x512xf32, #tpu.memory_space<vmem>>, vector<16xf32>,
      tpu.vector_store %arg11[%parallel_loop3A_159, %parallel_loop3A_160], %parallel_loop3A_158 {strides = array<i32>} : memref<16x512xf32, #tpu.memory_space<vmem>>, vector<16xf32>,
      %parallel_loop3A_162 = arith.constant 128 : i32
      %parallel_loop3A_163 = vector.broadcast %parallel_loop3A_162 : i32 to vector<16xi32>
      %parallel_loop3A_164 = arith.addi %parallel_loop3A_43, %parallel_loop3A_163 : vector<16xi32>
      %parallel_loop3A_165 = tpu.vector_load_idx %arg6[%parallel_loop3A_164] : memref<8192xf32, #tpu.memory_space<vmem>>[vector<16xi32>], vector<16xf32>,
      %parallel_loop3A_166 = arith.constant 128 : i32
      %parallel_loop3A_167 = vector.broadcast %parallel_loop3A_166 : i32 to vector<16xi32>
      %parallel_loop3A_168 = arith.addi %parallel_loop3A_45, %parallel_loop3A_167 : vector<16xi32>
      %parallel_loop3A_169 = tpu.vector_load_idx %arg6[%parallel_loop3A_168] : memref<8192xf32, #tpu.memory_space<vmem>>[vector<16xi32>], vector<16xf32>,
      %parallel_loop3A_170 = arith.mulf %parallel_loop3A_49, %parallel_loop3A_165 : vector<16xf32>
      %parallel_loop3A_171 = arith.mulf %parallel_loop3A_46, %parallel_loop3A_169 : vector<16xf32>
      %parallel_loop3A_172 = arith.addf %parallel_loop3A_170, %parallel_loop3A_171 : vector<16xf32>
      %parallel_loop3A_173 = arith.index_cast %parallel_loop3A_38 : i32 to index
      %parallel_loop3A_174 = arith.constant 128 : index
      %parallel_loop3A_175 = tpu.vector_load %arg11[%parallel_loop3A_173, %parallel_loop3A_174] {strides = array<i32>} : memref<16x512xf32, #tpu.memory_space<vmem>>, vector<16xf32>,
      tpu.vector_store %arg11[%parallel_loop3A_173, %parallel_loop3A_174], %parallel_loop3A_172 {strides = array<i32>} : memref<16x512xf32, #tpu.memory_space<vmem>>, vector<16xf32>,
      %parallel_loop3A_176 = arith.constant 144 : i32
      %parallel_loop3A_177 = vector.broadcast %parallel_loop3A_176 : i32 to vector<16xi32>
      %parallel_loop3A_178 = arith.addi %parallel_loop3A_43, %parallel_loop3A_177 : vector<16xi32>
      %parallel_loop3A_179 = tpu.vector_load_idx %arg6[%parallel_loop3A_178] : memref<8192xf32, #tpu.memory_space<vmem>>[vector<16xi32>], vector<16xf32>,
      %parallel_loop3A_180 = arith.constant 144 : i32
      %parallel_loop3A_181 = vector.broadcast %parallel_loop3A_180 : i32 to vector<16xi32>
      %parallel_loop3A_182 = arith.addi %parallel_loop3A_45, %parallel_loop3A_181 : vector<16xi32>
      %parallel_loop3A_183 = tpu.vector_load_idx %arg6[%parallel_loop3A_182] : memref<8192xf32, #tpu.memory_space<vmem>>[vector<16xi32>], vector<16xf32>,
      %parallel_loop3A_184 = arith.mulf %parallel_loop3A_49, %parallel_loop3A_179 : vector<16xf32>
      %parallel_loop3A_185 = arith.mulf %parallel_loop3A_46, %parallel_loop3A_183 : vector<16xf32>
      %parallel_loop3A_186 = arith.addf %parallel_loop3A_184, %parallel_loop3A_185 : vector<16xf32>
      %parallel_loop3A_187 = arith.index_cast %parallel_loop3A_38 : i32 to index
      %parallel_loop3A_188 = arith.constant 144 : index
      %parallel_loop3A_189 = tpu.vector_load %arg11[%parallel_loop3A_187, %parallel_loop3A_188] {strides = array<i32>} : memref<16x512xf32, #tpu.memory_space<vmem>>, vector<16xf32>,
      tpu.vector_store %arg11[%parallel_loop3A_187, %parallel_loop3A_188], %parallel_loop3A_186 {strides = array<i32>} : memref<16x512xf32, #tpu.memory_space<vmem>>, vector<16xf32>,
      %parallel_loop3A_190 = arith.constant 160 : i32
      %parallel_loop3A_191 = vector.broadcast %parallel_loop3A_190 : i32 to vector<16xi32>
      %parallel_loop3A_192 = arith.addi %parallel_loop3A_43, %parallel_loop3A_191 : vector<16xi32>
      %parallel_loop3A_193 = tpu.vector_load_idx %arg6[%parallel_loop3A_192] : memref<8192xf32, #tpu.memory_space<vmem>>[vector<16xi32>], vector<16xf32>,
      %parallel_loop3A_194 = arith.constant 160 : i32
      %parallel_loop3A_195 = vector.broadcast %parallel_loop3A_194 : i32 to vector<16xi32>
      %parallel_loop3A_196 = arith.addi %parallel_loop3A_45, %parallel_loop3A_195 : vector<16xi32>
      %parallel_loop3A_197 = tpu.vector_load_idx %arg6[%parallel_loop3A_196] : memref<8192xf32, #tpu.memory_space<vmem>>[vector<16xi32>], vector<16xf32>,
      %parallel_loop3A_198 = arith.mulf %parallel_loop3A_49, %parallel_loop3A_193 : vector<16xf32>
      %parallel_loop3A_199 = arith.mulf %parallel_loop3A_46, %parallel_loop3A_197 : vector<16xf32>
      %parallel_loop3A_200 = arith.addf %parallel_loop3A_198, %parallel_loop3A_199 : vector<16xf32>
      %parallel_loop3A_201 = arith.index_cast %parallel_loop3A_38 : i32 to index
      %parallel_loop3A_202 = arith.constant 160 : index
      %parallel_loop3A_203 = tpu.vector_load %arg11[%parallel_loop3A_201, %parallel_loop3A_202] {strides = array<i32>} : memref<16x512xf32, #tpu.memory_space<vmem>>, vector<16xf32>,
      tpu.vector_store %arg11[%parallel_loop3A_201, %parallel_loop3A_202], %parallel_loop3A_200 {strides = array<i32>} : memref<16x512xf32, #tpu.memory_space<vmem>>, vector<16xf32>,
      %parallel_loop3A_204 = arith.constant 176 : i32
      %parallel_loop3A_205 = vector.broadcast %parallel_loop3A_204 : i32 to vector<16xi32>
      %parallel_loop3A_206 = arith.addi %parallel_loop3A_43, %parallel_loop3A_205 : vector<16xi32>
      %parallel_loop3A_207 = tpu.vector_load_idx %arg6[%parallel_loop3A_206] : memref<8192xf32, #tpu.memory_space<vmem>>[vector<16xi32>], vector<16xf32>,
      %parallel_loop3A_208 = arith.constant 176 : i32
      %parallel_loop3A_209 = vector.broadcast %parallel_loop3A_208 : i32 to vector<16xi32>
      %parallel_loop3A_210 = arith.addi %parallel_loop3A_45, %parallel_loop3A_209 : vector<16xi32>
      %parallel_loop3A_211 = tpu.vector_load_idx %arg6[%parallel_loop3A_210] : memref<8192xf32, #tpu.memory_space<vmem>>[vector<16xi32>], vector<16xf32>,
      %parallel_loop3A_212 = arith.mulf %parallel_loop3A_49, %parallel_loop3A_207 : vector<16xf32>
      %parallel_loop3A_213 = arith.mulf %parallel_loop3A_46, %parallel_loop3A_211 : vector<16xf32>
      %parallel_loop3A_214 = arith.addf %parallel_loop3A_212, %parallel_loop3A_213 : vector<16xf32>
      %parallel_loop3A_215 = arith.index_cast %parallel_loop3A_38 : i32 to index
      %parallel_loop3A_216 = arith.constant 176 : index
      %parallel_loop3A_217 = tpu.vector_load %arg11[%parallel_loop3A_215, %parallel_loop3A_216] {strides = array<i32>} : memref<16x512xf32, #tpu.memory_space<vmem>>, vector<16xf32>,
      tpu.vector_store %arg11[%parallel_loop3A_215, %parallel_loop3A_216], %parallel_loop3A_214 {strides = array<i32>} : memref<16x512xf32, #tpu.memory_space<vmem>>, vector<16xf32>,
      %parallel_loop3A_218 = arith.constant 192 : i32
      %parallel_loop3A_219 = vector.broadcast %parallel_loop3A_218 : i32 to vector<16xi32>
      %parallel_loop3A_220 = arith.addi %parallel_loop3A_43, %parallel_loop3A_219 : vector<16xi32>
      %parallel_loop3A_221 = tpu.vector_load_idx %arg6[%parallel_loop3A_220] : memref<8192xf32, #tpu.memory_space<vmem>>[vector<16xi32>], vector<16xf32>,
      %parallel_loop3A_222 = arith.constant 192 : i32
      %parallel_loop3A_223 = vector.broadcast %parallel_loop3A_222 : i32 to vector<16xi32>
      %parallel_loop3A_224 = arith.addi %parallel_loop3A_45, %parallel_loop3A_223 : vector<16xi32>
      %parallel_loop3A_225 = tpu.vector_load_idx %arg6[%parallel_loop3A_224] : memref<8192xf32, #tpu.memory_space<vmem>>[vector<16xi32>], vector<16xf32>,
      %parallel_loop3A_226 = arith.mulf %parallel_loop3A_49, %parallel_loop3A_221 : vector<16xf32>
      %parallel_loop3A_227 = arith.mulf %parallel_loop3A_46, %parallel_loop3A_225 : vector<16xf32>
      %parallel_loop3A_228 = arith.addf %parallel_loop3A_226, %parallel_loop3A_227 : vector<16xf32>
      %parallel_loop3A_229 = arith.index_cast %parallel_loop3A_38 : i32 to index
      %parallel_loop3A_230 = arith.constant 192 : index
      %parallel_loop3A_231 = tpu.vector_load %arg11[%parallel_loop3A_229, %parallel_loop3A_230] {strides = array<i32>} : memref<16x512xf32, #tpu.memory_space<vmem>>, vector<16xf32>,
      tpu.vector_store %arg11[%parallel_loop3A_229, %parallel_loop3A_230], %parallel_loop3A_228 {strides = array<i32>} : memref<16x512xf32, #tpu.memory_space<vmem>>, vector<16xf32>,
      %parallel_loop3A_232 = arith.constant 208 : i32
      %parallel_loop3A_233 = vector.broadcast %parallel_loop3A_232 : i32 to vector<16xi32>
      %parallel_loop3A_234 = arith.addi %parallel_loop3A_43, %parallel_loop3A_233 : vector<16xi32>
      %parallel_loop3A_235 = tpu.vector_load_idx %arg6[%parallel_loop3A_234] : memref<8192xf32, #tpu.memory_space<vmem>>[vector<16xi32>], vector<16xf32>,
      %parallel_loop3A_236 = arith.constant 208 : i32
      %parallel_loop3A_237 = vector.broadcast %parallel_loop3A_236 : i32 to vector<16xi32>
      %parallel_loop3A_238 = arith.addi %parallel_loop3A_45, %parallel_loop3A_237 : vector<16xi32>
      %parallel_loop3A_239 = tpu.vector_load_idx %arg6[%parallel_loop3A_238] : memref<8192xf32, #tpu.memory_space<vmem>>[vector<16xi32>], vector<16xf32>,
      %parallel_loop3A_240 = arith.mulf %parallel_loop3A_49, %parallel_loop3A_235 : vector<16xf32>
      %parallel_loop3A_241 = arith.mulf %parallel_loop3A_46, %parallel_loop3A_239 : vector<16xf32>
      %parallel_loop3A_242 = arith.addf %parallel_loop3A_240, %parallel_loop3A_241 : vector<16xf32>
      %parallel_loop3A_243 = arith.index_cast %parallel_loop3A_38 : i32 to index
      %parallel_loop3A_244 = arith.constant 208 : index
      %parallel_loop3A_245 = tpu.vector_load %arg11[%parallel_loop3A_243, %parallel_loop3A_244] {strides = array<i32>} : memref<16x512xf32, #tpu.memory_space<vmem>>, vector<16xf32>,
      tpu.vector_store %arg11[%parallel_loop3A_243, %parallel_loop3A_244], %parallel_loop3A_242 {strides = array<i32>} : memref<16x512xf32, #tpu.memory_space<vmem>>, vector<16xf32>,
      %parallel_loop3A_246 = arith.constant 224 : i32
      %parallel_loop3A_247 = vector.broadcast %parallel_loop3A_246 : i32 to vector<16xi32>
      %parallel_loop3A_248 = arith.addi %parallel_loop3A_43, %parallel_loop3A_247 : vector<16xi32>
      %parallel_loop3A_249 = tpu.vector_load_idx %arg6[%parallel_loop3A_248] : memref<8192xf32, #tpu.memory_space<vmem>>[vector<16xi32>], vector<16xf32>,
      %parallel_loop3A_250 = arith.constant 224 : i32
      %parallel_loop3A_251 = vector.broadcast %parallel_loop3A_250 : i32 to vector<16xi32>
      %parallel_loop3A_252 = arith.addi %parallel_loop3A_45, %parallel_loop3A_251 : vector<16xi32>
      %parallel_loop3A_253 = tpu.vector_load_idx %arg6[%parallel_loop3A_252] : memref<8192xf32, #tpu.memory_space<vmem>>[vector<16xi32>], vector<16xf32>,
      %parallel_loop3A_254 = arith.mulf %parallel_loop3A_49, %parallel_loop3A_249 : vector<16xf32>
      %parallel_loop3A_255 = arith.mulf %parallel_loop3A_46, %parallel_loop3A_253 : vector<16xf32>
      %parallel_loop3A_256 = arith.addf %parallel_loop3A_254, %parallel_loop3A_255 : vector<16xf32>
      %parallel_loop3A_257 = arith.index_cast %parallel_loop3A_38 : i32 to index
      %parallel_loop3A_258 = arith.constant 224 : index
      %parallel_loop3A_259 = tpu.vector_load %arg11[%parallel_loop3A_257, %parallel_loop3A_258] {strides = array<i32>} : memref<16x512xf32, #tpu.memory_space<vmem>>, vector<16xf32>,
      tpu.vector_store %arg11[%parallel_loop3A_257, %parallel_loop3A_258], %parallel_loop3A_256 {strides = array<i32>} : memref<16x512xf32, #tpu.memory_space<vmem>>, vector<16xf32>,
      %parallel_loop3A_260 = arith.constant 240 : i32
      %parallel_loop3A_261 = vector.broadcast %parallel_loop3A_260 : i32 to vector<16xi32>
      %parallel_loop3A_262 = arith.addi %parallel_loop3A_43, %parallel_loop3A_261 : vector<16xi32>
      %parallel_loop3A_263 = tpu.vector_load_idx %arg6[%parallel_loop3A_262] : memref<8192xf32, #tpu.memory_space<vmem>>[vector<16xi32>], vector<16xf32>,
      %parallel_loop3A_264 = arith.constant 240 : i32
      %parallel_loop3A_265 = vector.broadcast %parallel_loop3A_264 : i32 to vector<16xi32>
      %parallel_loop3A_266 = arith.addi %parallel_loop3A_45, %parallel_loop3A_265 : vector<16xi32>
      %parallel_loop3A_267 = tpu.vector_load_idx %arg6[%parallel_loop3A_266] : memref<8192xf32, #tpu.memory_space<vmem>>[vector<16xi32>], vector<16xf32>,
      %parallel_loop3A_268 = arith.mulf %parallel_loop3A_49, %parallel_loop3A_263 : vector<16xf32>
      %parallel_loop3A_269 = arith.mulf %parallel_loop3A_46, %parallel_loop3A_267 : vector<16xf32>
      %parallel_loop3A_270 = arith.addf %parallel_loop3A_268, %parallel_loop3A_269 : vector<16xf32>
      %parallel_loop3A_271 = arith.index_cast %parallel_loop3A_38 : i32 to index
      %parallel_loop3A_272 = arith.constant 240 : index
      %parallel_loop3A_273 = tpu.vector_load %arg11[%parallel_loop3A_271, %parallel_loop3A_272] {strides = array<i32>} : memref<16x512xf32, #tpu.memory_space<vmem>>, vector<16xf32>,
      tpu.vector_store %arg11[%parallel_loop3A_271, %parallel_loop3A_272], %parallel_loop3A_270 {strides = array<i32>} : memref<16x512xf32, #tpu.memory_space<vmem>>, vector<16xf32>,
      %parallel_loop3A_274 = arith.constant 256 : i32
      %parallel_loop3A_275 = vector.broadcast %parallel_loop3A_274 : i32 to vector<16xi32>
      %parallel_loop3A_276 = arith.addi %parallel_loop3A_43, %parallel_loop3A_275 : vector<16xi32>
      %parallel_loop3A_277 = tpu.vector_load_idx %arg6[%parallel_loop3A_276] : memref<8192xf32, #tpu.memory_space<vmem>>[vector<16xi32>], vector<16xf32>,
      %parallel_loop3A_278 = arith.constant 256 : i32
      %parallel_loop3A_279 = vector.broadcast %parallel_loop3A_278 : i32 to vector<16xi32>
      %parallel_loop3A_280 = arith.addi %parallel_loop3A_45, %parallel_loop3A_279 : vector<16xi32>
      %parallel_loop3A_281 = tpu.vector_load_idx %arg6[%parallel_loop3A_280] : memref<8192xf32, #tpu.memory_space<vmem>>[vector<16xi32>], vector<16xf32>,
      %parallel_loop3A_282 = arith.mulf %parallel_loop3A_49, %parallel_loop3A_277 : vector<16xf32>
      %parallel_loop3A_283 = arith.mulf %parallel_loop3A_46, %parallel_loop3A_281 : vector<16xf32>
      %parallel_loop3A_284 = arith.addf %parallel_loop3A_282, %parallel_loop3A_283 : vector<16xf32>
      %parallel_loop3A_285 = arith.index_cast %parallel_loop3A_38 : i32 to index
      %parallel_loop3A_286 = arith.constant 256 : index
      %parallel_loop3A_287 = tpu.vector_load %arg11[%parallel_loop3A_285, %parallel_loop3A_286] {strides = array<i32>} : memref<16x512xf32, #tpu.memory_space<vmem>>, vector<16xf32>,
      tpu.vector_store %arg11[%parallel_loop3A_285, %parallel_loop3A_286], %parallel_loop3A_284 {strides = array<i32>} : memref<16x512xf32, #tpu.memory_space<vmem>>, vector<16xf32>,
      %parallel_loop3A_288 = arith.constant 272 : i32
      %parallel_loop3A_289 = vector.broadcast %parallel_loop3A_288 : i32 to vector<16xi32>
      %parallel_loop3A_290 = arith.addi %parallel_loop3A_43, %parallel_loop3A_289 : vector<16xi32>
      %parallel_loop3A_291 = tpu.vector_load_idx %arg6[%parallel_loop3A_290] : memref<8192xf32, #tpu.memory_space<vmem>>[vector<16xi32>], vector<16xf32>,
      %parallel_loop3A_292 = arith.constant 272 : i32
      %parallel_loop3A_293 = vector.broadcast %parallel_loop3A_292 : i32 to vector<16xi32>
      %parallel_loop3A_294 = arith.addi %parallel_loop3A_45, %parallel_loop3A_293 : vector<16xi32>
      %parallel_loop3A_295 = tpu.vector_load_idx %arg6[%parallel_loop3A_294] : memref<8192xf32, #tpu.memory_space<vmem>>[vector<16xi32>], vector<16xf32>,
      %parallel_loop3A_296 = arith.mulf %parallel_loop3A_49, %parallel_loop3A_291 : vector<16xf32>
      %parallel_loop3A_297 = arith.mulf %parallel_loop3A_46, %parallel_loop3A_295 : vector<16xf32>
      %parallel_loop3A_298 = arith.addf %parallel_loop3A_296, %parallel_loop3A_297 : vector<16xf32>
      %parallel_loop3A_299 = arith.index_cast %parallel_loop3A_38 : i32 to index
      %parallel_loop3A_300 = arith.constant 272 : index
      %parallel_loop3A_301 = tpu.vector_load %arg11[%parallel_loop3A_299, %parallel_loop3A_300] {strides = array<i32>} : memref<16x512xf32, #tpu.memory_space<vmem>>, vector<16xf32>,
      tpu.vector_store %arg11[%parallel_loop3A_299, %parallel_loop3A_300], %parallel_loop3A_298 {strides = array<i32>} : memref<16x512xf32, #tpu.memory_space<vmem>>, vector<16xf32>,
      %parallel_loop3A_302 = arith.constant 288 : i32
      %parallel_loop3A_303 = vector.broadcast %parallel_loop3A_302 : i32 to vector<16xi32>
      %parallel_loop3A_304 = arith.addi %parallel_loop3A_43, %parallel_loop3A_303 : vector<16xi32>
      %parallel_loop3A_305 = tpu.vector_load_idx %arg6[%parallel_loop3A_304] : memref<8192xf32, #tpu.memory_space<vmem>>[vector<16xi32>], vector<16xf32>,
      %parallel_loop3A_306 = arith.constant 288 : i32
      %parallel_loop3A_307 = vector.broadcast %parallel_loop3A_306 : i32 to vector<16xi32>
      %parallel_loop3A_308 = arith.addi %parallel_loop3A_45, %parallel_loop3A_307 : vector<16xi32>
      %parallel_loop3A_309 = tpu.vector_load_idx %arg6[%parallel_loop3A_308] : memref<8192xf32, #tpu.memory_space<vmem>>[vector<16xi32>], vector<16xf32>,
      %parallel_loop3A_310 = arith.mulf %parallel_loop3A_49, %parallel_loop3A_305 : vector<16xf32>
      %parallel_loop3A_311 = arith.mulf %parallel_loop3A_46, %parallel_loop3A_309 : vector<16xf32>
      %parallel_loop3A_312 = arith.addf %parallel_loop3A_310, %parallel_loop3A_311 : vector<16xf32>
      %parallel_loop3A_313 = arith.index_cast %parallel_loop3A_38 : i32 to index
      %parallel_loop3A_314 = arith.constant 288 : index
      %parallel_loop3A_315 = tpu.vector_load %arg11[%parallel_loop3A_313, %parallel_loop3A_314] {strides = array<i32>} : memref<16x512xf32, #tpu.memory_space<vmem>>, vector<16xf32>,
      tpu.vector_store %arg11[%parallel_loop3A_313, %parallel_loop3A_314], %parallel_loop3A_312 {strides = array<i32>} : memref<16x512xf32, #tpu.memory_space<vmem>>, vector<16xf32>,
      %parallel_loop3A_316 = arith.constant 304 : i32
      %parallel_loop3A_317 = vector.broadcast %parallel_loop3A_316 : i32 to vector<16xi32>
      %parallel_loop3A_318 = arith.addi %parallel_loop3A_43, %parallel_loop3A_317 : vector<16xi32>
      %parallel_loop3A_319 = tpu.vector_load_idx %arg6[%parallel_loop3A_318] : memref<8192xf32, #tpu.memory_space<vmem>>[vector<16xi32>], vector<16xf32>,
      %parallel_loop3A_320 = arith.constant 304 : i32
      %parallel_loop3A_321 = vector.broadcast %parallel_loop3A_320 : i32 to vector<16xi32>
      %parallel_loop3A_322 = arith.addi %parallel_loop3A_45, %parallel_loop3A_321 : vector<16xi32>
      %parallel_loop3A_323 = tpu.vector_load_idx %arg6[%parallel_loop3A_322] : memref<8192xf32, #tpu.memory_space<vmem>>[vector<16xi32>], vector<16xf32>,
      %parallel_loop3A_324 = arith.mulf %parallel_loop3A_49, %parallel_loop3A_319 : vector<16xf32>
      %parallel_loop3A_325 = arith.mulf %parallel_loop3A_46, %parallel_loop3A_323 : vector<16xf32>
      %parallel_loop3A_326 = arith.addf %parallel_loop3A_324, %parallel_loop3A_325 : vector<16xf32>
      %parallel_loop3A_327 = arith.index_cast %parallel_loop3A_38 : i32 to index
      %parallel_loop3A_328 = arith.constant 304 : index
      %parallel_loop3A_329 = tpu.vector_load %arg11[%parallel_loop3A_327, %parallel_loop3A_328] {strides = array<i32>} : memref<16x512xf32, #tpu.memory_space<vmem>>, vector<16xf32>,
      tpu.vector_store %arg11[%parallel_loop3A_327, %parallel_loop3A_328], %parallel_loop3A_326 {strides = array<i32>} : memref<16x512xf32, #tpu.memory_space<vmem>>, vector<16xf32>,
      %parallel_loop3A_330 = arith.constant 320 : i32
      %parallel_loop3A_331 = vector.broadcast %parallel_loop3A_330 : i32 to vector<16xi32>
      %parallel_loop3A_332 = arith.addi %parallel_loop3A_43, %parallel_loop3A_331 : vector<16xi32>
      %parallel_loop3A_333 = tpu.vector_load_idx %arg6[%parallel_loop3A_332] : memref<8192xf32, #tpu.memory_space<vmem>>[vector<16xi32>], vector<16xf32>,
      %parallel_loop3A_334 = arith.constant 320 : i32
      %parallel_loop3A_335 = vector.broadcast %parallel_loop3A_334 : i32 to vector<16xi32>
      %parallel_loop3A_336 = arith.addi %parallel_loop3A_45, %parallel_loop3A_335 : vector<16xi32>
      %parallel_loop3A_337 = tpu.vector_load_idx %arg6[%parallel_loop3A_336] : memref<8192xf32, #tpu.memory_space<vmem>>[vector<16xi32>], vector<16xf32>,
      %parallel_loop3A_338 = arith.mulf %parallel_loop3A_49, %parallel_loop3A_333 : vector<16xf32>
      %parallel_loop3A_339 = arith.mulf %parallel_loop3A_46, %parallel_loop3A_337 : vector<16xf32>
      %parallel_loop3A_340 = arith.addf %parallel_loop3A_338, %parallel_loop3A_339 : vector<16xf32>
      %parallel_loop3A_341 = arith.index_cast %parallel_loop3A_38 : i32 to index
      %parallel_loop3A_342 = arith.constant 320 : index
      %parallel_loop3A_343 = tpu.vector_load %arg11[%parallel_loop3A_341, %parallel_loop3A_342] {strides = array<i32>} : memref<16x512xf32, #tpu.memory_space<vmem>>, vector<16xf32>,
      tpu.vector_store %arg11[%parallel_loop3A_341, %parallel_loop3A_342], %parallel_loop3A_340 {strides = array<i32>} : memref<16x512xf32, #tpu.memory_space<vmem>>, vector<16xf32>,
      %parallel_loop3A_344 = arith.constant 336 : i32
      %parallel_loop3A_345 = vector.broadcast %parallel_loop3A_344 : i32 to vector<16xi32>
      %parallel_loop3A_346 = arith.addi %parallel_loop3A_43, %parallel_loop3A_345 : vector<16xi32>
      %parallel_loop3A_347 = tpu.vector_load_idx %arg6[%parallel_loop3A_346] : memref<8192xf32, #tpu.memory_space<vmem>>[vector<16xi32>], vector<16xf32>,
      %parallel_loop3A_348 = arith.constant 336 : i32
      %parallel_loop3A_349 = vector.broadcast %parallel_loop3A_348 : i32 to vector<16xi32>
      %parallel_loop3A_350 = arith.addi %parallel_loop3A_45, %parallel_loop3A_349 : vector<16xi32>
      %parallel_loop3A_351 = tpu.vector_load_idx %arg6[%parallel_loop3A_350] : memref<8192xf32, #tpu.memory_space<vmem>>[vector<16xi32>], vector<16xf32>,
      %parallel_loop3A_352 = arith.mulf %parallel_loop3A_49, %parallel_loop3A_347 : vector<16xf32>
      %parallel_loop3A_353 = arith.mulf %parallel_loop3A_46, %parallel_loop3A_351 : vector<16xf32>
      %parallel_loop3A_354 = arith.addf %parallel_loop3A_352, %parallel_loop3A_353 : vector<16xf32>
      %parallel_loop3A_355 = arith.index_cast %parallel_loop3A_38 : i32 to index
      %parallel_loop3A_356 = arith.constant 336 : index
      %parallel_loop3A_357 = tpu.vector_load %arg11[%parallel_loop3A_355, %parallel_loop3A_356] {strides = array<i32>} : memref<16x512xf32, #tpu.memory_space<vmem>>, vector<16xf32>,
      tpu.vector_store %arg11[%parallel_loop3A_355, %parallel_loop3A_356], %parallel_loop3A_354 {strides = array<i32>} : memref<16x512xf32, #tpu.memory_space<vmem>>, vector<16xf32>,
      %parallel_loop3A_358 = arith.constant 352 : i32
      %parallel_loop3A_359 = vector.broadcast %parallel_loop3A_358 : i32 to vector<16xi32>
      %parallel_loop3A_360 = arith.addi %parallel_loop3A_43, %parallel_loop3A_359 : vector<16xi32>
      %parallel_loop3A_361 = tpu.vector_load_idx %arg6[%parallel_loop3A_360] : memref<8192xf32, #tpu.memory_space<vmem>>[vector<16xi32>], vector<16xf32>,
      %parallel_loop3A_362 = arith.constant 352 : i32
      %parallel_loop3A_363 = vector.broadcast %parallel_loop3A_362 : i32 to vector<16xi32>
      %parallel_loop3A_364 = arith.addi %parallel_loop3A_45, %parallel_loop3A_363 : vector<16xi32>
      %parallel_loop3A_365 = tpu.vector_load_idx %arg6[%parallel_loop3A_364] : memref<8192xf32, #tpu.memory_space<vmem>>[vector<16xi32>], vector<16xf32>,
      %parallel_loop3A_366 = arith.mulf %parallel_loop3A_49, %parallel_loop3A_361 : vector<16xf32>
      %parallel_loop3A_367 = arith.mulf %parallel_loop3A_46, %parallel_loop3A_365 : vector<16xf32>
      %parallel_loop3A_368 = arith.addf %parallel_loop3A_366, %parallel_loop3A_367 : vector<16xf32>
      %parallel_loop3A_369 = arith.index_cast %parallel_loop3A_38 : i32 to index
      %parallel_loop3A_370 = arith.constant 352 : index
      %parallel_loop3A_371 = tpu.vector_load %arg11[%parallel_loop3A_369, %parallel_loop3A_370] {strides = array<i32>} : memref<16x512xf32, #tpu.memory_space<vmem>>, vector<16xf32>,
      tpu.vector_store %arg11[%parallel_loop3A_369, %parallel_loop3A_370], %parallel_loop3A_368 {strides = array<i32>} : memref<16x512xf32, #tpu.memory_space<vmem>>, vector<16xf32>,
      %parallel_loop3A_372 = arith.constant 368 : i32
      %parallel_loop3A_373 = vector.broadcast %parallel_loop3A_372 : i32 to vector<16xi32>
      %parallel_loop3A_374 = arith.addi %parallel_loop3A_43, %parallel_loop3A_373 : vector<16xi32>
      %parallel_loop3A_375 = tpu.vector_load_idx %arg6[%parallel_loop3A_374] : memref<8192xf32, #tpu.memory_space<vmem>>[vector<16xi32>], vector<16xf32>,
      %parallel_loop3A_376 = arith.constant 368 : i32
      %parallel_loop3A_377 = vector.broadcast %parallel_loop3A_376 : i32 to vector<16xi32>
      %parallel_loop3A_378 = arith.addi %parallel_loop3A_45, %parallel_loop3A_377 : vector<16xi32>
      %parallel_loop3A_379 = tpu.vector_load_idx %arg6[%parallel_loop3A_378] : memref<8192xf32, #tpu.memory_space<vmem>>[vector<16xi32>], vector<16xf32>,
      %parallel_loop3A_380 = arith.mulf %parallel_loop3A_49, %parallel_loop3A_375 : vector<16xf32>
      %parallel_loop3A_381 = arith.mulf %parallel_loop3A_46, %parallel_loop3A_379 : vector<16xf32>
      %parallel_loop3A_382 = arith.addf %parallel_loop3A_380, %parallel_loop3A_381 : vector<16xf32>
      %parallel_loop3A_383 = arith.index_cast %parallel_loop3A_38 : i32 to index
      %parallel_loop3A_384 = arith.constant 368 : index
      %parallel_loop3A_385 = tpu.vector_load %arg11[%parallel_loop3A_383, %parallel_loop3A_384] {strides = array<i32>} : memref<16x512xf32, #tpu.memory_space<vmem>>, vector<16xf32>,
      tpu.vector_store %arg11[%parallel_loop3A_383, %parallel_loop3A_384], %parallel_loop3A_382 {strides = array<i32>} : memref<16x512xf32, #tpu.memory_space<vmem>>, vector<16xf32>,
      %parallel_loop3A_386 = arith.constant 384 : i32
      %parallel_loop3A_387 = vector.broadcast %parallel_loop3A_386 : i32 to vector<16xi32>
      %parallel_loop3A_388 = arith.addi %parallel_loop3A_43, %parallel_loop3A_387 : vector<16xi32>
      %parallel_loop3A_389 = tpu.vector_load_idx %arg6[%parallel_loop3A_388] : memref<8192xf32, #tpu.memory_space<vmem>>[vector<16xi32>], vector<16xf32>,
      %parallel_loop3A_390 = arith.constant 384 : i32
      %parallel_loop3A_391 = vector.broadcast %parallel_loop3A_390 : i32 to vector<16xi32>
      %parallel_loop3A_392 = arith.addi %parallel_loop3A_45, %parallel_loop3A_391 : vector<16xi32>
      %parallel_loop3A_393 = tpu.vector_load_idx %arg6[%parallel_loop3A_392] : memref<8192xf32, #tpu.memory_space<vmem>>[vector<16xi32>], vector<16xf32>,
      %parallel_loop3A_394 = arith.mulf %parallel_loop3A_49, %parallel_loop3A_389 : vector<16xf32>
      %parallel_loop3A_395 = arith.mulf %parallel_loop3A_46, %parallel_loop3A_393 : vector<16xf32>
      %parallel_loop3A_396 = arith.addf %parallel_loop3A_394, %parallel_loop3A_395 : vector<16xf32>
      %parallel_loop3A_397 = arith.index_cast %parallel_loop3A_38 : i32 to index
      %parallel_loop3A_398 = arith.constant 384 : index
      %parallel_loop3A_399 = tpu.vector_load %arg11[%parallel_loop3A_397, %parallel_loop3A_398] {strides = array<i32>} : memref<16x512xf32, #tpu.memory_space<vmem>>, vector<16xf32>,
      tpu.vector_store %arg11[%parallel_loop3A_397, %parallel_loop3A_398], %parallel_loop3A_396 {strides = array<i32>} : memref<16x512xf32, #tpu.memory_space<vmem>>, vector<16xf32>,
      %parallel_loop3A_400 = arith.constant 400 : i32
      %parallel_loop3A_401 = vector.broadcast %parallel_loop3A_400 : i32 to vector<16xi32>
      %parallel_loop3A_402 = arith.addi %parallel_loop3A_43, %parallel_loop3A_401 : vector<16xi32>
      %parallel_loop3A_403 = tpu.vector_load_idx %arg6[%parallel_loop3A_402] : memref<8192xf32, #tpu.memory_space<vmem>>[vector<16xi32>], vector<16xf32>,
      %parallel_loop3A_404 = arith.constant 400 : i32
      %parallel_loop3A_405 = vector.broadcast %parallel_loop3A_404 : i32 to vector<16xi32>
      %parallel_loop3A_406 = arith.addi %parallel_loop3A_45, %parallel_loop3A_405 : vector<16xi32>
      %parallel_loop3A_407 = tpu.vector_load_idx %arg6[%parallel_loop3A_406] : memref<8192xf32, #tpu.memory_space<vmem>>[vector<16xi32>], vector<16xf32>,
      %parallel_loop3A_408 = arith.mulf %parallel_loop3A_49, %parallel_loop3A_403 : vector<16xf32>
      %parallel_loop3A_409 = arith.mulf %parallel_loop3A_46, %parallel_loop3A_407 : vector<16xf32>
      %parallel_loop3A_410 = arith.addf %parallel_loop3A_408, %parallel_loop3A_409 : vector<16xf32>
      %parallel_loop3A_411 = arith.index_cast %parallel_loop3A_38 : i32 to index
      %parallel_loop3A_412 = arith.constant 400 : index
      %parallel_loop3A_413 = tpu.vector_load %arg11[%parallel_loop3A_411, %parallel_loop3A_412] {strides = array<i32>} : memref<16x512xf32, #tpu.memory_space<vmem>>, vector<16xf32>,
      tpu.vector_store %arg11[%parallel_loop3A_411, %parallel_loop3A_412], %parallel_loop3A_410 {strides = array<i32>} : memref<16x512xf32, #tpu.memory_space<vmem>>, vector<16xf32>,
      %parallel_loop3A_414 = arith.constant 416 : i32
      %parallel_loop3A_415 = vector.broadcast %parallel_loop3A_414 : i32 to vector<16xi32>
      %parallel_loop3A_416 = arith.addi %parallel_loop3A_43, %parallel_loop3A_415 : vector<16xi32>
      %parallel_loop3A_417 = tpu.vector_load_idx %arg6[%parallel_loop3A_416] : memref<8192xf32, #tpu.memory_space<vmem>>[vector<16xi32>], vector<16xf32>,
      %parallel_loop3A_418 = arith.constant 416 : i32
      %parallel_loop3A_419 = vector.broadcast %parallel_loop3A_418 : i32 to vector<16xi32>
      %parallel_loop3A_420 = arith.addi %parallel_loop3A_45, %parallel_loop3A_419 : vector<16xi32>
      %parallel_loop3A_421 = tpu.vector_load_idx %arg6[%parallel_loop3A_420] : memref<8192xf32, #tpu.memory_space<vmem>>[vector<16xi32>], vector<16xf32>,
      %parallel_loop3A_422 = arith.mulf %parallel_loop3A_49, %parallel_loop3A_417 : vector<16xf32>
      %parallel_loop3A_423 = arith.mulf %parallel_loop3A_46, %parallel_loop3A_421 : vector<16xf32>
      %parallel_loop3A_424 = arith.addf %parallel_loop3A_422, %parallel_loop3A_423 : vector<16xf32>
      %parallel_loop3A_425 = arith.index_cast %parallel_loop3A_38 : i32 to index
      %parallel_loop3A_426 = arith.constant 416 : index
      %parallel_loop3A_427 = tpu.vector_load %arg11[%parallel_loop3A_425, %parallel_loop3A_426] {strides = array<i32>} : memref<16x512xf32, #tpu.memory_space<vmem>>, vector<16xf32>,
      tpu.vector_store %arg11[%parallel_loop3A_425, %parallel_loop3A_426], %parallel_loop3A_424 {strides = array<i32>} : memref<16x512xf32, #tpu.memory_space<vmem>>, vector<16xf32>,
      %parallel_loop3A_428 = arith.constant 432 : i32
      %parallel_loop3A_429 = vector.broadcast %parallel_loop3A_428 : i32 to vector<16xi32>
      %parallel_loop3A_430 = arith.addi %parallel_loop3A_43, %parallel_loop3A_429 : vector<16xi32>
      %parallel_loop3A_431 = tpu.vector_load_idx %arg6[%parallel_loop3A_430] : memref<8192xf32, #tpu.memory_space<vmem>>[vector<16xi32>], vector<16xf32>,
      %parallel_loop3A_432 = arith.constant 432 : i32
      %parallel_loop3A_433 = vector.broadcast %parallel_loop3A_432 : i32 to vector<16xi32>
      %parallel_loop3A_434 = arith.addi %parallel_loop3A_45, %parallel_loop3A_433 : vector<16xi32>
      %parallel_loop3A_435 = tpu.vector_load_idx %arg6[%parallel_loop3A_434] : memref<8192xf32, #tpu.memory_space<vmem>>[vector<16xi32>], vector<16xf32>,
      %parallel_loop3A_436 = arith.mulf %parallel_loop3A_49, %parallel_loop3A_431 : vector<16xf32>
      %parallel_loop3A_437 = arith.mulf %parallel_loop3A_46, %parallel_loop3A_435 : vector<16xf32>
      %parallel_loop3A_438 = arith.addf %parallel_loop3A_436, %parallel_loop3A_437 : vector<16xf32>
      %parallel_loop3A_439 = arith.index_cast %parallel_loop3A_38 : i32 to index
      %parallel_loop3A_440 = arith.constant 432 : index
      %parallel_loop3A_441 = tpu.vector_load %arg11[%parallel_loop3A_439, %parallel_loop3A_440] {strides = array<i32>} : memref<16x512xf32, #tpu.memory_space<vmem>>, vector<16xf32>,
      tpu.vector_store %arg11[%parallel_loop3A_439, %parallel_loop3A_440], %parallel_loop3A_438 {strides = array<i32>} : memref<16x512xf32, #tpu.memory_space<vmem>>, vector<16xf32>,
      %parallel_loop3A_442 = arith.constant 448 : i32
      %parallel_loop3A_443 = vector.broadcast %parallel_loop3A_442 : i32 to vector<16xi32>
      %parallel_loop3A_444 = arith.addi %parallel_loop3A_43, %parallel_loop3A_443 : vector<16xi32>
      %parallel_loop3A_445 = tpu.vector_load_idx %arg6[%parallel_loop3A_444] : memref<8192xf32, #tpu.memory_space<vmem>>[vector<16xi32>], vector<16xf32>,
      %parallel_loop3A_446 = arith.constant 448 : i32
      %parallel_loop3A_447 = vector.broadcast %parallel_loop3A_446 : i32 to vector<16xi32>
      %parallel_loop3A_448 = arith.addi %parallel_loop3A_45, %parallel_loop3A_447 : vector<16xi32>
      %parallel_loop3A_449 = tpu.vector_load_idx %arg6[%parallel_loop3A_448] : memref<8192xf32, #tpu.memory_space<vmem>>[vector<16xi32>], vector<16xf32>,
      %parallel_loop3A_450 = arith.mulf %parallel_loop3A_49, %parallel_loop3A_445 : vector<16xf32>
      %parallel_loop3A_451 = arith.mulf %parallel_loop3A_46, %parallel_loop3A_449 : vector<16xf32>
      %parallel_loop3A_452 = arith.addf %parallel_loop3A_450, %parallel_loop3A_451 : vector<16xf32>
      %parallel_loop3A_453 = arith.index_cast %parallel_loop3A_38 : i32 to index
      %parallel_loop3A_454 = arith.constant 448 : index
      %parallel_loop3A_455 = tpu.vector_load %arg11[%parallel_loop3A_453, %parallel_loop3A_454] {strides = array<i32>} : memref<16x512xf32, #tpu.memory_space<vmem>>, vector<16xf32>,
      tpu.vector_store %arg11[%parallel_loop3A_453, %parallel_loop3A_454], %parallel_loop3A_452 {strides = array<i32>} : memref<16x512xf32, #tpu.memory_space<vmem>>, vector<16xf32>,
      %parallel_loop3A_456 = arith.constant 464 : i32
      %parallel_loop3A_457 = vector.broadcast %parallel_loop3A_456 : i32 to vector<16xi32>
      %parallel_loop3A_458 = arith.addi %parallel_loop3A_43, %parallel_loop3A_457 : vector<16xi32>
      %parallel_loop3A_459 = tpu.vector_load_idx %arg6[%parallel_loop3A_458] : memref<8192xf32, #tpu.memory_space<vmem>>[vector<16xi32>], vector<16xf32>,
      %parallel_loop3A_460 = arith.constant 464 : i32
      %parallel_loop3A_461 = vector.broadcast %parallel_loop3A_460 : i32 to vector<16xi32>
      %parallel_loop3A_462 = arith.addi %parallel_loop3A_45, %parallel_loop3A_461 : vector<16xi32>
      %parallel_loop3A_463 = tpu.vector_load_idx %arg6[%parallel_loop3A_462] : memref<8192xf32, #tpu.memory_space<vmem>>[vector<16xi32>], vector<16xf32>,
      %parallel_loop3A_464 = arith.mulf %parallel_loop3A_49, %parallel_loop3A_459 : vector<16xf32>
      %parallel_loop3A_465 = arith.mulf %parallel_loop3A_46, %parallel_loop3A_463 : vector<16xf32>
      %parallel_loop3A_466 = arith.addf %parallel_loop3A_464, %parallel_loop3A_465 : vector<16xf32>
      %parallel_loop3A_467 = arith.index_cast %parallel_loop3A_38 : i32 to index
      %parallel_loop3A_468 = arith.constant 464 : index
      %parallel_loop3A_469 = tpu.vector_load %arg11[%parallel_loop3A_467, %parallel_loop3A_468] {strides = array<i32>} : memref<16x512xf32, #tpu.memory_space<vmem>>, vector<16xf32>,
      tpu.vector_store %arg11[%parallel_loop3A_467, %parallel_loop3A_468], %parallel_loop3A_466 {strides = array<i32>} : memref<16x512xf32, #tpu.memory_space<vmem>>, vector<16xf32>,
      %parallel_loop3A_470 = arith.constant 480 : i32
      %parallel_loop3A_471 = vector.broadcast %parallel_loop3A_470 : i32 to vector<16xi32>
      %parallel_loop3A_472 = arith.addi %parallel_loop3A_43, %parallel_loop3A_471 : vector<16xi32>
      %parallel_loop3A_473 = tpu.vector_load_idx %arg6[%parallel_loop3A_472] : memref<8192xf32, #tpu.memory_space<vmem>>[vector<16xi32>], vector<16xf32>,
      %parallel_loop3A_474 = arith.constant 480 : i32
      %parallel_loop3A_475 = vector.broadcast %parallel_loop3A_474 : i32 to vector<16xi32>
      %parallel_loop3A_476 = arith.addi %parallel_loop3A_45, %parallel_loop3A_475 : vector<16xi32>
      %parallel_loop3A_477 = tpu.vector_load_idx %arg6[%parallel_loop3A_476] : memref<8192xf32, #tpu.memory_space<vmem>>[vector<16xi32>], vector<16xf32>,
      %parallel_loop3A_478 = arith.mulf %parallel_loop3A_49, %parallel_loop3A_473 : vector<16xf32>
      %parallel_loop3A_479 = arith.mulf %parallel_loop3A_46, %parallel_loop3A_477 : vector<16xf32>
      %parallel_loop3A_480 = arith.addf %parallel_loop3A_478, %parallel_loop3A_479 : vector<16xf32>
      %parallel_loop3A_481 = arith.index_cast %parallel_loop3A_38 : i32 to index
      %parallel_loop3A_482 = arith.constant 480 : index
      %parallel_loop3A_483 = tpu.vector_load %arg11[%parallel_loop3A_481, %parallel_loop3A_482] {strides = array<i32>} : memref<16x512xf32, #tpu.memory_space<vmem>>, vector<16xf32>,
      tpu.vector_store %arg11[%parallel_loop3A_481, %parallel_loop3A_482], %parallel_loop3A_480 {strides = array<i32>} : memref<16x512xf32, #tpu.memory_space<vmem>>, vector<16xf32>,
      %parallel_loop3A_484 = arith.constant 496 : i32
      %parallel_loop3A_485 = vector.broadcast %parallel_loop3A_484 : i32 to vector<16xi32>
      %parallel_loop3A_486 = arith.addi %parallel_loop3A_43, %parallel_loop3A_485 : vector<16xi32>
      %parallel_loop3A_487 = tpu.vector_load_idx %arg6[%parallel_loop3A_486] : memref<8192xf32, #tpu.memory_space<vmem>>[vector<16xi32>], vector<16xf32>,
      %parallel_loop3A_488 = arith.constant 496 : i32
      %parallel_loop3A_489 = vector.broadcast %parallel_loop3A_488 : i32 to vector<16xi32>
      %parallel_loop3A_490 = arith.addi %parallel_loop3A_45, %parallel_loop3A_489 : vector<16xi32>
      %parallel_loop3A_491 = tpu.vector_load_idx %arg6[%parallel_loop3A_490] : memref<8192xf32, #tpu.memory_space<vmem>>[vector<16xi32>], vector<16xf32>,
      %parallel_loop3A_492 = arith.mulf %parallel_loop3A_49, %parallel_loop3A_487 : vector<16xf32>
      %parallel_loop3A_493 = arith.mulf %parallel_loop3A_46, %parallel_loop3A_491 : vector<16xf32>
      %parallel_loop3A_494 = arith.addf %parallel_loop3A_492, %parallel_loop3A_493 : vector<16xf32>
      %parallel_loop3A_495 = arith.index_cast %parallel_loop3A_38 : i32 to index
      %parallel_loop3A_496 = arith.constant 496 : index
      %parallel_loop3A_497 = tpu.vector_load %arg11[%parallel_loop3A_495, %parallel_loop3A_496] {strides = array<i32>} : memref<16x512xf32, #tpu.memory_space<vmem>>, vector<16xf32>,
      tpu.vector_store %arg11[%parallel_loop3A_495, %parallel_loop3A_496], %parallel_loop3A_494 {strides = array<i32>} : memref<16x512xf32, #tpu.memory_space<vmem>>, vector<16xf32>,
    } {sc.loop_unroll_factor = 4 : i64, sc.parallel_access}
    %add3A_16 = arith.constant 16 : i32
    %add3A_17 = arith.addi %mul3A_2, %add3A_16 : i32
    %dma_start3A_18 = arith.constant 0 : i32
    %dma_start3A_19 = tpu.memref_slice %arg4[%add3A_17, %dma_start3A_18] : memref<16384x512xf32, #tpu.memory_space<hbm>> -> memref<16x512xf32, #tpu.memory_space<hbm>>
    %dma_start3A_20 = arith.constant 0 : i32
    %dma_start3A_21 = tpu.memref_slice %arg4[%add3A_17, %dma_start3A_20] : memref<16384x512xf32, #tpu.memory_space<hbm>> -> memref<16x512xf32, #tpu.memory_space<hbm>>
    tpu.enqueue_dma source(%arg11 : memref<16x512xf32, #tpu.memory_space<vmem>>) target(%dma_start3A_21 : memref<16x512xf32, #tpu.memory_space<hbm>>) target_semaphore(%arg13 : memref<!tpu.dma_semaphore, #tpu.memory_space<semaphore_mem>>)
    %scan3A = arith.constant 0 : i32
    %scan3A_22 = arith.constant 1 : i32
    %scan3A_23 = arith.constant 15 : i32
    %scan3A_24 = arith.addi %scan3A_22, %scan3A_23 : i32
    %scan3A_25 = arith.constant 1 : i32
    scf.for %scan3A_38 = %scan3A_22 to %scan3A_24 step %scan3A_25  : i32 {
      %mul3A_39 = arith.constant 2 : i32
      %mul3A_40 = arith.muli %mul3A_39, %scan3A_38 : i32
      %mul3A_41 = arith.constant 16 : i32
      %mul3A_42 = arith.muli %mul3A_40, %mul3A_41 : i32
      %add3A_43 = arith.addi %mul3A_2, %mul3A_42 : i32
      %dma_wait3A_44 = arith.constant 0 : i32
      %dma_wait3A_45 = tpu.memref_slice %arg4[%add3A_43, %dma_wait3A_44] : memref<16384x512xf32, #tpu.memory_space<hbm>> -> memref<16x512xf32, #tpu.memory_space<hbm>>
      %dma_wait3A_46 = arith.constant 0 : i32
      %dma_wait3A_47 = tpu.memref_slice %arg4[%add3A_43, %dma_wait3A_46] : memref<16384x512xf32, #tpu.memory_space<hbm>> -> memref<16x512xf32, #tpu.memory_space<hbm>>
      tpu.wait_dma2 semaphore(%arg12 : memref<!tpu.dma_semaphore, #tpu.memory_space<semaphore_mem>>) src(%arg10 : memref<16x512xf32, #tpu.memory_space<vmem>>) dst(%dma_wait3A_47 : memref<16x512xf32, #tpu.memory_space<hbm>>)
      %mul3A_48 = arith.constant 16 : i32
      %mul3A_49 = arith.muli %mul3A_40, %mul3A_48 : i32
      %parallel_loop3A_50 = arith.constant 0 : i32
      %parallel_loop3A_51 = arith.constant 16 : i32
      %parallel_loop3A_52 = arith.constant 1 : i32
      scf.for %parallel_loop3A_83 = %parallel_loop3A_50 to %parallel_loop3A_51 step %parallel_loop3A_52  : i32 {
        %parallel_loop3A_84 = arith.addi %mul3A_49, %parallel_loop3A_83 : i32
        %parallel_loop3A_85 = vector.broadcast %parallel_loop3A_84 : i32 to vector<16xi32>
        %parallel_loop3A_86 = tpu.vector_load_idx %arg7[%parallel_loop3A_85] : memref<528xi32, #tpu.memory_space<vmem>>[vector<16xi32>], vector<16xi32>,
        %parallel_loop3A_87 = arith.addi %parallel_loop3A_86, %iota3A : vector<16xi32>
        %parallel_loop3A_88 = tpu.vector_load_idx %arg8[%parallel_loop3A_85] : memref<528xi32, #tpu.memory_space<vmem>>[vector<16xi32>], vector<16xi32>,
        %parallel_loop3A_89 = arith.addi %parallel_loop3A_88, %iota3A : vector<16xi32>
        %parallel_loop3A_90 = tpu.vector_load_idx %arg9[%parallel_loop3A_85] : memref<528xf32, #tpu.memory_space<vmem>>[vector<16xi32>], vector<16xf32>,
        %parallel_loop3A_91 = arith.constant 1.000000e+00 : f32
        %parallel_loop3A_92 = vector.broadcast %parallel_loop3A_91 : f32 to vector<16xf32>
        %parallel_loop3A_93 = arith.subf %parallel_loop3A_92, %parallel_loop3A_90 : vector<16xf32>
        %parallel_loop3A_94 = arith.constant 0 : i32
        %parallel_loop3A_95 = vector.broadcast %parallel_loop3A_94 : i32 to vector<16xi32>
        %parallel_loop3A_96 = arith.addi %parallel_loop3A_87, %parallel_loop3A_95 : vector<16xi32>
        %parallel_loop3A_97 = tpu.vector_load_idx %arg6[%parallel_loop3A_96] : memref<8192xf32, #tpu.memory_space<vmem>>[vector<16xi32>], vector<16xf32>,
        %parallel_loop3A_98 = arith.constant 0 : i32
        %parallel_loop3A_99 = vector.broadcast %parallel_loop3A_98 : i32 to vector<16xi32>
        %parallel_loop3A_100 = arith.addi %parallel_loop3A_89, %parallel_loop3A_99 : vector<16xi32>
        %parallel_loop3A_101 = tpu.vector_load_idx %arg6[%parallel_loop3A_100] : memref<8192xf32, #tpu.memory_space<vmem>>[vector<16xi32>], vector<16xf32>,
        %parallel_loop3A_102 = arith.mulf %parallel_loop3A_93, %parallel_loop3A_97 : vector<16xf32>
        %parallel_loop3A_103 = arith.mulf %parallel_loop3A_90, %parallel_loop3A_101 : vector<16xf32>
        %parallel_loop3A_104 = arith.addf %parallel_loop3A_102, %parallel_loop3A_103 : vector<16xf32>
        %parallel_loop3A_105 = arith.index_cast %parallel_loop3A_83 : i32 to index
        %parallel_loop3A_106 = arith.constant 0 : index
        %parallel_loop3A_107 = tpu.vector_load %arg10[%parallel_loop3A_105, %parallel_loop3A_106] {strides = array<i32>} : memref<16x512xf32, #tpu.memory_space<vmem>>, vector<16xf32>,
        tpu.vector_store %arg10[%parallel_loop3A_105, %parallel_loop3A_106], %parallel_loop3A_104 {strides = array<i32>} : memref<16x512xf32, #tpu.memory_space<vmem>>, vector<16xf32>,
        %parallel_loop3A_108 = arith.constant 16 : i32
        %parallel_loop3A_109 = vector.broadcast %parallel_loop3A_108 : i32 to vector<16xi32>
        %parallel_loop3A_110 = arith.addi %parallel_loop3A_87, %parallel_loop3A_109 : vector<16xi32>
        %parallel_loop3A_111 = tpu.vector_load_idx %arg6[%parallel_loop3A_110] : memref<8192xf32, #tpu.memory_space<vmem>>[vector<16xi32>], vector<16xf32>,
        %parallel_loop3A_112 = arith.constant 16 : i32
        %parallel_loop3A_113 = vector.broadcast %parallel_loop3A_112 : i32 to vector<16xi32>
        %parallel_loop3A_114 = arith.addi %parallel_loop3A_89, %parallel_loop3A_113 : vector<16xi32>
        %parallel_loop3A_115 = tpu.vector_load_idx %arg6[%parallel_loop3A_114] : memref<8192xf32, #tpu.memory_space<vmem>>[vector<16xi32>], vector<16xf32>,
        %parallel_loop3A_116 = arith.mulf %parallel_loop3A_93, %parallel_loop3A_111 : vector<16xf32>
        %parallel_loop3A_117 = arith.mulf %parallel_loop3A_90, %parallel_loop3A_115 : vector<16xf32>
        %parallel_loop3A_118 = arith.addf %parallel_loop3A_116, %parallel_loop3A_117 : vector<16xf32>
        %parallel_loop3A_119 = arith.index_cast %parallel_loop3A_83 : i32 to index
        %parallel_loop3A_120 = arith.constant 16 : index
        %parallel_loop3A_121 = tpu.vector_load %arg10[%parallel_loop3A_119, %parallel_loop3A_120] {strides = array<i32>} : memref<16x512xf32, #tpu.memory_space<vmem>>, vector<16xf32>,
        tpu.vector_store %arg10[%parallel_loop3A_119, %parallel_loop3A_120], %parallel_loop3A_118 {strides = array<i32>} : memref<16x512xf32, #tpu.memory_space<vmem>>, vector<16xf32>,
        %parallel_loop3A_122 = arith.constant 32 : i32
        %parallel_loop3A_123 = vector.broadcast %parallel_loop3A_122 : i32 to vector<16xi32>
        %parallel_loop3A_124 = arith.addi %parallel_loop3A_87, %parallel_loop3A_123 : vector<16xi32>
        %parallel_loop3A_125 = tpu.vector_load_idx %arg6[%parallel_loop3A_124] : memref<8192xf32, #tpu.memory_space<vmem>>[vector<16xi32>], vector<16xf32>,
        %parallel_loop3A_126 = arith.constant 32 : i32
        %parallel_loop3A_127 = vector.broadcast %parallel_loop3A_126 : i32 to vector<16xi32>
        %parallel_loop3A_128 = arith.addi %parallel_loop3A_89, %parallel_loop3A_127 : vector<16xi32>
        %parallel_loop3A_129 = tpu.vector_load_idx %arg6[%parallel_loop3A_128] : memref<8192xf32, #tpu.memory_space<vmem>>[vector<16xi32>], vector<16xf32>,
        %parallel_loop3A_130 = arith.mulf %parallel_loop3A_93, %parallel_loop3A_125 : vector<16xf32>
        %parallel_loop3A_131 = arith.mulf %parallel_loop3A_90, %parallel_loop3A_129 : vector<16xf32>
        %parallel_loop3A_132 = arith.addf %parallel_loop3A_130, %parallel_loop3A_131 : vector<16xf32>
        %parallel_loop3A_133 = arith.index_cast %parallel_loop3A_83 : i32 to index
        %parallel_loop3A_134 = arith.constant 32 : index
        %parallel_loop3A_135 = tpu.vector_load %arg10[%parallel_loop3A_133, %parallel_loop3A_134] {strides = array<i32>} : memref<16x512xf32, #tpu.memory_space<vmem>>, vector<16xf32>,
        tpu.vector_store %arg10[%parallel_loop3A_133, %parallel_loop3A_134], %parallel_loop3A_132 {strides = array<i32>} : memref<16x512xf32, #tpu.memory_space<vmem>>, vector<16xf32>,
        %parallel_loop3A_136 = arith.constant 48 : i32
        %parallel_loop3A_137 = vector.broadcast %parallel_loop3A_136 : i32 to vector<16xi32>
        %parallel_loop3A_138 = arith.addi %parallel_loop3A_87, %parallel_loop3A_137 : vector<16xi32>
        %parallel_loop3A_139 = tpu.vector_load_idx %arg6[%parallel_loop3A_138] : memref<8192xf32, #tpu.memory_space<vmem>>[vector<16xi32>], vector<16xf32>,
        %parallel_loop3A_140 = arith.constant 48 : i32
        %parallel_loop3A_141 = vector.broadcast %parallel_loop3A_140 : i32 to vector<16xi32>
        %parallel_loop3A_142 = arith.addi %parallel_loop3A_89, %parallel_loop3A_141 : vector<16xi32>
        %parallel_loop3A_143 = tpu.vector_load_idx %arg6[%parallel_loop3A_142] : memref<8192xf32, #tpu.memory_space<vmem>>[vector<16xi32>], vector<16xf32>,
        %parallel_loop3A_144 = arith.mulf %parallel_loop3A_93, %parallel_loop3A_139 : vector<16xf32>
        %parallel_loop3A_145 = arith.mulf %parallel_loop3A_90, %parallel_loop3A_143 : vector<16xf32>
        %parallel_loop3A_146 = arith.addf %parallel_loop3A_144, %parallel_loop3A_145 : vector<16xf32>
        %parallel_loop3A_147 = arith.index_cast %parallel_loop3A_83 : i32 to index
        %parallel_loop3A_148 = arith.constant 48 : index
        %parallel_loop3A_149 = tpu.vector_load %arg10[%parallel_loop3A_147, %parallel_loop3A_148] {strides = array<i32>} : memref<16x512xf32, #tpu.memory_space<vmem>>, vector<16xf32>,
        tpu.vector_store %arg10[%parallel_loop3A_147, %parallel_loop3A_148], %parallel_loop3A_146 {strides = array<i32>} : memref<16x512xf32, #tpu.memory_space<vmem>>, vector<16xf32>,
        %parallel_loop3A_150 = arith.constant 64 : i32
        %parallel_loop3A_151 = vector.broadcast %parallel_loop3A_150 : i32 to vector<16xi32>
        %parallel_loop3A_152 = arith.addi %parallel_loop3A_87, %parallel_loop3A_151 : vector<16xi32>
        %parallel_loop3A_153 = tpu.vector_load_idx %arg6[%parallel_loop3A_152] : memref<8192xf32, #tpu.memory_space<vmem>>[vector<16xi32>], vector<16xf32>,
        %parallel_loop3A_154 = arith.constant 64 : i32
        %parallel_loop3A_155 = vector.broadcast %parallel_loop3A_154 : i32 to vector<16xi32>
        %parallel_loop3A_156 = arith.addi %parallel_loop3A_89, %parallel_loop3A_155 : vector<16xi32>
        %parallel_loop3A_157 = tpu.vector_load_idx %arg6[%parallel_loop3A_156] : memref<8192xf32, #tpu.memory_space<vmem>>[vector<16xi32>], vector<16xf32>,
        %parallel_loop3A_158 = arith.mulf %parallel_loop3A_93, %parallel_loop3A_153 : vector<16xf32>
        %parallel_loop3A_159 = arith.mulf %parallel_loop3A_90, %parallel_loop3A_157 : vector<16xf32>
        %parallel_loop3A_160 = arith.addf %parallel_loop3A_158, %parallel_loop3A_159 : vector<16xf32>
        %parallel_loop3A_161 = arith.index_cast %parallel_loop3A_83 : i32 to index
        %parallel_loop3A_162 = arith.constant 64 : index
        %parallel_loop3A_163 = tpu.vector_load %arg10[%parallel_loop3A_161, %parallel_loop3A_162] {strides = array<i32>} : memref<16x512xf32, #tpu.memory_space<vmem>>, vector<16xf32>,
        tpu.vector_store %arg10[%parallel_loop3A_161, %parallel_loop3A_162], %parallel_loop3A_160 {strides = array<i32>} : memref<16x512xf32, #tpu.memory_space<vmem>>, vector<16xf32>,
        %parallel_loop3A_164 = arith.constant 80 : i32
        %parallel_loop3A_165 = vector.broadcast %parallel_loop3A_164 : i32 to vector<16xi32>
        %parallel_loop3A_166 = arith.addi %parallel_loop3A_87, %parallel_loop3A_165 : vector<16xi32>
        %parallel_loop3A_167 = tpu.vector_load_idx %arg6[%parallel_loop3A_166] : memref<8192xf32, #tpu.memory_space<vmem>>[vector<16xi32>], vector<16xf32>,
        %parallel_loop3A_168 = arith.constant 80 : i32
        %parallel_loop3A_169 = vector.broadcast %parallel_loop3A_168 : i32 to vector<16xi32>
        %parallel_loop3A_170 = arith.addi %parallel_loop3A_89, %parallel_loop3A_169 : vector<16xi32>
        %parallel_loop3A_171 = tpu.vector_load_idx %arg6[%parallel_loop3A_170] : memref<8192xf32, #tpu.memory_space<vmem>>[vector<16xi32>], vector<16xf32>,
        %parallel_loop3A_172 = arith.mulf %parallel_loop3A_93, %parallel_loop3A_167 : vector<16xf32>
        %parallel_loop3A_173 = arith.mulf %parallel_loop3A_90, %parallel_loop3A_171 : vector<16xf32>
        %parallel_loop3A_174 = arith.addf %parallel_loop3A_172, %parallel_loop3A_173 : vector<16xf32>
        %parallel_loop3A_175 = arith.index_cast %parallel_loop3A_83 : i32 to index
        %parallel_loop3A_176 = arith.constant 80 : index
        %parallel_loop3A_177 = tpu.vector_load %arg10[%parallel_loop3A_175, %parallel_loop3A_176] {strides = array<i32>} : memref<16x512xf32, #tpu.memory_space<vmem>>, vector<16xf32>,
        tpu.vector_store %arg10[%parallel_loop3A_175, %parallel_loop3A_176], %parallel_loop3A_174 {strides = array<i32>} : memref<16x512xf32, #tpu.memory_space<vmem>>, vector<16xf32>,
        %parallel_loop3A_178 = arith.constant 96 : i32
        %parallel_loop3A_179 = vector.broadcast %parallel_loop3A_178 : i32 to vector<16xi32>
        %parallel_loop3A_180 = arith.addi %parallel_loop3A_87, %parallel_loop3A_179 : vector<16xi32>
        %parallel_loop3A_181 = tpu.vector_load_idx %arg6[%parallel_loop3A_180] : memref<8192xf32, #tpu.memory_space<vmem>>[vector<16xi32>], vector<16xf32>,
        %parallel_loop3A_182 = arith.constant 96 : i32
        %parallel_loop3A_183 = vector.broadcast %parallel_loop3A_182 : i32 to vector<16xi32>
        %parallel_loop3A_184 = arith.addi %parallel_loop3A_89, %parallel_loop3A_183 : vector<16xi32>
        %parallel_loop3A_185 = tpu.vector_load_idx %arg6[%parallel_loop3A_184] : memref<8192xf32, #tpu.memory_space<vmem>>[vector<16xi32>], vector<16xf32>,
        %parallel_loop3A_186 = arith.mulf %parallel_loop3A_93, %parallel_loop3A_181 : vector<16xf32>
        %parallel_loop3A_187 = arith.mulf %parallel_loop3A_90, %parallel_loop3A_185 : vector<16xf32>
        %parallel_loop3A_188 = arith.addf %parallel_loop3A_186, %parallel_loop3A_187 : vector<16xf32>
        %parallel_loop3A_189 = arith.index_cast %parallel_loop3A_83 : i32 to index
        %parallel_loop3A_190 = arith.constant 96 : index
        %parallel_loop3A_191 = tpu.vector_load %arg10[%parallel_loop3A_189, %parallel_loop3A_190] {strides = array<i32>} : memref<16x512xf32, #tpu.memory_space<vmem>>, vector<16xf32>,
        tpu.vector_store %arg10[%parallel_loop3A_189, %parallel_loop3A_190], %parallel_loop3A_188 {strides = array<i32>} : memref<16x512xf32, #tpu.memory_space<vmem>>, vector<16xf32>,
        %parallel_loop3A_192 = arith.constant 112 : i32
        %parallel_loop3A_193 = vector.broadcast %parallel_loop3A_192 : i32 to vector<16xi32>
        %parallel_loop3A_194 = arith.addi %parallel_loop3A_87, %parallel_loop3A_193 : vector<16xi32>
        %parallel_loop3A_195 = tpu.vector_load_idx %arg6[%parallel_loop3A_194] : memref<8192xf32, #tpu.memory_space<vmem>>[vector<16xi32>], vector<16xf32>,
        %parallel_loop3A_196 = arith.constant 112 : i32
        %parallel_loop3A_197 = vector.broadcast %parallel_loop3A_196 : i32 to vector<16xi32>
        %parallel_loop3A_198 = arith.addi %parallel_loop3A_89, %parallel_loop3A_197 : vector<16xi32>
        %parallel_loop3A_199 = tpu.vector_load_idx %arg6[%parallel_loop3A_198] : memref<8192xf32, #tpu.memory_space<vmem>>[vector<16xi32>], vector<16xf32>,
        %parallel_loop3A_200 = arith.mulf %parallel_loop3A_93, %parallel_loop3A_195 : vector<16xf32>
        %parallel_loop3A_201 = arith.mulf %parallel_loop3A_90, %parallel_loop3A_199 : vector<16xf32>
        %parallel_loop3A_202 = arith.addf %parallel_loop3A_200, %parallel_loop3A_201 : vector<16xf32>
        %parallel_loop3A_203 = arith.index_cast %parallel_loop3A_83 : i32 to index
        %parallel_loop3A_204 = arith.constant 112 : index
        %parallel_loop3A_205 = tpu.vector_load %arg10[%parallel_loop3A_203, %parallel_loop3A_204] {strides = array<i32>} : memref<16x512xf32, #tpu.memory_space<vmem>>, vector<16xf32>,
        tpu.vector_store %arg10[%parallel_loop3A_203, %parallel_loop3A_204], %parallel_loop3A_202 {strides = array<i32>} : memref<16x512xf32, #tpu.memory_space<vmem>>, vector<16xf32>,
        %parallel_loop3A_206 = arith.constant 128 : i32
        %parallel_loop3A_207 = vector.broadcast %parallel_loop3A_206 : i32 to vector<16xi32>
        %parallel_loop3A_208 = arith.addi %parallel_loop3A_87, %parallel_loop3A_207 : vector<16xi32>
        %parallel_loop3A_209 = tpu.vector_load_idx %arg6[%parallel_loop3A_208] : memref<8192xf32, #tpu.memory_space<vmem>>[vector<16xi32>], vector<16xf32>,
        %parallel_loop3A_210 = arith.constant 128 : i32
        %parallel_loop3A_211 = vector.broadcast %parallel_loop3A_210 : i32 to vector<16xi32>
        %parallel_loop3A_212 = arith.addi %parallel_loop3A_89, %parallel_loop3A_211 : vector<16xi32>
        %parallel_loop3A_213 = tpu.vector_load_idx %arg6[%parallel_loop3A_212] : memref<8192xf32, #tpu.memory_space<vmem>>[vector<16xi32>], vector<16xf32>,
        %parallel_loop3A_214 = arith.mulf %parallel_loop3A_93, %parallel_loop3A_209 : vector<16xf32>
        %parallel_loop3A_215 = arith.mulf %parallel_loop3A_90, %parallel_loop3A_213 : vector<16xf32>
        %parallel_loop3A_216 = arith.addf %parallel_loop3A_214, %parallel_loop3A_215 : vector<16xf32>
        %parallel_loop3A_217 = arith.index_cast %parallel_loop3A_83 : i32 to index
        %parallel_loop3A_218 = arith.constant 128 : index
        %parallel_loop3A_219 = tpu.vector_load %arg10[%parallel_loop3A_217, %parallel_loop3A_218] {strides = array<i32>} : memref<16x512xf32, #tpu.memory_space<vmem>>, vector<16xf32>,
        tpu.vector_store %arg10[%parallel_loop3A_217, %parallel_loop3A_218], %parallel_loop3A_216 {strides = array<i32>} : memref<16x512xf32, #tpu.memory_space<vmem>>, vector<16xf32>,
        %parallel_loop3A_220 = arith.constant 144 : i32
        %parallel_loop3A_221 = vector.broadcast %parallel_loop3A_220 : i32 to vector<16xi32>
        %parallel_loop3A_222 = arith.addi %parallel_loop3A_87, %parallel_loop3A_221 : vector<16xi32>
        %parallel_loop3A_223 = tpu.vector_load_idx %arg6[%parallel_loop3A_222] : memref<8192xf32, #tpu.memory_space<vmem>>[vector<16xi32>], vector<16xf32>,
        %parallel_loop3A_224 = arith.constant 144 : i32
        %parallel_loop3A_225 = vector.broadcast %parallel_loop3A_224 : i32 to vector<16xi32>
        %parallel_loop3A_226 = arith.addi %parallel_loop3A_89, %parallel_loop3A_225 : vector<16xi32>
        %parallel_loop3A_227 = tpu.vector_load_idx %arg6[%parallel_loop3A_226] : memref<8192xf32, #tpu.memory_space<vmem>>[vector<16xi32>], vector<16xf32>,
        %parallel_loop3A_228 = arith.mulf %parallel_loop3A_93, %parallel_loop3A_223 : vector<16xf32>
        %parallel_loop3A_229 = arith.mulf %parallel_loop3A_90, %parallel_loop3A_227 : vector<16xf32>
        %parallel_loop3A_230 = arith.addf %parallel_loop3A_228, %parallel_loop3A_229 : vector<16xf32>
        %parallel_loop3A_231 = arith.index_cast %parallel_loop3A_83 : i32 to index
        %parallel_loop3A_232 = arith.constant 144 : index
        %parallel_loop3A_233 = tpu.vector_load %arg10[%parallel_loop3A_231, %parallel_loop3A_232] {strides = array<i32>} : memref<16x512xf32, #tpu.memory_space<vmem>>, vector<16xf32>,
        tpu.vector_store %arg10[%parallel_loop3A_231, %parallel_loop3A_232], %parallel_loop3A_230 {strides = array<i32>} : memref<16x512xf32, #tpu.memory_space<vmem>>, vector<16xf32>,
        %parallel_loop3A_234 = arith.constant 160 : i32
        %parallel_loop3A_235 = vector.broadcast %parallel_loop3A_234 : i32 to vector<16xi32>
        %parallel_loop3A_236 = arith.addi %parallel_loop3A_87, %parallel_loop3A_235 : vector<16xi32>
        %parallel_loop3A_237 = tpu.vector_load_idx %arg6[%parallel_loop3A_236] : memref<8192xf32, #tpu.memory_space<vmem>>[vector<16xi32>], vector<16xf32>,
        %parallel_loop3A_238 = arith.constant 160 : i32
        %parallel_loop3A_239 = vector.broadcast %parallel_loop3A_238 : i32 to vector<16xi32>
        %parallel_loop3A_240 = arith.addi %parallel_loop3A_89, %parallel_loop3A_239 : vector<16xi32>
        %parallel_loop3A_241 = tpu.vector_load_idx %arg6[%parallel_loop3A_240] : memref<8192xf32, #tpu.memory_space<vmem>>[vector<16xi32>], vector<16xf32>,
        %parallel_loop3A_242 = arith.mulf %parallel_loop3A_93, %parallel_loop3A_237 : vector<16xf32>
        %parallel_loop3A_243 = arith.mulf %parallel_loop3A_90, %parallel_loop3A_241 : vector<16xf32>
        %parallel_loop3A_244 = arith.addf %parallel_loop3A_242, %parallel_loop3A_243 : vector<16xf32>
        %parallel_loop3A_245 = arith.index_cast %parallel_loop3A_83 : i32 to index
        %parallel_loop3A_246 = arith.constant 160 : index
        %parallel_loop3A_247 = tpu.vector_load %arg10[%parallel_loop3A_245, %parallel_loop3A_246] {strides = array<i32>} : memref<16x512xf32, #tpu.memory_space<vmem>>, vector<16xf32>,
        tpu.vector_store %arg10[%parallel_loop3A_245, %parallel_loop3A_246], %parallel_loop3A_244 {strides = array<i32>} : memref<16x512xf32, #tpu.memory_space<vmem>>, vector<16xf32>,
        %parallel_loop3A_248 = arith.constant 176 : i32
        %parallel_loop3A_249 = vector.broadcast %parallel_loop3A_248 : i32 to vector<16xi32>
        %parallel_loop3A_250 = arith.addi %parallel_loop3A_87, %parallel_loop3A_249 : vector<16xi32>
        %parallel_loop3A_251 = tpu.vector_load_idx %arg6[%parallel_loop3A_250] : memref<8192xf32, #tpu.memory_space<vmem>>[vector<16xi32>], vector<16xf32>,
        %parallel_loop3A_252 = arith.constant 176 : i32
        %parallel_loop3A_253 = vector.broadcast %parallel_loop3A_252 : i32 to vector<16xi32>
        %parallel_loop3A_254 = arith.addi %parallel_loop3A_89, %parallel_loop3A_253 : vector<16xi32>
        %parallel_loop3A_255 = tpu.vector_load_idx %arg6[%parallel_loop3A_254] : memref<8192xf32, #tpu.memory_space<vmem>>[vector<16xi32>], vector<16xf32>,
        %parallel_loop3A_256 = arith.mulf %parallel_loop3A_93, %parallel_loop3A_251 : vector<16xf32>
        %parallel_loop3A_257 = arith.mulf %parallel_loop3A_90, %parallel_loop3A_255 : vector<16xf32>
        %parallel_loop3A_258 = arith.addf %parallel_loop3A_256, %parallel_loop3A_257 : vector<16xf32>
        %parallel_loop3A_259 = arith.index_cast %parallel_loop3A_83 : i32 to index
        %parallel_loop3A_260 = arith.constant 176 : index
        %parallel_loop3A_261 = tpu.vector_load %arg10[%parallel_loop3A_259, %parallel_loop3A_260] {strides = array<i32>} : memref<16x512xf32, #tpu.memory_space<vmem>>, vector<16xf32>,
        tpu.vector_store %arg10[%parallel_loop3A_259, %parallel_loop3A_260], %parallel_loop3A_258 {strides = array<i32>} : memref<16x512xf32, #tpu.memory_space<vmem>>, vector<16xf32>,
        %parallel_loop3A_262 = arith.constant 192 : i32
        %parallel_loop3A_263 = vector.broadcast %parallel_loop3A_262 : i32 to vector<16xi32>
        %parallel_loop3A_264 = arith.addi %parallel_loop3A_87, %parallel_loop3A_263 : vector<16xi32>
        %parallel_loop3A_265 = tpu.vector_load_idx %arg6[%parallel_loop3A_264] : memref<8192xf32, #tpu.memory_space<vmem>>[vector<16xi32>], vector<16xf32>,
        %parallel_loop3A_266 = arith.constant 192 : i32
        %parallel_loop3A_267 = vector.broadcast %parallel_loop3A_266 : i32 to vector<16xi32>
        %parallel_loop3A_268 = arith.addi %parallel_loop3A_89, %parallel_loop3A_267 : vector<16xi32>
        %parallel_loop3A_269 = tpu.vector_load_idx %arg6[%parallel_loop3A_268] : memref<8192xf32, #tpu.memory_space<vmem>>[vector<16xi32>], vector<16xf32>,
        %parallel_loop3A_270 = arith.mulf %parallel_loop3A_93, %parallel_loop3A_265 : vector<16xf32>
        %parallel_loop3A_271 = arith.mulf %parallel_loop3A_90, %parallel_loop3A_269 : vector<16xf32>
        %parallel_loop3A_272 = arith.addf %parallel_loop3A_270, %parallel_loop3A_271 : vector<16xf32>
        %parallel_loop3A_273 = arith.index_cast %parallel_loop3A_83 : i32 to index
        %parallel_loop3A_274 = arith.constant 192 : index
        %parallel_loop3A_275 = tpu.vector_load %arg10[%parallel_loop3A_273, %parallel_loop3A_274] {strides = array<i32>} : memref<16x512xf32, #tpu.memory_space<vmem>>, vector<16xf32>,
        tpu.vector_store %arg10[%parallel_loop3A_273, %parallel_loop3A_274], %parallel_loop3A_272 {strides = array<i32>} : memref<16x512xf32, #tpu.memory_space<vmem>>, vector<16xf32>,
        %parallel_loop3A_276 = arith.constant 208 : i32
        %parallel_loop3A_277 = vector.broadcast %parallel_loop3A_276 : i32 to vector<16xi32>
        %parallel_loop3A_278 = arith.addi %parallel_loop3A_87, %parallel_loop3A_277 : vector<16xi32>
        %parallel_loop3A_279 = tpu.vector_load_idx %arg6[%parallel_loop3A_278] : memref<8192xf32, #tpu.memory_space<vmem>>[vector<16xi32>], vector<16xf32>,
        %parallel_loop3A_280 = arith.constant 208 : i32
        %parallel_loop3A_281 = vector.broadcast %parallel_loop3A_280 : i32 to vector<16xi32>
        %parallel_loop3A_282 = arith.addi %parallel_loop3A_89, %parallel_loop3A_281 : vector<16xi32>
        %parallel_loop3A_283 = tpu.vector_load_idx %arg6[%parallel_loop3A_282] : memref<8192xf32, #tpu.memory_space<vmem>>[vector<16xi32>], vector<16xf32>,
        %parallel_loop3A_284 = arith.mulf %parallel_loop3A_93, %parallel_loop3A_279 : vector<16xf32>
        %parallel_loop3A_285 = arith.mulf %parallel_loop3A_90, %parallel_loop3A_283 : vector<16xf32>
        %parallel_loop3A_286 = arith.addf %parallel_loop3A_284, %parallel_loop3A_285 : vector<16xf32>
        %parallel_loop3A_287 = arith.index_cast %parallel_loop3A_83 : i32 to index
        %parallel_loop3A_288 = arith.constant 208 : index
        %parallel_loop3A_289 = tpu.vector_load %arg10[%parallel_loop3A_287, %parallel_loop3A_288] {strides = array<i32>} : memref<16x512xf32, #tpu.memory_space<vmem>>, vector<16xf32>,
        tpu.vector_store %arg10[%parallel_loop3A_287, %parallel_loop3A_288], %parallel_loop3A_286 {strides = array<i32>} : memref<16x512xf32, #tpu.memory_space<vmem>>, vector<16xf32>,
        %parallel_loop3A_290 = arith.constant 224 : i32
        %parallel_loop3A_291 = vector.broadcast %parallel_loop3A_290 : i32 to vector<16xi32>
        %parallel_loop3A_292 = arith.addi %parallel_loop3A_87, %parallel_loop3A_291 : vector<16xi32>
        %parallel_loop3A_293 = tpu.vector_load_idx %arg6[%parallel_loop3A_292] : memref<8192xf32, #tpu.memory_space<vmem>>[vector<16xi32>], vector<16xf32>,
        %parallel_loop3A_294 = arith.constant 224 : i32
        %parallel_loop3A_295 = vector.broadcast %parallel_loop3A_294 : i32 to vector<16xi32>
        %parallel_loop3A_296 = arith.addi %parallel_loop3A_89, %parallel_loop3A_295 : vector<16xi32>
        %parallel_loop3A_297 = tpu.vector_load_idx %arg6[%parallel_loop3A_296] : memref<8192xf32, #tpu.memory_space<vmem>>[vector<16xi32>], vector<16xf32>,
        %parallel_loop3A_298 = arith.mulf %parallel_loop3A_93, %parallel_loop3A_293 : vector<16xf32>
        %parallel_loop3A_299 = arith.mulf %parallel_loop3A_90, %parallel_loop3A_297 : vector<16xf32>
        %parallel_loop3A_300 = arith.addf %parallel_loop3A_298, %parallel_loop3A_299 : vector<16xf32>
        %parallel_loop3A_301 = arith.index_cast %parallel_loop3A_83 : i32 to index
        %parallel_loop3A_302 = arith.constant 224 : index
        %parallel_loop3A_303 = tpu.vector_load %arg10[%parallel_loop3A_301, %parallel_loop3A_302] {strides = array<i32>} : memref<16x512xf32, #tpu.memory_space<vmem>>, vector<16xf32>,
        tpu.vector_store %arg10[%parallel_loop3A_301, %parallel_loop3A_302], %parallel_loop3A_300 {strides = array<i32>} : memref<16x512xf32, #tpu.memory_space<vmem>>, vector<16xf32>,
        %parallel_loop3A_304 = arith.constant 240 : i32
        %parallel_loop3A_305 = vector.broadcast %parallel_loop3A_304 : i32 to vector<16xi32>
        %parallel_loop3A_306 = arith.addi %parallel_loop3A_87, %parallel_loop3A_305 : vector<16xi32>
        %parallel_loop3A_307 = tpu.vector_load_idx %arg6[%parallel_loop3A_306] : memref<8192xf32, #tpu.memory_space<vmem>>[vector<16xi32>], vector<16xf32>,
        %parallel_loop3A_308 = arith.constant 240 : i32
        %parallel_loop3A_309 = vector.broadcast %parallel_loop3A_308 : i32 to vector<16xi32>
        %parallel_loop3A_310 = arith.addi %parallel_loop3A_89, %parallel_loop3A_309 : vector<16xi32>
        %parallel_loop3A_311 = tpu.vector_load_idx %arg6[%parallel_loop3A_310] : memref<8192xf32, #tpu.memory_space<vmem>>[vector<16xi32>], vector<16xf32>,
        %parallel_loop3A_312 = arith.mulf %parallel_loop3A_93, %parallel_loop3A_307 : vector<16xf32>
        %parallel_loop3A_313 = arith.mulf %parallel_loop3A_90, %parallel_loop3A_311 : vector<16xf32>
        %parallel_loop3A_314 = arith.addf %parallel_loop3A_312, %parallel_loop3A_313 : vector<16xf32>
        %parallel_loop3A_315 = arith.index_cast %parallel_loop3A_83 : i32 to index
        %parallel_loop3A_316 = arith.constant 240 : index
        %parallel_loop3A_317 = tpu.vector_load %arg10[%parallel_loop3A_315, %parallel_loop3A_316] {strides = array<i32>} : memref<16x512xf32, #tpu.memory_space<vmem>>, vector<16xf32>,
        tpu.vector_store %arg10[%parallel_loop3A_315, %parallel_loop3A_316], %parallel_loop3A_314 {strides = array<i32>} : memref<16x512xf32, #tpu.memory_space<vmem>>, vector<16xf32>,
        %parallel_loop3A_318 = arith.constant 256 : i32
        %parallel_loop3A_319 = vector.broadcast %parallel_loop3A_318 : i32 to vector<16xi32>
        %parallel_loop3A_320 = arith.addi %parallel_loop3A_87, %parallel_loop3A_319 : vector<16xi32>
        %parallel_loop3A_321 = tpu.vector_load_idx %arg6[%parallel_loop3A_320] : memref<8192xf32, #tpu.memory_space<vmem>>[vector<16xi32>], vector<16xf32>,
        %parallel_loop3A_322 = arith.constant 256 : i32
        %parallel_loop3A_323 = vector.broadcast %parallel_loop3A_322 : i32 to vector<16xi32>
        %parallel_loop3A_324 = arith.addi %parallel_loop3A_89, %parallel_loop3A_323 : vector<16xi32>
        %parallel_loop3A_325 = tpu.vector_load_idx %arg6[%parallel_loop3A_324] : memref<8192xf32, #tpu.memory_space<vmem>>[vector<16xi32>], vector<16xf32>,
        %parallel_loop3A_326 = arith.mulf %parallel_loop3A_93, %parallel_loop3A_321 : vector<16xf32>
        %parallel_loop3A_327 = arith.mulf %parallel_loop3A_90, %parallel_loop3A_325 : vector<16xf32>
        %parallel_loop3A_328 = arith.addf %parallel_loop3A_326, %parallel_loop3A_327 : vector<16xf32>
        %parallel_loop3A_329 = arith.index_cast %parallel_loop3A_83 : i32 to index
        %parallel_loop3A_330 = arith.constant 256 : index
        %parallel_loop3A_331 = tpu.vector_load %arg10[%parallel_loop3A_329, %parallel_loop3A_330] {strides = array<i32>} : memref<16x512xf32, #tpu.memory_space<vmem>>, vector<16xf32>,
        tpu.vector_store %arg10[%parallel_loop3A_329, %parallel_loop3A_330], %parallel_loop3A_328 {strides = array<i32>} : memref<16x512xf32, #tpu.memory_space<vmem>>, vector<16xf32>,
        %parallel_loop3A_332 = arith.constant 272 : i32
        %parallel_loop3A_333 = vector.broadcast %parallel_loop3A_332 : i32 to vector<16xi32>
        %parallel_loop3A_334 = arith.addi %parallel_loop3A_87, %parallel_loop3A_333 : vector<16xi32>
        %parallel_loop3A_335 = tpu.vector_load_idx %arg6[%parallel_loop3A_334] : memref<8192xf32, #tpu.memory_space<vmem>>[vector<16xi32>], vector<16xf32>,
        %parallel_loop3A_336 = arith.constant 272 : i32
        %parallel_loop3A_337 = vector.broadcast %parallel_loop3A_336 : i32 to vector<16xi32>
        %parallel_loop3A_338 = arith.addi %parallel_loop3A_89, %parallel_loop3A_337 : vector<16xi32>
        %parallel_loop3A_339 = tpu.vector_load_idx %arg6[%parallel_loop3A_338] : memref<8192xf32, #tpu.memory_space<vmem>>[vector<16xi32>], vector<16xf32>,
        %parallel_loop3A_340 = arith.mulf %parallel_loop3A_93, %parallel_loop3A_335 : vector<16xf32>
        %parallel_loop3A_341 = arith.mulf %parallel_loop3A_90, %parallel_loop3A_339 : vector<16xf32>
        %parallel_loop3A_342 = arith.addf %parallel_loop3A_340, %parallel_loop3A_341 : vector<16xf32>
        %parallel_loop3A_343 = arith.index_cast %parallel_loop3A_83 : i32 to index
        %parallel_loop3A_344 = arith.constant 272 : index
        %parallel_loop3A_345 = tpu.vector_load %arg10[%parallel_loop3A_343, %parallel_loop3A_344] {strides = array<i32>} : memref<16x512xf32, #tpu.memory_space<vmem>>, vector<16xf32>,
        tpu.vector_store %arg10[%parallel_loop3A_343, %parallel_loop3A_344], %parallel_loop3A_342 {strides = array<i32>} : memref<16x512xf32, #tpu.memory_space<vmem>>, vector<16xf32>,
        %parallel_loop3A_346 = arith.constant 288 : i32
        %parallel_loop3A_347 = vector.broadcast %parallel_loop3A_346 : i32 to vector<16xi32>
        %parallel_loop3A_348 = arith.addi %parallel_loop3A_87, %parallel_loop3A_347 : vector<16xi32>
        %parallel_loop3A_349 = tpu.vector_load_idx %arg6[%parallel_loop3A_348] : memref<8192xf32, #tpu.memory_space<vmem>>[vector<16xi32>], vector<16xf32>,
        %parallel_loop3A_350 = arith.constant 288 : i32
        %parallel_loop3A_351 = vector.broadcast %parallel_loop3A_350 : i32 to vector<16xi32>
        %parallel_loop3A_352 = arith.addi %parallel_loop3A_89, %parallel_loop3A_351 : vector<16xi32>
        %parallel_loop3A_353 = tpu.vector_load_idx %arg6[%parallel_loop3A_352] : memref<8192xf32, #tpu.memory_space<vmem>>[vector<16xi32>], vector<16xf32>,
        %parallel_loop3A_354 = arith.mulf %parallel_loop3A_93, %parallel_loop3A_349 : vector<16xf32>
        %parallel_loop3A_355 = arith.mulf %parallel_loop3A_90, %parallel_loop3A_353 : vector<16xf32>
        %parallel_loop3A_356 = arith.addf %parallel_loop3A_354, %parallel_loop3A_355 : vector<16xf32>
        %parallel_loop3A_357 = arith.index_cast %parallel_loop3A_83 : i32 to index
        %parallel_loop3A_358 = arith.constant 288 : index
        %parallel_loop3A_359 = tpu.vector_load %arg10[%parallel_loop3A_357, %parallel_loop3A_358] {strides = array<i32>} : memref<16x512xf32, #tpu.memory_space<vmem>>, vector<16xf32>,
        tpu.vector_store %arg10[%parallel_loop3A_357, %parallel_loop3A_358], %parallel_loop3A_356 {strides = array<i32>} : memref<16x512xf32, #tpu.memory_space<vmem>>, vector<16xf32>,
        %parallel_loop3A_360 = arith.constant 304 : i32
        %parallel_loop3A_361 = vector.broadcast %parallel_loop3A_360 : i32 to vector<16xi32>
        %parallel_loop3A_362 = arith.addi %parallel_loop3A_87, %parallel_loop3A_361 : vector<16xi32>
        %parallel_loop3A_363 = tpu.vector_load_idx %arg6[%parallel_loop3A_362] : memref<8192xf32, #tpu.memory_space<vmem>>[vector<16xi32>], vector<16xf32>,
        %parallel_loop3A_364 = arith.constant 304 : i32
        %parallel_loop3A_365 = vector.broadcast %parallel_loop3A_364 : i32 to vector<16xi32>
        %parallel_loop3A_366 = arith.addi %parallel_loop3A_89, %parallel_loop3A_365 : vector<16xi32>
        %parallel_loop3A_367 = tpu.vector_load_idx %arg6[%parallel_loop3A_366] : memref<8192xf32, #tpu.memory_space<vmem>>[vector<16xi32>], vector<16xf32>,
        %parallel_loop3A_368 = arith.mulf %parallel_loop3A_93, %parallel_loop3A_363 : vector<16xf32>
        %parallel_loop3A_369 = arith.mulf %parallel_loop3A_90, %parallel_loop3A_367 : vector<16xf32>
        %parallel_loop3A_370 = arith.addf %parallel_loop3A_368, %parallel_loop3A_369 : vector<16xf32>
        %parallel_loop3A_371 = arith.index_cast %parallel_loop3A_83 : i32 to index
        %parallel_loop3A_372 = arith.constant 304 : index
        %parallel_loop3A_373 = tpu.vector_load %arg10[%parallel_loop3A_371, %parallel_loop3A_372] {strides = array<i32>} : memref<16x512xf32, #tpu.memory_space<vmem>>, vector<16xf32>,
        tpu.vector_store %arg10[%parallel_loop3A_371, %parallel_loop3A_372], %parallel_loop3A_370 {strides = array<i32>} : memref<16x512xf32, #tpu.memory_space<vmem>>, vector<16xf32>,
        %parallel_loop3A_374 = arith.constant 320 : i32
        %parallel_loop3A_375 = vector.broadcast %parallel_loop3A_374 : i32 to vector<16xi32>
        %parallel_loop3A_376 = arith.addi %parallel_loop3A_87, %parallel_loop3A_375 : vector<16xi32>
        %parallel_loop3A_377 = tpu.vector_load_idx %arg6[%parallel_loop3A_376] : memref<8192xf32, #tpu.memory_space<vmem>>[vector<16xi32>], vector<16xf32>,
        %parallel_loop3A_378 = arith.constant 320 : i32
        %parallel_loop3A_379 = vector.broadcast %parallel_loop3A_378 : i32 to vector<16xi32>
        %parallel_loop3A_380 = arith.addi %parallel_loop3A_89, %parallel_loop3A_379 : vector<16xi32>
        %parallel_loop3A_381 = tpu.vector_load_idx %arg6[%parallel_loop3A_380] : memref<8192xf32, #tpu.memory_space<vmem>>[vector<16xi32>], vector<16xf32>,
        %parallel_loop3A_382 = arith.mulf %parallel_loop3A_93, %parallel_loop3A_377 : vector<16xf32>
        %parallel_loop3A_383 = arith.mulf %parallel_loop3A_90, %parallel_loop3A_381 : vector<16xf32>
        %parallel_loop3A_384 = arith.addf %parallel_loop3A_382, %parallel_loop3A_383 : vector<16xf32>
        %parallel_loop3A_385 = arith.index_cast %parallel_loop3A_83 : i32 to index
        %parallel_loop3A_386 = arith.constant 320 : index
        %parallel_loop3A_387 = tpu.vector_load %arg10[%parallel_loop3A_385, %parallel_loop3A_386] {strides = array<i32>} : memref<16x512xf32, #tpu.memory_space<vmem>>, vector<16xf32>,
        tpu.vector_store %arg10[%parallel_loop3A_385, %parallel_loop3A_386], %parallel_loop3A_384 {strides = array<i32>} : memref<16x512xf32, #tpu.memory_space<vmem>>, vector<16xf32>,
        %parallel_loop3A_388 = arith.constant 336 : i32
        %parallel_loop3A_389 = vector.broadcast %parallel_loop3A_388 : i32 to vector<16xi32>
        %parallel_loop3A_390 = arith.addi %parallel_loop3A_87, %parallel_loop3A_389 : vector<16xi32>
        %parallel_loop3A_391 = tpu.vector_load_idx %arg6[%parallel_loop3A_390] : memref<8192xf32, #tpu.memory_space<vmem>>[vector<16xi32>], vector<16xf32>,
        %parallel_loop3A_392 = arith.constant 336 : i32
        %parallel_loop3A_393 = vector.broadcast %parallel_loop3A_392 : i32 to vector<16xi32>
        %parallel_loop3A_394 = arith.addi %parallel_loop3A_89, %parallel_loop3A_393 : vector<16xi32>
        %parallel_loop3A_395 = tpu.vector_load_idx %arg6[%parallel_loop3A_394] : memref<8192xf32, #tpu.memory_space<vmem>>[vector<16xi32>], vector<16xf32>,
        %parallel_loop3A_396 = arith.mulf %parallel_loop3A_93, %parallel_loop3A_391 : vector<16xf32>
        %parallel_loop3A_397 = arith.mulf %parallel_loop3A_90, %parallel_loop3A_395 : vector<16xf32>
        %parallel_loop3A_398 = arith.addf %parallel_loop3A_396, %parallel_loop3A_397 : vector<16xf32>
        %parallel_loop3A_399 = arith.index_cast %parallel_loop3A_83 : i32 to index
        %parallel_loop3A_400 = arith.constant 336 : index
        %parallel_loop3A_401 = tpu.vector_load %arg10[%parallel_loop3A_399, %parallel_loop3A_400] {strides = array<i32>} : memref<16x512xf32, #tpu.memory_space<vmem>>, vector<16xf32>,
        tpu.vector_store %arg10[%parallel_loop3A_399, %parallel_loop3A_400], %parallel_loop3A_398 {strides = array<i32>} : memref<16x512xf32, #tpu.memory_space<vmem>>, vector<16xf32>,
        %parallel_loop3A_402 = arith.constant 352 : i32
        %parallel_loop3A_403 = vector.broadcast %parallel_loop3A_402 : i32 to vector<16xi32>
        %parallel_loop3A_404 = arith.addi %parallel_loop3A_87, %parallel_loop3A_403 : vector<16xi32>
        %parallel_loop3A_405 = tpu.vector_load_idx %arg6[%parallel_loop3A_404] : memref<8192xf32, #tpu.memory_space<vmem>>[vector<16xi32>], vector<16xf32>,
        %parallel_loop3A_406 = arith.constant 352 : i32
        %parallel_loop3A_407 = vector.broadcast %parallel_loop3A_406 : i32 to vector<16xi32>
        %parallel_loop3A_408 = arith.addi %parallel_loop3A_89, %parallel_loop3A_407 : vector<16xi32>
        %parallel_loop3A_409 = tpu.vector_load_idx %arg6[%parallel_loop3A_408] : memref<8192xf32, #tpu.memory_space<vmem>>[vector<16xi32>], vector<16xf32>,
        %parallel_loop3A_410 = arith.mulf %parallel_loop3A_93, %parallel_loop3A_405 : vector<16xf32>
        %parallel_loop3A_411 = arith.mulf %parallel_loop3A_90, %parallel_loop3A_409 : vector<16xf32>
        %parallel_loop3A_412 = arith.addf %parallel_loop3A_410, %parallel_loop3A_411 : vector<16xf32>
        %parallel_loop3A_413 = arith.index_cast %parallel_loop3A_83 : i32 to index
        %parallel_loop3A_414 = arith.constant 352 : index
        %parallel_loop3A_415 = tpu.vector_load %arg10[%parallel_loop3A_413, %parallel_loop3A_414] {strides = array<i32>} : memref<16x512xf32, #tpu.memory_space<vmem>>, vector<16xf32>,
        tpu.vector_store %arg10[%parallel_loop3A_413, %parallel_loop3A_414], %parallel_loop3A_412 {strides = array<i32>} : memref<16x512xf32, #tpu.memory_space<vmem>>, vector<16xf32>,
        %parallel_loop3A_416 = arith.constant 368 : i32
        %parallel_loop3A_417 = vector.broadcast %parallel_loop3A_416 : i32 to vector<16xi32>
        %parallel_loop3A_418 = arith.addi %parallel_loop3A_87, %parallel_loop3A_417 : vector<16xi32>
        %parallel_loop3A_419 = tpu.vector_load_idx %arg6[%parallel_loop3A_418] : memref<8192xf32, #tpu.memory_space<vmem>>[vector<16xi32>], vector<16xf32>,
        %parallel_loop3A_420 = arith.constant 368 : i32
        %parallel_loop3A_421 = vector.broadcast %parallel_loop3A_420 : i32 to vector<16xi32>
        %parallel_loop3A_422 = arith.addi %parallel_loop3A_89, %parallel_loop3A_421 : vector<16xi32>
        %parallel_loop3A_423 = tpu.vector_load_idx %arg6[%parallel_loop3A_422] : memref<8192xf32, #tpu.memory_space<vmem>>[vector<16xi32>], vector<16xf32>,
        %parallel_loop3A_424 = arith.mulf %parallel_loop3A_93, %parallel_loop3A_419 : vector<16xf32>
        %parallel_loop3A_425 = arith.mulf %parallel_loop3A_90, %parallel_loop3A_423 : vector<16xf32>
        %parallel_loop3A_426 = arith.addf %parallel_loop3A_424, %parallel_loop3A_425 : vector<16xf32>
        %parallel_loop3A_427 = arith.index_cast %parallel_loop3A_83 : i32 to index
        %parallel_loop3A_428 = arith.constant 368 : index
        %parallel_loop3A_429 = tpu.vector_load %arg10[%parallel_loop3A_427, %parallel_loop3A_428] {strides = array<i32>} : memref<16x512xf32, #tpu.memory_space<vmem>>, vector<16xf32>,
        tpu.vector_store %arg10[%parallel_loop3A_427, %parallel_loop3A_428], %parallel_loop3A_426 {strides = array<i32>} : memref<16x512xf32, #tpu.memory_space<vmem>>, vector<16xf32>,
        %parallel_loop3A_430 = arith.constant 384 : i32
        %parallel_loop3A_431 = vector.broadcast %parallel_loop3A_430 : i32 to vector<16xi32>
        %parallel_loop3A_432 = arith.addi %parallel_loop3A_87, %parallel_loop3A_431 : vector<16xi32>
        %parallel_loop3A_433 = tpu.vector_load_idx %arg6[%parallel_loop3A_432] : memref<8192xf32, #tpu.memory_space<vmem>>[vector<16xi32>], vector<16xf32>,
        %parallel_loop3A_434 = arith.constant 384 : i32
        %parallel_loop3A_435 = vector.broadcast %parallel_loop3A_434 : i32 to vector<16xi32>
        %parallel_loop3A_436 = arith.addi %parallel_loop3A_89, %parallel_loop3A_435 : vector<16xi32>
        %parallel_loop3A_437 = tpu.vector_load_idx %arg6[%parallel_loop3A_436] : memref<8192xf32, #tpu.memory_space<vmem>>[vector<16xi32>], vector<16xf32>,
        %parallel_loop3A_438 = arith.mulf %parallel_loop3A_93, %parallel_loop3A_433 : vector<16xf32>
        %parallel_loop3A_439 = arith.mulf %parallel_loop3A_90, %parallel_loop3A_437 : vector<16xf32>
        %parallel_loop3A_440 = arith.addf %parallel_loop3A_438, %parallel_loop3A_439 : vector<16xf32>
        %parallel_loop3A_441 = arith.index_cast %parallel_loop3A_83 : i32 to index
        %parallel_loop3A_442 = arith.constant 384 : index
        %parallel_loop3A_443 = tpu.vector_load %arg10[%parallel_loop3A_441, %parallel_loop3A_442] {strides = array<i32>} : memref<16x512xf32, #tpu.memory_space<vmem>>, vector<16xf32>,
        tpu.vector_store %arg10[%parallel_loop3A_441, %parallel_loop3A_442], %parallel_loop3A_440 {strides = array<i32>} : memref<16x512xf32, #tpu.memory_space<vmem>>, vector<16xf32>,
        %parallel_loop3A_444 = arith.constant 400 : i32
        %parallel_loop3A_445 = vector.broadcast %parallel_loop3A_444 : i32 to vector<16xi32>
        %parallel_loop3A_446 = arith.addi %parallel_loop3A_87, %parallel_loop3A_445 : vector<16xi32>
        %parallel_loop3A_447 = tpu.vector_load_idx %arg6[%parallel_loop3A_446] : memref<8192xf32, #tpu.memory_space<vmem>>[vector<16xi32>], vector<16xf32>,
        %parallel_loop3A_448 = arith.constant 400 : i32
        %parallel_loop3A_449 = vector.broadcast %parallel_loop3A_448 : i32 to vector<16xi32>
        %parallel_loop3A_450 = arith.addi %parallel_loop3A_89, %parallel_loop3A_449 : vector<16xi32>
        %parallel_loop3A_451 = tpu.vector_load_idx %arg6[%parallel_loop3A_450] : memref<8192xf32, #tpu.memory_space<vmem>>[vector<16xi32>], vector<16xf32>,
        %parallel_loop3A_452 = arith.mulf %parallel_loop3A_93, %parallel_loop3A_447 : vector<16xf32>
        %parallel_loop3A_453 = arith.mulf %parallel_loop3A_90, %parallel_loop3A_451 : vector<16xf32>
        %parallel_loop3A_454 = arith.addf %parallel_loop3A_452, %parallel_loop3A_453 : vector<16xf32>
        %parallel_loop3A_455 = arith.index_cast %parallel_loop3A_83 : i32 to index
        %parallel_loop3A_456 = arith.constant 400 : index
        %parallel_loop3A_457 = tpu.vector_load %arg10[%parallel_loop3A_455, %parallel_loop3A_456] {strides = array<i32>} : memref<16x512xf32, #tpu.memory_space<vmem>>, vector<16xf32>,
        tpu.vector_store %arg10[%parallel_loop3A_455, %parallel_loop3A_456], %parallel_loop3A_454 {strides = array<i32>} : memref<16x512xf32, #tpu.memory_space<vmem>>, vector<16xf32>,
        %parallel_loop3A_458 = arith.constant 416 : i32
        %parallel_loop3A_459 = vector.broadcast %parallel_loop3A_458 : i32 to vector<16xi32>
        %parallel_loop3A_460 = arith.addi %parallel_loop3A_87, %parallel_loop3A_459 : vector<16xi32>
        %parallel_loop3A_461 = tpu.vector_load_idx %arg6[%parallel_loop3A_460] : memref<8192xf32, #tpu.memory_space<vmem>>[vector<16xi32>], vector<16xf32>,
        %parallel_loop3A_462 = arith.constant 416 : i32
        %parallel_loop3A_463 = vector.broadcast %parallel_loop3A_462 : i32 to vector<16xi32>
        %parallel_loop3A_464 = arith.addi %parallel_loop3A_89, %parallel_loop3A_463 : vector<16xi32>
        %parallel_loop3A_465 = tpu.vector_load_idx %arg6[%parallel_loop3A_464] : memref<8192xf32, #tpu.memory_space<vmem>>[vector<16xi32>], vector<16xf32>,
        %parallel_loop3A_466 = arith.mulf %parallel_loop3A_93, %parallel_loop3A_461 : vector<16xf32>
        %parallel_loop3A_467 = arith.mulf %parallel_loop3A_90, %parallel_loop3A_465 : vector<16xf32>
        %parallel_loop3A_468 = arith.addf %parallel_loop3A_466, %parallel_loop3A_467 : vector<16xf32>
        %parallel_loop3A_469 = arith.index_cast %parallel_loop3A_83 : i32 to index
        %parallel_loop3A_470 = arith.constant 416 : index
        %parallel_loop3A_471 = tpu.vector_load %arg10[%parallel_loop3A_469, %parallel_loop3A_470] {strides = array<i32>} : memref<16x512xf32, #tpu.memory_space<vmem>>, vector<16xf32>,
        tpu.vector_store %arg10[%parallel_loop3A_469, %parallel_loop3A_470], %parallel_loop3A_468 {strides = array<i32>} : memref<16x512xf32, #tpu.memory_space<vmem>>, vector<16xf32>,
        %parallel_loop3A_472 = arith.constant 432 : i32
        %parallel_loop3A_473 = vector.broadcast %parallel_loop3A_472 : i32 to vector<16xi32>
        %parallel_loop3A_474 = arith.addi %parallel_loop3A_87, %parallel_loop3A_473 : vector<16xi32>
        %parallel_loop3A_475 = tpu.vector_load_idx %arg6[%parallel_loop3A_474] : memref<8192xf32, #tpu.memory_space<vmem>>[vector<16xi32>], vector<16xf32>,
        %parallel_loop3A_476 = arith.constant 432 : i32
        %parallel_loop3A_477 = vector.broadcast %parallel_loop3A_476 : i32 to vector<16xi32>
        %parallel_loop3A_478 = arith.addi %parallel_loop3A_89, %parallel_loop3A_477 : vector<16xi32>
        %parallel_loop3A_479 = tpu.vector_load_idx %arg6[%parallel_loop3A_478] : memref<8192xf32, #tpu.memory_space<vmem>>[vector<16xi32>], vector<16xf32>,
        %parallel_loop3A_480 = arith.mulf %parallel_loop3A_93, %parallel_loop3A_475 : vector<16xf32>
        %parallel_loop3A_481 = arith.mulf %parallel_loop3A_90, %parallel_loop3A_479 : vector<16xf32>
        %parallel_loop3A_482 = arith.addf %parallel_loop3A_480, %parallel_loop3A_481 : vector<16xf32>
        %parallel_loop3A_483 = arith.index_cast %parallel_loop3A_83 : i32 to index
        %parallel_loop3A_484 = arith.constant 432 : index
        %parallel_loop3A_485 = tpu.vector_load %arg10[%parallel_loop3A_483, %parallel_loop3A_484] {strides = array<i32>} : memref<16x512xf32, #tpu.memory_space<vmem>>, vector<16xf32>,
        tpu.vector_store %arg10[%parallel_loop3A_483, %parallel_loop3A_484], %parallel_loop3A_482 {strides = array<i32>} : memref<16x512xf32, #tpu.memory_space<vmem>>, vector<16xf32>,
        %parallel_loop3A_486 = arith.constant 448 : i32
        %parallel_loop3A_487 = vector.broadcast %parallel_loop3A_486 : i32 to vector<16xi32>
        %parallel_loop3A_488 = arith.addi %parallel_loop3A_87, %parallel_loop3A_487 : vector<16xi32>
        %parallel_loop3A_489 = tpu.vector_load_idx %arg6[%parallel_loop3A_488] : memref<8192xf32, #tpu.memory_space<vmem>>[vector<16xi32>], vector<16xf32>,
        %parallel_loop3A_490 = arith.constant 448 : i32
        %parallel_loop3A_491 = vector.broadcast %parallel_loop3A_490 : i32 to vector<16xi32>
        %parallel_loop3A_492 = arith.addi %parallel_loop3A_89, %parallel_loop3A_491 : vector<16xi32>
        %parallel_loop3A_493 = tpu.vector_load_idx %arg6[%parallel_loop3A_492] : memref<8192xf32, #tpu.memory_space<vmem>>[vector<16xi32>], vector<16xf32>,
        %parallel_loop3A_494 = arith.mulf %parallel_loop3A_93, %parallel_loop3A_489 : vector<16xf32>
        %parallel_loop3A_495 = arith.mulf %parallel_loop3A_90, %parallel_loop3A_493 : vector<16xf32>
        %parallel_loop3A_496 = arith.addf %parallel_loop3A_494, %parallel_loop3A_495 : vector<16xf32>
        %parallel_loop3A_497 = arith.index_cast %parallel_loop3A_83 : i32 to index
        %parallel_loop3A_498 = arith.constant 448 : index
        %parallel_loop3A_499 = tpu.vector_load %arg10[%parallel_loop3A_497, %parallel_loop3A_498] {strides = array<i32>} : memref<16x512xf32, #tpu.memory_space<vmem>>, vector<16xf32>,
        tpu.vector_store %arg10[%parallel_loop3A_497, %parallel_loop3A_498], %parallel_loop3A_496 {strides = array<i32>} : memref<16x512xf32, #tpu.memory_space<vmem>>, vector<16xf32>,
        %parallel_loop3A_500 = arith.constant 464 : i32
        %parallel_loop3A_501 = vector.broadcast %parallel_loop3A_500 : i32 to vector<16xi32>
        %parallel_loop3A_502 = arith.addi %parallel_loop3A_87, %parallel_loop3A_501 : vector<16xi32>
        %parallel_loop3A_503 = tpu.vector_load_idx %arg6[%parallel_loop3A_502] : memref<8192xf32, #tpu.memory_space<vmem>>[vector<16xi32>], vector<16xf32>,
        %parallel_loop3A_504 = arith.constant 464 : i32
        %parallel_loop3A_505 = vector.broadcast %parallel_loop3A_504 : i32 to vector<16xi32>
        %parallel_loop3A_506 = arith.addi %parallel_loop3A_89, %parallel_loop3A_505 : vector<16xi32>
        %parallel_loop3A_507 = tpu.vector_load_idx %arg6[%parallel_loop3A_506] : memref<8192xf32, #tpu.memory_space<vmem>>[vector<16xi32>], vector<16xf32>,
        %parallel_loop3A_508 = arith.mulf %parallel_loop3A_93, %parallel_loop3A_503 : vector<16xf32>
        %parallel_loop3A_509 = arith.mulf %parallel_loop3A_90, %parallel_loop3A_507 : vector<16xf32>
        %parallel_loop3A_510 = arith.addf %parallel_loop3A_508, %parallel_loop3A_509 : vector<16xf32>
        %parallel_loop3A_511 = arith.index_cast %parallel_loop3A_83 : i32 to index
        %parallel_loop3A_512 = arith.constant 464 : index
        %parallel_loop3A_513 = tpu.vector_load %arg10[%parallel_loop3A_511, %parallel_loop3A_512] {strides = array<i32>} : memref<16x512xf32, #tpu.memory_space<vmem>>, vector<16xf32>,
        tpu.vector_store %arg10[%parallel_loop3A_511, %parallel_loop3A_512], %parallel_loop3A_510 {strides = array<i32>} : memref<16x512xf32, #tpu.memory_space<vmem>>, vector<16xf32>,
        %parallel_loop3A_514 = arith.constant 480 : i32
        %parallel_loop3A_515 = vector.broadcast %parallel_loop3A_514 : i32 to vector<16xi32>
        %parallel_loop3A_516 = arith.addi %parallel_loop3A_87, %parallel_loop3A_515 : vector<16xi32>
        %parallel_loop3A_517 = tpu.vector_load_idx %arg6[%parallel_loop3A_516] : memref<8192xf32, #tpu.memory_space<vmem>>[vector<16xi32>], vector<16xf32>,
        %parallel_loop3A_518 = arith.constant 480 : i32
        %parallel_loop3A_519 = vector.broadcast %parallel_loop3A_518 : i32 to vector<16xi32>
        %parallel_loop3A_520 = arith.addi %parallel_loop3A_89, %parallel_loop3A_519 : vector<16xi32>
        %parallel_loop3A_521 = tpu.vector_load_idx %arg6[%parallel_loop3A_520] : memref<8192xf32, #tpu.memory_space<vmem>>[vector<16xi32>], vector<16xf32>,
        %parallel_loop3A_522 = arith.mulf %parallel_loop3A_93, %parallel_loop3A_517 : vector<16xf32>
        %parallel_loop3A_523 = arith.mulf %parallel_loop3A_90, %parallel_loop3A_521 : vector<16xf32>
        %parallel_loop3A_524 = arith.addf %parallel_loop3A_522, %parallel_loop3A_523 : vector<16xf32>
        %parallel_loop3A_525 = arith.index_cast %parallel_loop3A_83 : i32 to index
        %parallel_loop3A_526 = arith.constant 480 : index
        %parallel_loop3A_527 = tpu.vector_load %arg10[%parallel_loop3A_525, %parallel_loop3A_526] {strides = array<i32>} : memref<16x512xf32, #tpu.memory_space<vmem>>, vector<16xf32>,
        tpu.vector_store %arg10[%parallel_loop3A_525, %parallel_loop3A_526], %parallel_loop3A_524 {strides = array<i32>} : memref<16x512xf32, #tpu.memory_space<vmem>>, vector<16xf32>,
        %parallel_loop3A_528 = arith.constant 496 : i32
        %parallel_loop3A_529 = vector.broadcast %parallel_loop3A_528 : i32 to vector<16xi32>
        %parallel_loop3A_530 = arith.addi %parallel_loop3A_87, %parallel_loop3A_529 : vector<16xi32>
        %parallel_loop3A_531 = tpu.vector_load_idx %arg6[%parallel_loop3A_530] : memref<8192xf32, #tpu.memory_space<vmem>>[vector<16xi32>], vector<16xf32>,
        %parallel_loop3A_532 = arith.constant 496 : i32
        %parallel_loop3A_533 = vector.broadcast %parallel_loop3A_532 : i32 to vector<16xi32>
        %parallel_loop3A_534 = arith.addi %parallel_loop3A_89, %parallel_loop3A_533 : vector<16xi32>
        %parallel_loop3A_535 = tpu.vector_load_idx %arg6[%parallel_loop3A_534] : memref<8192xf32, #tpu.memory_space<vmem>>[vector<16xi32>], vector<16xf32>,
        %parallel_loop3A_536 = arith.mulf %parallel_loop3A_93, %parallel_loop3A_531 : vector<16xf32>
        %parallel_loop3A_537 = arith.mulf %parallel_loop3A_90, %parallel_loop3A_535 : vector<16xf32>
        %parallel_loop3A_538 = arith.addf %parallel_loop3A_536, %parallel_loop3A_537 : vector<16xf32>
        %parallel_loop3A_539 = arith.index_cast %parallel_loop3A_83 : i32 to index
        %parallel_loop3A_540 = arith.constant 496 : index
        %parallel_loop3A_541 = tpu.vector_load %arg10[%parallel_loop3A_539, %parallel_loop3A_540] {strides = array<i32>} : memref<16x512xf32, #tpu.memory_space<vmem>>, vector<16xf32>,
        tpu.vector_store %arg10[%parallel_loop3A_539, %parallel_loop3A_540], %parallel_loop3A_538 {strides = array<i32>} : memref<16x512xf32, #tpu.memory_space<vmem>>, vector<16xf32>,
      } {sc.loop_unroll_factor = 4 : i64, sc.parallel_access}
      %mul3A_53 = arith.constant 16 : i32
      %mul3A_54 = arith.muli %mul3A_40, %mul3A_53 : i32
      %add3A_55 = arith.addi %mul3A_2, %mul3A_54 : i32
      %dma_start3A_56 = arith.constant 0 : i32
      %dma_start3A_57 = tpu.memref_slice %arg4[%add3A_55, %dma_start3A_56] : memref<16384x512xf32, #tpu.memory_space<hbm>> -> memref<16x512xf32, #tpu.memory_space<hbm>>
      %dma_start3A_58 = arith.constant 0 : i32
      %dma_start3A_59 = tpu.memref_slice %arg4[%add3A_55, %dma_start3A_58] : memref<16384x512xf32, #tpu.memory_space<hbm>> -> memref<16x512xf32, #tpu.memory_space<hbm>>
      tpu.enqueue_dma source(%arg10 : memref<16x512xf32, #tpu.memory_space<vmem>>) target(%dma_start3A_59 : memref<16x512xf32, #tpu.memory_space<hbm>>) target_semaphore(%arg12 : memref<!tpu.dma_semaphore, #tpu.memory_space<semaphore_mem>>)
      %mul3A_60 = arith.constant 2 : i32
      %mul3A_61 = arith.muli %mul3A_60, %scan3A_38 : i32
      %add3A_62 = arith.constant 1 : i32
      %add3A_63 = arith.addi %mul3A_61, %add3A_62 : i32
      %mul3A_64 = arith.constant 16 : i32
      %mul3A_65 = arith.muli %add3A_63, %mul3A_64 : i32
      %add3A_66 = arith.addi %mul3A_2, %mul3A_65 : i32
      %dma_wait3A_67 = arith.constant 0 : i32
      %dma_wait3A_68 = tpu.memref_slice %arg4[%add3A_66, %dma_wait3A_67] : memref<16384x512xf32, #tpu.memory_space<hbm>> -> memref<16x512xf32, #tpu.memory_space<hbm>>
      %dma_wait3A_69 = arith.constant 0 : i32
      %dma_wait3A_70 = tpu.memref_slice %arg4[%add3A_66, %dma_wait3A_69] : memref<16384x512xf32, #tpu.memory_space<hbm>> -> memref<16x512xf32, #tpu.memory_space<hbm>>
      tpu.wait_dma2 semaphore(%arg13 : memref<!tpu.dma_semaphore, #tpu.memory_space<semaphore_mem>>) src(%arg11 : memref<16x512xf32, #tpu.memory_space<vmem>>) dst(%dma_wait3A_70 : memref<16x512xf32, #tpu.memory_space<hbm>>)
      %mul3A_71 = arith.constant 16 : i32
      %mul3A_72 = arith.muli %add3A_63, %mul3A_71 : i32
      %parallel_loop3A_73 = arith.constant 0 : i32
      %parallel_loop3A_74 = arith.constant 16 : i32
      %parallel_loop3A_75 = arith.constant 1 : i32
      scf.for %parallel_loop3A_83 = %parallel_loop3A_73 to %parallel_loop3A_74 step %parallel_loop3A_75  : i32 {
        %parallel_loop3A_84 = arith.addi %mul3A_72, %parallel_loop3A_83 : i32
        %parallel_loop3A_85 = vector.broadcast %parallel_loop3A_84 : i32 to vector<16xi32>
        %parallel_loop3A_86 = tpu.vector_load_idx %arg7[%parallel_loop3A_85] : memref<528xi32, #tpu.memory_space<vmem>>[vector<16xi32>], vector<16xi32>,
        %parallel_loop3A_87 = arith.addi %parallel_loop3A_86, %iota3A : vector<16xi32>
        %parallel_loop3A_88 = tpu.vector_load_idx %arg8[%parallel_loop3A_85] : memref<528xi32, #tpu.memory_space<vmem>>[vector<16xi32>], vector<16xi32>,
        %parallel_loop3A_89 = arith.addi %parallel_loop3A_88, %iota3A : vector<16xi32>
        %parallel_loop3A_90 = tpu.vector_load_idx %arg9[%parallel_loop3A_85] : memref<528xf32, #tpu.memory_space<vmem>>[vector<16xi32>], vector<16xf32>,
        %parallel_loop3A_91 = arith.constant 1.000000e+00 : f32
        %parallel_loop3A_92 = vector.broadcast %parallel_loop3A_91 : f32 to vector<16xf32>
        %parallel_loop3A_93 = arith.subf %parallel_loop3A_92, %parallel_loop3A_90 : vector<16xf32>
        %parallel_loop3A_94 = arith.constant 0 : i32
        %parallel_loop3A_95 = vector.broadcast %parallel_loop3A_94 : i32 to vector<16xi32>
        %parallel_loop3A_96 = arith.addi %parallel_loop3A_87, %parallel_loop3A_95 : vector<16xi32>
        %parallel_loop3A_97 = tpu.vector_load_idx %arg6[%parallel_loop3A_96] : memref<8192xf32, #tpu.memory_space<vmem>>[vector<16xi32>], vector<16xf32>,
        %parallel_loop3A_98 = arith.constant 0 : i32
        %parallel_loop3A_99 = vector.broadcast %parallel_loop3A_98 : i32 to vector<16xi32>
        %parallel_loop3A_100 = arith.addi %parallel_loop3A_89, %parallel_loop3A_99 : vector<16xi32>
        %parallel_loop3A_101 = tpu.vector_load_idx %arg6[%parallel_loop3A_100] : memref<8192xf32, #tpu.memory_space<vmem>>[vector<16xi32>], vector<16xf32>,
        %parallel_loop3A_102 = arith.mulf %parallel_loop3A_93, %parallel_loop3A_97 : vector<16xf32>
        %parallel_loop3A_103 = arith.mulf %parallel_loop3A_90, %parallel_loop3A_101 : vector<16xf32>
        %parallel_loop3A_104 = arith.addf %parallel_loop3A_102, %parallel_loop3A_103 : vector<16xf32>
        %parallel_loop3A_105 = arith.index_cast %parallel_loop3A_83 : i32 to index
        %parallel_loop3A_106 = arith.constant 0 : index
        %parallel_loop3A_107 = tpu.vector_load %arg11[%parallel_loop3A_105, %parallel_loop3A_106] {strides = array<i32>} : memref<16x512xf32, #tpu.memory_space<vmem>>, vector<16xf32>,
        tpu.vector_store %arg11[%parallel_loop3A_105, %parallel_loop3A_106], %parallel_loop3A_104 {strides = array<i32>} : memref<16x512xf32, #tpu.memory_space<vmem>>, vector<16xf32>,
        %parallel_loop3A_108 = arith.constant 16 : i32
        %parallel_loop3A_109 = vector.broadcast %parallel_loop3A_108 : i32 to vector<16xi32>
        %parallel_loop3A_110 = arith.addi %parallel_loop3A_87, %parallel_loop3A_109 : vector<16xi32>
        %parallel_loop3A_111 = tpu.vector_load_idx %arg6[%parallel_loop3A_110] : memref<8192xf32, #tpu.memory_space<vmem>>[vector<16xi32>], vector<16xf32>,
        %parallel_loop3A_112 = arith.constant 16 : i32
        %parallel_loop3A_113 = vector.broadcast %parallel_loop3A_112 : i32 to vector<16xi32>
        %parallel_loop3A_114 = arith.addi %parallel_loop3A_89, %parallel_loop3A_113 : vector<16xi32>
        %parallel_loop3A_115 = tpu.vector_load_idx %arg6[%parallel_loop3A_114] : memref<8192xf32, #tpu.memory_space<vmem>>[vector<16xi32>], vector<16xf32>,
        %parallel_loop3A_116 = arith.mulf %parallel_loop3A_93, %parallel_loop3A_111 : vector<16xf32>
        %parallel_loop3A_117 = arith.mulf %parallel_loop3A_90, %parallel_loop3A_115 : vector<16xf32>
        %parallel_loop3A_118 = arith.addf %parallel_loop3A_116, %parallel_loop3A_117 : vector<16xf32>
        %parallel_loop3A_119 = arith.index_cast %parallel_loop3A_83 : i32 to index
        %parallel_loop3A_120 = arith.constant 16 : index
        %parallel_loop3A_121 = tpu.vector_load %arg11[%parallel_loop3A_119, %parallel_loop3A_120] {strides = array<i32>} : memref<16x512xf32, #tpu.memory_space<vmem>>, vector<16xf32>,
        tpu.vector_store %arg11[%parallel_loop3A_119, %parallel_loop3A_120], %parallel_loop3A_118 {strides = array<i32>} : memref<16x512xf32, #tpu.memory_space<vmem>>, vector<16xf32>,
        %parallel_loop3A_122 = arith.constant 32 : i32
        %parallel_loop3A_123 = vector.broadcast %parallel_loop3A_122 : i32 to vector<16xi32>
        %parallel_loop3A_124 = arith.addi %parallel_loop3A_87, %parallel_loop3A_123 : vector<16xi32>
        %parallel_loop3A_125 = tpu.vector_load_idx %arg6[%parallel_loop3A_124] : memref<8192xf32, #tpu.memory_space<vmem>>[vector<16xi32>], vector<16xf32>,
        %parallel_loop3A_126 = arith.constant 32 : i32
        %parallel_loop3A_127 = vector.broadcast %parallel_loop3A_126 : i32 to vector<16xi32>
        %parallel_loop3A_128 = arith.addi %parallel_loop3A_89, %parallel_loop3A_127 : vector<16xi32>
        %parallel_loop3A_129 = tpu.vector_load_idx %arg6[%parallel_loop3A_128] : memref<8192xf32, #tpu.memory_space<vmem>>[vector<16xi32>], vector<16xf32>,
        %parallel_loop3A_130 = arith.mulf %parallel_loop3A_93, %parallel_loop3A_125 : vector<16xf32>
        %parallel_loop3A_131 = arith.mulf %parallel_loop3A_90, %parallel_loop3A_129 : vector<16xf32>
        %parallel_loop3A_132 = arith.addf %parallel_loop3A_130, %parallel_loop3A_131 : vector<16xf32>
        %parallel_loop3A_133 = arith.index_cast %parallel_loop3A_83 : i32 to index
        %parallel_loop3A_134 = arith.constant 32 : index
        %parallel_loop3A_135 = tpu.vector_load %arg11[%parallel_loop3A_133, %parallel_loop3A_134] {strides = array<i32>} : memref<16x512xf32, #tpu.memory_space<vmem>>, vector<16xf32>,
        tpu.vector_store %arg11[%parallel_loop3A_133, %parallel_loop3A_134], %parallel_loop3A_132 {strides = array<i32>} : memref<16x512xf32, #tpu.memory_space<vmem>>, vector<16xf32>,
        %parallel_loop3A_136 = arith.constant 48 : i32
        %parallel_loop3A_137 = vector.broadcast %parallel_loop3A_136 : i32 to vector<16xi32>
        %parallel_loop3A_138 = arith.addi %parallel_loop3A_87, %parallel_loop3A_137 : vector<16xi32>
        %parallel_loop3A_139 = tpu.vector_load_idx %arg6[%parallel_loop3A_138] : memref<8192xf32, #tpu.memory_space<vmem>>[vector<16xi32>], vector<16xf32>,
        %parallel_loop3A_140 = arith.constant 48 : i32
        %parallel_loop3A_141 = vector.broadcast %parallel_loop3A_140 : i32 to vector<16xi32>
        %parallel_loop3A_142 = arith.addi %parallel_loop3A_89, %parallel_loop3A_141 : vector<16xi32>
        %parallel_loop3A_143 = tpu.vector_load_idx %arg6[%parallel_loop3A_142] : memref<8192xf32, #tpu.memory_space<vmem>>[vector<16xi32>], vector<16xf32>,
        %parallel_loop3A_144 = arith.mulf %parallel_loop3A_93, %parallel_loop3A_139 : vector<16xf32>
        %parallel_loop3A_145 = arith.mulf %parallel_loop3A_90, %parallel_loop3A_143 : vector<16xf32>
        %parallel_loop3A_146 = arith.addf %parallel_loop3A_144, %parallel_loop3A_145 : vector<16xf32>
        %parallel_loop3A_147 = arith.index_cast %parallel_loop3A_83 : i32 to index
        %parallel_loop3A_148 = arith.constant 48 : index
        %parallel_loop3A_149 = tpu.vector_load %arg11[%parallel_loop3A_147, %parallel_loop3A_148] {strides = array<i32>} : memref<16x512xf32, #tpu.memory_space<vmem>>, vector<16xf32>,
        tpu.vector_store %arg11[%parallel_loop3A_147, %parallel_loop3A_148], %parallel_loop3A_146 {strides = array<i32>} : memref<16x512xf32, #tpu.memory_space<vmem>>, vector<16xf32>,
        %parallel_loop3A_150 = arith.constant 64 : i32
        %parallel_loop3A_151 = vector.broadcast %parallel_loop3A_150 : i32 to vector<16xi32>
        %parallel_loop3A_152 = arith.addi %parallel_loop3A_87, %parallel_loop3A_151 : vector<16xi32>
        %parallel_loop3A_153 = tpu.vector_load_idx %arg6[%parallel_loop3A_152] : memref<8192xf32, #tpu.memory_space<vmem>>[vector<16xi32>], vector<16xf32>,
        %parallel_loop3A_154 = arith.constant 64 : i32
        %parallel_loop3A_155 = vector.broadcast %parallel_loop3A_154 : i32 to vector<16xi32>
        %parallel_loop3A_156 = arith.addi %parallel_loop3A_89, %parallel_loop3A_155 : vector<16xi32>
        %parallel_loop3A_157 = tpu.vector_load_idx %arg6[%parallel_loop3A_156] : memref<8192xf32, #tpu.memory_space<vmem>>[vector<16xi32>], vector<16xf32>,
        %parallel_loop3A_158 = arith.mulf %parallel_loop3A_93, %parallel_loop3A_153 : vector<16xf32>
        %parallel_loop3A_159 = arith.mulf %parallel_loop3A_90, %parallel_loop3A_157 : vector<16xf32>
        %parallel_loop3A_160 = arith.addf %parallel_loop3A_158, %parallel_loop3A_159 : vector<16xf32>
        %parallel_loop3A_161 = arith.index_cast %parallel_loop3A_83 : i32 to index
        %parallel_loop3A_162 = arith.constant 64 : index
        %parallel_loop3A_163 = tpu.vector_load %arg11[%parallel_loop3A_161, %parallel_loop3A_162] {strides = array<i32>} : memref<16x512xf32, #tpu.memory_space<vmem>>, vector<16xf32>,
        tpu.vector_store %arg11[%parallel_loop3A_161, %parallel_loop3A_162], %parallel_loop3A_160 {strides = array<i32>} : memref<16x512xf32, #tpu.memory_space<vmem>>, vector<16xf32>,
        %parallel_loop3A_164 = arith.constant 80 : i32
        %parallel_loop3A_165 = vector.broadcast %parallel_loop3A_164 : i32 to vector<16xi32>
        %parallel_loop3A_166 = arith.addi %parallel_loop3A_87, %parallel_loop3A_165 : vector<16xi32>
        %parallel_loop3A_167 = tpu.vector_load_idx %arg6[%parallel_loop3A_166] : memref<8192xf32, #tpu.memory_space<vmem>>[vector<16xi32>], vector<16xf32>,
        %parallel_loop3A_168 = arith.constant 80 : i32
        %parallel_loop3A_169 = vector.broadcast %parallel_loop3A_168 : i32 to vector<16xi32>
        %parallel_loop3A_170 = arith.addi %parallel_loop3A_89, %parallel_loop3A_169 : vector<16xi32>
        %parallel_loop3A_171 = tpu.vector_load_idx %arg6[%parallel_loop3A_170] : memref<8192xf32, #tpu.memory_space<vmem>>[vector<16xi32>], vector<16xf32>,
        %parallel_loop3A_172 = arith.mulf %parallel_loop3A_93, %parallel_loop3A_167 : vector<16xf32>
        %parallel_loop3A_173 = arith.mulf %parallel_loop3A_90, %parallel_loop3A_171 : vector<16xf32>
        %parallel_loop3A_174 = arith.addf %parallel_loop3A_172, %parallel_loop3A_173 : vector<16xf32>
        %parallel_loop3A_175 = arith.index_cast %parallel_loop3A_83 : i32 to index
        %parallel_loop3A_176 = arith.constant 80 : index
        %parallel_loop3A_177 = tpu.vector_load %arg11[%parallel_loop3A_175, %parallel_loop3A_176] {strides = array<i32>} : memref<16x512xf32, #tpu.memory_space<vmem>>, vector<16xf32>,
        tpu.vector_store %arg11[%parallel_loop3A_175, %parallel_loop3A_176], %parallel_loop3A_174 {strides = array<i32>} : memref<16x512xf32, #tpu.memory_space<vmem>>, vector<16xf32>,
        %parallel_loop3A_178 = arith.constant 96 : i32
        %parallel_loop3A_179 = vector.broadcast %parallel_loop3A_178 : i32 to vector<16xi32>
        %parallel_loop3A_180 = arith.addi %parallel_loop3A_87, %parallel_loop3A_179 : vector<16xi32>
        %parallel_loop3A_181 = tpu.vector_load_idx %arg6[%parallel_loop3A_180] : memref<8192xf32, #tpu.memory_space<vmem>>[vector<16xi32>], vector<16xf32>,
        %parallel_loop3A_182 = arith.constant 96 : i32
        %parallel_loop3A_183 = vector.broadcast %parallel_loop3A_182 : i32 to vector<16xi32>
        %parallel_loop3A_184 = arith.addi %parallel_loop3A_89, %parallel_loop3A_183 : vector<16xi32>
        %parallel_loop3A_185 = tpu.vector_load_idx %arg6[%parallel_loop3A_184] : memref<8192xf32, #tpu.memory_space<vmem>>[vector<16xi32>], vector<16xf32>,
        %parallel_loop3A_186 = arith.mulf %parallel_loop3A_93, %parallel_loop3A_181 : vector<16xf32>
        %parallel_loop3A_187 = arith.mulf %parallel_loop3A_90, %parallel_loop3A_185 : vector<16xf32>
        %parallel_loop3A_188 = arith.addf %parallel_loop3A_186, %parallel_loop3A_187 : vector<16xf32>
        %parallel_loop3A_189 = arith.index_cast %parallel_loop3A_83 : i32 to index
        %parallel_loop3A_190 = arith.constant 96 : index
        %parallel_loop3A_191 = tpu.vector_load %arg11[%parallel_loop3A_189, %parallel_loop3A_190] {strides = array<i32>} : memref<16x512xf32, #tpu.memory_space<vmem>>, vector<16xf32>,
        tpu.vector_store %arg11[%parallel_loop3A_189, %parallel_loop3A_190], %parallel_loop3A_188 {strides = array<i32>} : memref<16x512xf32, #tpu.memory_space<vmem>>, vector<16xf32>,
        %parallel_loop3A_192 = arith.constant 112 : i32
        %parallel_loop3A_193 = vector.broadcast %parallel_loop3A_192 : i32 to vector<16xi32>
        %parallel_loop3A_194 = arith.addi %parallel_loop3A_87, %parallel_loop3A_193 : vector<16xi32>
        %parallel_loop3A_195 = tpu.vector_load_idx %arg6[%parallel_loop3A_194] : memref<8192xf32, #tpu.memory_space<vmem>>[vector<16xi32>], vector<16xf32>,
        %parallel_loop3A_196 = arith.constant 112 : i32
        %parallel_loop3A_197 = vector.broadcast %parallel_loop3A_196 : i32 to vector<16xi32>
        %parallel_loop3A_198 = arith.addi %parallel_loop3A_89, %parallel_loop3A_197 : vector<16xi32>
        %parallel_loop3A_199 = tpu.vector_load_idx %arg6[%parallel_loop3A_198] : memref<8192xf32, #tpu.memory_space<vmem>>[vector<16xi32>], vector<16xf32>,
        %parallel_loop3A_200 = arith.mulf %parallel_loop3A_93, %parallel_loop3A_195 : vector<16xf32>
        %parallel_loop3A_201 = arith.mulf %parallel_loop3A_90, %parallel_loop3A_199 : vector<16xf32>
        %parallel_loop3A_202 = arith.addf %parallel_loop3A_200, %parallel_loop3A_201 : vector<16xf32>
        %parallel_loop3A_203 = arith.index_cast %parallel_loop3A_83 : i32 to index
        %parallel_loop3A_204 = arith.constant 112 : index
        %parallel_loop3A_205 = tpu.vector_load %arg11[%parallel_loop3A_203, %parallel_loop3A_204] {strides = array<i32>} : memref<16x512xf32, #tpu.memory_space<vmem>>, vector<16xf32>,
        tpu.vector_store %arg11[%parallel_loop3A_203, %parallel_loop3A_204], %parallel_loop3A_202 {strides = array<i32>} : memref<16x512xf32, #tpu.memory_space<vmem>>, vector<16xf32>,
        %parallel_loop3A_206 = arith.constant 128 : i32
        %parallel_loop3A_207 = vector.broadcast %parallel_loop3A_206 : i32 to vector<16xi32>
        %parallel_loop3A_208 = arith.addi %parallel_loop3A_87, %parallel_loop3A_207 : vector<16xi32>
        %parallel_loop3A_209 = tpu.vector_load_idx %arg6[%parallel_loop3A_208] : memref<8192xf32, #tpu.memory_space<vmem>>[vector<16xi32>], vector<16xf32>,
        %parallel_loop3A_210 = arith.constant 128 : i32
        %parallel_loop3A_211 = vector.broadcast %parallel_loop3A_210 : i32 to vector<16xi32>
        %parallel_loop3A_212 = arith.addi %parallel_loop3A_89, %parallel_loop3A_211 : vector<16xi32>
        %parallel_loop3A_213 = tpu.vector_load_idx %arg6[%parallel_loop3A_212] : memref<8192xf32, #tpu.memory_space<vmem>>[vector<16xi32>], vector<16xf32>,
        %parallel_loop3A_214 = arith.mulf %parallel_loop3A_93, %parallel_loop3A_209 : vector<16xf32>
        %parallel_loop3A_215 = arith.mulf %parallel_loop3A_90, %parallel_loop3A_213 : vector<16xf32>
        %parallel_loop3A_216 = arith.addf %parallel_loop3A_214, %parallel_loop3A_215 : vector<16xf32>
        %parallel_loop3A_217 = arith.index_cast %parallel_loop3A_83 : i32 to index
        %parallel_loop3A_218 = arith.constant 128 : index
        %parallel_loop3A_219 = tpu.vector_load %arg11[%parallel_loop3A_217, %parallel_loop3A_218] {strides = array<i32>} : memref<16x512xf32, #tpu.memory_space<vmem>>, vector<16xf32>,
        tpu.vector_store %arg11[%parallel_loop3A_217, %parallel_loop3A_218], %parallel_loop3A_216 {strides = array<i32>} : memref<16x512xf32, #tpu.memory_space<vmem>>, vector<16xf32>,
        %parallel_loop3A_220 = arith.constant 144 : i32
        %parallel_loop3A_221 = vector.broadcast %parallel_loop3A_220 : i32 to vector<16xi32>
        %parallel_loop3A_222 = arith.addi %parallel_loop3A_87, %parallel_loop3A_221 : vector<16xi32>
        %parallel_loop3A_223 = tpu.vector_load_idx %arg6[%parallel_loop3A_222] : memref<8192xf32, #tpu.memory_space<vmem>>[vector<16xi32>], vector<16xf32>,
        %parallel_loop3A_224 = arith.constant 144 : i32
        %parallel_loop3A_225 = vector.broadcast %parallel_loop3A_224 : i32 to vector<16xi32>
        %parallel_loop3A_226 = arith.addi %parallel_loop3A_89, %parallel_loop3A_225 : vector<16xi32>
        %parallel_loop3A_227 = tpu.vector_load_idx %arg6[%parallel_loop3A_226] : memref<8192xf32, #tpu.memory_space<vmem>>[vector<16xi32>], vector<16xf32>,
        %parallel_loop3A_228 = arith.mulf %parallel_loop3A_93, %parallel_loop3A_223 : vector<16xf32>
        %parallel_loop3A_229 = arith.mulf %parallel_loop3A_90, %parallel_loop3A_227 : vector<16xf32>
        %parallel_loop3A_230 = arith.addf %parallel_loop3A_228, %parallel_loop3A_229 : vector<16xf32>
        %parallel_loop3A_231 = arith.index_cast %parallel_loop3A_83 : i32 to index
        %parallel_loop3A_232 = arith.constant 144 : index
        %parallel_loop3A_233 = tpu.vector_load %arg11[%parallel_loop3A_231, %parallel_loop3A_232] {strides = array<i32>} : memref<16x512xf32, #tpu.memory_space<vmem>>, vector<16xf32>,
        tpu.vector_store %arg11[%parallel_loop3A_231, %parallel_loop3A_232], %parallel_loop3A_230 {strides = array<i32>} : memref<16x512xf32, #tpu.memory_space<vmem>>, vector<16xf32>,
        %parallel_loop3A_234 = arith.constant 160 : i32
        %parallel_loop3A_235 = vector.broadcast %parallel_loop3A_234 : i32 to vector<16xi32>
        %parallel_loop3A_236 = arith.addi %parallel_loop3A_87, %parallel_loop3A_235 : vector<16xi32>
        %parallel_loop3A_237 = tpu.vector_load_idx %arg6[%parallel_loop3A_236] : memref<8192xf32, #tpu.memory_space<vmem>>[vector<16xi32>], vector<16xf32>,
        %parallel_loop3A_238 = arith.constant 160 : i32
        %parallel_loop3A_239 = vector.broadcast %parallel_loop3A_238 : i32 to vector<16xi32>
        %parallel_loop3A_240 = arith.addi %parallel_loop3A_89, %parallel_loop3A_239 : vector<16xi32>
        %parallel_loop3A_241 = tpu.vector_load_idx %arg6[%parallel_loop3A_240] : memref<8192xf32, #tpu.memory_space<vmem>>[vector<16xi32>], vector<16xf32>,
        %parallel_loop3A_242 = arith.mulf %parallel_loop3A_93, %parallel_loop3A_237 : vector<16xf32>
        %parallel_loop3A_243 = arith.mulf %parallel_loop3A_90, %parallel_loop3A_241 : vector<16xf32>
        %parallel_loop3A_244 = arith.addf %parallel_loop3A_242, %parallel_loop3A_243 : vector<16xf32>
        %parallel_loop3A_245 = arith.index_cast %parallel_loop3A_83 : i32 to index
        %parallel_loop3A_246 = arith.constant 160 : index
        %parallel_loop3A_247 = tpu.vector_load %arg11[%parallel_loop3A_245, %parallel_loop3A_246] {strides = array<i32>} : memref<16x512xf32, #tpu.memory_space<vmem>>, vector<16xf32>,
        tpu.vector_store %arg11[%parallel_loop3A_245, %parallel_loop3A_246], %parallel_loop3A_244 {strides = array<i32>} : memref<16x512xf32, #tpu.memory_space<vmem>>, vector<16xf32>,
        %parallel_loop3A_248 = arith.constant 176 : i32
        %parallel_loop3A_249 = vector.broadcast %parallel_loop3A_248 : i32 to vector<16xi32>
        %parallel_loop3A_250 = arith.addi %parallel_loop3A_87, %parallel_loop3A_249 : vector<16xi32>
        %parallel_loop3A_251 = tpu.vector_load_idx %arg6[%parallel_loop3A_250] : memref<8192xf32, #tpu.memory_space<vmem>>[vector<16xi32>], vector<16xf32>,
        %parallel_loop3A_252 = arith.constant 176 : i32
        %parallel_loop3A_253 = vector.broadcast %parallel_loop3A_252 : i32 to vector<16xi32>
        %parallel_loop3A_254 = arith.addi %parallel_loop3A_89, %parallel_loop3A_253 : vector<16xi32>
        %parallel_loop3A_255 = tpu.vector_load_idx %arg6[%parallel_loop3A_254] : memref<8192xf32, #tpu.memory_space<vmem>>[vector<16xi32>], vector<16xf32>,
        %parallel_loop3A_256 = arith.mulf %parallel_loop3A_93, %parallel_loop3A_251 : vector<16xf32>
        %parallel_loop3A_257 = arith.mulf %parallel_loop3A_90, %parallel_loop3A_255 : vector<16xf32>
        %parallel_loop3A_258 = arith.addf %parallel_loop3A_256, %parallel_loop3A_257 : vector<16xf32>
        %parallel_loop3A_259 = arith.index_cast %parallel_loop3A_83 : i32 to index
        %parallel_loop3A_260 = arith.constant 176 : index
        %parallel_loop3A_261 = tpu.vector_load %arg11[%parallel_loop3A_259, %parallel_loop3A_260] {strides = array<i32>} : memref<16x512xf32, #tpu.memory_space<vmem>>, vector<16xf32>,
        tpu.vector_store %arg11[%parallel_loop3A_259, %parallel_loop3A_260], %parallel_loop3A_258 {strides = array<i32>} : memref<16x512xf32, #tpu.memory_space<vmem>>, vector<16xf32>,
        %parallel_loop3A_262 = arith.constant 192 : i32
        %parallel_loop3A_263 = vector.broadcast %parallel_loop3A_262 : i32 to vector<16xi32>
        %parallel_loop3A_264 = arith.addi %parallel_loop3A_87, %parallel_loop3A_263 : vector<16xi32>
        %parallel_loop3A_265 = tpu.vector_load_idx %arg6[%parallel_loop3A_264] : memref<8192xf32, #tpu.memory_space<vmem>>[vector<16xi32>], vector<16xf32>,
        %parallel_loop3A_266 = arith.constant 192 : i32
        %parallel_loop3A_267 = vector.broadcast %parallel_loop3A_266 : i32 to vector<16xi32>
        %parallel_loop3A_268 = arith.addi %parallel_loop3A_89, %parallel_loop3A_267 : vector<16xi32>
        %parallel_loop3A_269 = tpu.vector_load_idx %arg6[%parallel_loop3A_268] : memref<8192xf32, #tpu.memory_space<vmem>>[vector<16xi32>], vector<16xf32>,
        %parallel_loop3A_270 = arith.mulf %parallel_loop3A_93, %parallel_loop3A_265 : vector<16xf32>
        %parallel_loop3A_271 = arith.mulf %parallel_loop3A_90, %parallel_loop3A_269 : vector<16xf32>
        %parallel_loop3A_272 = arith.addf %parallel_loop3A_270, %parallel_loop3A_271 : vector<16xf32>
        %parallel_loop3A_273 = arith.index_cast %parallel_loop3A_83 : i32 to index
        %parallel_loop3A_274 = arith.constant 192 : index
        %parallel_loop3A_275 = tpu.vector_load %arg11[%parallel_loop3A_273, %parallel_loop3A_274] {strides = array<i32>} : memref<16x512xf32, #tpu.memory_space<vmem>>, vector<16xf32>,
        tpu.vector_store %arg11[%parallel_loop3A_273, %parallel_loop3A_274], %parallel_loop3A_272 {strides = array<i32>} : memref<16x512xf32, #tpu.memory_space<vmem>>, vector<16xf32>,
        %parallel_loop3A_276 = arith.constant 208 : i32
        %parallel_loop3A_277 = vector.broadcast %parallel_loop3A_276 : i32 to vector<16xi32>
        %parallel_loop3A_278 = arith.addi %parallel_loop3A_87, %parallel_loop3A_277 : vector<16xi32>
        %parallel_loop3A_279 = tpu.vector_load_idx %arg6[%parallel_loop3A_278] : memref<8192xf32, #tpu.memory_space<vmem>>[vector<16xi32>], vector<16xf32>,
        %parallel_loop3A_280 = arith.constant 208 : i32
        %parallel_loop3A_281 = vector.broadcast %parallel_loop3A_280 : i32 to vector<16xi32>
        %parallel_loop3A_282 = arith.addi %parallel_loop3A_89, %parallel_loop3A_281 : vector<16xi32>
        %parallel_loop3A_283 = tpu.vector_load_idx %arg6[%parallel_loop3A_282] : memref<8192xf32, #tpu.memory_space<vmem>>[vector<16xi32>], vector<16xf32>,
        %parallel_loop3A_284 = arith.mulf %parallel_loop3A_93, %parallel_loop3A_279 : vector<16xf32>
        %parallel_loop3A_285 = arith.mulf %parallel_loop3A_90, %parallel_loop3A_283 : vector<16xf32>
        %parallel_loop3A_286 = arith.addf %parallel_loop3A_284, %parallel_loop3A_285 : vector<16xf32>
        %parallel_loop3A_287 = arith.index_cast %parallel_loop3A_83 : i32 to index
        %parallel_loop3A_288 = arith.constant 208 : index
        %parallel_loop3A_289 = tpu.vector_load %arg11[%parallel_loop3A_287, %parallel_loop3A_288] {strides = array<i32>} : memref<16x512xf32, #tpu.memory_space<vmem>>, vector<16xf32>,
        tpu.vector_store %arg11[%parallel_loop3A_287, %parallel_loop3A_288], %parallel_loop3A_286 {strides = array<i32>} : memref<16x512xf32, #tpu.memory_space<vmem>>, vector<16xf32>,
        %parallel_loop3A_290 = arith.constant 224 : i32
        %parallel_loop3A_291 = vector.broadcast %parallel_loop3A_290 : i32 to vector<16xi32>
        %parallel_loop3A_292 = arith.addi %parallel_loop3A_87, %parallel_loop3A_291 : vector<16xi32>
        %parallel_loop3A_293 = tpu.vector_load_idx %arg6[%parallel_loop3A_292] : memref<8192xf32, #tpu.memory_space<vmem>>[vector<16xi32>], vector<16xf32>,
        %parallel_loop3A_294 = arith.constant 224 : i32
        %parallel_loop3A_295 = vector.broadcast %parallel_loop3A_294 : i32 to vector<16xi32>
        %parallel_loop3A_296 = arith.addi %parallel_loop3A_89, %parallel_loop3A_295 : vector<16xi32>
        %parallel_loop3A_297 = tpu.vector_load_idx %arg6[%parallel_loop3A_296] : memref<8192xf32, #tpu.memory_space<vmem>>[vector<16xi32>], vector<16xf32>,
        %parallel_loop3A_298 = arith.mulf %parallel_loop3A_93, %parallel_loop3A_293 : vector<16xf32>
        %parallel_loop3A_299 = arith.mulf %parallel_loop3A_90, %parallel_loop3A_297 : vector<16xf32>
        %parallel_loop3A_300 = arith.addf %parallel_loop3A_298, %parallel_loop3A_299 : vector<16xf32>
        %parallel_loop3A_301 = arith.index_cast %parallel_loop3A_83 : i32 to index
        %parallel_loop3A_302 = arith.constant 224 : index
        %parallel_loop3A_303 = tpu.vector_load %arg11[%parallel_loop3A_301, %parallel_loop3A_302] {strides = array<i32>} : memref<16x512xf32, #tpu.memory_space<vmem>>, vector<16xf32>,
        tpu.vector_store %arg11[%parallel_loop3A_301, %parallel_loop3A_302], %parallel_loop3A_300 {strides = array<i32>} : memref<16x512xf32, #tpu.memory_space<vmem>>, vector<16xf32>,
        %parallel_loop3A_304 = arith.constant 240 : i32
        %parallel_loop3A_305 = vector.broadcast %parallel_loop3A_304 : i32 to vector<16xi32>
        %parallel_loop3A_306 = arith.addi %parallel_loop3A_87, %parallel_loop3A_305 : vector<16xi32>
        %parallel_loop3A_307 = tpu.vector_load_idx %arg6[%parallel_loop3A_306] : memref<8192xf32, #tpu.memory_space<vmem>>[vector<16xi32>], vector<16xf32>,
        %parallel_loop3A_308 = arith.constant 240 : i32
        %parallel_loop3A_309 = vector.broadcast %parallel_loop3A_308 : i32 to vector<16xi32>
        %parallel_loop3A_310 = arith.addi %parallel_loop3A_89, %parallel_loop3A_309 : vector<16xi32>
        %parallel_loop3A_311 = tpu.vector_load_idx %arg6[%parallel_loop3A_310] : memref<8192xf32, #tpu.memory_space<vmem>>[vector<16xi32>], vector<16xf32>,
        %parallel_loop3A_312 = arith.mulf %parallel_loop3A_93, %parallel_loop3A_307 : vector<16xf32>
        %parallel_loop3A_313 = arith.mulf %parallel_loop3A_90, %parallel_loop3A_311 : vector<16xf32>
        %parallel_loop3A_314 = arith.addf %parallel_loop3A_312, %parallel_loop3A_313 : vector<16xf32>
        %parallel_loop3A_315 = arith.index_cast %parallel_loop3A_83 : i32 to index
        %parallel_loop3A_316 = arith.constant 240 : index
        %parallel_loop3A_317 = tpu.vector_load %arg11[%parallel_loop3A_315, %parallel_loop3A_316] {strides = array<i32>} : memref<16x512xf32, #tpu.memory_space<vmem>>, vector<16xf32>,
        tpu.vector_store %arg11[%parallel_loop3A_315, %parallel_loop3A_316], %parallel_loop3A_314 {strides = array<i32>} : memref<16x512xf32, #tpu.memory_space<vmem>>, vector<16xf32>,
        %parallel_loop3A_318 = arith.constant 256 : i32
        %parallel_loop3A_319 = vector.broadcast %parallel_loop3A_318 : i32 to vector<16xi32>
        %parallel_loop3A_320 = arith.addi %parallel_loop3A_87, %parallel_loop3A_319 : vector<16xi32>
        %parallel_loop3A_321 = tpu.vector_load_idx %arg6[%parallel_loop3A_320] : memref<8192xf32, #tpu.memory_space<vmem>>[vector<16xi32>], vector<16xf32>,
        %parallel_loop3A_322 = arith.constant 256 : i32
        %parallel_loop3A_323 = vector.broadcast %parallel_loop3A_322 : i32 to vector<16xi32>
        %parallel_loop3A_324 = arith.addi %parallel_loop3A_89, %parallel_loop3A_323 : vector<16xi32>
        %parallel_loop3A_325 = tpu.vector_load_idx %arg6[%parallel_loop3A_324] : memref<8192xf32, #tpu.memory_space<vmem>>[vector<16xi32>], vector<16xf32>,
        %parallel_loop3A_326 = arith.mulf %parallel_loop3A_93, %parallel_loop3A_321 : vector<16xf32>
        %parallel_loop3A_327 = arith.mulf %parallel_loop3A_90, %parallel_loop3A_325 : vector<16xf32>
        %parallel_loop3A_328 = arith.addf %parallel_loop3A_326, %parallel_loop3A_327 : vector<16xf32>
        %parallel_loop3A_329 = arith.index_cast %parallel_loop3A_83 : i32 to index
        %parallel_loop3A_330 = arith.constant 256 : index
        %parallel_loop3A_331 = tpu.vector_load %arg11[%parallel_loop3A_329, %parallel_loop3A_330] {strides = array<i32>} : memref<16x512xf32, #tpu.memory_space<vmem>>, vector<16xf32>,
        tpu.vector_store %arg11[%parallel_loop3A_329, %parallel_loop3A_330], %parallel_loop3A_328 {strides = array<i32>} : memref<16x512xf32, #tpu.memory_space<vmem>>, vector<16xf32>,
        %parallel_loop3A_332 = arith.constant 272 : i32
        %parallel_loop3A_333 = vector.broadcast %parallel_loop3A_332 : i32 to vector<16xi32>
        %parallel_loop3A_334 = arith.addi %parallel_loop3A_87, %parallel_loop3A_333 : vector<16xi32>
        %parallel_loop3A_335 = tpu.vector_load_idx %arg6[%parallel_loop3A_334] : memref<8192xf32, #tpu.memory_space<vmem>>[vector<16xi32>], vector<16xf32>,
        %parallel_loop3A_336 = arith.constant 272 : i32
        %parallel_loop3A_337 = vector.broadcast %parallel_loop3A_336 : i32 to vector<16xi32>
        %parallel_loop3A_338 = arith.addi %parallel_loop3A_89, %parallel_loop3A_337 : vector<16xi32>
        %parallel_loop3A_339 = tpu.vector_load_idx %arg6[%parallel_loop3A_338] : memref<8192xf32, #tpu.memory_space<vmem>>[vector<16xi32>], vector<16xf32>,
        %parallel_loop3A_340 = arith.mulf %parallel_loop3A_93, %parallel_loop3A_335 : vector<16xf32>
        %parallel_loop3A_341 = arith.mulf %parallel_loop3A_90, %parallel_loop3A_339 : vector<16xf32>
        %parallel_loop3A_342 = arith.addf %parallel_loop3A_340, %parallel_loop3A_341 : vector<16xf32>
        %parallel_loop3A_343 = arith.index_cast %parallel_loop3A_83 : i32 to index
        %parallel_loop3A_344 = arith.constant 272 : index
        %parallel_loop3A_345 = tpu.vector_load %arg11[%parallel_loop3A_343, %parallel_loop3A_344] {strides = array<i32>} : memref<16x512xf32, #tpu.memory_space<vmem>>, vector<16xf32>,
        tpu.vector_store %arg11[%parallel_loop3A_343, %parallel_loop3A_344], %parallel_loop3A_342 {strides = array<i32>} : memref<16x512xf32, #tpu.memory_space<vmem>>, vector<16xf32>,
        %parallel_loop3A_346 = arith.constant 288 : i32
        %parallel_loop3A_347 = vector.broadcast %parallel_loop3A_346 : i32 to vector<16xi32>
        %parallel_loop3A_348 = arith.addi %parallel_loop3A_87, %parallel_loop3A_347 : vector<16xi32>
        %parallel_loop3A_349 = tpu.vector_load_idx %arg6[%parallel_loop3A_348] : memref<8192xf32, #tpu.memory_space<vmem>>[vector<16xi32>], vector<16xf32>,
        %parallel_loop3A_350 = arith.constant 288 : i32
        %parallel_loop3A_351 = vector.broadcast %parallel_loop3A_350 : i32 to vector<16xi32>
        %parallel_loop3A_352 = arith.addi %parallel_loop3A_89, %parallel_loop3A_351 : vector<16xi32>
        %parallel_loop3A_353 = tpu.vector_load_idx %arg6[%parallel_loop3A_352] : memref<8192xf32, #tpu.memory_space<vmem>>[vector<16xi32>], vector<16xf32>,
        %parallel_loop3A_354 = arith.mulf %parallel_loop3A_93, %parallel_loop3A_349 : vector<16xf32>
        %parallel_loop3A_355 = arith.mulf %parallel_loop3A_90, %parallel_loop3A_353 : vector<16xf32>
        %parallel_loop3A_356 = arith.addf %parallel_loop3A_354, %parallel_loop3A_355 : vector<16xf32>
        %parallel_loop3A_357 = arith.index_cast %parallel_loop3A_83 : i32 to index
        %parallel_loop3A_358 = arith.constant 288 : index
        %parallel_loop3A_359 = tpu.vector_load %arg11[%parallel_loop3A_357, %parallel_loop3A_358] {strides = array<i32>} : memref<16x512xf32, #tpu.memory_space<vmem>>, vector<16xf32>,
        tpu.vector_store %arg11[%parallel_loop3A_357, %parallel_loop3A_358], %parallel_loop3A_356 {strides = array<i32>} : memref<16x512xf32, #tpu.memory_space<vmem>>, vector<16xf32>,
        %parallel_loop3A_360 = arith.constant 304 : i32
        %parallel_loop3A_361 = vector.broadcast %parallel_loop3A_360 : i32 to vector<16xi32>
        %parallel_loop3A_362 = arith.addi %parallel_loop3A_87, %parallel_loop3A_361 : vector<16xi32>
        %parallel_loop3A_363 = tpu.vector_load_idx %arg6[%parallel_loop3A_362] : memref<8192xf32, #tpu.memory_space<vmem>>[vector<16xi32>], vector<16xf32>,
        %parallel_loop3A_364 = arith.constant 304 : i32
        %parallel_loop3A_365 = vector.broadcast %parallel_loop3A_364 : i32 to vector<16xi32>
        %parallel_loop3A_366 = arith.addi %parallel_loop3A_89, %parallel_loop3A_365 : vector<16xi32>
        %parallel_loop3A_367 = tpu.vector_load_idx %arg6[%parallel_loop3A_366] : memref<8192xf32, #tpu.memory_space<vmem>>[vector<16xi32>], vector<16xf32>,
        %parallel_loop3A_368 = arith.mulf %parallel_loop3A_93, %parallel_loop3A_363 : vector<16xf32>
        %parallel_loop3A_369 = arith.mulf %parallel_loop3A_90, %parallel_loop3A_367 : vector<16xf32>
        %parallel_loop3A_370 = arith.addf %parallel_loop3A_368, %parallel_loop3A_369 : vector<16xf32>
        %parallel_loop3A_371 = arith.index_cast %parallel_loop3A_83 : i32 to index
        %parallel_loop3A_372 = arith.constant 304 : index
        %parallel_loop3A_373 = tpu.vector_load %arg11[%parallel_loop3A_371, %parallel_loop3A_372] {strides = array<i32>} : memref<16x512xf32, #tpu.memory_space<vmem>>, vector<16xf32>,
        tpu.vector_store %arg11[%parallel_loop3A_371, %parallel_loop3A_372], %parallel_loop3A_370 {strides = array<i32>} : memref<16x512xf32, #tpu.memory_space<vmem>>, vector<16xf32>,
        %parallel_loop3A_374 = arith.constant 320 : i32
        %parallel_loop3A_375 = vector.broadcast %parallel_loop3A_374 : i32 to vector<16xi32>
        %parallel_loop3A_376 = arith.addi %parallel_loop3A_87, %parallel_loop3A_375 : vector<16xi32>
        %parallel_loop3A_377 = tpu.vector_load_idx %arg6[%parallel_loop3A_376] : memref<8192xf32, #tpu.memory_space<vmem>>[vector<16xi32>], vector<16xf32>,
        %parallel_loop3A_378 = arith.constant 320 : i32
        %parallel_loop3A_379 = vector.broadcast %parallel_loop3A_378 : i32 to vector<16xi32>
        %parallel_loop3A_380 = arith.addi %parallel_loop3A_89, %parallel_loop3A_379 : vector<16xi32>
        %parallel_loop3A_381 = tpu.vector_load_idx %arg6[%parallel_loop3A_380] : memref<8192xf32, #tpu.memory_space<vmem>>[vector<16xi32>], vector<16xf32>,
        %parallel_loop3A_382 = arith.mulf %parallel_loop3A_93, %parallel_loop3A_377 : vector<16xf32>
        %parallel_loop3A_383 = arith.mulf %parallel_loop3A_90, %parallel_loop3A_381 : vector<16xf32>
        %parallel_loop3A_384 = arith.addf %parallel_loop3A_382, %parallel_loop3A_383 : vector<16xf32>
        %parallel_loop3A_385 = arith.index_cast %parallel_loop3A_83 : i32 to index
        %parallel_loop3A_386 = arith.constant 320 : index
        %parallel_loop3A_387 = tpu.vector_load %arg11[%parallel_loop3A_385, %parallel_loop3A_386] {strides = array<i32>} : memref<16x512xf32, #tpu.memory_space<vmem>>, vector<16xf32>,
        tpu.vector_store %arg11[%parallel_loop3A_385, %parallel_loop3A_386], %parallel_loop3A_384 {strides = array<i32>} : memref<16x512xf32, #tpu.memory_space<vmem>>, vector<16xf32>,
        %parallel_loop3A_388 = arith.constant 336 : i32
        %parallel_loop3A_389 = vector.broadcast %parallel_loop3A_388 : i32 to vector<16xi32>
        %parallel_loop3A_390 = arith.addi %parallel_loop3A_87, %parallel_loop3A_389 : vector<16xi32>
        %parallel_loop3A_391 = tpu.vector_load_idx %arg6[%parallel_loop3A_390] : memref<8192xf32, #tpu.memory_space<vmem>>[vector<16xi32>], vector<16xf32>,
        %parallel_loop3A_392 = arith.constant 336 : i32
        %parallel_loop3A_393 = vector.broadcast %parallel_loop3A_392 : i32 to vector<16xi32>
        %parallel_loop3A_394 = arith.addi %parallel_loop3A_89, %parallel_loop3A_393 : vector<16xi32>
        %parallel_loop3A_395 = tpu.vector_load_idx %arg6[%parallel_loop3A_394] : memref<8192xf32, #tpu.memory_space<vmem>>[vector<16xi32>], vector<16xf32>,
        %parallel_loop3A_396 = arith.mulf %parallel_loop3A_93, %parallel_loop3A_391 : vector<16xf32>
        %parallel_loop3A_397 = arith.mulf %parallel_loop3A_90, %parallel_loop3A_395 : vector<16xf32>
        %parallel_loop3A_398 = arith.addf %parallel_loop3A_396, %parallel_loop3A_397 : vector<16xf32>
        %parallel_loop3A_399 = arith.index_cast %parallel_loop3A_83 : i32 to index
        %parallel_loop3A_400 = arith.constant 336 : index
        %parallel_loop3A_401 = tpu.vector_load %arg11[%parallel_loop3A_399, %parallel_loop3A_400] {strides = array<i32>} : memref<16x512xf32, #tpu.memory_space<vmem>>, vector<16xf32>,
        tpu.vector_store %arg11[%parallel_loop3A_399, %parallel_loop3A_400], %parallel_loop3A_398 {strides = array<i32>} : memref<16x512xf32, #tpu.memory_space<vmem>>, vector<16xf32>,
        %parallel_loop3A_402 = arith.constant 352 : i32
        %parallel_loop3A_403 = vector.broadcast %parallel_loop3A_402 : i32 to vector<16xi32>
        %parallel_loop3A_404 = arith.addi %parallel_loop3A_87, %parallel_loop3A_403 : vector<16xi32>
        %parallel_loop3A_405 = tpu.vector_load_idx %arg6[%parallel_loop3A_404] : memref<8192xf32, #tpu.memory_space<vmem>>[vector<16xi32>], vector<16xf32>,
        %parallel_loop3A_406 = arith.constant 352 : i32
        %parallel_loop3A_407 = vector.broadcast %parallel_loop3A_406 : i32 to vector<16xi32>
        %parallel_loop3A_408 = arith.addi %parallel_loop3A_89, %parallel_loop3A_407 : vector<16xi32>
        %parallel_loop3A_409 = tpu.vector_load_idx %arg6[%parallel_loop3A_408] : memref<8192xf32, #tpu.memory_space<vmem>>[vector<16xi32>], vector<16xf32>,
        %parallel_loop3A_410 = arith.mulf %parallel_loop3A_93, %parallel_loop3A_405 : vector<16xf32>
        %parallel_loop3A_411 = arith.mulf %parallel_loop3A_90, %parallel_loop3A_409 : vector<16xf32>
        %parallel_loop3A_412 = arith.addf %parallel_loop3A_410, %parallel_loop3A_411 : vector<16xf32>
        %parallel_loop3A_413 = arith.index_cast %parallel_loop3A_83 : i32 to index
        %parallel_loop3A_414 = arith.constant 352 : index
        %parallel_loop3A_415 = tpu.vector_load %arg11[%parallel_loop3A_413, %parallel_loop3A_414] {strides = array<i32>} : memref<16x512xf32, #tpu.memory_space<vmem>>, vector<16xf32>,
        tpu.vector_store %arg11[%parallel_loop3A_413, %parallel_loop3A_414], %parallel_loop3A_412 {strides = array<i32>} : memref<16x512xf32, #tpu.memory_space<vmem>>, vector<16xf32>,
        %parallel_loop3A_416 = arith.constant 368 : i32
        %parallel_loop3A_417 = vector.broadcast %parallel_loop3A_416 : i32 to vector<16xi32>
        %parallel_loop3A_418 = arith.addi %parallel_loop3A_87, %parallel_loop3A_417 : vector<16xi32>
        %parallel_loop3A_419 = tpu.vector_load_idx %arg6[%parallel_loop3A_418] : memref<8192xf32, #tpu.memory_space<vmem>>[vector<16xi32>], vector<16xf32>,
        %parallel_loop3A_420 = arith.constant 368 : i32
        %parallel_loop3A_421 = vector.broadcast %parallel_loop3A_420 : i32 to vector<16xi32>
        %parallel_loop3A_422 = arith.addi %parallel_loop3A_89, %parallel_loop3A_421 : vector<16xi32>
        %parallel_loop3A_423 = tpu.vector_load_idx %arg6[%parallel_loop3A_422] : memref<8192xf32, #tpu.memory_space<vmem>>[vector<16xi32>], vector<16xf32>,
        %parallel_loop3A_424 = arith.mulf %parallel_loop3A_93, %parallel_loop3A_419 : vector<16xf32>
        %parallel_loop3A_425 = arith.mulf %parallel_loop3A_90, %parallel_loop3A_423 : vector<16xf32>
        %parallel_loop3A_426 = arith.addf %parallel_loop3A_424, %parallel_loop3A_425 : vector<16xf32>
        %parallel_loop3A_427 = arith.index_cast %parallel_loop3A_83 : i32 to index
        %parallel_loop3A_428 = arith.constant 368 : index
        %parallel_loop3A_429 = tpu.vector_load %arg11[%parallel_loop3A_427, %parallel_loop3A_428] {strides = array<i32>} : memref<16x512xf32, #tpu.memory_space<vmem>>, vector<16xf32>,
        tpu.vector_store %arg11[%parallel_loop3A_427, %parallel_loop3A_428], %parallel_loop3A_426 {strides = array<i32>} : memref<16x512xf32, #tpu.memory_space<vmem>>, vector<16xf32>,
        %parallel_loop3A_430 = arith.constant 384 : i32
        %parallel_loop3A_431 = vector.broadcast %parallel_loop3A_430 : i32 to vector<16xi32>
        %parallel_loop3A_432 = arith.addi %parallel_loop3A_87, %parallel_loop3A_431 : vector<16xi32>
        %parallel_loop3A_433 = tpu.vector_load_idx %arg6[%parallel_loop3A_432] : memref<8192xf32, #tpu.memory_space<vmem>>[vector<16xi32>], vector<16xf32>,
        %parallel_loop3A_434 = arith.constant 384 : i32
        %parallel_loop3A_435 = vector.broadcast %parallel_loop3A_434 : i32 to vector<16xi32>
        %parallel_loop3A_436 = arith.addi %parallel_loop3A_89, %parallel_loop3A_435 : vector<16xi32>
        %parallel_loop3A_437 = tpu.vector_load_idx %arg6[%parallel_loop3A_436] : memref<8192xf32, #tpu.memory_space<vmem>>[vector<16xi32>], vector<16xf32>,
        %parallel_loop3A_438 = arith.mulf %parallel_loop3A_93, %parallel_loop3A_433 : vector<16xf32>
        %parallel_loop3A_439 = arith.mulf %parallel_loop3A_90, %parallel_loop3A_437 : vector<16xf32>
        %parallel_loop3A_440 = arith.addf %parallel_loop3A_438, %parallel_loop3A_439 : vector<16xf32>
        %parallel_loop3A_441 = arith.index_cast %parallel_loop3A_83 : i32 to index
        %parallel_loop3A_442 = arith.constant 384 : index
        %parallel_loop3A_443 = tpu.vector_load %arg11[%parallel_loop3A_441, %parallel_loop3A_442] {strides = array<i32>} : memref<16x512xf32, #tpu.memory_space<vmem>>, vector<16xf32>,
        tpu.vector_store %arg11[%parallel_loop3A_441, %parallel_loop3A_442], %parallel_loop3A_440 {strides = array<i32>} : memref<16x512xf32, #tpu.memory_space<vmem>>, vector<16xf32>,
        %parallel_loop3A_444 = arith.constant 400 : i32
        %parallel_loop3A_445 = vector.broadcast %parallel_loop3A_444 : i32 to vector<16xi32>
        %parallel_loop3A_446 = arith.addi %parallel_loop3A_87, %parallel_loop3A_445 : vector<16xi32>
        %parallel_loop3A_447 = tpu.vector_load_idx %arg6[%parallel_loop3A_446] : memref<8192xf32, #tpu.memory_space<vmem>>[vector<16xi32>], vector<16xf32>,
        %parallel_loop3A_448 = arith.constant 400 : i32
        %parallel_loop3A_449 = vector.broadcast %parallel_loop3A_448 : i32 to vector<16xi32>
        %parallel_loop3A_450 = arith.addi %parallel_loop3A_89, %parallel_loop3A_449 : vector<16xi32>
        %parallel_loop3A_451 = tpu.vector_load_idx %arg6[%parallel_loop3A_450] : memref<8192xf32, #tpu.memory_space<vmem>>[vector<16xi32>], vector<16xf32>,
        %parallel_loop3A_452 = arith.mulf %parallel_loop3A_93, %parallel_loop3A_447 : vector<16xf32>
        %parallel_loop3A_453 = arith.mulf %parallel_loop3A_90, %parallel_loop3A_451 : vector<16xf32>
        %parallel_loop3A_454 = arith.addf %parallel_loop3A_452, %parallel_loop3A_453 : vector<16xf32>
        %parallel_loop3A_455 = arith.index_cast %parallel_loop3A_83 : i32 to index
        %parallel_loop3A_456 = arith.constant 400 : index
        %parallel_loop3A_457 = tpu.vector_load %arg11[%parallel_loop3A_455, %parallel_loop3A_456] {strides = array<i32>} : memref<16x512xf32, #tpu.memory_space<vmem>>, vector<16xf32>,
        tpu.vector_store %arg11[%parallel_loop3A_455, %parallel_loop3A_456], %parallel_loop3A_454 {strides = array<i32>} : memref<16x512xf32, #tpu.memory_space<vmem>>, vector<16xf32>,
        %parallel_loop3A_458 = arith.constant 416 : i32
        %parallel_loop3A_459 = vector.broadcast %parallel_loop3A_458 : i32 to vector<16xi32>
        %parallel_loop3A_460 = arith.addi %parallel_loop3A_87, %parallel_loop3A_459 : vector<16xi32>
        %parallel_loop3A_461 = tpu.vector_load_idx %arg6[%parallel_loop3A_460] : memref<8192xf32, #tpu.memory_space<vmem>>[vector<16xi32>], vector<16xf32>,
        %parallel_loop3A_462 = arith.constant 416 : i32
        %parallel_loop3A_463 = vector.broadcast %parallel_loop3A_462 : i32 to vector<16xi32>
        %parallel_loop3A_464 = arith.addi %parallel_loop3A_89, %parallel_loop3A_463 : vector<16xi32>
        %parallel_loop3A_465 = tpu.vector_load_idx %arg6[%parallel_loop3A_464] : memref<8192xf32, #tpu.memory_space<vmem>>[vector<16xi32>], vector<16xf32>,
        %parallel_loop3A_466 = arith.mulf %parallel_loop3A_93, %parallel_loop3A_461 : vector<16xf32>
        %parallel_loop3A_467 = arith.mulf %parallel_loop3A_90, %parallel_loop3A_465 : vector<16xf32>
        %parallel_loop3A_468 = arith.addf %parallel_loop3A_466, %parallel_loop3A_467 : vector<16xf32>
        %parallel_loop3A_469 = arith.index_cast %parallel_loop3A_83 : i32 to index
        %parallel_loop3A_470 = arith.constant 416 : index
        %parallel_loop3A_471 = tpu.vector_load %arg11[%parallel_loop3A_469, %parallel_loop3A_470] {strides = array<i32>} : memref<16x512xf32, #tpu.memory_space<vmem>>, vector<16xf32>,
        tpu.vector_store %arg11[%parallel_loop3A_469, %parallel_loop3A_470], %parallel_loop3A_468 {strides = array<i32>} : memref<16x512xf32, #tpu.memory_space<vmem>>, vector<16xf32>,
        %parallel_loop3A_472 = arith.constant 432 : i32
        %parallel_loop3A_473 = vector.broadcast %parallel_loop3A_472 : i32 to vector<16xi32>
        %parallel_loop3A_474 = arith.addi %parallel_loop3A_87, %parallel_loop3A_473 : vector<16xi32>
        %parallel_loop3A_475 = tpu.vector_load_idx %arg6[%parallel_loop3A_474] : memref<8192xf32, #tpu.memory_space<vmem>>[vector<16xi32>], vector<16xf32>,
        %parallel_loop3A_476 = arith.constant 432 : i32
        %parallel_loop3A_477 = vector.broadcast %parallel_loop3A_476 : i32 to vector<16xi32>
        %parallel_loop3A_478 = arith.addi %parallel_loop3A_89, %parallel_loop3A_477 : vector<16xi32>
        %parallel_loop3A_479 = tpu.vector_load_idx %arg6[%parallel_loop3A_478] : memref<8192xf32, #tpu.memory_space<vmem>>[vector<16xi32>], vector<16xf32>,
        %parallel_loop3A_480 = arith.mulf %parallel_loop3A_93, %parallel_loop3A_475 : vector<16xf32>
        %parallel_loop3A_481 = arith.mulf %parallel_loop3A_90, %parallel_loop3A_479 : vector<16xf32>
        %parallel_loop3A_482 = arith.addf %parallel_loop3A_480, %parallel_loop3A_481 : vector<16xf32>
        %parallel_loop3A_483 = arith.index_cast %parallel_loop3A_83 : i32 to index
        %parallel_loop3A_484 = arith.constant 432 : index
        %parallel_loop3A_485 = tpu.vector_load %arg11[%parallel_loop3A_483, %parallel_loop3A_484] {strides = array<i32>} : memref<16x512xf32, #tpu.memory_space<vmem>>, vector<16xf32>,
        tpu.vector_store %arg11[%parallel_loop3A_483, %parallel_loop3A_484], %parallel_loop3A_482 {strides = array<i32>} : memref<16x512xf32, #tpu.memory_space<vmem>>, vector<16xf32>,
        %parallel_loop3A_486 = arith.constant 448 : i32
        %parallel_loop3A_487 = vector.broadcast %parallel_loop3A_486 : i32 to vector<16xi32>
        %parallel_loop3A_488 = arith.addi %parallel_loop3A_87, %parallel_loop3A_487 : vector<16xi32>
        %parallel_loop3A_489 = tpu.vector_load_idx %arg6[%parallel_loop3A_488] : memref<8192xf32, #tpu.memory_space<vmem>>[vector<16xi32>], vector<16xf32>,
        %parallel_loop3A_490 = arith.constant 448 : i32
        %parallel_loop3A_491 = vector.broadcast %parallel_loop3A_490 : i32 to vector<16xi32>
        %parallel_loop3A_492 = arith.addi %parallel_loop3A_89, %parallel_loop3A_491 : vector<16xi32>
        %parallel_loop3A_493 = tpu.vector_load_idx %arg6[%parallel_loop3A_492] : memref<8192xf32, #tpu.memory_space<vmem>>[vector<16xi32>], vector<16xf32>,
        %parallel_loop3A_494 = arith.mulf %parallel_loop3A_93, %parallel_loop3A_489 : vector<16xf32>
        %parallel_loop3A_495 = arith.mulf %parallel_loop3A_90, %parallel_loop3A_493 : vector<16xf32>
        %parallel_loop3A_496 = arith.addf %parallel_loop3A_494, %parallel_loop3A_495 : vector<16xf32>
        %parallel_loop3A_497 = arith.index_cast %parallel_loop3A_83 : i32 to index
        %parallel_loop3A_498 = arith.constant 448 : index
        %parallel_loop3A_499 = tpu.vector_load %arg11[%parallel_loop3A_497, %parallel_loop3A_498] {strides = array<i32>} : memref<16x512xf32, #tpu.memory_space<vmem>>, vector<16xf32>,
        tpu.vector_store %arg11[%parallel_loop3A_497, %parallel_loop3A_498], %parallel_loop3A_496 {strides = array<i32>} : memref<16x512xf32, #tpu.memory_space<vmem>>, vector<16xf32>,
        %parallel_loop3A_500 = arith.constant 464 : i32
        %parallel_loop3A_501 = vector.broadcast %parallel_loop3A_500 : i32 to vector<16xi32>
        %parallel_loop3A_502 = arith.addi %parallel_loop3A_87, %parallel_loop3A_501 : vector<16xi32>
        %parallel_loop3A_503 = tpu.vector_load_idx %arg6[%parallel_loop3A_502] : memref<8192xf32, #tpu.memory_space<vmem>>[vector<16xi32>], vector<16xf32>,
        %parallel_loop3A_504 = arith.constant 464 : i32
        %parallel_loop3A_505 = vector.broadcast %parallel_loop3A_504 : i32 to vector<16xi32>
        %parallel_loop3A_506 = arith.addi %parallel_loop3A_89, %parallel_loop3A_505 : vector<16xi32>
        %parallel_loop3A_507 = tpu.vector_load_idx %arg6[%parallel_loop3A_506] : memref<8192xf32, #tpu.memory_space<vmem>>[vector<16xi32>], vector<16xf32>,
        %parallel_loop3A_508 = arith.mulf %parallel_loop3A_93, %parallel_loop3A_503 : vector<16xf32>
        %parallel_loop3A_509 = arith.mulf %parallel_loop3A_90, %parallel_loop3A_507 : vector<16xf32>
        %parallel_loop3A_510 = arith.addf %parallel_loop3A_508, %parallel_loop3A_509 : vector<16xf32>
        %parallel_loop3A_511 = arith.index_cast %parallel_loop3A_83 : i32 to index
        %parallel_loop3A_512 = arith.constant 464 : index
        %parallel_loop3A_513 = tpu.vector_load %arg11[%parallel_loop3A_511, %parallel_loop3A_512] {strides = array<i32>} : memref<16x512xf32, #tpu.memory_space<vmem>>, vector<16xf32>,
        tpu.vector_store %arg11[%parallel_loop3A_511, %parallel_loop3A_512], %parallel_loop3A_510 {strides = array<i32>} : memref<16x512xf32, #tpu.memory_space<vmem>>, vector<16xf32>,
        %parallel_loop3A_514 = arith.constant 480 : i32
        %parallel_loop3A_515 = vector.broadcast %parallel_loop3A_514 : i32 to vector<16xi32>
        %parallel_loop3A_516 = arith.addi %parallel_loop3A_87, %parallel_loop3A_515 : vector<16xi32>
        %parallel_loop3A_517 = tpu.vector_load_idx %arg6[%parallel_loop3A_516] : memref<8192xf32, #tpu.memory_space<vmem>>[vector<16xi32>], vector<16xf32>,
        %parallel_loop3A_518 = arith.constant 480 : i32
        %parallel_loop3A_519 = vector.broadcast %parallel_loop3A_518 : i32 to vector<16xi32>
        %parallel_loop3A_520 = arith.addi %parallel_loop3A_89, %parallel_loop3A_519 : vector<16xi32>
        %parallel_loop3A_521 = tpu.vector_load_idx %arg6[%parallel_loop3A_520] : memref<8192xf32, #tpu.memory_space<vmem>>[vector<16xi32>], vector<16xf32>,
        %parallel_loop3A_522 = arith.mulf %parallel_loop3A_93, %parallel_loop3A_517 : vector<16xf32>
        %parallel_loop3A_523 = arith.mulf %parallel_loop3A_90, %parallel_loop3A_521 : vector<16xf32>
        %parallel_loop3A_524 = arith.addf %parallel_loop3A_522, %parallel_loop3A_523 : vector<16xf32>
        %parallel_loop3A_525 = arith.index_cast %parallel_loop3A_83 : i32 to index
        %parallel_loop3A_526 = arith.constant 480 : index
        %parallel_loop3A_527 = tpu.vector_load %arg11[%parallel_loop3A_525, %parallel_loop3A_526] {strides = array<i32>} : memref<16x512xf32, #tpu.memory_space<vmem>>, vector<16xf32>,
        tpu.vector_store %arg11[%parallel_loop3A_525, %parallel_loop3A_526], %parallel_loop3A_524 {strides = array<i32>} : memref<16x512xf32, #tpu.memory_space<vmem>>, vector<16xf32>,
        %parallel_loop3A_528 = arith.constant 496 : i32
        %parallel_loop3A_529 = vector.broadcast %parallel_loop3A_528 : i32 to vector<16xi32>
        %parallel_loop3A_530 = arith.addi %parallel_loop3A_87, %parallel_loop3A_529 : vector<16xi32>
        %parallel_loop3A_531 = tpu.vector_load_idx %arg6[%parallel_loop3A_530] : memref<8192xf32, #tpu.memory_space<vmem>>[vector<16xi32>], vector<16xf32>,
        %parallel_loop3A_532 = arith.constant 496 : i32
        %parallel_loop3A_533 = vector.broadcast %parallel_loop3A_532 : i32 to vector<16xi32>
        %parallel_loop3A_534 = arith.addi %parallel_loop3A_89, %parallel_loop3A_533 : vector<16xi32>
        %parallel_loop3A_535 = tpu.vector_load_idx %arg6[%parallel_loop3A_534] : memref<8192xf32, #tpu.memory_space<vmem>>[vector<16xi32>], vector<16xf32>,
        %parallel_loop3A_536 = arith.mulf %parallel_loop3A_93, %parallel_loop3A_531 : vector<16xf32>
        %parallel_loop3A_537 = arith.mulf %parallel_loop3A_90, %parallel_loop3A_535 : vector<16xf32>
        %parallel_loop3A_538 = arith.addf %parallel_loop3A_536, %parallel_loop3A_537 : vector<16xf32>
        %parallel_loop3A_539 = arith.index_cast %parallel_loop3A_83 : i32 to index
        %parallel_loop3A_540 = arith.constant 496 : index
        %parallel_loop3A_541 = tpu.vector_load %arg11[%parallel_loop3A_539, %parallel_loop3A_540] {strides = array<i32>} : memref<16x512xf32, #tpu.memory_space<vmem>>, vector<16xf32>,
        tpu.vector_store %arg11[%parallel_loop3A_539, %parallel_loop3A_540], %parallel_loop3A_538 {strides = array<i32>} : memref<16x512xf32, #tpu.memory_space<vmem>>, vector<16xf32>,
      } {sc.loop_unroll_factor = 4 : i64, sc.parallel_access}
      %mul3A_76 = arith.constant 16 : i32
      %mul3A_77 = arith.muli %add3A_63, %mul3A_76 : i32
      %add3A_78 = arith.addi %mul3A_2, %mul3A_77 : i32
      %dma_start3A_79 = arith.constant 0 : i32
      %dma_start3A_80 = tpu.memref_slice %arg4[%add3A_78, %dma_start3A_79] : memref<16384x512xf32, #tpu.memory_space<hbm>> -> memref<16x512xf32, #tpu.memory_space<hbm>>
      %dma_start3A_81 = arith.constant 0 : i32
      %dma_start3A_82 = tpu.memref_slice %arg4[%add3A_78, %dma_start3A_81] : memref<16384x512xf32, #tpu.memory_space<hbm>> -> memref<16x512xf32, #tpu.memory_space<hbm>>
      tpu.enqueue_dma source(%arg11 : memref<16x512xf32, #tpu.memory_space<vmem>>) target(%dma_start3A_82 : memref<16x512xf32, #tpu.memory_space<hbm>>) target_semaphore(%arg13 : memref<!tpu.dma_semaphore, #tpu.memory_space<semaphore_mem>>)
    }
    %scan3A_26 = arith.constant 15 : i32
    %add3A_27 = arith.constant 0 : i32
    %add3A_28 = arith.addi %mul3A_2, %add3A_27 : i32
    %dma_wait3A = arith.constant 0 : i32
    %dma_wait3A_29 = tpu.memref_slice %arg4[%add3A_28, %dma_wait3A] : memref<16384x512xf32, #tpu.memory_space<hbm>> -> memref<16x512xf32, #tpu.memory_space<hbm>>
    %dma_wait3A_30 = arith.constant 0 : i32
    %dma_wait3A_31 = tpu.memref_slice %arg4[%add3A_28, %dma_wait3A_30] : memref<16384x512xf32, #tpu.memory_space<hbm>> -> memref<16x512xf32, #tpu.memory_space<hbm>>
    tpu.wait_dma2 semaphore(%arg12 : memref<!tpu.dma_semaphore, #tpu.memory_space<semaphore_mem>>) src(%arg10 : memref<16x512xf32, #tpu.memory_space<vmem>>) dst(%dma_wait3A_31 : memref<16x512xf32, #tpu.memory_space<hbm>>)
    %add3A_32 = arith.constant 16 : i32
    %add3A_33 = arith.addi %mul3A_2, %add3A_32 : i32
    %dma_wait3A_34 = arith.constant 0 : i32
    %dma_wait3A_35 = tpu.memref_slice %arg4[%add3A_33, %dma_wait3A_34] : memref<16384x512xf32, #tpu.memory_space<hbm>> -> memref<16x512xf32, #tpu.memory_space<hbm>>
    %dma_wait3A_36 = arith.constant 0 : i32
    %dma_wait3A_37 = tpu.memref_slice %arg4[%add3A_33, %dma_wait3A_36] : memref<16384x512xf32, #tpu.memory_space<hbm>> -> memref<16x512xf32, #tpu.memory_space<hbm>>
    tpu.wait_dma2 semaphore(%arg13 : memref<!tpu.dma_semaphore, #tpu.memory_space<semaphore_mem>>) src(%arg11 : memref<16x512xf32, #tpu.memory_space<vmem>>) dst(%dma_wait3A_37 : memref<16x512xf32, #tpu.memory_space<hbm>>)
    return
  }
}

</mosaic_0001>

<sc_bundles>
// kernel: kernel.3.cloned.1.call-start
scs
__scs_entry_jumppad:
0x0: {  	(pc) =	sbr.rel $0x88, $3  }
0x1: {  	(tag) =	ssettag $0x0;
	lr =	simm.s32 $0x1  }
0x2: {  	[smem:$0x3F9F] =	sst lr;
	_ =	strace $0xD0000000  }
0x3: {  	_ = 	snop  }
0x4: {  	_ = 	snop  }
0x5: {  	_ = 	snop  }
0x6: {  	_ = 	snop  }
0x7: {  	_ = 	snop  }
__scs_overlays_trampoline_lowered:
0x8: {  	[smem:$0x3FAE] =	sst s0  }
0x9: {  	[smem:$0x3FAF] =	sst s1  }
0xa: {  	[smem:$0x3FB0] =	sst s2  }
0xb: {  	[smem:$0x3FB1] =	sst s3  }
0xc: {  	[smem:$0x3FB2] =	sst s4  }
0xd: {  	[smem:$0x3FB3] =	sst s5  }
0xe: {  	[smem:$0x3FB4] =	sst s6  }
0xf: {  	[smem:$0x3FB5] =	sst s7  }
0x10: {  	[smem:$0x3FB6] =	sst s8  }
0x11: {  	[smem:$0x3FB7] =	sst s9;
	s0 =	simm.s32 @!p0 $0x0  }
0x12: {  	s1 =	sld [smem:$0x3F9D];
	s0 =	simm.s32 @p0 $0x1  }
0x13: {  	[smem:$0x3FB8] =	sst s0;
	s0 =	simm.s32 @!p1 $0x0  }
0x14: {  	s2 =	sld [smem:$0x3F9C];
	s0 =	simm.s32 @p1 $0x1  }
0x15: {  	[smem:$0x3FB9] =	sst s0;
	s0 =	simm.s32 @!p2 $0x0  }
0x16: {  	s3 =	sld [smem:$0x3FDB];
	s0 =	simm.s32 @p2 $0x1  }
0x17: {  	s4 =	simm.s32 $0x1BF5;
	[smem:$0x3FBB] =	sst s0  }
0x18: {  	s0 =	sld [smem:$0x3F9E];
	_ =	swait.ge [sflag:s4], $0x0  }
0x19: {  	s7 =	sld [smem:$0x3F9F]  }
0x1a: {  	s8 =	sadd.s32 $0xFFFFE003, lr  }
0x1b: {  	s9 =	sadd.s32 $0xFFFFFEF7, lr;
	s5 =	simm.s32 $0xFFFFFFFF;
	p2 =	slt.u32 s8, $0xFFFFF086  }
0x1c: {  	p1 =	slt.u32 s9, $0xF7A;
	s5 =	simm.s32 @!p2 $0x0  }
0x1d: {  	s5 =	simm.s32 @p1 $0x1;
	p0 =	seq.s32 s7, s2  }
0x1e: {  	s7 =	smul.u32 @!p0 $0xF7A, s2;
	p2 =	seq.s32 @!p0 s5, $0x0  }
0x1f: {  	s9 =	smul.u32 $0xF7A, s1;
	s8 =	simm.s32 @!p0 $0x1BF5;
	p2 =	por !p2, p0  }
0x20: {  	[sflag:s8] =	ssyncset.s32 @!p0 $0xFFFFF086;
	s6 =	sadd.s32 @!p0 s3, s7;
	s7 =	simm.s32 @!p0 $0x108  }
0x21: {  	s3 =	sadd.s32 s3, s9;
	s6 =	sadd.s32 @!p0 $0x88, s6;
	s7 =	simm.s32 @p2 $0x1082  }
0x22: {  	[simem:s7], [sflag:s8] =	dma.local @!p0 [hbm:s6], $0xF7A  }
0x23: {  	s9 =	sor.u32 $0xD0000000, s2;
	s6 =	simm.s32 $0x108;
	_ =	swait.ge @!p0 [sflag:s8], $0x0  }
0x24: {  	s3 =	sadd.s32 $0x88, s3;
	s6 =	simm.s32 @!p1 $0x1082;
	[sflag:s4] =	ssyncset.s32 $0xFFFFF086  }
0x25: {  	[simem:s6], [sflag:s4] =	dma.local [hbm:s3], $0xF7A  }
0x26: {  	[smem:$0x3F9F] =	sst s1;
	(tag) =	ssettag s2;
	_ =	strace s9  }
0x27: {  	s1 =	sld [smem:$0x3FAF]  }
0x28: {  	s2 =	sld [smem:$0x3FB0]  }
0x29: {  	s4 =	sld [smem:$0x3FB2]  }
0x2a: {  	p0 =	seq.s32 s5, $0x0;
	s5 =	sld [smem:$0x3FB3]  }
0x2b: {  	s6 =	sld [smem:$0x3FB4]  }
0x2c: {  	s7 =	sld [smem:$0x3FB5]  }
0x2d: {  	s3 =	simm.s32 $0x108;
	s8 =	sld [smem:$0x3FB6]  }
0x2e: {  	s3 =	simm.s32 @!p0 $0x1082;
	s9 =	sld [smem:$0x3FB7]  }
0x2f: {  	lr =	sadd.s32 s0, s3;
	s0 =	sld [smem:$0x3FAE]  }
0x30: {  	s3 =	sld [smem:$0x3FB1]  }
0x31: {  	[smem:$0x3FBA] =	sst s10  }
0x32: {  	s10 =	sld [smem:$0x3FB8];
	_ =	sdelay $0x3  }
0x33: {  	p0 =	seq.s32 s10, $0x1;
	s10 =	sld [smem:$0x3FBA];
	_ =	sdelay $0x3  }
0x34: {  	[smem:$0x3FBA] =	sst s10  }
0x35: {  	s10 =	sld [smem:$0x3FB9];
	_ =	sdelay $0x3  }
0x36: {  	p1 =	seq.s32 s10, $0x1;
	s10 =	sld [smem:$0x3FBA];
	_ =	sdelay $0x3  }
0x37: {  	[smem:$0x3FBA] =	sst s10  }
0x38: {  	s10 =	sld [smem:$0x3FBB]  }
0x39: {  	_ = 	snop;
	(pc) =	sbr.ind lr, $3  }
0x3a: {  	_ = 	snop  }
0x3b: {  	_ = 	snop  }
0x3c: {  	p2 =	seq.s32 s10, $0x1;
	s10 =	sld [smem:$0x3FBA]  }
0x3d: {  	_ =	shalt  }
0x3e: {  	_ =	shalt  }
0x3f: {  	_ =	shalt  }
0x40: {  	_ =	shalt  }
0x41: {  	_ =	shalt  }
0x42: {  	_ =	shalt  }
0x43: {  	_ =	shalt  }
0x44: {  	_ =	shalt  }
0x45: {  	_ =	shalt  }
0x46: {  	_ =	shalt  }
0x47: {  	_ =	shalt  }
0x48: {  	_ =	shalt  }
0x49: {  	_ =	shalt  }
0x4a: {  	_ =	shalt  }
0x4b: {  	_ =	shalt  }
0x4c: {  	_ =	shalt  }
0x4d: {  	_ =	shalt  }
0x4e: {  	_ =	shalt  }
0x4f: {  	_ =	shalt  }
0x50: {  	_ =	shalt  }
0x51: {  	_ =	shalt  }
0x52: {  	_ =	shalt  }
0x53: {  	_ =	shalt  }
0x54: {  	_ =	shalt  }
0x55: {  	_ =	shalt  }
0x56: {  	_ =	shalt  }
0x57: {  	_ =	shalt  }
0x58: {  	_ =	shalt  }
0x59: {  	_ =	shalt  }
0x5a: {  	_ =	shalt  }
0x5b: {  	_ =	shalt  }
0x5c: {  	_ =	shalt  }
0x5d: {  	_ =	shalt  }
0x5e: {  	_ =	shalt  }
0x5f: {  	_ =	shalt  }
0x60: {  	_ =	shalt  }
0x61: {  	_ =	shalt  }
0x62: {  	_ =	shalt  }
0x63: {  	_ =	shalt  }
0x64: {  	_ =	shalt  }
0x65: {  	_ =	shalt  }
0x66: {  	_ =	shalt  }
0x67: {  	_ =	shalt  }
0x68: {  	_ =	shalt  }
0x69: {  	_ =	shalt  }
0x6a: {  	_ =	shalt  }
0x6b: {  	_ =	shalt  }
0x6c: {  	_ =	shalt  }
0x6d: {  	_ =	shalt  }
0x6e: {  	_ =	shalt  }
0x6f: {  	_ =	shalt  }
0x70: {  	_ =	shalt  }
0x71: {  	_ =	shalt  }
0x72: {  	_ =	shalt  }
0x73: {  	_ =	shalt  }
0x74: {  	_ =	shalt  }
0x75: {  	_ =	shalt  }
0x76: {  	_ =	shalt  }
0x77: {  	_ =	shalt  }
0x78: {  	_ =	shalt  }
0x79: {  	_ =	shalt  }
0x7a: {  	_ =	shalt  }
0x7b: {  	_ =	shalt  }
0x7c: {  	_ =	shalt  }
0x7d: {  	_ =	shalt  }
0x7e: {  	_ =	shalt  }
0x7f: {  	_ =	shalt  }
0x80: {  	_ =	shalt  }
0x81: {  	_ =	shalt  }
0x82: {  	_ =	shalt  }
0x83: {  	_ =	shalt  }
0x84: {  	_ =	shalt  }
0x85: {  	_ =	shalt  }
0x86: {  	_ =	shalt  }
0x87: {  	_ =	shalt  }
.Lfunc_end0:
.L_simem_size_0:
called_computation_lowered:
.L_overlay_start_0:
0x88: {  	s2 =	sld [smem:$0x3FD9]  }
0x89: {  	s3 =	sld [smem:$0x3FFE];
	_ =	sdelay $0x1  }
0x8a: {  	s1 =	srdreg.scid  }
0x8b: {  	s0 =	sand.u32 $0x1, s1  }
0x8c: {  	s17 =	sshll.u32 s0, $0xA;
	s2 =	sadd.s32 s3, s2  }
0x8d: {  	s2 =	sadd.s32 s2, s17  }
0x8e: {  	[smem:$0x3FC6] =	sst s2  }
0x8f: {  	_ = 	snop  }
0x90: {  	s2 =	sld [smem:$0x3FC9]  }
0x91: {  	s18 =	sld [smem:$0x3FD0];
	(tm) =	ssettm $0x1  }
0x92: {  	s4 =	sld [smem:$0x3FFB];
	_ =	sdelay $0x3  }
0x93: {  	_ =	strace s4  }
0x94: {  	s4 =	sld [smem:$0x3FFC];
	_ =	sdelay $0x3  }
0x95: {  	_ =	strace s4  }
0x96: {  	s4 =	sld [smem:$0x3FFD];
	_ =	sdelay $0x3  }
0x97: {  	_ =	strace s4  }
0x98: {  	_ =	strace $0x8FFFFFFF  }
0x99: {  	s19 =	sld [smem:$0x3FDB];
	_ =	sdelay $0x1  }
0x9a: {  	s5 =	simm.s32 $_scs_section_size  }
0x9b: {  	s6 =	simm.s32 $_size__tile_overlayer_lowered;
	s7 =	simm.s32 $_tile_overlayer_lowered  }
0x9c: {  	s22 =	simm.s32 $0x1BFF;
	s21 =	sshll.u32 s7, $0x1;
	s4 =	sadd.s32 s5, s19  }
0x9d: {  	s8 =	simm.s32 $0x0;
	s20 =	sshll.u32 s6, $0x1;
	s6 =	sadd.s32 s21, s4  }
0x9e: {  	[timem:s8], [sflag:s22] =	dma.local [hbm:s6], s20  }
0x9f: {  	_ =	swait.ge [sflag:s22], s20  }
0xa0: {  	s5 =	ssub.s32 $0x0, s20;
	[sflag:s22] =	ssyncset.done $0x0  }
0xa1: {  	[sflag:s22] =	ssyncadd.s32 s5;
	_ =	sdelay $0x1  }
0xa2: {  	s23 =	simm.s32 $0x1B8B  }
0xa3: {  	_ =	swait.ge [sflag:s23], $0x1  }
0xa4: {  	[sflag:s23] =	ssyncset.done $0x0  }
0xa5: {  	s25 =	simm.s32 $0x1B8E;
	s24 =	sld [smem:$0x3FFE];
	[sflag:s23] =	ssyncadd.s32 $0xFFFFFFFF  }
0xa6: {  	s26 =	simm.s32 $execute0_lowered;
	[smem:$0x3FD2] =	sst s25  }
0xa7: {  	s6 =	sshll.u32 s26, $0x1;
	_ =	strace $0x80000046;
	[dreg:$0x1] =	wrdreg $0xFFFFFFFF  }
0xa8: {  	s28 =	simm.s32 $_size_execute0_lowered;
	s4 =	sadd.s32 s4, s6;
	[dreg:$0x0] =	wrdreg $0x0  }
0xa9: {  	s6 =	sshll.u32 s28, $0x1;
	[dreg:$0x2] =	wrdreg s4  }
0xaa: {  	[dreg:$0x3] =	wrdreg s6  }
0xab: {  	[dreg:$0x4] =	wrdreg $0xC0  }
0xac: {  	_ =	task [dreg:s8], $0x5FFFF  }
0xad: {  	[dreg:$0x1] =	wrdreg $0xFFFFFFFF  }
0xae: {  	[dreg:$0x0] =	wrdreg $0x60  }
0xaf: {  	[dreg:$0x2] =	wrdreg s2  }
0xb0: {  	[dreg:$0x3] =	wrdreg s24  }
0xb1: {  	[dreg:$0x4] =	wrdreg s18  }
0xb2: {  	[dreg:$0x5] =	wrdreg $0x9  }
0xb3: {  	_ =	task.clear_ibuf [dreg:s8], $0x6FFFF;
	_ =	strace $0x90000046  }
0xb4: {  	s29 =	simm.s32 $0x9;
	_ =	strace $0x80000048  }
0xb5: {  	_ =	swait.ge [sflag:s29], $0x1  }
0xb6: {  	[sflag:s29] =	ssyncadd.s32 $0xFFFFFFFF  }
0xb7: {  	_ =	strace $0x90000048  }
0xb8: {  	_ =	sfence  }
0xb9: {  	s30 =	sld [smem:$0x0];
	_ =	sdelay $0x2  }
0xba: {  	s31 =	sshll.u32 s1, $0xD;
	s1 =	sshrl.u32 s1, $0x2  }
0xbb: {  	s3 =	sand.u32 $0x4000, s31;
	s1 =	sadd.s32 s1, s30  }
0xbc: {  	s0 =	sor.u32 s3, s0;
	s1 =	sshll.u32 s1, $0x11  }
0xbd: {  	s0 =	sor.u32 s1, s0  }
0xbe: {  	s0 =	sadd.s32 $0x8F2B, s0  }
0xbf: {  	[sflag:s0] =	ssyncadd.remote.s32 $0x1  }
0xc0: {  	_ =	sfence.sel $0xFFFF  }
0xc1: {  	[dreg:$0x0] =	wrdreg $0xFFFFFFFF;
	(pc) =	sbr.abs _section_cstart, $3  }
0xc2: {  	[dreg:$0x1] =	wrdreg $0xFFFFFFFF  }
0xc3: {  	_ =	task.clear_ibuf [dreg:s8], $0x2FFFF;
	_ =	strace $0x9FFFFFFF  }
0xc4: {  	(tm) =	ssettm $0x7FFFFFFF  }
0xc5: {  	_ =	shalt  }
tec
execute0_lowered:
.L_overlay_start_1:
0x0: {  	(tag) =	ssettag $0x1  }
0x1: {  	s0 =	rddreg [dreg:$0x0];
	v0 =	vlaneseq.u32  }
0x2: {  	s4 =	rddreg [dreg:$0x1];
	v1 =	vor.u32 $0x10, v0  }
0x3: {  	s1 =	rddreg [dreg:$0x2];
	s2 =	simm.s32 $0x0;
	s5 =	srdreg.scid;
	v2 =	vor.u32 $0x20, v0;
	v3 =	vor.u32 $0x30, v0;
	v4 =	vor.u32 $0x40, v0  }
0x4: {  	s3 =	stileid.u32;
	s11 =	simm.s32 $0x200;
	s12 =	simm.s32 $0x1;
	v5 =	vor.u32 $0x50, v0;
	v6 =	vor.u32 $0x60, v0;
	v7 =	vor.u32 $0x70, v0  }
0x5: {  	s13 =	simm.s32 $0x2200;
	s14 =	simm.s32 $0x2480;
	s15 =	simm.s32 $0x2700;
	v8 =	vor.u32 $0x80, v0;
	v9 =	vor.u32 $0x90, v0;
	v10 =	vor.u32 $0xA0, v0  }
0x6: {  	s16 =	simm.s32 $0x2980;
	s17 =	simm.s32 $0x4980;
	s18 =	simm.s32 $0x2;
	v11 =	vor.u32 $0xB0, v0;
	v12 =	vor.u32 $0xC0, v0;
	v13 =	vor.u32 $0xD0, v0  }
0x7: {  	s19 =	simm.s32 $0x0;
	[smem:$0x7FF] =	sst s2;
	s5 =	sand.u32 $0x1, s5;
	v14 =	vor.u32 $0xE0, v0;
	v15 =	vor.u32 $0xF0, v0;
	v16 =	vor.u32 $0x100, v0  }
0x8: {  	s6 =	sshll.u32 s3, $0xA;
	s4 =	sadd.s32 $0x400, s4;
	v17 =	vor.u32 $0x110, v0;
	v18 =	vor.u32 $0x120, v0;
	v19 =	vor.u32 $0x130, v0;
	s7 =	sshll.u32 s5, $0x9  }
0x9: {  	v20 =	vor.u32 $0x140, v0;
	v21 =	vor.u32 $0x150, v0;
	v22 =	vor.u32 $0x160, v0;
	_ =	strace $0x80000047;
	s8 =	ssub.s32 $0x2, s5;
	s5 =	sor.u32 s7, s6  }
0xa: {  	v23 =	vor.u32 $0x170, v0;
	v24 =	vor.u32 $0x180, v0;
	v25 =	vor.u32 $0x190, v0;
	s31 =	sshrl.u32 s8, $0x1;
	s7 =	sshrl.u32 s5, $0x3;
	s9 =	sshll.u32 s5, $0x6  }
0xb: {  	v26 =	vor.u32 $0x1A0, v0;
	v27 =	vor.u32 $0x1B0, v0;
	v28 =	vor.u32 $0x1C0, v0;
	s10 =	ssub.s32 s8, s31;
	s6 =	sadd.s32 s0, s7;
	s7 =	sadd.s32 s1, s9  }
0xc: {  	v29 =	vor.u32 $0x1D0, v0;
	v30 =	vor.u32 $0x1E0, v0;
	v31 =	vor.u32 $0x1F0, v0;
	s9 =	smax.u32 s10, $0x1;
	s10 =	simm.s32 $0x3;
	s8 =	sadd.s32 $0x400, s7  }
.LBB2_1:
0xd: {  	[tilespmem:s2], [sflag:$0x3] =	stream.linear.gather [hbm4b:s6+s2], $0x200, $0x38;
	[tilespmem:$0x6980] =	vst v63  }
0xe: {  	_ =	swait.ge [sflag:s10], $0x200  }
0xf: {  	[sflag:s10] =	ssyncset.done $0x0  }
0x10: {  	[sflag:s10] =	ssyncadd.s32 $0xFFFFFE00  }
0x11: {  	[tilespmem:s11], [sflag:$0x3] =	stream.linear.gather [hbm4b:s4+s2], $0x2000, $0x38;
	[tilespmem:$0x6980] =	vst v63  }
0x12: {  	_ =	swait.ge [sflag:s10], $0x2000  }
0x13: {  	[sflag:s10] =	ssyncset.done $0x0  }
0x14: {  	s0 =	simm.s32 $0x20;
	[sflag:s10] =	ssyncadd.s32 $0xFFFFE000  }
0x15: {  	v32 =	vld [tilespmem:s0+$0xFFFFFFE0]  }
0x16: {  	v33 =	vld [tilespmem:s0+$0xFFFFFFF0]  }
0x17: {  	v34 =	vld [tilespmem:s0+$0x0]  }
0x18: {  	s31 =	simm.s32 $0x60;
	v35 =	vld [tilespmem:s0+$0x10]  }
0x19: {  	v41 =	vld [tilespmem:s31+$0xFFFFFFE0];
	_ =	sdelay $0x2  }
0x1a: {  	v36 =	vmul.f32 $1.600000000e+01, v33;
	v32 =	vmul.f32 $1.600000000e+01, v32  }
0x1b: {  	v58 =	vmul.f32 $1.600000000e+01, v34;
	v34 =	vmul.f32 $1.600000000e+01, v35  }
0x1c: {  	v33 =	vmul.f32 $1.600000000e+01, v41;
	v59 =	vmax.f32 v36, $0.0e+00  }
0x1d: {  	v50 =	vld [tilespmem:s31+$0x0];
	v37 =	vmax.f32 v32, $0.0e+00;
	v38 =	vmax.f32 v58, $0.0e+00;
	v39 =	vmax.f32 v34, $0.0e+00  }
0x1e: {  	v35 =	vmin.f32 v59, $1.500000000e+01;
	v37 =	vmin.f32 v37, $1.500000000e+01;
	v38 =	vmin.f32 v38, $1.500000000e+01  }
0x1f: {  	v61 =	vmin.f32 v39, $1.500000000e+01;
	v35 =	vtrunc.f32 v35;
	v60 =	vtrunc.f32 v38  }
0x20: {  	v37 =	vtrunc.f32 v37;
	v62 =	vtrunc.f32 v61  }
0x21: {  	v53 =	vmax.f32 v33, $0.0e+00;
	v40 =	vcvt.f32.s32 v35;
	v39 =	vcvt.f32.s32 v60  }
0x22: {  	v54 =	vmin.f32 v53, $1.500000000e+01;
	v38 =	vmul.f32 $1.600000000e+01, v50;
	v63 =	vcvt.f32.s32 v37  }
0x23: {  	v46 =	vcvt.f32.s32 v62;
	v44 =	vadd.s32 $0x1, v40;
	v45 =	vadd.s32 $0x1, v39  }
0x24: {  	v47 =	vld [tilespmem:s31+$0x10];
	v56 =	vcvt.s32.f32 v39;
	v42 =	vadd.s32 $0x1, v63;
	v43 =	vcvt.s32.f32 v63  }
0x25: {  	v49 =	vld [tilespmem:s31+$0xFFFFFFF0];
	v48 =	vcvt.s32.f32 v40;
	v59 =	vcvt.s32.f32 v46;
	v62 =	vshll.u32 v63, $0x9  }
0x26: {  	v63 =	vshll.u32 v39, $0x9;
	v40 =	vshll.u32 v40, $0x9;
	vm1 =	vlt.s32 v42, $0xF  }
0x27: {  	vm0 =	vlt.s32 v44, $0xF;
	v35 =	vsub.f32 v58, v56;
	v57 =	vnsel vm1, $0xF, v42  }
0x28: {  	v58 =	vadd.s32 $0x1, v46;
	v46 =	vshll.u32 v46, $0x9;
	v52 =	vsub.f32 v32, v43  }
0x29: {  	s20 =	simm.s32 $0x2220;
	v42 =	vsub.f32 v34, v59;
	v37 =	vsub.f32 v36, v48;
	v34 =	vmul.f32 $1.600000000e+01, v47  }
0x2a: {  	[tilespmem:s20+$0xFFFFFFE0] =	vst v62;
	v32 =	vmul.f32 $1.600000000e+01, v49;
	v36 =	vtrunc.f32 v54;
	vm1 =	vlt.s32 v58, $0xF  }
0x2b: {  	[tilespmem:s20+$0xFFFFFFF0] =	vst v40;
	v44 =	vnsel vm0, $0xF, v44;
	v51 =	vshll.u32 v57, $0x9;
	v60 =	vnsel vm1, $0xF, v58  }
0x2c: {  	[tilespmem:s20+$0x0] =	vst v63;
	v55 =	vmax.f32 v34, $0.0e+00;
	v56 =	vmax.f32 v32, $0.0e+00;
	v58 =	vmax.f32 v38, $0.0e+00  }
0x2d: {  	s0 =	simm.s32 $0x24A0;
	[tilespmem:s20+$0x10] =	vst v46;
	v61 =	vshll.u32 v60, $0x9;
	v39 =	vmin.f32 v55, $1.500000000e+01;
	v57 =	vmin.f32 v56, $1.500000000e+01  }
0x2e: {  	[tilespmem:s0+$0xFFFFFFE0] =	vst v51;
	v60 =	vmin.f32 v58, $1.500000000e+01;
	v43 =	vtrunc.f32 v39;
	v59 =	vtrunc.f32 v57  }
0x2f: {  	s21 =	simm.s32 $0x2720;
	vm1 =	vlt.s32 v45, $0xF;
	[tilespmem:s0+$0x10] =	vst v61;
	v61 =	vtrunc.f32 v60;
	v39 =	vcvt.f32.s32 v59  }
0x30: {  	v41 =	vcvt.f32.s32 v36;
	v62 =	vnsel vm1, $0xF, v45;
	[tilespmem:s21+$0x10] =	vst v42;
	v42 =	vcvt.f32.s32 v61  }
0x31: {  	s23 =	simm.s32 $0x4;
	s24 =	simm.s32 $0xA0;
	[tilespmem:s21+$0xFFFFFFE0] =	vst v52;
	v45 =	vshll.u32 v44, $0x9;
	v63 =	vshll.u32 v62, $0x9;
	v36 =	vadd.s32 $0x1, v39  }
0x32: {  	s22 =	simm.s32 $0x2720;
	s25 =	simm.s32 $0x24A0;
	s20 =	simm.s32 $0x2260;
	[tilespmem:s0+$0x0] =	vst v63;
	v40 =	vadd.s32 $0x1, v42;
	v44 =	vcvt.s32.f32 v42;
	vm0 =	vlt.s32 v36, $0xF  }
.LBB2_2:
0x33: {  	v46 =	vld [tilespmem:s24+$0xFFFFFFE0];
	s23 =	sadd.s32 $0x4, s23;
	v47 =	vadd.s32 $0x1, v41;
	v48 =	vcvt.s32.f32 v41;
	v43 =	vcvt.f32.s32 v43;
	[tilespmem:s21+$0x0] =	vst v35;
	s22 =	sadd.s32 $0x40, s22;
	s0 =	sadd.s32 $0x40, s0  }
0x34: {  	v50 =	vcvt.s32.f32 v39;
	v49 =	vld [tilespmem:s24+$0x10];
	p0 =	slt.u32 s23, $0x1C;
	vm1 =	vlt.s32 v47, $0xF;
	v35 =	vsub.f32 v38, v44;
	[tilespmem:s25+$0xFFFFFFF0] =	vst v45;
	s25 =	smov.u32 s0  }
0x35: {  	v38 =	vld [tilespmem:s24+$0xFFFFFFF0];
	v44 =	vnsel vm1, $0xF, v47;
	v45 =	vadd.s32 $0x1, v43;
	v47 =	vcvt.s32.f32 v43;
	[tilespmem:s21+$0xFFFFFFF0] =	vst v37;
	s21 =	smov.u32 s22  }
0x36: {  	v43 =	vshll.u32 v43, $0x9;
	v51 =	vld [tilespmem:s24+$0x0];
	v44 =	vshll.u32 v44, $0x9;
	vm1 =	vlt.s32 v45, $0xF  }
0x37: {  	v48 =	vsub.f32 v33, v48;
	v45 =	vnsel vm1, $0xF, v45;
	v47 =	vsub.f32 v34, v47  }
0x38: {  	v37 =	vsub.f32 v32, v50;
	v33 =	vmul.f32 $1.600000000e+01, v46;
	[tilespmem:s20+$0x10] =	vst v43;
	v32 =	vshll.u32 v45, $0x9  }
0x39: {  	v41 =	vshll.u32 v41, $0x9;
	v46 =	vshll.u32 v42, $0x9;
	v34 =	vmul.f32 $1.600000000e+01, v49;
	[tilespmem:s0+$0x10] =	vst v32  }
0x3a: {  	v45 =	vshll.u32 v39, $0x9;
	v42 =	vmax.f32 v33, $0.0e+00;
	v32 =	vmul.f32 $1.600000000e+01, v38;
	[tilespmem:s20+$0xFFFFFFE0] =	vst v41  }
0x3b: {  	v39 =	vmin.f32 v42, $1.500000000e+01;
	v38 =	vmul.f32 $1.600000000e+01, v51;
	v41 =	vmax.f32 v34, $0.0e+00;
	[tilespmem:s0+$0xFFFFFFE0] =	vst v44  }
0x3c: {  	v39 =	vtrunc.f32 v39;
	v42 =	vmax.f32 v32, $0.0e+00;
	v41 =	vmin.f32 v41, $1.500000000e+01;
	[tilespmem:s22+$0xFFFFFFE0] =	vst v48  }
0x3d: {  	v42 =	vmin.f32 v42, $1.500000000e+01;
	v44 =	vmax.f32 v38, $0.0e+00;
	v43 =	vtrunc.f32 v41;
	[tilespmem:s22+$0x10] =	vst v47  }
.Ltmp0:
0x3e: {  	v41 =	vcvt.f32.s32 v39;
	v39 =	vtrunc.f32 v42;
	v42 =	vmin.f32 v44, $1.500000000e+01;
	(pc) =	sbr.rel @p0 .LBB2_2-.Ltmp0, $4  }
0x3f: {  	vm1 =	vlt.s32 v40, $0xF;
	v39 =	vcvt.f32.s32 v39;
	v42 =	vtrunc.f32 v42  }
0x40: {  	v40 =	vnsel vm1, $0xF, v40;
	v44 =	vnsel vm0, $0xF, v36;
	v42 =	vcvt.f32.s32 v42;
	[tilespmem:s20+$0xFFFFFFF0] =	vst v45  }
0x41: {  	v45 =	vshll.u32 v44, $0x9;
	v36 =	vadd.s32 $0x1, v39;
	[tilespmem:s20+$0x0] =	vst v46;
	v46 =	vshll.u32 v40, $0x9  }
0x42: {  	s24 =	sadd.s32 $0x40, s24;
	s20 =	sadd.s32 $0x40, s20;
	vm0 =	vlt.s32 v36, $0xF;
	v40 =	vadd.s32 $0x1, v42;
	v44 =	vcvt.s32.f32 v42;
	[tilespmem:s0+$0x0] =	vst v46  }
0x43: {  	[tilespmem:s21+$0x0] =	vst v35  }
0x44: {  	[tilespmem:s25+$0xFFFFFFF0] =	vst v45  }
0x45: {  	v55 =	vshll.u32 v41, $0x9;
	[tilespmem:s21+$0xFFFFFFF0] =	vst v37  }
0x46: {  	v43 =	vcvt.f32.s32 v43;
	v57 =	vshll.u32 v39, $0x9;
	[tilespmem:s20+$0xFFFFFFE0] =	vst v55  }
0x47: {  	v52 =	vadd.s32 $0x1, v41;
	v58 =	vshll.u32 v42, $0x9;
	v62 =	vnsel vm0, $0xF, v36;
	[tilespmem:s20+$0xFFFFFFF0] =	vst v57  }
0x48: {  	s0 =	sadd.s32 $0x40, s0;
	v60 =	vcvt.s32.f32 v39;
	vm14 =	vlt.s32 v52, $0xF;
	[tilespmem:s20+$0x0] =	vst v58;
	v63 =	vshll.u32 v62, $0x9  }
0x49: {  	v46 =	vcvt.s32.f32 v41;
	v53 =	vshll.u32 v43, $0x9;
	v54 =	vnsel vm14, $0xF, v52;
	[tilespmem:s0+$0xFFFFFFF0] =	vst v63  }
0x4a: {  	v51 =	vadd.s32 $0x1, v43;
	v32 =	vsub.f32 v32, v60;
	[tilespmem:s20+$0x10] =	vst v53;
	v56 =	vshll.u32 v54, $0x9  }
0x4b: {  	s22 =	sadd.s32 $0x40, s22;
	v33 =	vsub.f32 v33, v46;
	vm1 =	vlt.s32 v51, $0xF;
	[tilespmem:s0+$0xFFFFFFE0] =	vst v56  }
0x4c: {  	vm15 =	vlt.s32 v40, $0xF;
	v43 =	vcvt.s32.f32 v43;
	v35 =	vnsel vm1, $0xF, v51;
	[tilespmem:s22+$0xFFFFFFF0] =	vst v32  }
0x4d: {  	v59 =	vnsel vm15, $0xF, v40;
	v35 =	vshll.u32 v35, $0x9;
	[tilespmem:s22+$0xFFFFFFE0] =	vst v33  }
0x4e: {  	v34 =	vsub.f32 v34, v43;
	v33 =	vshll.u32 v59, $0x9;
	[tilespmem:s0+$0x10] =	vst v35  }
0x4f: {  	v61 =	vsub.f32 v38, v44;
	[tilespmem:s0+$0x0] =	vst v33  }
0x50: {  	p0 =	por $0x0, $0x0;
	s23 =	simm.s32 $0x0;
	s24 =	simm.s32 $0x0;
	[tilespmem:s22+$0x10] =	vst v34  }
0x51: {  	s21 =	simm.s32 $0x180;
	s20 =	simm.s32 $0x0;
	[tilespmem:s22+$0x0] =	vst v61;
	s22 =	simm.s32 $0x0  }
.LBB2_4:
0x52: {  	v32 =	vmov s24  }
0x53: {  	v32 =	vand.u32 $0xFFFFFFFC, v32  }
0x54: {  	s0 =	sadd.s32 $0x1, s24;
	v32 =	vbroadcast v32, $0x0  }
0x55: {  	v33 =	vmov s0  }
0x56: {  	v33 =	vand.u32 $0xFFFFFFFD, v33  }
0x57: {  	s28 =	sadd.s32 $0x2, s24;
	v33 =	vbroadcast v33, $0x0  }
0x58: {  	v34 =	vmov s28  }
0x59: {  	s29 =	sadd.s32 $0x3, s24;
	v34 =	vand.u32 $0xFFFFFFFE, v34  }
0x5a: {  	v39 =	vmov s29;
	v34 =	vbroadcast v34, $0x0;
	v44 =	vld.idx.msk [tilespmem:v32+s13+$0x0], $0xffff  }
0x5b: {  	v45 =	vld.idx.msk [tilespmem:v32+s14+$0x0], $0xffff;
	_ =	sdelay $0x1  }
0x5c: {  	v41 =	vld.idx.msk [tilespmem:v33+s13+$0x0], $0xffff  }
0x5d: {  	v42 =	vld.idx.msk [tilespmem:v33+s14+$0x0], $0xffff  }
0x5e: {  	v38 =	vld.idx.msk [tilespmem:v39+s13+$0x0], $0xffff;
	v35 =	vadd.s32 v0, v44  }
0x5f: {  	v40 =	vld.idx.msk [tilespmem:v34+s13+$0x0], $0xffff;
	v43 =	vadd.s32 v0, v45  }
0x60: {  	v37 =	vld.idx.msk [tilespmem:v34+s14+$0x0], $0xffff  }
0x61: {  	v36 =	vld.idx.msk [tilespmem:v39+s14+$0x0], $0xffff;
	v62 =	vadd.s32 v0, v41  }
0x62: {  	v32 =	vld.idx.msk [tilespmem:v32+s15+$0x0], $0xffff;
	v47 =	vadd.s32 v0, v42  }
0x63: {  	v46 =	vld.idx.msk [tilespmem:v35+s11+$0x0], $0xffff  }
0x64: {  	v48 =	vadd.s32 v0, v40;
	v43 =	vld.idx.msk [tilespmem:v43+s11+$0x0], $0xffff  }
0x65: {  	v33 =	vld.idx.msk [tilespmem:v33+s15+$0x0], $0xffff;
	v49 =	vadd.s32 v0, v37  }
0x66: {  	v50 =	vld.idx.msk [tilespmem:v62+s11+$0x0], $0xffff  }
0x67: {  	v51 =	vadd.s32 v0, v38;
	v35 =	vsub.f32 $1.000000000e+00, v32;
	v47 =	vld.idx.msk [tilespmem:v47+s11+$0x0], $0xffff  }
0x68: {  	v34 =	vld.idx.msk [tilespmem:v34+s15+$0x0], $0xffff;
	v52 =	vadd.s32 v0, v36  }
0x69: {  	v54 =	vadd.s32 v1, v44;
	v48 =	vld.idx.msk [tilespmem:v48+s11+$0x0], $0xffff;
	v46 =	vmul.f32 v46, v35;
	v53 =	vmul.f32 v43, v32  }
0x6a: {  	s30 =	sand.u32 $0x1000, s22;
	s25 =	sadd.s32 $0xFFFFFE80, s21;
	v55 =	vadd.s32 v1, v45;
	v49 =	vld.idx.msk [tilespmem:v49+s11+$0x0], $0xffff;
	v43 =	vsub.f32 $1.000000000e+00, v33  }
0x6b: {  	s25 =	sand.u32 $0x200, s25;
	s28 =	sor.u32 $0x2980, s30;
	v39 =	vld.idx.msk [tilespmem:v39+s15+$0x0], $0xffff;
	v46 =	vadd.f32 v53, v46  }
0x6c: {  	s0 =	sor.u32 s25, s28;
	v63 =	vadd.s32 v1, v41;
	v51 =	vld.idx.msk [tilespmem:v51+s11+$0x0], $0xffff;
	v47 =	vmul.f32 v47, v33;
	v50 =	vmul.f32 v50, v43  }
0x6d: {  	s31 =	sadd.s32 $0xFFFFFF00, s21;
	v56 =	vadd.s32 v1, v42;
	v52 =	vld.idx.msk [tilespmem:v52+s11+$0x0], $0xffff;
	[tilespmem:s0+$0x0] =	vst v46;
	v46 =	vsub.f32 $1.000000000e+00, v34  }
0x6e: {  	s25 =	sand.u32 $0x280, s31;
	v47 =	vadd.f32 v47, v50;
	v54 =	vld.idx.msk [tilespmem:v54+s11+$0x0], $0xffff  }
0x6f: {  	s25 =	sadd.s32 s25, s28;
	v61 =	vadd.s32 v1, v40;
	v49 =	vmul.f32 v49, v34;
	v60 =	vld.idx.msk [tilespmem:v55+s11+$0x0], $0xffff;
	v48 =	vmul.f32 v48, v46  }
0x70: {  	s26 =	sadd.s32 $0xFFFFFF80, s21;
	v57 =	vadd.s32 v1, v37;
	[tilespmem:s25+$0x0] =	vst v47;
	v47 =	vsub.f32 $1.000000000e+00, v39  }
0x71: {  	s26 =	sand.u32 $0x300, s26;
	v53 =	vld.idx.msk [tilespmem:v63+s11+$0x0], $0xffff;
	v48 =	vadd.f32 v49, v48  }
0x72: {  	s26 =	sadd.s32 s26, s28;
	v62 =	vadd.s32 v1, v38;
	v52 =	vmul.f32 v52, v39;
	v49 =	vld.idx.msk [tilespmem:v56+s11+$0x0], $0xffff;
	v51 =	vmul.f32 v51, v47  }
0x73: {  	v58 =	vadd.s32 v2, v44;
	v63 =	vadd.s32 v1, v36;
	[tilespmem:s26+$0x0] =	vst v48  }
0x74: {  	s29 =	sand.u32 $0x380, s21;
	v54 =	vmul.f32 v54, v35;
	v50 =	vmul.f32 v60, v32;
	v51 =	vadd.f32 v52, v51;
	v55 =	vld.idx.msk [tilespmem:v61+s11+$0x0], $0xffff  }
0x75: {  	s28 =	sadd.s32 s29, s28;
	v60 =	vadd.s32 v2, v45;
	v57 =	vld.idx.msk [tilespmem:v57+s11+$0x0], $0xffff  }
0x76: {  	v50 =	vadd.f32 v50, v54;
	[tilespmem:s28+$0x0] =	vst v51  }
0x77: {  	v61 =	vmul.f32 v53, v43;
	v53 =	vadd.s32 v2, v41;
	v49 =	vmul.f32 v49, v33;
	v54 =	vld.idx.msk [tilespmem:v62+s11+$0x0], $0xffff  }
0x78: {  	v48 =	vld.idx.msk [tilespmem:v63+s11+$0x0], $0xffff;
	[tilespmem:s0+$0x10] =	vst v50;
	v50 =	vadd.s32 v2, v42  }
0x79: {  	v56 =	vld.idx.msk [tilespmem:v58+s11+$0x0], $0xffff;
	v49 =	vadd.f32 v49, v61  }
0x7a: {  	v51 =	vld.idx.msk [tilespmem:v60+s11+$0x0], $0xffff;
	v60 =	vadd.s32 v2, v40;
	v62 =	vmul.f32 v55, v46;
	v63 =	vmul.f32 v57, v34  }
0x7b: {  	v61 =	vadd.s32 v2, v37;
	[tilespmem:s25+$0x10] =	vst v49  }
0x7c: {  	v53 =	vld.idx.msk [tilespmem:v53+s11+$0x0], $0xffff;
	v52 =	vadd.f32 v63, v62  }
0x7d: {  	v54 =	vmul.f32 v54, v47;
	v48 =	vmul.f32 v48, v39;
	v62 =	vadd.s32 v2, v38;
	v50 =	vld.idx.msk [tilespmem:v50+s11+$0x0], $0xffff  }
0x7e: {  	v58 =	vadd.s32 v3, v44;
	[tilespmem:s26+$0x10] =	vst v52;
	v52 =	vadd.s32 v2, v36  }
0x7f: {  	v56 =	vmul.f32 v56, v35;
	v51 =	vmul.f32 v51, v32;
	v48 =	vadd.f32 v48, v54;
	v57 =	vld.idx.msk [tilespmem:v60+s11+$0x0], $0xffff  }
0x80: {  	v63 =	vadd.s32 v3, v45;
	v49 =	vld.idx.msk [tilespmem:v61+s11+$0x0], $0xffff  }
0x81: {  	v51 =	vadd.f32 v51, v56;
	[tilespmem:s28+$0x10] =	vst v48  }
0x82: {  	v61 =	vadd.s32 v3, v41;
	v60 =	vmul.f32 v53, v43;
	v55 =	vld.idx.msk [tilespmem:v62+s11+$0x0], $0xffff;
	v50 =	vmul.f32 v50, v33  }
0x83: {  	v62 =	vadd.s32 v3, v42;
	[tilespmem:s0+$0x20] =	vst v51;
	v52 =	vld.idx.msk [tilespmem:v52+s11+$0x0], $0xffff  }
0x84: {  	v56 =	vld.idx.msk [tilespmem:v58+s11+$0x0], $0xffff;
	v48 =	vadd.f32 v50, v60  }
0x85: {  	v50 =	vld.idx.msk [tilespmem:v63+s11+$0x0], $0xffff;
	v63 =	vmul.f32 v57, v46;
	v49 =	vmul.f32 v49, v34;
	v60 =	vadd.s32 v3, v40  }
0x86: {  	[tilespmem:s25+$0x20] =	vst v48;
	v48 =	vadd.s32 v3, v37  }
0x87: {  	v49 =	vadd.f32 v49, v63;
	v53 =	vld.idx.msk [tilespmem:v61+s11+$0x0], $0xffff  }
0x88: {  	v51 =	vld.idx.msk [tilespmem:v62+s11+$0x0], $0xffff;
	v61 =	vmul.f32 v55, v47;
	v62 =	vadd.s32 v3, v38;
	v52 =	vmul.f32 v52, v39  }
0x89: {  	v63 =	vadd.s32 v4, v44;
	[tilespmem:s26+$0x20] =	vst v49;
	v49 =	vadd.s32 v3, v36  }
0x8a: {  	v56 =	vmul.f32 v56, v35;
	v50 =	vmul.f32 v50, v32;
	v57 =	vld.idx.msk [tilespmem:v60+s11+$0x0], $0xffff;
	v52 =	vadd.f32 v52, v61  }
0x8b: {  	v60 =	vadd.s32 v4, v45;
	v48 =	vld.idx.msk [tilespmem:v48+s11+$0x0], $0xffff  }
0x8c: {  	v50 =	vadd.f32 v50, v56;
	[tilespmem:s28+$0x20] =	vst v52  }
0x8d: {  	v61 =	vmul.f32 v53, v43;
	v51 =	vmul.f32 v51, v33;
	v53 =	vadd.s32 v4, v41;
	v55 =	vld.idx.msk [tilespmem:v62+s11+$0x0], $0xffff  }
0x8e: {  	[tilespmem:s0+$0x30] =	vst v50;
	v62 =	vadd.s32 v4, v42;
	v49 =	vld.idx.msk [tilespmem:v49+s11+$0x0], $0xffff  }
0x8f: {  	v56 =	vld.idx.msk [tilespmem:v63+s11+$0x0], $0xffff;
	v51 =	vadd.f32 v51, v61  }
0x90: {  	v52 =	vld.idx.msk [tilespmem:v60+s11+$0x0], $0xffff;
	v63 =	vmul.f32 v57, v46;
	v60 =	vadd.s32 v4, v40;
	v48 =	vmul.f32 v48, v34  }
0x91: {  	v61 =	vadd.s32 v4, v37;
	[tilespmem:s25+$0x30] =	vst v51  }
0x92: {  	v53 =	vld.idx.msk [tilespmem:v53+s11+$0x0], $0xffff;
	v48 =	vadd.f32 v48, v63  }
0x93: {  	v50 =	vld.idx.msk [tilespmem:v62+s11+$0x0], $0xffff;
	v62 =	vmul.f32 v55, v47;
	v49 =	vmul.f32 v49, v39;
	v63 =	vadd.s32 v4, v38  }
0x94: {  	v58 =	vadd.s32 v5, v44;
	[tilespmem:s26+$0x30] =	vst v48;
	v48 =	vadd.s32 v4, v36  }
0x95: {  	v56 =	vmul.f32 v56, v35;
	v52 =	vmul.f32 v52, v32;
	v49 =	vadd.f32 v49, v62;
	v57 =	vld.idx.msk [tilespmem:v60+s11+$0x0], $0xffff  }
0x96: {  	v60 =	vadd.s32 v5, v45;
	v51 =	vld.idx.msk [tilespmem:v61+s11+$0x0], $0xffff  }
0x97: {  	v52 =	vadd.f32 v52, v56;
	[tilespmem:s28+$0x30] =	vst v49  }
0x98: {  	v62 =	vadd.s32 v5, v41;
	v61 =	vmul.f32 v53, v43;
	v50 =	vmul.f32 v50, v33;
	v55 =	vld.idx.msk [tilespmem:v63+s11+$0x0], $0xffff  }
0x99: {  	[tilespmem:s0+$0x40] =	vst v52;
	v63 =	vadd.s32 v5, v42;
	v48 =	vld.idx.msk [tilespmem:v48+s11+$0x0], $0xffff  }
0x9a: {  	v56 =	vld.idx.msk [tilespmem:v58+s11+$0x0], $0xffff;
	v49 =	vadd.f32 v50, v61  }
0x9b: {  	v61 =	vadd.s32 v5, v40;
	v50 =	vld.idx.msk [tilespmem:v60+s11+$0x0], $0xffff;
	v60 =	vmul.f32 v57, v46;
	v51 =	vmul.f32 v51, v34  }
0x9c: {  	[tilespmem:s25+$0x40] =	vst v49;
	v49 =	vadd.s32 v5, v37  }
0x9d: {  	v53 =	vld.idx.msk [tilespmem:v62+s11+$0x0], $0xffff;
	v51 =	vadd.f32 v51, v60  }
0x9e: {  	v52 =	vld.idx.msk [tilespmem:v63+s11+$0x0], $0xffff;
	v62 =	vmul.f32 v55, v47;
	v63 =	vadd.s32 v5, v38;
	v48 =	vmul.f32 v48, v39  }
0x9f: {  	v60 =	vadd.s32 v6, v44;
	[tilespmem:s26+$0x40] =	vst v51;
	v51 =	vadd.s32 v5, v36  }
0xa0: {  	v56 =	vmul.f32 v56, v35;
	v50 =	vmul.f32 v50, v32;
	v57 =	vld.idx.msk [tilespmem:v61+s11+$0x0], $0xffff;
	v48 =	vadd.f32 v48, v62  }
0xa1: {  	v61 =	vadd.s32 v6, v45;
	v49 =	vld.idx.msk [tilespmem:v49+s11+$0x0], $0xffff  }
0xa2: {  	v50 =	vadd.f32 v50, v56;
	[tilespmem:s28+$0x40] =	vst v48  }
0xa3: {  	v62 =	vmul.f32 v53, v43;
	v52 =	vmul.f32 v52, v33;
	v53 =	vadd.s32 v6, v41;
	v55 =	vld.idx.msk [tilespmem:v63+s11+$0x0], $0xffff  }
0xa4: {  	[tilespmem:s0+$0x50] =	vst v50;
	v63 =	vadd.s32 v6, v42;
	v51 =	vld.idx.msk [tilespmem:v51+s11+$0x0], $0xffff  }
0xa5: {  	v48 =	vadd.f32 v52, v62;
	v56 =	vld.idx.msk [tilespmem:v60+s11+$0x0], $0xffff  }
0xa6: {  	v52 =	vld.idx.msk [tilespmem:v61+s11+$0x0], $0xffff;
	v60 =	vmul.f32 v57, v46;
	v61 =	vadd.s32 v6, v40;
	v49 =	vmul.f32 v49, v34  }
0xa7: {  	v62 =	vadd.s32 v6, v37;
	[tilespmem:s25+$0x50] =	vst v48  }
0xa8: {  	v53 =	vld.idx.msk [tilespmem:v53+s11+$0x0], $0xffff;
	v49 =	vadd.f32 v49, v60  }
0xa9: {  	v60 =	vadd.s32 v6, v38;
	v50 =	vld.idx.msk [tilespmem:v63+s11+$0x0], $0xffff;
	v63 =	vmul.f32 v55, v47;
	v51 =	vmul.f32 v51, v39  }
0xaa: {  	v58 =	vadd.s32 v7, v44;
	[tilespmem:s26+$0x50] =	vst v49;
	v49 =	vadd.s32 v6, v36  }
0xab: {  	v56 =	vmul.f32 v56, v35;
	v52 =	vmul.f32 v52, v32;
	v57 =	vld.idx.msk [tilespmem:v61+s11+$0x0], $0xffff;
	v51 =	vadd.f32 v51, v63  }
0xac: {  	v61 =	vadd.s32 v7, v45;
	v48 =	vld.idx.msk [tilespmem:v62+s11+$0x0], $0xffff  }
0xad: {  	v52 =	vadd.f32 v52, v56;
	[tilespmem:s28+$0x50] =	vst v51  }
0xae: {  	v63 =	vadd.s32 v7, v41;
	v62 =	vmul.f32 v53, v43;
	v50 =	vmul.f32 v50, v33;
	v55 =	vld.idx.msk [tilespmem:v60+s11+$0x0], $0xffff  }
0xaf: {  	[tilespmem:s0+$0x60] =	vst v52;
	v60 =	vadd.s32 v7, v42;
	v49 =	vld.idx.msk [tilespmem:v49+s11+$0x0], $0xffff  }
0xb0: {  	v56 =	vld.idx.msk [tilespmem:v58+s11+$0x0], $0xffff;
	v50 =	vadd.f32 v50, v62  }
0xb1: {  	v51 =	vld.idx.msk [tilespmem:v61+s11+$0x0], $0xffff;
	v61 =	vmul.f32 v57, v46;
	v48 =	vmul.f32 v48, v34;
	v62 =	vadd.s32 v7, v40  }
0xb2: {  	[tilespmem:s25+$0x60] =	vst v50;
	v50 =	vadd.s32 v7, v37  }
0xb3: {  	v48 =	vadd.f32 v48, v61;
	v53 =	vld.idx.msk [tilespmem:v63+s11+$0x0], $0xffff  }
0xb4: {  	v52 =	vld.idx.msk [tilespmem:v60+s11+$0x0], $0xffff;
	v63 =	vmul.f32 v55, v47;
	v60 =	vadd.s32 v7, v38;
	v49 =	vmul.f32 v49, v39  }
0xb5: {  	v61 =	vadd.s32 v8, v44;
	[tilespmem:s26+$0x60] =	vst v48;
	v48 =	vadd.s32 v7, v36  }
0xb6: {  	v56 =	vmul.f32 v56, v35;
	v51 =	vmul.f32 v51, v32;
	v57 =	vld.idx.msk [tilespmem:v62+s11+$0x0], $0xffff;
	v49 =	vadd.f32 v49, v63  }
0xb7: {  	v62 =	vadd.s32 v8, v45;
	v50 =	vld.idx.msk [tilespmem:v50+s11+$0x0], $0xffff  }
0xb8: {  	v51 =	vadd.f32 v51, v56;
	[tilespmem:s28+$0x60] =	vst v49  }
0xb9: {  	v63 =	vmul.f32 v53, v43;
	v52 =	vmul.f32 v52, v33;
	v53 =	vadd.s32 v8, v41;
	v55 =	vld.idx.msk [tilespmem:v60+s11+$0x0], $0xffff  }
0xba: {  	[tilespmem:s0+$0x70] =	vst v51;
	v60 =	vadd.s32 v8, v42;
	v48 =	vld.idx.msk [tilespmem:v48+s11+$0x0], $0xffff  }
0xbb: {  	v56 =	vld.idx.msk [tilespmem:v61+s11+$0x0], $0xffff;
	v49 =	vadd.f32 v52, v63  }
0xbc: {  	v52 =	vld.idx.msk [tilespmem:v62+s11+$0x0], $0xffff;
	v61 =	vmul.f32 v57, v46;
	v62 =	vadd.s32 v8, v40;
	v50 =	vmul.f32 v50, v34  }
0xbd: {  	v63 =	vadd.s32 v8, v37;
	[tilespmem:s25+$0x70] =	vst v49  }
0xbe: {  	v53 =	vld.idx.msk [tilespmem:v53+s11+$0x0], $0xffff;
	v50 =	vadd.f32 v50, v61  }
0xbf: {  	v51 =	vld.idx.msk [tilespmem:v60+s11+$0x0], $0xffff;
	v60 =	vmul.f32 v55, v47;
	v48 =	vmul.f32 v48, v39;
	v61 =	vadd.s32 v8, v38  }
0xc0: {  	v58 =	vadd.s32 v9, v44;
	[tilespmem:s26+$0x70] =	vst v50;
	v50 =	vadd.s32 v8, v36  }
0xc1: {  	v56 =	vmul.f32 v56, v35;
	v52 =	vmul.f32 v52, v32;
	v48 =	vadd.f32 v48, v60;
	v57 =	vld.idx.msk [tilespmem:v62+s11+$0x0], $0xffff  }
0xc2: {  	v62 =	vadd.s32 v9, v45;
	v49 =	vld.idx.msk [tilespmem:v63+s11+$0x0], $0xffff  }
0xc3: {  	v52 =	vadd.f32 v52, v56;
	[tilespmem:s28+$0x70] =	vst v48  }
0xc4: {  	v60 =	vadd.s32 v9, v41;
	v63 =	vmul.f32 v53, v43;
	v51 =	vmul.f32 v51, v33;
	v55 =	vld.idx.msk [tilespmem:v61+s11+$0x0], $0xffff  }
0xc5: {  	[tilespmem:s0+$0x400] =	vst v52;
	v61 =	vadd.s32 v9, v42;
	v50 =	vld.idx.msk [tilespmem:v50+s11+$0x0], $0xffff  }
0xc6: {  	v56 =	vld.idx.msk [tilespmem:v58+s11+$0x0], $0xffff;
	v48 =	vadd.f32 v51, v63  }
0xc7: {  	v63 =	vadd.s32 v9, v40;
	v51 =	vld.idx.msk [tilespmem:v62+s11+$0x0], $0xffff;
	v62 =	vmul.f32 v57, v46;
	v49 =	vmul.f32 v49, v34  }
0xc8: {  	[tilespmem:s25+$0x400] =	vst v48;
	v48 =	vadd.s32 v9, v37  }
0xc9: {  	v53 =	vld.idx.msk [tilespmem:v60+s11+$0x0], $0xffff;
	v49 =	vadd.f32 v49, v62  }
0xca: {  	v52 =	vld.idx.msk [tilespmem:v61+s11+$0x0], $0xffff;
	v60 =	vmul.f32 v55, v47;
	v61 =	vadd.s32 v9, v38;
	v50 =	vmul.f32 v50, v39  }
0xcb: {  	v62 =	vadd.s32 v10, v44;
	[tilespmem:s26+$0x400] =	vst v49;
	v49 =	vadd.s32 v9, v36  }
0xcc: {  	v56 =	vmul.f32 v56, v35;
	v51 =	vmul.f32 v51, v32;
	v57 =	vld.idx.msk [tilespmem:v63+s11+$0x0], $0xffff;
	v50 =	vadd.f32 v50, v60  }
0xcd: {  	v63 =	vadd.s32 v10, v45;
	v48 =	vld.idx.msk [tilespmem:v48+s11+$0x0], $0xffff  }
0xce: {  	v51 =	vadd.f32 v51, v56;
	[tilespmem:s28+$0x400] =	vst v50  }
0xcf: {  	v60 =	vmul.f32 v53, v43;
	v52 =	vmul.f32 v52, v33;
	v53 =	vadd.s32 v10, v41;
	v55 =	vld.idx.msk [tilespmem:v61+s11+$0x0], $0xffff  }
0xd0: {  	[tilespmem:s0+$0x410] =	vst v51;
	v61 =	vadd.s32 v10, v42;
	v49 =	vld.idx.msk [tilespmem:v49+s11+$0x0], $0xffff  }
0xd1: {  	v50 =	vadd.f32 v52, v60;
	v56 =	vld.idx.msk [tilespmem:v62+s11+$0x0], $0xffff  }
0xd2: {  	v52 =	vld.idx.msk [tilespmem:v63+s11+$0x0], $0xffff;
	v62 =	vmul.f32 v57, v46;
	v63 =	vadd.s32 v10, v40;
	v48 =	vmul.f32 v48, v34  }
0xd3: {  	v60 =	vadd.s32 v10, v37;
	[tilespmem:s25+$0x410] =	vst v50  }
0xd4: {  	v53 =	vld.idx.msk [tilespmem:v53+s11+$0x0], $0xffff;
	v48 =	vadd.f32 v48, v62  }
0xd5: {  	v62 =	vadd.s32 v10, v38;
	v51 =	vld.idx.msk [tilespmem:v61+s11+$0x0], $0xffff;
	v61 =	vmul.f32 v55, v47;
	v49 =	vmul.f32 v49, v39  }
0xd6: {  	v58 =	vadd.s32 v11, v44;
	[tilespmem:s26+$0x410] =	vst v48;
	v48 =	vadd.s32 v10, v36  }
0xd7: {  	v56 =	vmul.f32 v56, v35;
	v52 =	vmul.f32 v52, v32;
	v57 =	vld.idx.msk [tilespmem:v63+s11+$0x0], $0xffff;
	v49 =	vadd.f32 v49, v61  }
0xd8: {  	v63 =	vadd.s32 v11, v45;
	v50 =	vld.idx.msk [tilespmem:v60+s11+$0x0], $0xffff  }
0xd9: {  	v52 =	vadd.f32 v52, v56;
	[tilespmem:s28+$0x410] =	vst v49  }
0xda: {  	v61 =	vadd.s32 v11, v41;
	v60 =	vmul.f32 v53, v43;
	v51 =	vmul.f32 v51, v33;
	v55 =	vld.idx.msk [tilespmem:v62+s11+$0x0], $0xffff  }
0xdb: {  	[tilespmem:s0+$0x420] =	vst v52;
	v62 =	vadd.s32 v11, v42;
	v48 =	vld.idx.msk [tilespmem:v48+s11+$0x0], $0xffff  }
0xdc: {  	v56 =	vld.idx.msk [tilespmem:v58+s11+$0x0], $0xffff;
	v49 =	vadd.f32 v51, v60  }
0xdd: {  	v51 =	vld.idx.msk [tilespmem:v63+s11+$0x0], $0xffff;
	v63 =	vmul.f32 v57, v46;
	v50 =	vmul.f32 v50, v34;
	v60 =	vadd.s32 v11, v40  }
0xde: {  	[tilespmem:s25+$0x420] =	vst v49;
	v49 =	vadd.s32 v11, v37  }
0xdf: {  	v50 =	vadd.f32 v50, v63;
	v53 =	vld.idx.msk [tilespmem:v61+s11+$0x0], $0xffff  }
0xe0: {  	v52 =	vld.idx.msk [tilespmem:v62+s11+$0x0], $0xffff;
	v61 =	vmul.f32 v55, v47;
	v62 =	vadd.s32 v11, v38;
	v48 =	vmul.f32 v48, v39  }
0xe1: {  	v63 =	vadd.s32 v12, v44;
	[tilespmem:s26+$0x420] =	vst v50;
	v50 =	vadd.s32 v11, v36  }
0xe2: {  	v56 =	vmul.f32 v56, v35;
	v51 =	vmul.f32 v51, v32;
	v57 =	vld.idx.msk [tilespmem:v60+s11+$0x0], $0xffff;
	v48 =	vadd.f32 v48, v61  }
0xe3: {  	v60 =	vadd.s32 v12, v45;
	v49 =	vld.idx.msk [tilespmem:v49+s11+$0x0], $0xffff  }
0xe4: {  	v51 =	vadd.f32 v51, v56;
	[tilespmem:s28+$0x420] =	vst v48  }
0xe5: {  	v61 =	vmul.f32 v53, v43;
	v52 =	vmul.f32 v52, v33;
	v53 =	vadd.s32 v12, v41;
	v55 =	vld.idx.msk [tilespmem:v62+s11+$0x0], $0xffff  }
0xe6: {  	[tilespmem:s0+$0x430] =	vst v51;
	v62 =	vadd.s32 v12, v42;
	v50 =	vld.idx.msk [tilespmem:v50+s11+$0x0], $0xffff  }
0xe7: {  	v56 =	vld.idx.msk [tilespmem:v63+s11+$0x0], $0xffff;
	v48 =	vadd.f32 v52, v61  }
0xe8: {  	v52 =	vld.idx.msk [tilespmem:v60+s11+$0x0], $0xffff;
	v63 =	vmul.f32 v57, v46;
	v60 =	vadd.s32 v12, v40;
	v49 =	vmul.f32 v49, v34  }
0xe9: {  	v61 =	vadd.s32 v12, v37;
	[tilespmem:s25+$0x430] =	vst v48  }
0xea: {  	v53 =	vld.idx.msk [tilespmem:v53+s11+$0x0], $0xffff;
	v49 =	vadd.f32 v49, v63  }
0xeb: {  	v51 =	vld.idx.msk [tilespmem:v62+s11+$0x0], $0xffff;
	v62 =	vmul.f32 v55, v47;
	v50 =	vmul.f32 v50, v39;
	v63 =	vadd.s32 v12, v38  }
0xec: {  	v58 =	vadd.s32 v13, v44;
	[tilespmem:s26+$0x430] =	vst v49;
	v49 =	vadd.s32 v12, v36  }
0xed: {  	v56 =	vmul.f32 v56, v35;
	v52 =	vmul.f32 v52, v32;
	v50 =	vadd.f32 v50, v62;
	v57 =	vld.idx.msk [tilespmem:v60+s11+$0x0], $0xffff  }
0xee: {  	v60 =	vadd.s32 v13, v45;
	v48 =	vld.idx.msk [tilespmem:v61+s11+$0x0], $0xffff  }
0xef: {  	v52 =	vadd.f32 v52, v56;
	[tilespmem:s28+$0x430] =	vst v50  }
0xf0: {  	v62 =	vadd.s32 v13, v41;
	v61 =	vmul.f32 v53, v43;
	v51 =	vmul.f32 v51, v33;
	v55 =	vld.idx.msk [tilespmem:v63+s11+$0x0], $0xffff  }
0xf1: {  	[tilespmem:s0+$0x440] =	vst v52;
	v63 =	vadd.s32 v13, v42;
	v49 =	vld.idx.msk [tilespmem:v49+s11+$0x0], $0xffff  }
0xf2: {  	v56 =	vld.idx.msk [tilespmem:v58+s11+$0x0], $0xffff;
	v50 =	vadd.f32 v51, v61  }
0xf3: {  	v61 =	vadd.s32 v13, v40;
	v51 =	vld.idx.msk [tilespmem:v60+s11+$0x0], $0xffff;
	v60 =	vmul.f32 v57, v46;
	v48 =	vmul.f32 v48, v34  }
0xf4: {  	[tilespmem:s25+$0x440] =	vst v50;
	v50 =	vadd.s32 v13, v37  }
0xf5: {  	v53 =	vld.idx.msk [tilespmem:v62+s11+$0x0], $0xffff;
	v48 =	vadd.f32 v48, v60  }
0xf6: {  	v52 =	vld.idx.msk [tilespmem:v63+s11+$0x0], $0xffff;
	v62 =	vmul.f32 v55, v47;
	v63 =	vadd.s32 v13, v38;
	v49 =	vmul.f32 v49, v39  }
0xf7: {  	v60 =	vadd.s32 v14, v44;
	[tilespmem:s26+$0x440] =	vst v48;
	v48 =	vadd.s32 v13, v36  }
0xf8: {  	v56 =	vmul.f32 v56, v35;
	v51 =	vmul.f32 v51, v32;
	v57 =	vld.idx.msk [tilespmem:v61+s11+$0x0], $0xffff;
	v49 =	vadd.f32 v49, v62  }
0xf9: {  	v61 =	vadd.s32 v14, v45;
	v50 =	vld.idx.msk [tilespmem:v50+s11+$0x0], $0xffff  }
0xfa: {  	v51 =	vadd.f32 v51, v56;
	[tilespmem:s28+$0x440] =	vst v49  }
0xfb: {  	v62 =	vmul.f32 v53, v43;
	v52 =	vmul.f32 v52, v33;
	v53 =	vadd.s32 v14, v41;
	v55 =	vld.idx.msk [tilespmem:v63+s11+$0x0], $0xffff  }
0xfc: {  	[tilespmem:s0+$0x450] =	vst v51;
	v63 =	vadd.s32 v14, v42;
	v48 =	vld.idx.msk [tilespmem:v48+s11+$0x0], $0xffff  }
0xfd: {  	v49 =	vadd.f32 v52, v62;
	v56 =	vld.idx.msk [tilespmem:v60+s11+$0x0], $0xffff  }
0xfe: {  	v52 =	vld.idx.msk [tilespmem:v61+s11+$0x0], $0xffff;
	v60 =	vmul.f32 v57, v46;
	v61 =	vadd.s32 v14, v40;
	v50 =	vmul.f32 v50, v34  }
0xff: {  	v62 =	vadd.s32 v14, v37;
	[tilespmem:s25+$0x450] =	vst v49  }
0x100: {  	v53 =	vld.idx.msk [tilespmem:v53+s11+$0x0], $0xffff;
	v50 =	vadd.f32 v50, v60  }
0x101: {  	v60 =	vadd.s32 v14, v38;
	v51 =	vld.idx.msk [tilespmem:v63+s11+$0x0], $0xffff;
	v63 =	vmul.f32 v55, v47;
	v48 =	vmul.f32 v48, v39  }
0x102: {  	v58 =	vadd.s32 v15, v44;
	[tilespmem:s26+$0x450] =	vst v50;
	v50 =	vadd.s32 v14, v36  }
0x103: {  	v56 =	vmul.f32 v56, v35;
	v52 =	vmul.f32 v52, v32;
	v57 =	vld.idx.msk [tilespmem:v61+s11+$0x0], $0xffff;
	v48 =	vadd.f32 v48, v63  }
0x104: {  	v61 =	vadd.s32 v15, v45;
	v49 =	vld.idx.msk [tilespmem:v62+s11+$0x0], $0xffff  }
0x105: {  	v52 =	vadd.f32 v52, v56;
	[tilespmem:s28+$0x450] =	vst v48  }
0x106: {  	v63 =	vadd.s32 v15, v41;
	v62 =	vmul.f32 v53, v43;
	v51 =	vmul.f32 v51, v33;
	v55 =	vld.idx.msk [tilespmem:v60+s11+$0x0], $0xffff  }
0x107: {  	[tilespmem:s0+$0x460] =	vst v52;
	v60 =	vadd.s32 v15, v42;
	v50 =	vld.idx.msk [tilespmem:v50+s11+$0x0], $0xffff  }
0x108: {  	v56 =	vld.idx.msk [tilespmem:v58+s11+$0x0], $0xffff;
	v48 =	vadd.f32 v51, v62  }
0x109: {  	v51 =	vld.idx.msk [tilespmem:v61+s11+$0x0], $0xffff;
	v61 =	vmul.f32 v57, v46;
	v49 =	vmul.f32 v49, v34;
	v62 =	vadd.s32 v15, v40  }
0x10a: {  	[tilespmem:s25+$0x460] =	vst v48;
	v48 =	vadd.s32 v15, v37  }
0x10b: {  	v49 =	vadd.f32 v49, v61;
	v53 =	vld.idx.msk [tilespmem:v63+s11+$0x0], $0xffff  }
0x10c: {  	v52 =	vld.idx.msk [tilespmem:v60+s11+$0x0], $0xffff;
	v63 =	vmul.f32 v55, v47;
	v60 =	vadd.s32 v15, v38;
	v50 =	vmul.f32 v50, v39  }
0x10d: {  	v61 =	vadd.s32 v16, v44;
	[tilespmem:s26+$0x460] =	vst v49;
	v49 =	vadd.s32 v15, v36  }
0x10e: {  	v56 =	vmul.f32 v56, v35;
	v51 =	vmul.f32 v51, v32;
	v57 =	vld.idx.msk [tilespmem:v62+s11+$0x0], $0xffff;
	v50 =	vadd.f32 v50, v63  }
0x10f: {  	v62 =	vadd.s32 v16, v45;
	v48 =	vld.idx.msk [tilespmem:v48+s11+$0x0], $0xffff  }
0x110: {  	v51 =	vadd.f32 v51, v56;
	[tilespmem:s28+$0x460] =	vst v50  }
0x111: {  	v63 =	vmul.f32 v53, v43;
	v52 =	vmul.f32 v52, v33;
	v53 =	vadd.s32 v16, v41;
	v55 =	vld.idx.msk [tilespmem:v60+s11+$0x0], $0xffff  }
0x112: {  	[tilespmem:s0+$0x470] =	vst v51;
	v60 =	vadd.s32 v16, v42;
	v49 =	vld.idx.msk [tilespmem:v49+s11+$0x0], $0xffff  }
0x113: {  	v56 =	vld.idx.msk [tilespmem:v61+s11+$0x0], $0xffff;
	v50 =	vadd.f32 v52, v63  }
0x114: {  	v52 =	vld.idx.msk [tilespmem:v62+s11+$0x0], $0xffff;
	v61 =	vmul.f32 v57, v46;
	v62 =	vadd.s32 v16, v40;
	v48 =	vmul.f32 v48, v34  }
0x115: {  	v63 =	vadd.s32 v16, v37;
	[tilespmem:s25+$0x470] =	vst v50  }
0x116: {  	v53 =	vld.idx.msk [tilespmem:v53+s11+$0x0], $0xffff;
	v48 =	vadd.f32 v48, v61  }
0x117: {  	v51 =	vld.idx.msk [tilespmem:v60+s11+$0x0], $0xffff;
	v60 =	vmul.f32 v55, v47;
	v49 =	vmul.f32 v49, v39;
	v61 =	vadd.s32 v16, v38  }
0x118: {  	v58 =	vadd.s32 v17, v44;
	s0 =	simm.s32 $0x1;
	[tilespmem:s26+$0x470] =	vst v48;
	v48 =	vadd.s32 v16, v36  }
0x119: {  	s0 =	simm.s32 @!p0 $0x0;
	v56 =	vmul.f32 v56, v35;
	v52 =	vmul.f32 v52, v32;
	v49 =	vadd.f32 v49, v60;
	v57 =	vld.idx.msk [tilespmem:v62+s11+$0x0], $0xffff  }
0x11a: {  	s0 =	sshll.u32 s0, $0x9;
	v62 =	vadd.s32 v17, v45;
	v50 =	vld.idx.msk [tilespmem:v63+s11+$0x0], $0xffff  }
0x11b: {  	s3 =	sand.u32 $0x7, s23;
	s25 =	sadd.s32 s0, s22;
	v52 =	vadd.f32 v52, v56;
	[tilespmem:s28+$0x470] =	vst v49  }
0x11c: {  	s29 =	sshll.u32 s3, $0x7;
	s30 =	sor.u32 $0x800, s25;
	v60 =	vadd.s32 v17, v41;
	v63 =	vmul.f32 v53, v43;
	v51 =	vmul.f32 v51, v33;
	v55 =	vld.idx.msk [tilespmem:v61+s11+$0x0], $0xffff  }
0x11d: {  	s0 =	sadd.s32 s22, s29;
	[tilespmem:s30+$0x2980] =	vst v52;
	v61 =	vadd.s32 v17, v42;
	v48 =	vld.idx.msk [tilespmem:v48+s11+$0x0], $0xffff  }
0x11e: {  	s31 =	sand.u32 $0x3, s20;
	s26 =	sadd.s32 $0x80, s0;
	v56 =	vld.idx.msk [tilespmem:v58+s11+$0x0], $0xffff;
	v49 =	vadd.f32 v51, v63  }
0x11f: {  	s3 =	sor.u32 $0x800, s26;
	s28 =	sshll.u32 s31, $0x8;
	v63 =	vadd.s32 v17, v40;
	v51 =	vld.idx.msk [tilespmem:v62+s11+$0x0], $0xffff;
	v62 =	vmul.f32 v57, v46;
	v50 =	vmul.f32 v50, v34  }
0x120: {  	s28 =	sadd.s32 s22, s28;
	[tilespmem:s3+$0x2980] =	vst v49;
	v49 =	vadd.s32 v17, v37  }
0x121: {  	s28 =	sadd.s32 $0x100, s28;
	v53 =	vld.idx.msk [tilespmem:v60+s11+$0x0], $0xffff;
	v50 =	vadd.f32 v50, v62  }
0x122: {  	s30 =	sor.u32 $0x800, s28;
	v52 =	vld.idx.msk [tilespmem:v61+s11+$0x0], $0xffff;
	v60 =	vmul.f32 v55, v47;
	v61 =	vadd.s32 v17, v38;
	v48 =	vmul.f32 v48, v39  }
0x123: {  	v62 =	vadd.s32 v18, v44;
	[tilespmem:s30+$0x2980] =	vst v50;
	v50 =	vadd.s32 v17, v36  }
0x124: {  	s29 =	sadd.s32 $0x180, s0;
	v56 =	vmul.f32 v56, v35;
	v51 =	vmul.f32 v51, v32;
	v57 =	vld.idx.msk [tilespmem:v63+s11+$0x0], $0xffff;
	v48 =	vadd.f32 v48, v60  }
0x125: {  	s0 =	sor.u32 $0x800, s29;
	v63 =	vadd.s32 v18, v45;
	v49 =	vld.idx.msk [tilespmem:v49+s11+$0x0], $0xffff  }
0x126: {  	v51 =	vadd.f32 v51, v56;
	[tilespmem:s0+$0x2980] =	vst v48  }
0x127: {  	s31 =	sor.u32 $0x810, s25;
	v60 =	vmul.f32 v53, v43;
	v52 =	vmul.f32 v52, v33;
	v53 =	vadd.s32 v18, v41;
	v55 =	vld.idx.msk [tilespmem:v61+s11+$0x0], $0xffff  }
0x128: {  	[tilespmem:s31+$0x2980] =	vst v51;
	v61 =	vadd.s32 v18, v42;
	v50 =	vld.idx.msk [tilespmem:v50+s11+$0x0], $0xffff  }
0x129: {  	v48 =	vadd.f32 v52, v60;
	v56 =	vld.idx.msk [tilespmem:v62+s11+$0x0], $0xffff  }
0x12a: {  	s3 =	sor.u32 $0x810, s26;
	v52 =	vld.idx.msk [tilespmem:v63+s11+$0x0], $0xffff;
	v62 =	vmul.f32 v57, v46;
	v63 =	vadd.s32 v18, v40;
	v49 =	vmul.f32 v49, v34  }
0x12b: {  	v60 =	vadd.s32 v18, v37;
	[tilespmem:s3+$0x2980] =	vst v48  }
0x12c: {  	v53 =	vld.idx.msk [tilespmem:v53+s11+$0x0], $0xffff;
	v49 =	vadd.f32 v49, v62  }
0x12d: {  	s30 =	sor.u32 $0x810, s28;
	v62 =	vadd.s32 v18, v38;
	v51 =	vld.idx.msk [tilespmem:v61+s11+$0x0], $0xffff;
	v61 =	vmul.f32 v55, v47;
	v50 =	vmul.f32 v50, v39  }
0x12e: {  	v58 =	vadd.s32 v19, v44;
	[tilespmem:s30+$0x2980] =	vst v49;
	v49 =	vadd.s32 v18, v36  }
0x12f: {  	v56 =	vmul.f32 v56, v35;
	v52 =	vmul.f32 v52, v32;
	v57 =	vld.idx.msk [tilespmem:v63+s11+$0x0], $0xffff;
	v50 =	vadd.f32 v50, v61  }
0x130: {  	s31 =	sor.u32 $0x810, s29;
	v63 =	vadd.s32 v19, v45;
	v48 =	vld.idx.msk [tilespmem:v60+s11+$0x0], $0xffff  }
0x131: {  	v52 =	vadd.f32 v52, v56;
	[tilespmem:s31+$0x2980] =	vst v50  }
0x132: {  	s3 =	sor.u32 $0x820, s25;
	v61 =	vadd.s32 v19, v41;
	v60 =	vmul.f32 v53, v43;
	v51 =	vmul.f32 v51, v33;
	v55 =	vld.idx.msk [tilespmem:v62+s11+$0x0], $0xffff  }
0x133: {  	[tilespmem:s3+$0x2980] =	vst v52;
	v62 =	vadd.s32 v19, v42;
	v49 =	vld.idx.msk [tilespmem:v49+s11+$0x0], $0xffff  }
0x134: {  	v56 =	vld.idx.msk [tilespmem:v58+s11+$0x0], $0xffff;
	v50 =	vadd.f32 v51, v60  }
0x135: {  	s30 =	sor.u32 $0x820, s26;
	v51 =	vld.idx.msk [tilespmem:v63+s11+$0x0], $0xffff;
	v63 =	vmul.f32 v57, v46;
	v48 =	vmul.f32 v48, v34;
	v60 =	vadd.s32 v19, v40  }
0x136: {  	[tilespmem:s30+$0x2980] =	vst v50;
	v50 =	vadd.s32 v19, v37  }
0x137: {  	v48 =	vadd.f32 v48, v63;
	v53 =	vld.idx.msk [tilespmem:v61+s11+$0x0], $0xffff  }
0x138: {  	s31 =	sor.u32 $0x820, s28;
	v52 =	vld.idx.msk [tilespmem:v62+s11+$0x0], $0xffff;
	v61 =	vmul.f32 v55, v47;
	v62 =	vadd.s32 v19, v38;
	v49 =	vmul.f32 v49, v39  }
0x139: {  	v63 =	vadd.s32 v20, v44;
	[tilespmem:s31+$0x2980] =	vst v48;
	v48 =	vadd.s32 v19, v36  }
0x13a: {  	v56 =	vmul.f32 v56, v35;
	v51 =	vmul.f32 v51, v32;
	v57 =	vld.idx.msk [tilespmem:v60+s11+$0x0], $0xffff;
	v49 =	vadd.f32 v49, v61  }
0x13b: {  	s3 =	sor.u32 $0x820, s29;
	v60 =	vadd.s32 v20, v45;
	v50 =	vld.idx.msk [tilespmem:v50+s11+$0x0], $0xffff  }
0x13c: {  	v51 =	vadd.f32 v51, v56;
	[tilespmem:s3+$0x2980] =	vst v49  }
0x13d: {  	s30 =	sor.u32 $0x830, s25;
	v61 =	vmul.f32 v53, v43;
	v52 =	vmul.f32 v52, v33;
	v53 =	vadd.s32 v20, v41;
	v55 =	vld.idx.msk [tilespmem:v62+s11+$0x0], $0xffff  }
0x13e: {  	[tilespmem:s30+$0x2980] =	vst v51;
	v62 =	vadd.s32 v20, v42;
	v48 =	vld.idx.msk [tilespmem:v48+s11+$0x0], $0xffff  }
0x13f: {  	v56 =	vld.idx.msk [tilespmem:v63+s11+$0x0], $0xffff;
	v49 =	vadd.f32 v52, v61  }
0x140: {  	s31 =	sor.u32 $0x830, s26;
	v52 =	vld.idx.msk [tilespmem:v60+s11+$0x0], $0xffff;
	v63 =	vmul.f32 v57, v46;
	v60 =	vadd.s32 v20, v40;
	v50 =	vmul.f32 v50, v34  }
0x141: {  	v61 =	vadd.s32 v20, v37;
	[tilespmem:s31+$0x2980] =	vst v49  }
0x142: {  	v53 =	vld.idx.msk [tilespmem:v53+s11+$0x0], $0xffff;
	v50 =	vadd.f32 v50, v63  }
0x143: {  	s3 =	sor.u32 $0x830, s28;
	v51 =	vld.idx.msk [tilespmem:v62+s11+$0x0], $0xffff;
	v62 =	vmul.f32 v55, v47;
	v48 =	vmul.f32 v48, v39;
	v63 =	vadd.s32 v20, v38  }
0x144: {  	v58 =	vadd.s32 v21, v44;
	[tilespmem:s3+$0x2980] =	vst v50;
	v50 =	vadd.s32 v20, v36  }
0x145: {  	v56 =	vmul.f32 v56, v35;
	v52 =	vmul.f32 v52, v32;
	v48 =	vadd.f32 v48, v62;
	v57 =	vld.idx.msk [tilespmem:v60+s11+$0x0], $0xffff  }
0x146: {  	s30 =	sor.u32 $0x830, s29;
	v60 =	vadd.s32 v21, v45;
	v49 =	vld.idx.msk [tilespmem:v61+s11+$0x0], $0xffff  }
0x147: {  	v52 =	vadd.f32 v52, v56;
	[tilespmem:s30+$0x2980] =	vst v48  }
0x148: {  	s31 =	sor.u32 $0x840, s25;
	v62 =	vadd.s32 v21, v41;
	v61 =	vmul.f32 v53, v43;
	v51 =	vmul.f32 v51, v33;
	v55 =	vld.idx.msk [tilespmem:v63+s11+$0x0], $0xffff  }
0x149: {  	[tilespmem:s31+$0x2980] =	vst v52;
	v63 =	vadd.s32 v21, v42;
	v50 =	vld.idx.msk [tilespmem:v50+s11+$0x0], $0xffff  }
0x14a: {  	v56 =	vld.idx.msk [tilespmem:v58+s11+$0x0], $0xffff;
	v48 =	vadd.f32 v51, v61  }
0x14b: {  	s3 =	sor.u32 $0x840, s26;
	v61 =	vadd.s32 v21, v40;
	v51 =	vld.idx.msk [tilespmem:v60+s11+$0x0], $0xffff;
	v60 =	vmul.f32 v57, v46;
	v49 =	vmul.f32 v49, v34  }
0x14c: {  	[tilespmem:s3+$0x2980] =	vst v48;
	v48 =	vadd.s32 v21, v37  }
0x14d: {  	v53 =	vld.idx.msk [tilespmem:v62+s11+$0x0], $0xffff;
	v49 =	vadd.f32 v49, v60  }
0x14e: {  	s30 =	sor.u32 $0x840, s28;
	v52 =	vld.idx.msk [tilespmem:v63+s11+$0x0], $0xffff;
	v62 =	vmul.f32 v55, v47;
	v63 =	vadd.s32 v21, v38;
	v50 =	vmul.f32 v50, v39  }
0x14f: {  	v60 =	vadd.s32 v22, v44;
	[tilespmem:s30+$0x2980] =	vst v49;
	v49 =	vadd.s32 v21, v36  }
0x150: {  	v56 =	vmul.f32 v56, v35;
	v51 =	vmul.f32 v51, v32;
	v57 =	vld.idx.msk [tilespmem:v61+s11+$0x0], $0xffff;
	v50 =	vadd.f32 v50, v62  }
0x151: {  	s31 =	sor.u32 $0x840, s29;
	v61 =	vadd.s32 v22, v45;
	v48 =	vld.idx.msk [tilespmem:v48+s11+$0x0], $0xffff  }
0x152: {  	v51 =	vadd.f32 v51, v56;
	[tilespmem:s31+$0x2980] =	vst v50  }
0x153: {  	s3 =	sor.u32 $0x850, s25;
	v62 =	vmul.f32 v53, v43;
	v52 =	vmul.f32 v52, v33;
	v53 =	vadd.s32 v22, v41;
	v55 =	vld.idx.msk [tilespmem:v63+s11+$0x0], $0xffff  }
0x154: {  	[tilespmem:s3+$0x2980] =	vst v51;
	v63 =	vadd.s32 v22, v42;
	v49 =	vld.idx.msk [tilespmem:v49+s11+$0x0], $0xffff  }
0x155: {  	v50 =	vadd.f32 v52, v62;
	v56 =	vld.idx.msk [tilespmem:v60+s11+$0x0], $0xffff  }
0x156: {  	s30 =	sor.u32 $0x850, s26;
	v52 =	vld.idx.msk [tilespmem:v61+s11+$0x0], $0xffff;
	v60 =	vmul.f32 v57, v46;
	v61 =	vadd.s32 v22, v40;
	v48 =	vmul.f32 v48, v34  }
0x157: {  	v62 =	vadd.s32 v22, v37;
	[tilespmem:s30+$0x2980] =	vst v50  }
0x158: {  	v53 =	vld.idx.msk [tilespmem:v53+s11+$0x0], $0xffff;
	v48 =	vadd.f32 v48, v60  }
0x159: {  	s31 =	sor.u32 $0x850, s28;
	v60 =	vadd.s32 v22, v38;
	v51 =	vld.idx.msk [tilespmem:v63+s11+$0x0], $0xffff;
	v63 =	vmul.f32 v55, v47;
	v49 =	vmul.f32 v49, v39  }
0x15a: {  	v58 =	vadd.s32 v23, v44;
	[tilespmem:s31+$0x2980] =	vst v48;
	v48 =	vadd.s32 v22, v36  }
0x15b: {  	v56 =	vmul.f32 v56, v35;
	v52 =	vmul.f32 v52, v32;
	v57 =	vld.idx.msk [tilespmem:v61+s11+$0x0], $0xffff;
	v49 =	vadd.f32 v49, v63  }
0x15c: {  	s3 =	sor.u32 $0x850, s29;
	v61 =	vadd.s32 v23, v45;
	v50 =	vld.idx.msk [tilespmem:v62+s11+$0x0], $0xffff  }
0x15d: {  	v52 =	vadd.f32 v52, v56;
	[tilespmem:s3+$0x2980] =	vst v49  }
0x15e: {  	s30 =	sor.u32 $0x860, s25;
	v63 =	vadd.s32 v23, v41;
	v62 =	vmul.f32 v53, v43;
	v51 =	vmul.f32 v51, v33;
	v55 =	vld.idx.msk [tilespmem:v60+s11+$0x0], $0xffff  }
0x15f: {  	[tilespmem:s30+$0x2980] =	vst v52;
	v60 =	vadd.s32 v23, v42;
	v48 =	vld.idx.msk [tilespmem:v48+s11+$0x0], $0xffff  }
0x160: {  	v56 =	vld.idx.msk [tilespmem:v58+s11+$0x0], $0xffff;
	v49 =	vadd.f32 v51, v62  }
0x161: {  	s31 =	sor.u32 $0x860, s26;
	v51 =	vld.idx.msk [tilespmem:v61+s11+$0x0], $0xffff;
	v61 =	vmul.f32 v57, v46;
	v50 =	vmul.f32 v50, v34;
	v62 =	vadd.s32 v23, v40  }
0x162: {  	[tilespmem:s31+$0x2980] =	vst v49;
	v49 =	vadd.s32 v23, v37  }
0x163: {  	v50 =	vadd.f32 v50, v61;
	v53 =	vld.idx.msk [tilespmem:v63+s11+$0x0], $0xffff  }
0x164: {  	s3 =	sor.u32 $0x860, s28;
	v52 =	vld.idx.msk [tilespmem:v60+s11+$0x0], $0xffff;
	v63 =	vmul.f32 v55, v47;
	v60 =	vadd.s32 v23, v38;
	v48 =	vmul.f32 v48, v39  }
0x165: {  	v61 =	vadd.s32 v24, v44;
	[tilespmem:s3+$0x2980] =	vst v50;
	v50 =	vadd.s32 v23, v36  }
0x166: {  	v56 =	vmul.f32 v56, v35;
	v51 =	vmul.f32 v51, v32;
	v57 =	vld.idx.msk [tilespmem:v62+s11+$0x0], $0xffff;
	v48 =	vadd.f32 v48, v63  }
0x167: {  	s30 =	sor.u32 $0x860, s29;
	v62 =	vadd.s32 v24, v45;
	v49 =	vld.idx.msk [tilespmem:v49+s11+$0x0], $0xffff  }
0x168: {  	v51 =	vadd.f32 v51, v56;
	[tilespmem:s30+$0x2980] =	vst v48  }
0x169: {  	s31 =	sor.u32 $0x870, s25;
	v63 =	vmul.f32 v53, v43;
	v52 =	vmul.f32 v52, v33;
	v53 =	vadd.s32 v24, v41;
	v55 =	vld.idx.msk [tilespmem:v60+s11+$0x0], $0xffff  }
0x16a: {  	[tilespmem:s31+$0x2980] =	vst v51;
	v60 =	vadd.s32 v24, v42;
	v50 =	vld.idx.msk [tilespmem:v50+s11+$0x0], $0xffff  }
0x16b: {  	v56 =	vld.idx.msk [tilespmem:v61+s11+$0x0], $0xffff;
	v48 =	vadd.f32 v52, v63  }
0x16c: {  	s3 =	sor.u32 $0x870, s26;
	v52 =	vld.idx.msk [tilespmem:v62+s11+$0x0], $0xffff;
	v61 =	vmul.f32 v57, v46;
	v62 =	vadd.s32 v24, v40;
	v49 =	vmul.f32 v49, v34  }
0x16d: {  	v63 =	vadd.s32 v24, v37;
	[tilespmem:s3+$0x2980] =	vst v48  }
0x16e: {  	v53 =	vld.idx.msk [tilespmem:v53+s11+$0x0], $0xffff;
	v49 =	vadd.f32 v49, v61  }
0x16f: {  	s30 =	sor.u32 $0x870, s28;
	v51 =	vld.idx.msk [tilespmem:v60+s11+$0x0], $0xffff;
	v60 =	vmul.f32 v55, v47;
	v50 =	vmul.f32 v50, v39;
	v61 =	vadd.s32 v24, v38  }
0x170: {  	v58 =	vadd.s32 v25, v44;
	[tilespmem:s30+$0x2980] =	vst v49;
	v49 =	vadd.s32 v24, v36  }
0x171: {  	v56 =	vmul.f32 v56, v35;
	v52 =	vmul.f32 v52, v32;
	v50 =	vadd.f32 v50, v60;
	v57 =	vld.idx.msk [tilespmem:v62+s11+$0x0], $0xffff  }
0x172: {  	s31 =	sor.u32 $0x870, s29;
	v62 =	vadd.s32 v25, v45;
	v48 =	vld.idx.msk [tilespmem:v63+s11+$0x0], $0xffff  }
0x173: {  	v52 =	vadd.f32 v52, v56;
	[tilespmem:s31+$0x2980] =	vst v50  }
0x174: {  	s3 =	sor.u32 $0xC00, s25;
	v60 =	vadd.s32 v25, v41;
	v63 =	vmul.f32 v53, v43;
	v51 =	vmul.f32 v51, v33;
	v55 =	vld.idx.msk [tilespmem:v61+s11+$0x0], $0xffff  }
0x175: {  	[tilespmem:s3+$0x2980] =	vst v52;
	v61 =	vadd.s32 v25, v42;
	v49 =	vld.idx.msk [tilespmem:v49+s11+$0x0], $0xffff  }
0x176: {  	v56 =	vld.idx.msk [tilespmem:v58+s11+$0x0], $0xffff;
	v50 =	vadd.f32 v51, v63  }
0x177: {  	s30 =	sor.u32 $0xC00, s26;
	v63 =	vadd.s32 v25, v40;
	v51 =	vld.idx.msk [tilespmem:v62+s11+$0x0], $0xffff;
	v62 =	vmul.f32 v57, v46;
	v48 =	vmul.f32 v48, v34  }
0x178: {  	[tilespmem:s30+$0x2980] =	vst v50;
	v50 =	vadd.s32 v25, v37  }
0x179: {  	v53 =	vld.idx.msk [tilespmem:v60+s11+$0x0], $0xffff;
	v48 =	vadd.f32 v48, v62  }
0x17a: {  	s31 =	sor.u32 $0xC00, s28;
	v52 =	vld.idx.msk [tilespmem:v61+s11+$0x0], $0xffff;
	v60 =	vmul.f32 v55, v47;
	v61 =	vadd.s32 v25, v38;
	v49 =	vmul.f32 v49, v39  }
0x17b: {  	v62 =	vadd.s32 v26, v44;
	[tilespmem:s31+$0x2980] =	vst v48;
	v48 =	vadd.s32 v25, v36  }
0x17c: {  	v56 =	vmul.f32 v56, v35;
	v51 =	vmul.f32 v51, v32;
	v57 =	vld.idx.msk [tilespmem:v63+s11+$0x0], $0xffff;
	v49 =	vadd.f32 v49, v60  }
0x17d: {  	s3 =	sor.u32 $0xC00, s29;
	v63 =	vadd.s32 v26, v45;
	v50 =	vld.idx.msk [tilespmem:v50+s11+$0x0], $0xffff  }
0x17e: {  	v51 =	vadd.f32 v51, v56;
	[tilespmem:s3+$0x2980] =	vst v49  }
0x17f: {  	s30 =	sor.u32 $0xC10, s25;
	v60 =	vmul.f32 v53, v43;
	v52 =	vmul.f32 v52, v33;
	v53 =	vadd.s32 v26, v41;
	v55 =	vld.idx.msk [tilespmem:v61+s11+$0x0], $0xffff  }
0x180: {  	[tilespmem:s30+$0x2980] =	vst v51;
	v61 =	vadd.s32 v26, v42;
	v48 =	vld.idx.msk [tilespmem:v48+s11+$0x0], $0xffff  }
0x181: {  	v49 =	vadd.f32 v52, v60;
	v56 =	vld.idx.msk [tilespmem:v62+s11+$0x0], $0xffff  }
0x182: {  	s31 =	sor.u32 $0xC10, s26;
	v52 =	vld.idx.msk [tilespmem:v63+s11+$0x0], $0xffff;
	v62 =	vmul.f32 v57, v46;
	v63 =	vadd.s32 v26, v40;
	v50 =	vmul.f32 v50, v34  }
0x183: {  	v60 =	vadd.s32 v26, v37;
	[tilespmem:s31+$0x2980] =	vst v49  }
0x184: {  	v53 =	vld.idx.msk [tilespmem:v53+s11+$0x0], $0xffff;
	v50 =	vadd.f32 v50, v62  }
0x185: {  	s3 =	sor.u32 $0xC10, s28;
	v62 =	vadd.s32 v26, v38;
	v51 =	vld.idx.msk [tilespmem:v61+s11+$0x0], $0xffff;
	v61 =	vmul.f32 v55, v47;
	v48 =	vmul.f32 v48, v39  }
0x186: {  	v58 =	vadd.s32 v27, v44;
	[tilespmem:s3+$0x2980] =	vst v50;
	v50 =	vadd.s32 v26, v36  }
0x187: {  	v56 =	vmul.f32 v56, v35;
	v52 =	vmul.f32 v52, v32;
	v57 =	vld.idx.msk [tilespmem:v63+s11+$0x0], $0xffff;
	v48 =	vadd.f32 v48, v61  }
0x188: {  	s30 =	sor.u32 $0xC10, s29;
	v63 =	vadd.s32 v27, v45;
	v49 =	vld.idx.msk [tilespmem:v60+s11+$0x0], $0xffff  }
0x189: {  	v52 =	vadd.f32 v52, v56;
	[tilespmem:s30+$0x2980] =	vst v48  }
0x18a: {  	s31 =	sor.u32 $0xC20, s25;
	v61 =	vadd.s32 v27, v41;
	v60 =	vmul.f32 v53, v43;
	v51 =	vmul.f32 v51, v33;
	v55 =	vld.idx.msk [tilespmem:v62+s11+$0x0], $0xffff  }
0x18b: {  	[tilespmem:s31+$0x2980] =	vst v52;
	v62 =	vadd.s32 v27, v42;
	v50 =	vld.idx.msk [tilespmem:v50+s11+$0x0], $0xffff  }
0x18c: {  	v56 =	vld.idx.msk [tilespmem:v58+s11+$0x0], $0xffff;
	v48 =	vadd.f32 v51, v60  }
0x18d: {  	s3 =	sor.u32 $0xC20, s26;
	v51 =	vld.idx.msk [tilespmem:v63+s11+$0x0], $0xffff;
	v63 =	vmul.f32 v57, v46;
	v49 =	vmul.f32 v49, v34;
	v60 =	vadd.s32 v27, v40  }
0x18e: {  	[tilespmem:s3+$0x2980] =	vst v48;
	v48 =	vadd.s32 v27, v37  }
0x18f: {  	v49 =	vadd.f32 v49, v63;
	v53 =	vld.idx.msk [tilespmem:v61+s11+$0x0], $0xffff  }
0x190: {  	s30 =	sor.u32 $0xC20, s28;
	v52 =	vld.idx.msk [tilespmem:v62+s11+$0x0], $0xffff;
	v61 =	vmul.f32 v55, v47;
	v62 =	vadd.s32 v27, v38;
	v50 =	vmul.f32 v50, v39  }
0x191: {  	v63 =	vadd.s32 v28, v44;
	[tilespmem:s30+$0x2980] =	vst v49;
	v49 =	vadd.s32 v27, v36  }
0x192: {  	v56 =	vmul.f32 v56, v35;
	v51 =	vmul.f32 v51, v32;
	v57 =	vld.idx.msk [tilespmem:v60+s11+$0x0], $0xffff;
	v50 =	vadd.f32 v50, v61  }
0x193: {  	s31 =	sor.u32 $0xC20, s29;
	v60 =	vadd.s32 v28, v45;
	v48 =	vld.idx.msk [tilespmem:v48+s11+$0x0], $0xffff  }
0x194: {  	v51 =	vadd.f32 v51, v56;
	[tilespmem:s31+$0x2980] =	vst v50  }
0x195: {  	s3 =	sor.u32 $0xC30, s25;
	v61 =	vmul.f32 v53, v43;
	v52 =	vmul.f32 v52, v33;
	v53 =	vadd.s32 v28, v41;
	v55 =	vld.idx.msk [tilespmem:v62+s11+$0x0], $0xffff  }
0x196: {  	[tilespmem:s3+$0x2980] =	vst v51;
	v62 =	vadd.s32 v28, v42;
	v49 =	vld.idx.msk [tilespmem:v49+s11+$0x0], $0xffff  }
0x197: {  	v56 =	vld.idx.msk [tilespmem:v63+s11+$0x0], $0xffff;
	v50 =	vadd.f32 v52, v61  }
0x198: {  	s30 =	sor.u32 $0xC30, s26;
	v52 =	vld.idx.msk [tilespmem:v60+s11+$0x0], $0xffff;
	v63 =	vmul.f32 v57, v46;
	v60 =	vadd.s32 v28, v40;
	v48 =	vmul.f32 v48, v34  }
0x199: {  	v61 =	vadd.s32 v28, v37;
	[tilespmem:s30+$0x2980] =	vst v50  }
0x19a: {  	v53 =	vld.idx.msk [tilespmem:v53+s11+$0x0], $0xffff;
	v48 =	vadd.f32 v48, v63  }
0x19b: {  	s31 =	sor.u32 $0xC30, s28;
	v51 =	vld.idx.msk [tilespmem:v62+s11+$0x0], $0xffff;
	v62 =	vmul.f32 v55, v47;
	v49 =	vmul.f32 v49, v39;
	v63 =	vadd.s32 v28, v38  }
0x19c: {  	[tilespmem:s31+$0x2980] =	vst v48;
	v48 =	vadd.s32 v28, v36  }
0x19d: {  	v49 =	vadd.f32 v49, v62;
	v57 =	vld.idx.msk [tilespmem:v60+s11+$0x0], $0xffff  }
0x19e: {  	s3 =	sor.u32 $0xC30, s29;
	v56 =	vmul.f32 v56, v35;
	v52 =	vmul.f32 v52, v32;
	v60 =	vadd.s32 v29, v45;
	v50 =	vld.idx.msk [tilespmem:v61+s11+$0x0], $0xffff  }
0x19f: {  	v58 =	vadd.s32 v29, v44;
	v62 =	vadd.s32 v29, v41;
	[tilespmem:s3+$0x2980] =	vst v49  }
0x1a0: {  	v52 =	vadd.f32 v52, v56;
	v61 =	vmul.f32 v53, v43;
	v51 =	vmul.f32 v51, v33;
	v55 =	vld.idx.msk [tilespmem:v63+s11+$0x0], $0xffff  }
0x1a1: {  	s30 =	sor.u32 $0xC40, s25;
	v63 =	vadd.s32 v29, v42;
	v48 =	vld.idx.msk [tilespmem:v48+s11+$0x0], $0xffff  }
0x1a2: {  	[tilespmem:s30+$0x2980] =	vst v52;
	v49 =	vadd.f32 v51, v61  }
0x1a3: {  	s31 =	sor.u32 $0xC40, s26;
	v61 =	vadd.s32 v29, v40;
	v51 =	vld.idx.msk [tilespmem:v60+s11+$0x0], $0xffff;
	v60 =	vmul.f32 v57, v46;
	v50 =	vmul.f32 v50, v34  }
0x1a4: {  	v56 =	vld.idx.msk [tilespmem:v58+s11+$0x0], $0xffff;
	[tilespmem:s31+$0x2980] =	vst v49;
	v49 =	vadd.s32 v29, v37  }
0x1a5: {  	v53 =	vld.idx.msk [tilespmem:v62+s11+$0x0], $0xffff;
	v50 =	vadd.f32 v50, v60  }
0x1a6: {  	s3 =	sor.u32 $0xC40, s28;
	v52 =	vld.idx.msk [tilespmem:v63+s11+$0x0], $0xffff;
	v62 =	vmul.f32 v55, v47;
	v63 =	vadd.s32 v29, v38;
	v48 =	vmul.f32 v48, v39  }
0x1a7: {  	v60 =	vadd.s32 v29, v36;
	[tilespmem:s3+$0x2980] =	vst v50  }
0x1a8: {  	v57 =	vld.idx.msk [tilespmem:v61+s11+$0x0], $0xffff;
	v48 =	vadd.f32 v48, v62  }
0x1a9: {  	s30 =	sor.u32 $0xC40, s29;
	v56 =	vmul.f32 v56, v35;
	v51 =	vmul.f32 v51, v32;
	v49 =	vld.idx.msk [tilespmem:v49+s11+$0x0], $0xffff  }
0x1aa: {  	v61 =	vadd.s32 v30, v44;
	[tilespmem:s30+$0x2980] =	vst v48  }
0x1ab: {  	v51 =	vadd.f32 v51, v56;
	v56 =	vadd.s32 v30, v45;
	v55 =	vld.idx.msk [tilespmem:v63+s11+$0x0], $0xffff  }
0x1ac: {  	v62 =	vmul.f32 v53, v43;
	v52 =	vmul.f32 v52, v33;
	v63 =	vadd.s32 v30, v42;
	v50 =	vld.idx.msk [tilespmem:v60+s11+$0x0], $0xffff  }
0x1ad: {  	s31 =	sor.u32 $0xC50, s25;
	v53 =	vadd.s32 v30, v41  }
0x1ae: {  	[tilespmem:s31+$0x2980] =	vst v51;
	v48 =	vadd.f32 v52, v62;
	v60 =	vmul.f32 v57, v46;
	v49 =	vmul.f32 v49, v34  }
0x1af: {  	s3 =	sor.u32 $0xC50, s26;
	v51 =	vld.idx.msk [tilespmem:v61+s11+$0x0], $0xffff;
	v61 =	vadd.s32 v30, v40  }
0x1b0: {  	v62 =	vadd.s32 v30, v37;
	[tilespmem:s3+$0x2980] =	vst v48;
	v56 =	vld.idx.msk [tilespmem:v56+s11+$0x0], $0xffff;
	v49 =	vadd.f32 v49, v60  }
0x1b1: {  	v52 =	vld.idx.msk [tilespmem:v63+s11+$0x0], $0xffff;
	v55 =	vmul.f32 v55, v47;
	v50 =	vmul.f32 v50, v39;
	v63 =	vadd.s32 v30, v38  }
0x1b2: {  	s30 =	sor.u32 $0xC50, s28;
	v60 =	vadd.s32 v30, v36  }
0x1b3: {  	v53 =	vld.idx.msk [tilespmem:v53+s11+$0x0], $0xffff;
	[tilespmem:s30+$0x2980] =	vst v49;
	v50 =	vadd.f32 v50, v55  }
0x1b4: {  	v44 =	vadd.s32 v31, v44;
	s31 =	sor.u32 $0xC50, s29;
	v54 =	vld.idx.msk [tilespmem:v61+s11+$0x0], $0xffff  }
0x1b5: {  	v48 =	vld.idx.msk [tilespmem:v62+s11+$0x0], $0xffff;
	v61 =	vmul.f32 v51, v35;
	v62 =	vmul.f32 v56, v32;
	[tilespmem:s31+$0x2980] =	vst v50  }
0x1b6: {  	v45 =	vadd.s32 v31, v45;
	v63 =	vld.idx.msk [tilespmem:v63+s11+$0x0], $0xffff  }
0x1b7: {  	v49 =	vld.idx.msk [tilespmem:v60+s11+$0x0], $0xffff;
	v50 =	vadd.f32 v62, v61  }
0x1b8: {  	v41 =	vadd.s32 v31, v41;
	s3 =	sor.u32 $0xC60, s25;
	v53 =	vmul.f32 v53, v43;
	v52 =	vmul.f32 v52, v33  }
0x1b9: {  	v42 =	vadd.s32 v31, v42;
	v40 =	vadd.s32 v31, v40;
	[tilespmem:s3+$0x2980] =	vst v50  }
0x1ba: {  	v56 =	vadd.f32 v52, v53;
	v57 =	vmul.f32 v54, v46;
	v48 =	vmul.f32 v48, v34;
	v44 =	vld.idx.msk [tilespmem:v44+s11+$0x0], $0xffff  }
0x1bb: {  	v37 =	vadd.s32 v31, v37;
	v38 =	vadd.s32 v31, v38;
	s30 =	sor.u32 $0xC60, s26;
	v45 =	vld.idx.msk [tilespmem:v45+s11+$0x0], $0xffff  }
0x1bc: {  	[tilespmem:s30+$0x2980] =	vst v56;
	v48 =	vadd.f32 v48, v57;
	v58 =	vmul.f32 v63, v47;
	v49 =	vmul.f32 v49, v39  }
0x1bd: {  	v36 =	vadd.s32 v31, v36;
	s31 =	sor.u32 $0xC60, s28;
	v41 =	vld.idx.msk [tilespmem:v41+s11+$0x0], $0xffff  }
0x1be: {  	v42 =	vld.idx.msk [tilespmem:v42+s11+$0x0], $0xffff;
	[tilespmem:s31+$0x2980] =	vst v48;
	v59 =	vadd.f32 v49, v58  }
0x1bf: {  	s3 =	sor.u32 $0xC60, s29;
	v40 =	vld.idx.msk [tilespmem:v40+s11+$0x0], $0xffff  }
0x1c0: {  	v37 =	vld.idx.msk [tilespmem:v37+s11+$0x0], $0xffff;
	[tilespmem:s3+$0x2980] =	vst v59  }
0x1c1: {  	v38 =	vld.idx.msk [tilespmem:v38+s11+$0x0], $0xffff  }
0x1c2: {  	v36 =	vld.idx.msk [tilespmem:v36+s11+$0x0], $0xffff;
	_ =	sdelay $0x1  }
0x1c3: {  	v35 =	vmul.f32 v44, v35;
	v32 =	vmul.f32 v45, v32  }
0x1c4: {  	v41 =	vmul.f32 v41, v43;
	v33 =	vmul.f32 v42, v33  }
0x1c5: {  	p1 =	slt.u32 s24, $0xC;
	v32 =	vadd.f32 v32, v35;
	v60 =	vmul.f32 v40, v46;
	v34 =	vmul.f32 v37, v34  }
.Ltmp1:
0x1c6: {  	s25 =	sor.u32 $0xC70, s25;
	v33 =	vadd.f32 v33, v41;
	v61 =	vmul.f32 v38, v47;
	v36 =	vmul.f32 v36, v39;
	(pc) =	sbr.rel @p1 .LBB2_4-.Ltmp1, $4  }
0x1c7: {  	s26 =	sor.u32 $0xC70, s26;
	[tilespmem:s25+$0x2980] =	vst v32;
	v62 =	vadd.f32 v34, v60  }
0x1c8: {  	s23 =	sadd.s32 $0x4, s23;
	s30 =	sor.u32 $0xC70, s28;
	[tilespmem:s26+$0x2980] =	vst v33;
	v63 =	vadd.f32 v36, v61  }
0x1c9: {  	s24 =	sadd.s32 $0x4, s24;
	s21 =	sadd.s32 $0x200, s21;
	s31 =	sor.u32 $0xC70, s29;
	[tilespmem:s30+$0x2980] =	vst v62  }
0x1ca: {  	s20 =	sadd.s32 $0x2, s20;
	p0 =	por !p0, !p0;
	s22 =	sadd.s32 $0x800, s22;
	[tilespmem:s31+$0x2980] =	vst v63  }
0x1cb: {  	s20 =	simm.s32 $0x0  }
0x1cc: {  	s21 =	simm.s32 $0xFFFFFFFC;
	p0 =	por $0x0, $0x0;
	s22 =	simm.s32 $0x0  }
0x1cd: {  	[hbm4b:s7+s20] =	stream.linear.scatter [tilespmem:s16], [sflag:$0x1], $0x2000, $0x38;
	[tilespmem:$0x6980] =	vst v63  }
.LBB2_6:
0x1ce: {  	s0 =	sadd.s32 $0x14, s21  }
0x1cf: {  	v32 =	vmov s0  }
0x1d0: {  	v32 =	vand.u32 $0xFFFFFFFC, v32  }
0x1d1: {  	s23 =	sadd.s32 $0x15, s21;
	v32 =	vbroadcast v32, $0x0  }
0x1d2: {  	v33 =	vmov s23  }
0x1d3: {  	v33 =	vand.u32 $0xFFFFFFFD, v33  }
0x1d4: {  	s24 =	sadd.s32 $0x16, s21;
	v33 =	vbroadcast v33, $0x0  }
0x1d5: {  	v34 =	vmov s24  }
0x1d6: {  	s25 =	sadd.s32 $0x17, s21;
	v34 =	vand.u32 $0xFFFFFFFE, v34  }
0x1d7: {  	v39 =	vmov s25;
	v34 =	vbroadcast v34, $0x0;
	v44 =	vld.idx.msk [tilespmem:v32+s13+$0x0], $0xffff  }
0x1d8: {  	v45 =	vld.idx.msk [tilespmem:v32+s14+$0x0], $0xffff;
	_ =	sdelay $0x1  }
0x1d9: {  	v42 =	vld.idx.msk [tilespmem:v33+s13+$0x0], $0xffff  }
0x1da: {  	v43 =	vld.idx.msk [tilespmem:v33+s14+$0x0], $0xffff  }
0x1db: {  	v38 =	vld.idx.msk [tilespmem:v39+s13+$0x0], $0xffff;
	v35 =	vadd.s32 v0, v44  }
0x1dc: {  	v41 =	vld.idx.msk [tilespmem:v34+s13+$0x0], $0xffff;
	v40 =	vadd.s32 v0, v45  }
0x1dd: {  	v37 =	vld.idx.msk [tilespmem:v34+s14+$0x0], $0xffff  }
0x1de: {  	v36 =	vld.idx.msk [tilespmem:v39+s14+$0x0], $0xffff;
	v62 =	vadd.s32 v0, v42  }
0x1df: {  	v32 =	vld.idx.msk [tilespmem:v32+s15+$0x0], $0xffff;
	v47 =	vadd.s32 v0, v43  }
0x1e0: {  	v46 =	vld.idx.msk [tilespmem:v35+s11+$0x0], $0xffff  }
0x1e1: {  	v48 =	vadd.s32 v0, v41;
	v40 =	vld.idx.msk [tilespmem:v40+s11+$0x0], $0xffff  }
0x1e2: {  	v33 =	vld.idx.msk [tilespmem:v33+s15+$0x0], $0xffff;
	v49 =	vadd.s32 v0, v37  }
0x1e3: {  	v50 =	vld.idx.msk [tilespmem:v62+s11+$0x0], $0xffff  }
0x1e4: {  	v51 =	vadd.s32 v0, v38;
	v35 =	vsub.f32 $1.000000000e+00, v32;
	v47 =	vld.idx.msk [tilespmem:v47+s11+$0x0], $0xffff  }
0x1e5: {  	v34 =	vld.idx.msk [tilespmem:v34+s15+$0x0], $0xffff;
	v52 =	vadd.s32 v0, v36  }
0x1e6: {  	v54 =	vadd.s32 v1, v44;
	v48 =	vld.idx.msk [tilespmem:v48+s11+$0x0], $0xffff;
	v46 =	vmul.f32 v46, v35;
	v53 =	vmul.f32 v40, v32  }
0x1e7: {  	v55 =	vadd.s32 v1, v45;
	v49 =	vld.idx.msk [tilespmem:v49+s11+$0x0], $0xffff;
	v40 =	vsub.f32 $1.000000000e+00, v33  }
0x1e8: {  	s26 =	sand.u32 $0x1000, s20;
	s23 =	sand.u32 $0x200, s22;
	v39 =	vld.idx.msk [tilespmem:v39+s15+$0x0], $0xffff;
	v46 =	vadd.f32 v53, v46  }
0x1e9: {  	s0 =	sor.u32 s23, s26;
	v63 =	vadd.s32 v1, v42;
	v51 =	vld.idx.msk [tilespmem:v51+s11+$0x0], $0xffff;
	v47 =	vmul.f32 v47, v33;
	v50 =	vmul.f32 v50, v40  }
0x1ea: {  	v56 =	vadd.s32 v1, v43;
	v52 =	vld.idx.msk [tilespmem:v52+s11+$0x0], $0xffff;
	[tilespmem:s0+$0x4980] =	vst v46;
	v46 =	vsub.f32 $1.000000000e+00, v34  }
0x1eb: {  	v47 =	vadd.f32 v47, v50;
	v54 =	vld.idx.msk [tilespmem:v54+s11+$0x0], $0xffff  }
0x1ec: {  	v61 =	vadd.s32 v1, v41;
	v49 =	vmul.f32 v49, v34;
	v60 =	vld.idx.msk [tilespmem:v55+s11+$0x0], $0xffff;
	v48 =	vmul.f32 v48, v46  }
0x1ed: {  	v57 =	vadd.s32 v1, v37;
	[tilespmem:s0+$0x4A00] =	vst v47;
	v47 =	vsub.f32 $1.000000000e+00, v39  }
0x1ee: {  	v53 =	vld.idx.msk [tilespmem:v63+s11+$0x0], $0xffff;
	v48 =	vadd.f32 v49, v48  }
0x1ef: {  	v62 =	vadd.s32 v1, v38;
	v52 =	vmul.f32 v52, v39;
	v49 =	vld.idx.msk [tilespmem:v56+s11+$0x0], $0xffff;
	v51 =	vmul.f32 v51, v47  }
0x1f0: {  	v58 =	vadd.s32 v2, v44;
	v63 =	vadd.s32 v1, v36;
	[tilespmem:s0+$0x4A80] =	vst v48  }
0x1f1: {  	v54 =	vmul.f32 v54, v35;
	v50 =	vmul.f32 v60, v32;
	v51 =	vadd.f32 v52, v51;
	v55 =	vld.idx.msk [tilespmem:v61+s11+$0x0], $0xffff  }
0x1f2: {  	v60 =	vadd.s32 v2, v45;
	v57 =	vld.idx.msk [tilespmem:v57+s11+$0x0], $0xffff  }
0x1f3: {  	v50 =	vadd.f32 v50, v54;
	[tilespmem:s0+$0x4B00] =	vst v51  }
0x1f4: {  	v61 =	vmul.f32 v53, v40;
	v53 =	vadd.s32 v2, v42;
	v49 =	vmul.f32 v49, v33;
	v54 =	vld.idx.msk [tilespmem:v62+s11+$0x0], $0xffff  }
0x1f5: {  	v48 =	vld.idx.msk [tilespmem:v63+s11+$0x0], $0xffff;
	[tilespmem:s0+$0x4990] =	vst v50;
	v50 =	vadd.s32 v2, v43  }
0x1f6: {  	v56 =	vld.idx.msk [tilespmem:v58+s11+$0x0], $0xffff;
	v49 =	vadd.f32 v49, v61  }
0x1f7: {  	v51 =	vld.idx.msk [tilespmem:v60+s11+$0x0], $0xffff;
	v60 =	vadd.s32 v2, v41;
	v62 =	vmul.f32 v55, v46;
	v63 =	vmul.f32 v57, v34  }
0x1f8: {  	v61 =	vadd.s32 v2, v37;
	[tilespmem:s0+$0x4A10] =	vst v49  }
0x1f9: {  	v53 =	vld.idx.msk [tilespmem:v53+s11+$0x0], $0xffff;
	v52 =	vadd.f32 v63, v62  }
0x1fa: {  	v54 =	vmul.f32 v54, v47;
	v48 =	vmul.f32 v48, v39;
	v62 =	vadd.s32 v2, v38;
	v50 =	vld.idx.msk [tilespmem:v50+s11+$0x0], $0xffff  }
0x1fb: {  	v58 =	vadd.s32 v3, v44;
	[tilespmem:s0+$0x4A90] =	vst v52;
	v52 =	vadd.s32 v2, v36  }
0x1fc: {  	v56 =	vmul.f32 v56, v35;
	v51 =	vmul.f32 v51, v32;
	v48 =	vadd.f32 v48, v54;
	v57 =	vld.idx.msk [tilespmem:v60+s11+$0x0], $0xffff  }
0x1fd: {  	v63 =	vadd.s32 v3, v45;
	v49 =	vld.idx.msk [tilespmem:v61+s11+$0x0], $0xffff  }
0x1fe: {  	v51 =	vadd.f32 v51, v56;
	[tilespmem:s0+$0x4B10] =	vst v48  }
0x1ff: {  	v61 =	vadd.s32 v3, v42;
	v60 =	vmul.f32 v53, v40;
	v55 =	vld.idx.msk [tilespmem:v62+s11+$0x0], $0xffff;
	v50 =	vmul.f32 v50, v33  }
0x200: {  	v62 =	vadd.s32 v3, v43;
	[tilespmem:s0+$0x49A0] =	vst v51;
	v52 =	vld.idx.msk [tilespmem:v52+s11+$0x0], $0xffff  }
0x201: {  	v56 =	vld.idx.msk [tilespmem:v58+s11+$0x0], $0xffff;
	v48 =	vadd.f32 v50, v60  }
0x202: {  	v50 =	vld.idx.msk [tilespmem:v63+s11+$0x0], $0xffff;
	v63 =	vmul.f32 v57, v46;
	v49 =	vmul.f32 v49, v34;
	v60 =	vadd.s32 v3, v41  }
0x203: {  	[tilespmem:s0+$0x4A20] =	vst v48;
	v48 =	vadd.s32 v3, v37  }
0x204: {  	v49 =	vadd.f32 v49, v63;
	v53 =	vld.idx.msk [tilespmem:v61+s11+$0x0], $0xffff  }
0x205: {  	v51 =	vld.idx.msk [tilespmem:v62+s11+$0x0], $0xffff;
	v61 =	vmul.f32 v55, v47;
	v62 =	vadd.s32 v3, v38;
	v52 =	vmul.f32 v52, v39  }
0x206: {  	v63 =	vadd.s32 v4, v44;
	[tilespmem:s0+$0x4AA0] =	vst v49;
	v49 =	vadd.s32 v3, v36  }
0x207: {  	v56 =	vmul.f32 v56, v35;
	v50 =	vmul.f32 v50, v32;
	v57 =	vld.idx.msk [tilespmem:v60+s11+$0x0], $0xffff;
	v52 =	vadd.f32 v52, v61  }
0x208: {  	v60 =	vadd.s32 v4, v45;
	v48 =	vld.idx.msk [tilespmem:v48+s11+$0x0], $0xffff  }
0x209: {  	v50 =	vadd.f32 v50, v56;
	[tilespmem:s0+$0x4B20] =	vst v52  }
0x20a: {  	v61 =	vmul.f32 v53, v40;
	v51 =	vmul.f32 v51, v33;
	v53 =	vadd.s32 v4, v42;
	v55 =	vld.idx.msk [tilespmem:v62+s11+$0x0], $0xffff  }
0x20b: {  	[tilespmem:s0+$0x49B0] =	vst v50;
	v62 =	vadd.s32 v4, v43;
	v49 =	vld.idx.msk [tilespmem:v49+s11+$0x0], $0xffff  }
0x20c: {  	v56 =	vld.idx.msk [tilespmem:v63+s11+$0x0], $0xffff;
	v51 =	vadd.f32 v51, v61  }
0x20d: {  	v52 =	vld.idx.msk [tilespmem:v60+s11+$0x0], $0xffff;
	v63 =	vmul.f32 v57, v46;
	v60 =	vadd.s32 v4, v41;
	v48 =	vmul.f32 v48, v34  }
0x20e: {  	v61 =	vadd.s32 v4, v37;
	[tilespmem:s0+$0x4A30] =	vst v51  }
0x20f: {  	v53 =	vld.idx.msk [tilespmem:v53+s11+$0x0], $0xffff;
	v48 =	vadd.f32 v48, v63  }
0x210: {  	v50 =	vld.idx.msk [tilespmem:v62+s11+$0x0], $0xffff;
	v62 =	vmul.f32 v55, v47;
	v49 =	vmul.f32 v49, v39;
	v63 =	vadd.s32 v4, v38  }
0x211: {  	v58 =	vadd.s32 v5, v44;
	[tilespmem:s0+$0x4AB0] =	vst v48;
	v48 =	vadd.s32 v4, v36  }
0x212: {  	v56 =	vmul.f32 v56, v35;
	v52 =	vmul.f32 v52, v32;
	v49 =	vadd.f32 v49, v62;
	v57 =	vld.idx.msk [tilespmem:v60+s11+$0x0], $0xffff  }
0x213: {  	v60 =	vadd.s32 v5, v45;
	v51 =	vld.idx.msk [tilespmem:v61+s11+$0x0], $0xffff  }
0x214: {  	v52 =	vadd.f32 v52, v56;
	[tilespmem:s0+$0x4B30] =	vst v49  }
0x215: {  	v62 =	vadd.s32 v5, v42;
	v61 =	vmul.f32 v53, v40;
	v50 =	vmul.f32 v50, v33;
	v55 =	vld.idx.msk [tilespmem:v63+s11+$0x0], $0xffff  }
0x216: {  	[tilespmem:s0+$0x49C0] =	vst v52;
	v63 =	vadd.s32 v5, v43;
	v48 =	vld.idx.msk [tilespmem:v48+s11+$0x0], $0xffff  }
0x217: {  	v56 =	vld.idx.msk [tilespmem:v58+s11+$0x0], $0xffff;
	v49 =	vadd.f32 v50, v61  }
0x218: {  	v61 =	vadd.s32 v5, v41;
	v50 =	vld.idx.msk [tilespmem:v60+s11+$0x0], $0xffff;
	v60 =	vmul.f32 v57, v46;
	v51 =	vmul.f32 v51, v34  }
0x219: {  	[tilespmem:s0+$0x4A40] =	vst v49;
	v49 =	vadd.s32 v5, v37  }
0x21a: {  	v53 =	vld.idx.msk [tilespmem:v62+s11+$0x0], $0xffff;
	v51 =	vadd.f32 v51, v60  }
0x21b: {  	v52 =	vld.idx.msk [tilespmem:v63+s11+$0x0], $0xffff;
	v62 =	vmul.f32 v55, v47;
	v63 =	vadd.s32 v5, v38;
	v48 =	vmul.f32 v48, v39  }
0x21c: {  	v60 =	vadd.s32 v6, v44;
	[tilespmem:s0+$0x4AC0] =	vst v51;
	v51 =	vadd.s32 v5, v36  }
0x21d: {  	v56 =	vmul.f32 v56, v35;
	v50 =	vmul.f32 v50, v32;
	v57 =	vld.idx.msk [tilespmem:v61+s11+$0x0], $0xffff;
	v48 =	vadd.f32 v48, v62  }
0x21e: {  	v61 =	vadd.s32 v6, v45;
	v49 =	vld.idx.msk [tilespmem:v49+s11+$0x0], $0xffff  }
0x21f: {  	v50 =	vadd.f32 v50, v56;
	[tilespmem:s0+$0x4B40] =	vst v48  }
0x220: {  	v62 =	vmul.f32 v53, v40;
	v52 =	vmul.f32 v52, v33;
	v53 =	vadd.s32 v6, v42;
	v55 =	vld.idx.msk [tilespmem:v63+s11+$0x0], $0xffff  }
0x221: {  	[tilespmem:s0+$0x49D0] =	vst v50;
	v63 =	vadd.s32 v6, v43;
	v51 =	vld.idx.msk [tilespmem:v51+s11+$0x0], $0xffff  }
0x222: {  	v48 =	vadd.f32 v52, v62;
	v56 =	vld.idx.msk [tilespmem:v60+s11+$0x0], $0xffff  }
0x223: {  	v52 =	vld.idx.msk [tilespmem:v61+s11+$0x0], $0xffff;
	v60 =	vmul.f32 v57, v46;
	v61 =	vadd.s32 v6, v41;
	v49 =	vmul.f32 v49, v34  }
0x224: {  	v62 =	vadd.s32 v6, v37;
	[tilespmem:s0+$0x4A50] =	vst v48  }
0x225: {  	v53 =	vld.idx.msk [tilespmem:v53+s11+$0x0], $0xffff;
	v49 =	vadd.f32 v49, v60  }
0x226: {  	v60 =	vadd.s32 v6, v38;
	v50 =	vld.idx.msk [tilespmem:v63+s11+$0x0], $0xffff;
	v63 =	vmul.f32 v55, v47;
	v51 =	vmul.f32 v51, v39  }
0x227: {  	v58 =	vadd.s32 v7, v44;
	[tilespmem:s0+$0x4AD0] =	vst v49;
	v49 =	vadd.s32 v6, v36  }
0x228: {  	v56 =	vmul.f32 v56, v35;
	v52 =	vmul.f32 v52, v32;
	v57 =	vld.idx.msk [tilespmem:v61+s11+$0x0], $0xffff;
	v51 =	vadd.f32 v51, v63  }
0x229: {  	v61 =	vadd.s32 v7, v45;
	v48 =	vld.idx.msk [tilespmem:v62+s11+$0x0], $0xffff  }
0x22a: {  	v52 =	vadd.f32 v52, v56;
	[tilespmem:s0+$0x4B50] =	vst v51  }
0x22b: {  	v63 =	vadd.s32 v7, v42;
	v62 =	vmul.f32 v53, v40;
	v50 =	vmul.f32 v50, v33;
	v55 =	vld.idx.msk [tilespmem:v60+s11+$0x0], $0xffff  }
0x22c: {  	[tilespmem:s0+$0x49E0] =	vst v52;
	v60 =	vadd.s32 v7, v43;
	v49 =	vld.idx.msk [tilespmem:v49+s11+$0x0], $0xffff  }
0x22d: {  	v56 =	vld.idx.msk [tilespmem:v58+s11+$0x0], $0xffff;
	v50 =	vadd.f32 v50, v62  }
0x22e: {  	v51 =	vld.idx.msk [tilespmem:v61+s11+$0x0], $0xffff;
	v61 =	vmul.f32 v57, v46;
	v48 =	vmul.f32 v48, v34;
	v62 =	vadd.s32 v7, v41  }
0x22f: {  	[tilespmem:s0+$0x4A60] =	vst v50;
	v50 =	vadd.s32 v7, v37  }
0x230: {  	v48 =	vadd.f32 v48, v61;
	v53 =	vld.idx.msk [tilespmem:v63+s11+$0x0], $0xffff  }
0x231: {  	v52 =	vld.idx.msk [tilespmem:v60+s11+$0x0], $0xffff;
	v63 =	vmul.f32 v55, v47;
	v60 =	vadd.s32 v7, v38;
	v49 =	vmul.f32 v49, v39  }
0x232: {  	v61 =	vadd.s32 v8, v44;
	[tilespmem:s0+$0x4AE0] =	vst v48;
	v48 =	vadd.s32 v7, v36  }
0x233: {  	v56 =	vmul.f32 v56, v35;
	v51 =	vmul.f32 v51, v32;
	v57 =	vld.idx.msk [tilespmem:v62+s11+$0x0], $0xffff;
	v49 =	vadd.f32 v49, v63  }
0x234: {  	v62 =	vadd.s32 v8, v45;
	v50 =	vld.idx.msk [tilespmem:v50+s11+$0x0], $0xffff  }
0x235: {  	v51 =	vadd.f32 v51, v56;
	[tilespmem:s0+$0x4B60] =	vst v49  }
0x236: {  	v63 =	vmul.f32 v53, v40;
	v52 =	vmul.f32 v52, v33;
	v53 =	vadd.s32 v8, v42;
	v55 =	vld.idx.msk [tilespmem:v60+s11+$0x0], $0xffff  }
0x237: {  	[tilespmem:s0+$0x49F0] =	vst v51;
	v60 =	vadd.s32 v8, v43;
	v48 =	vld.idx.msk [tilespmem:v48+s11+$0x0], $0xffff  }
0x238: {  	v56 =	vld.idx.msk [tilespmem:v61+s11+$0x0], $0xffff;
	v49 =	vadd.f32 v52, v63  }
0x239: {  	v52 =	vld.idx.msk [tilespmem:v62+s11+$0x0], $0xffff;
	v61 =	vmul.f32 v57, v46;
	v62 =	vadd.s32 v8, v41;
	v50 =	vmul.f32 v50, v34  }
0x23a: {  	v63 =	vadd.s32 v8, v37;
	[tilespmem:s0+$0x4A70] =	vst v49  }
0x23b: {  	v53 =	vld.idx.msk [tilespmem:v53+s11+$0x0], $0xffff;
	v50 =	vadd.f32 v50, v61  }
0x23c: {  	v51 =	vld.idx.msk [tilespmem:v60+s11+$0x0], $0xffff;
	v60 =	vmul.f32 v55, v47;
	v48 =	vmul.f32 v48, v39;
	v61 =	vadd.s32 v8, v38  }
0x23d: {  	v58 =	vadd.s32 v9, v44;
	[tilespmem:s0+$0x4AF0] =	vst v50;
	v50 =	vadd.s32 v8, v36  }
0x23e: {  	v56 =	vmul.f32 v56, v35;
	v52 =	vmul.f32 v52, v32;
	v48 =	vadd.f32 v48, v60;
	v57 =	vld.idx.msk [tilespmem:v62+s11+$0x0], $0xffff  }
0x23f: {  	v62 =	vadd.s32 v9, v45;
	v49 =	vld.idx.msk [tilespmem:v63+s11+$0x0], $0xffff  }
0x240: {  	v52 =	vadd.f32 v52, v56;
	[tilespmem:s0+$0x4B70] =	vst v48  }
0x241: {  	v60 =	vadd.s32 v9, v42;
	v63 =	vmul.f32 v53, v40;
	v51 =	vmul.f32 v51, v33;
	v55 =	vld.idx.msk [tilespmem:v61+s11+$0x0], $0xffff  }
0x242: {  	[tilespmem:s0+$0x4D80] =	vst v52;
	v61 =	vadd.s32 v9, v43;
	v50 =	vld.idx.msk [tilespmem:v50+s11+$0x0], $0xffff  }
0x243: {  	v56 =	vld.idx.msk [tilespmem:v58+s11+$0x0], $0xffff;
	v48 =	vadd.f32 v51, v63  }
0x244: {  	v63 =	vadd.s32 v9, v41;
	v51 =	vld.idx.msk [tilespmem:v62+s11+$0x0], $0xffff;
	v62 =	vmul.f32 v57, v46;
	v49 =	vmul.f32 v49, v34  }
0x245: {  	[tilespmem:s0+$0x4E00] =	vst v48;
	v48 =	vadd.s32 v9, v37  }
0x246: {  	v53 =	vld.idx.msk [tilespmem:v60+s11+$0x0], $0xffff;
	v49 =	vadd.f32 v49, v62  }
0x247: {  	v52 =	vld.idx.msk [tilespmem:v61+s11+$0x0], $0xffff;
	v60 =	vmul.f32 v55, v47;
	v61 =	vadd.s32 v9, v38;
	v50 =	vmul.f32 v50, v39  }
0x248: {  	v62 =	vadd.s32 v10, v44;
	[tilespmem:s0+$0x4E80] =	vst v49;
	v49 =	vadd.s32 v9, v36  }
0x249: {  	v56 =	vmul.f32 v56, v35;
	v51 =	vmul.f32 v51, v32;
	v57 =	vld.idx.msk [tilespmem:v63+s11+$0x0], $0xffff;
	v50 =	vadd.f32 v50, v60  }
0x24a: {  	v63 =	vadd.s32 v10, v45;
	v48 =	vld.idx.msk [tilespmem:v48+s11+$0x0], $0xffff  }
0x24b: {  	v51 =	vadd.f32 v51, v56;
	[tilespmem:s0+$0x4F00] =	vst v50  }
0x24c: {  	v60 =	vmul.f32 v53, v40;
	v52 =	vmul.f32 v52, v33;
	v53 =	vadd.s32 v10, v42;
	v55 =	vld.idx.msk [tilespmem:v61+s11+$0x0], $0xffff  }
0x24d: {  	[tilespmem:s0+$0x4D90] =	vst v51;
	v61 =	vadd.s32 v10, v43;
	v49 =	vld.idx.msk [tilespmem:v49+s11+$0x0], $0xffff  }
0x24e: {  	v50 =	vadd.f32 v52, v60;
	v56 =	vld.idx.msk [tilespmem:v62+s11+$0x0], $0xffff  }
0x24f: {  	v52 =	vld.idx.msk [tilespmem:v63+s11+$0x0], $0xffff;
	v62 =	vmul.f32 v57, v46;
	v63 =	vadd.s32 v10, v41;
	v48 =	vmul.f32 v48, v34  }
0x250: {  	v60 =	vadd.s32 v10, v37;
	[tilespmem:s0+$0x4E10] =	vst v50  }
0x251: {  	v53 =	vld.idx.msk [tilespmem:v53+s11+$0x0], $0xffff;
	v48 =	vadd.f32 v48, v62  }
0x252: {  	v62 =	vadd.s32 v10, v38;
	v51 =	vld.idx.msk [tilespmem:v61+s11+$0x0], $0xffff;
	v61 =	vmul.f32 v55, v47;
	v49 =	vmul.f32 v49, v39  }
0x253: {  	v58 =	vadd.s32 v11, v44;
	[tilespmem:s0+$0x4E90] =	vst v48;
	v48 =	vadd.s32 v10, v36  }
0x254: {  	v56 =	vmul.f32 v56, v35;
	v52 =	vmul.f32 v52, v32;
	v57 =	vld.idx.msk [tilespmem:v63+s11+$0x0], $0xffff;
	v49 =	vadd.f32 v49, v61  }
0x255: {  	v63 =	vadd.s32 v11, v45;
	v50 =	vld.idx.msk [tilespmem:v60+s11+$0x0], $0xffff  }
0x256: {  	v52 =	vadd.f32 v52, v56;
	[tilespmem:s0+$0x4F10] =	vst v49  }
0x257: {  	v61 =	vadd.s32 v11, v42;
	v60 =	vmul.f32 v53, v40;
	v51 =	vmul.f32 v51, v33;
	v55 =	vld.idx.msk [tilespmem:v62+s11+$0x0], $0xffff  }
0x258: {  	[tilespmem:s0+$0x4DA0] =	vst v52;
	v62 =	vadd.s32 v11, v43;
	v48 =	vld.idx.msk [tilespmem:v48+s11+$0x0], $0xffff  }
0x259: {  	v56 =	vld.idx.msk [tilespmem:v58+s11+$0x0], $0xffff;
	v49 =	vadd.f32 v51, v60  }
0x25a: {  	v51 =	vld.idx.msk [tilespmem:v63+s11+$0x0], $0xffff;
	v63 =	vmul.f32 v57, v46;
	v50 =	vmul.f32 v50, v34;
	v60 =	vadd.s32 v11, v41  }
0x25b: {  	[tilespmem:s0+$0x4E20] =	vst v49;
	v49 =	vadd.s32 v11, v37  }
0x25c: {  	v50 =	vadd.f32 v50, v63;
	v53 =	vld.idx.msk [tilespmem:v61+s11+$0x0], $0xffff  }
0x25d: {  	v52 =	vld.idx.msk [tilespmem:v62+s11+$0x0], $0xffff;
	v61 =	vmul.f32 v55, v47;
	v62 =	vadd.s32 v11, v38;
	v48 =	vmul.f32 v48, v39  }
0x25e: {  	v63 =	vadd.s32 v12, v44;
	[tilespmem:s0+$0x4EA0] =	vst v50;
	v50 =	vadd.s32 v11, v36  }
0x25f: {  	v56 =	vmul.f32 v56, v35;
	v51 =	vmul.f32 v51, v32;
	v57 =	vld.idx.msk [tilespmem:v60+s11+$0x0], $0xffff;
	v48 =	vadd.f32 v48, v61  }
0x260: {  	v60 =	vadd.s32 v12, v45;
	v49 =	vld.idx.msk [tilespmem:v49+s11+$0x0], $0xffff  }
0x261: {  	v51 =	vadd.f32 v51, v56;
	[tilespmem:s0+$0x4F20] =	vst v48  }
0x262: {  	v61 =	vmul.f32 v53, v40;
	v52 =	vmul.f32 v52, v33;
	v53 =	vadd.s32 v12, v42;
	v55 =	vld.idx.msk [tilespmem:v62+s11+$0x0], $0xffff  }
0x263: {  	[tilespmem:s0+$0x4DB0] =	vst v51;
	v62 =	vadd.s32 v12, v43;
	v50 =	vld.idx.msk [tilespmem:v50+s11+$0x0], $0xffff  }
0x264: {  	v56 =	vld.idx.msk [tilespmem:v63+s11+$0x0], $0xffff;
	v48 =	vadd.f32 v52, v61  }
0x265: {  	v52 =	vld.idx.msk [tilespmem:v60+s11+$0x0], $0xffff;
	v63 =	vmul.f32 v57, v46;
	v60 =	vadd.s32 v12, v41;
	v49 =	vmul.f32 v49, v34  }
0x266: {  	v61 =	vadd.s32 v12, v37;
	[tilespmem:s0+$0x4E30] =	vst v48  }
0x267: {  	v53 =	vld.idx.msk [tilespmem:v53+s11+$0x0], $0xffff;
	v49 =	vadd.f32 v49, v63  }
0x268: {  	v51 =	vld.idx.msk [tilespmem:v62+s11+$0x0], $0xffff;
	v62 =	vmul.f32 v55, v47;
	v50 =	vmul.f32 v50, v39;
	v63 =	vadd.s32 v12, v38  }
0x269: {  	v58 =	vadd.s32 v13, v44;
	[tilespmem:s0+$0x4EB0] =	vst v49;
	v49 =	vadd.s32 v12, v36  }
0x26a: {  	v56 =	vmul.f32 v56, v35;
	v52 =	vmul.f32 v52, v32;
	v50 =	vadd.f32 v50, v62;
	v57 =	vld.idx.msk [tilespmem:v60+s11+$0x0], $0xffff  }
0x26b: {  	v60 =	vadd.s32 v13, v45;
	v48 =	vld.idx.msk [tilespmem:v61+s11+$0x0], $0xffff  }
0x26c: {  	v52 =	vadd.f32 v52, v56;
	[tilespmem:s0+$0x4F30] =	vst v50  }
0x26d: {  	v62 =	vadd.s32 v13, v42;
	v61 =	vmul.f32 v53, v40;
	v51 =	vmul.f32 v51, v33;
	v55 =	vld.idx.msk [tilespmem:v63+s11+$0x0], $0xffff  }
0x26e: {  	[tilespmem:s0+$0x4DC0] =	vst v52;
	v63 =	vadd.s32 v13, v43;
	v49 =	vld.idx.msk [tilespmem:v49+s11+$0x0], $0xffff  }
0x26f: {  	v56 =	vld.idx.msk [tilespmem:v58+s11+$0x0], $0xffff;
	v50 =	vadd.f32 v51, v61  }
0x270: {  	v61 =	vadd.s32 v13, v41;
	v51 =	vld.idx.msk [tilespmem:v60+s11+$0x0], $0xffff;
	v60 =	vmul.f32 v57, v46;
	v48 =	vmul.f32 v48, v34  }
0x271: {  	[tilespmem:s0+$0x4E40] =	vst v50;
	v50 =	vadd.s32 v13, v37  }
0x272: {  	v53 =	vld.idx.msk [tilespmem:v62+s11+$0x0], $0xffff;
	v48 =	vadd.f32 v48, v60  }
0x273: {  	v52 =	vld.idx.msk [tilespmem:v63+s11+$0x0], $0xffff;
	v62 =	vmul.f32 v55, v47;
	v63 =	vadd.s32 v13, v38;
	v49 =	vmul.f32 v49, v39  }
0x274: {  	v60 =	vadd.s32 v14, v44;
	[tilespmem:s0+$0x4EC0] =	vst v48;
	v48 =	vadd.s32 v13, v36  }
0x275: {  	v56 =	vmul.f32 v56, v35;
	v51 =	vmul.f32 v51, v32;
	v57 =	vld.idx.msk [tilespmem:v61+s11+$0x0], $0xffff;
	v49 =	vadd.f32 v49, v62  }
0x276: {  	v61 =	vadd.s32 v14, v45;
	v50 =	vld.idx.msk [tilespmem:v50+s11+$0x0], $0xffff  }
0x277: {  	v51 =	vadd.f32 v51, v56;
	[tilespmem:s0+$0x4F40] =	vst v49  }
0x278: {  	v62 =	vmul.f32 v53, v40;
	v52 =	vmul.f32 v52, v33;
	v53 =	vadd.s32 v14, v42;
	v55 =	vld.idx.msk [tilespmem:v63+s11+$0x0], $0xffff  }
0x279: {  	[tilespmem:s0+$0x4DD0] =	vst v51;
	v63 =	vadd.s32 v14, v43;
	v48 =	vld.idx.msk [tilespmem:v48+s11+$0x0], $0xffff  }
0x27a: {  	v49 =	vadd.f32 v52, v62;
	v56 =	vld.idx.msk [tilespmem:v60+s11+$0x0], $0xffff  }
0x27b: {  	v52 =	vld.idx.msk [tilespmem:v61+s11+$0x0], $0xffff;
	v60 =	vmul.f32 v57, v46;
	v61 =	vadd.s32 v14, v41;
	v50 =	vmul.f32 v50, v34  }
0x27c: {  	v62 =	vadd.s32 v14, v37;
	[tilespmem:s0+$0x4E50] =	vst v49  }
0x27d: {  	v53 =	vld.idx.msk [tilespmem:v53+s11+$0x0], $0xffff;
	v50 =	vadd.f32 v50, v60  }
0x27e: {  	v60 =	vadd.s32 v14, v38;
	v51 =	vld.idx.msk [tilespmem:v63+s11+$0x0], $0xffff;
	v63 =	vmul.f32 v55, v47;
	v48 =	vmul.f32 v48, v39  }
0x27f: {  	v58 =	vadd.s32 v15, v44;
	[tilespmem:s0+$0x4ED0] =	vst v50;
	v50 =	vadd.s32 v14, v36  }
0x280: {  	v56 =	vmul.f32 v56, v35;
	v52 =	vmul.f32 v52, v32;
	v57 =	vld.idx.msk [tilespmem:v61+s11+$0x0], $0xffff;
	v48 =	vadd.f32 v48, v63  }
0x281: {  	v61 =	vadd.s32 v15, v45;
	v49 =	vld.idx.msk [tilespmem:v62+s11+$0x0], $0xffff  }
0x282: {  	v52 =	vadd.f32 v52, v56;
	[tilespmem:s0+$0x4F50] =	vst v48  }
0x283: {  	v63 =	vadd.s32 v15, v42;
	v62 =	vmul.f32 v53, v40;
	v51 =	vmul.f32 v51, v33;
	v55 =	vld.idx.msk [tilespmem:v60+s11+$0x0], $0xffff  }
0x284: {  	[tilespmem:s0+$0x4DE0] =	vst v52;
	v60 =	vadd.s32 v15, v43;
	v50 =	vld.idx.msk [tilespmem:v50+s11+$0x0], $0xffff  }
0x285: {  	v56 =	vld.idx.msk [tilespmem:v58+s11+$0x0], $0xffff;
	v48 =	vadd.f32 v51, v62  }
0x286: {  	v51 =	vld.idx.msk [tilespmem:v61+s11+$0x0], $0xffff;
	v61 =	vmul.f32 v57, v46;
	v49 =	vmul.f32 v49, v34;
	v62 =	vadd.s32 v15, v41  }
0x287: {  	[tilespmem:s0+$0x4E60] =	vst v48;
	v48 =	vadd.s32 v15, v37  }
0x288: {  	v49 =	vadd.f32 v49, v61;
	v53 =	vld.idx.msk [tilespmem:v63+s11+$0x0], $0xffff  }
0x289: {  	v52 =	vld.idx.msk [tilespmem:v60+s11+$0x0], $0xffff;
	v63 =	vmul.f32 v55, v47;
	v60 =	vadd.s32 v15, v38;
	v50 =	vmul.f32 v50, v39  }
0x28a: {  	v61 =	vadd.s32 v16, v44;
	[tilespmem:s0+$0x4EE0] =	vst v49;
	v49 =	vadd.s32 v15, v36  }
0x28b: {  	v56 =	vmul.f32 v56, v35;
	v51 =	vmul.f32 v51, v32;
	v57 =	vld.idx.msk [tilespmem:v62+s11+$0x0], $0xffff;
	v50 =	vadd.f32 v50, v63  }
0x28c: {  	v62 =	vadd.s32 v16, v45;
	v48 =	vld.idx.msk [tilespmem:v48+s11+$0x0], $0xffff  }
0x28d: {  	v51 =	vadd.f32 v51, v56;
	[tilespmem:s0+$0x4F60] =	vst v50  }
0x28e: {  	v63 =	vmul.f32 v53, v40;
	v52 =	vmul.f32 v52, v33;
	v53 =	vadd.s32 v16, v42;
	v55 =	vld.idx.msk [tilespmem:v60+s11+$0x0], $0xffff  }
0x28f: {  	[tilespmem:s0+$0x4DF0] =	vst v51;
	v60 =	vadd.s32 v16, v43;
	v49 =	vld.idx.msk [tilespmem:v49+s11+$0x0], $0xffff  }
0x290: {  	v56 =	vld.idx.msk [tilespmem:v61+s11+$0x0], $0xffff;
	v50 =	vadd.f32 v52, v63  }
0x291: {  	v52 =	vld.idx.msk [tilespmem:v62+s11+$0x0], $0xffff;
	v61 =	vmul.f32 v57, v46;
	v62 =	vadd.s32 v16, v41;
	v48 =	vmul.f32 v48, v34  }
0x292: {  	v63 =	vadd.s32 v16, v37;
	[tilespmem:s0+$0x4E70] =	vst v50  }
0x293: {  	v53 =	vld.idx.msk [tilespmem:v53+s11+$0x0], $0xffff;
	v48 =	vadd.f32 v48, v61  }
0x294: {  	v51 =	vld.idx.msk [tilespmem:v60+s11+$0x0], $0xffff;
	v60 =	vmul.f32 v55, v47;
	v49 =	vmul.f32 v49, v39;
	v61 =	vadd.s32 v16, v38  }
0x295: {  	s23 =	simm.s32 $0x1;
	v58 =	vadd.s32 v17, v44;
	[tilespmem:s0+$0x4EF0] =	vst v48;
	v48 =	vadd.s32 v16, v36  }
0x296: {  	s23 =	simm.s32 @!p0 $0x0;
	v56 =	vmul.f32 v56, v35;
	v52 =	vmul.f32 v52, v32;
	v49 =	vadd.f32 v49, v60;
	v57 =	vld.idx.msk [tilespmem:v62+s11+$0x0], $0xffff  }
0x297: {  	s23 =	sshll.u32 s23, $0x9;
	v62 =	vadd.s32 v17, v45;
	v50 =	vld.idx.msk [tilespmem:v63+s11+$0x0], $0xffff  }
0x298: {  	s23 =	sadd.s32 s23, s20;
	v52 =	vadd.f32 v52, v56;
	[tilespmem:s0+$0x4F70] =	vst v49  }
0x299: {  	s28 =	sor.u32 $0x800, s23;
	v60 =	vadd.s32 v17, v42;
	v63 =	vmul.f32 v53, v40;
	v51 =	vmul.f32 v51, v33;
	v55 =	vld.idx.msk [tilespmem:v61+s11+$0x0], $0xffff  }
0x29a: {  	[tilespmem:s28+$0x4980] =	vst v52;
	v61 =	vadd.s32 v17, v43;
	v48 =	vld.idx.msk [tilespmem:v48+s11+$0x0], $0xffff  }
0x29b: {  	s24 =	sadd.s32 $0x80, s23;
	v56 =	vld.idx.msk [tilespmem:v58+s11+$0x0], $0xffff;
	v49 =	vadd.f32 v51, v63  }
0x29c: {  	s29 =	sor.u32 $0x800, s24;
	v63 =	vadd.s32 v17, v41;
	v51 =	vld.idx.msk [tilespmem:v62+s11+$0x0], $0xffff;
	v62 =	vmul.f32 v57, v46;
	v50 =	vmul.f32 v50, v34  }
0x29d: {  	[tilespmem:s29+$0x4980] =	vst v49;
	v49 =	vadd.s32 v17, v37  }
0x29e: {  	s25 =	sadd.s32 $0x100, s23;
	v53 =	vld.idx.msk [tilespmem:v60+s11+$0x0], $0xffff;
	v50 =	vadd.f32 v50, v62  }
0x29f: {  	s30 =	sor.u32 $0x800, s25;
	v52 =	vld.idx.msk [tilespmem:v61+s11+$0x0], $0xffff;
	v60 =	vmul.f32 v55, v47;
	v61 =	vadd.s32 v17, v38;
	v48 =	vmul.f32 v48, v39  }
0x2a0: {  	v62 =	vadd.s32 v18, v44;
	[tilespmem:s30+$0x4980] =	vst v50;
	v50 =	vadd.s32 v17, v36  }
0x2a1: {  	s26 =	sadd.s32 $0x180, s23;
	v56 =	vmul.f32 v56, v35;
	v51 =	vmul.f32 v51, v32;
	v57 =	vld.idx.msk [tilespmem:v63+s11+$0x0], $0xffff;
	v48 =	vadd.f32 v48, v60  }
0x2a2: {  	s31 =	sor.u32 $0x800, s26;
	v63 =	vadd.s32 v18, v45;
	v49 =	vld.idx.msk [tilespmem:v49+s11+$0x0], $0xffff  }
0x2a3: {  	v51 =	vadd.f32 v51, v56;
	[tilespmem:s31+$0x4980] =	vst v48  }
0x2a4: {  	s3 =	sor.u32 $0x810, s23;
	v60 =	vmul.f32 v53, v40;
	v52 =	vmul.f32 v52, v33;
	v53 =	vadd.s32 v18, v42;
	v55 =	vld.idx.msk [tilespmem:v61+s11+$0x0], $0xffff  }
0x2a5: {  	[tilespmem:s3+$0x4980] =	vst v51;
	v61 =	vadd.s32 v18, v43;
	v50 =	vld.idx.msk [tilespmem:v50+s11+$0x0], $0xffff  }
0x2a6: {  	v48 =	vadd.f32 v52, v60;
	v56 =	vld.idx.msk [tilespmem:v62+s11+$0x0], $0xffff  }
0x2a7: {  	s28 =	sor.u32 $0x810, s24;
	v52 =	vld.idx.msk [tilespmem:v63+s11+$0x0], $0xffff;
	v62 =	vmul.f32 v57, v46;
	v63 =	vadd.s32 v18, v41;
	v49 =	vmul.f32 v49, v34  }
0x2a8: {  	v60 =	vadd.s32 v18, v37;
	[tilespmem:s28+$0x4980] =	vst v48  }
0x2a9: {  	v53 =	vld.idx.msk [tilespmem:v53+s11+$0x0], $0xffff;
	v49 =	vadd.f32 v49, v62  }
0x2aa: {  	s29 =	sor.u32 $0x810, s25;
	v62 =	vadd.s32 v18, v38;
	v51 =	vld.idx.msk [tilespmem:v61+s11+$0x0], $0xffff;
	v61 =	vmul.f32 v55, v47;
	v50 =	vmul.f32 v50, v39  }
0x2ab: {  	v58 =	vadd.s32 v19, v44;
	[tilespmem:s29+$0x4980] =	vst v49;
	v49 =	vadd.s32 v18, v36  }
0x2ac: {  	v56 =	vmul.f32 v56, v35;
	v52 =	vmul.f32 v52, v32;
	v57 =	vld.idx.msk [tilespmem:v63+s11+$0x0], $0xffff;
	v50 =	vadd.f32 v50, v61  }
0x2ad: {  	s30 =	sor.u32 $0x810, s26;
	v63 =	vadd.s32 v19, v45;
	v48 =	vld.idx.msk [tilespmem:v60+s11+$0x0], $0xffff  }
0x2ae: {  	v52 =	vadd.f32 v52, v56;
	[tilespmem:s30+$0x4980] =	vst v50  }
0x2af: {  	s31 =	sor.u32 $0x820, s23;
	v61 =	vadd.s32 v19, v42;
	v60 =	vmul.f32 v53, v40;
	v51 =	vmul.f32 v51, v33;
	v55 =	vld.idx.msk [tilespmem:v62+s11+$0x0], $0xffff  }
0x2b0: {  	[tilespmem:s31+$0x4980] =	vst v52;
	v62 =	vadd.s32 v19, v43;
	v49 =	vld.idx.msk [tilespmem:v49+s11+$0x0], $0xffff  }
0x2b1: {  	v56 =	vld.idx.msk [tilespmem:v58+s11+$0x0], $0xffff;
	v50 =	vadd.f32 v51, v60  }
0x2b2: {  	s3 =	sor.u32 $0x820, s24;
	v51 =	vld.idx.msk [tilespmem:v63+s11+$0x0], $0xffff;
	v63 =	vmul.f32 v57, v46;
	v48 =	vmul.f32 v48, v34;
	v60 =	vadd.s32 v19, v41  }
0x2b3: {  	[tilespmem:s3+$0x4980] =	vst v50;
	v50 =	vadd.s32 v19, v37  }
0x2b4: {  	v48 =	vadd.f32 v48, v63;
	v53 =	vld.idx.msk [tilespmem:v61+s11+$0x0], $0xffff  }
0x2b5: {  	s28 =	sor.u32 $0x820, s25;
	v52 =	vld.idx.msk [tilespmem:v62+s11+$0x0], $0xffff;
	v61 =	vmul.f32 v55, v47;
	v62 =	vadd.s32 v19, v38;
	v49 =	vmul.f32 v49, v39  }
0x2b6: {  	v63 =	vadd.s32 v20, v44;
	[tilespmem:s28+$0x4980] =	vst v48;
	v48 =	vadd.s32 v19, v36  }
0x2b7: {  	v56 =	vmul.f32 v56, v35;
	v51 =	vmul.f32 v51, v32;
	v57 =	vld.idx.msk [tilespmem:v60+s11+$0x0], $0xffff;
	v49 =	vadd.f32 v49, v61  }
0x2b8: {  	s29 =	sor.u32 $0x820, s26;
	v60 =	vadd.s32 v20, v45;
	v50 =	vld.idx.msk [tilespmem:v50+s11+$0x0], $0xffff  }
0x2b9: {  	v51 =	vadd.f32 v51, v56;
	[tilespmem:s29+$0x4980] =	vst v49  }
0x2ba: {  	s30 =	sor.u32 $0x830, s23;
	v61 =	vmul.f32 v53, v40;
	v52 =	vmul.f32 v52, v33;
	v53 =	vadd.s32 v20, v42;
	v55 =	vld.idx.msk [tilespmem:v62+s11+$0x0], $0xffff  }
0x2bb: {  	[tilespmem:s30+$0x4980] =	vst v51;
	v62 =	vadd.s32 v20, v43;
	v48 =	vld.idx.msk [tilespmem:v48+s11+$0x0], $0xffff  }
0x2bc: {  	v56 =	vld.idx.msk [tilespmem:v63+s11+$0x0], $0xffff;
	v49 =	vadd.f32 v52, v61  }
0x2bd: {  	s31 =	sor.u32 $0x830, s24;
	v52 =	vld.idx.msk [tilespmem:v60+s11+$0x0], $0xffff;
	v63 =	vmul.f32 v57, v46;
	v60 =	vadd.s32 v20, v41;
	v50 =	vmul.f32 v50, v34  }
0x2be: {  	v61 =	vadd.s32 v20, v37;
	[tilespmem:s31+$0x4980] =	vst v49  }
0x2bf: {  	v53 =	vld.idx.msk [tilespmem:v53+s11+$0x0], $0xffff;
	v50 =	vadd.f32 v50, v63  }
0x2c0: {  	s3 =	sor.u32 $0x830, s25;
	v51 =	vld.idx.msk [tilespmem:v62+s11+$0x0], $0xffff;
	v62 =	vmul.f32 v55, v47;
	v48 =	vmul.f32 v48, v39;
	v63 =	vadd.s32 v20, v38  }
0x2c1: {  	v58 =	vadd.s32 v21, v44;
	[tilespmem:s3+$0x4980] =	vst v50;
	v50 =	vadd.s32 v20, v36  }
0x2c2: {  	v56 =	vmul.f32 v56, v35;
	v52 =	vmul.f32 v52, v32;
	v48 =	vadd.f32 v48, v62;
	v57 =	vld.idx.msk [tilespmem:v60+s11+$0x0], $0xffff  }
0x2c3: {  	s28 =	sor.u32 $0x830, s26;
	v60 =	vadd.s32 v21, v45;
	v49 =	vld.idx.msk [tilespmem:v61+s11+$0x0], $0xffff  }
0x2c4: {  	v52 =	vadd.f32 v52, v56;
	[tilespmem:s28+$0x4980] =	vst v48  }
0x2c5: {  	s29 =	sor.u32 $0x840, s23;
	v62 =	vadd.s32 v21, v42;
	v61 =	vmul.f32 v53, v40;
	v51 =	vmul.f32 v51, v33;
	v55 =	vld.idx.msk [tilespmem:v63+s11+$0x0], $0xffff  }
0x2c6: {  	[tilespmem:s29+$0x4980] =	vst v52;
	v63 =	vadd.s32 v21, v43;
	v50 =	vld.idx.msk [tilespmem:v50+s11+$0x0], $0xffff  }
0x2c7: {  	v56 =	vld.idx.msk [tilespmem:v58+s11+$0x0], $0xffff;
	v48 =	vadd.f32 v51, v61  }
0x2c8: {  	s30 =	sor.u32 $0x840, s24;
	v61 =	vadd.s32 v21, v41;
	v51 =	vld.idx.msk [tilespmem:v60+s11+$0x0], $0xffff;
	v60 =	vmul.f32 v57, v46;
	v49 =	vmul.f32 v49, v34  }
0x2c9: {  	[tilespmem:s30+$0x4980] =	vst v48;
	v48 =	vadd.s32 v21, v37  }
0x2ca: {  	v53 =	vld.idx.msk [tilespmem:v62+s11+$0x0], $0xffff;
	v49 =	vadd.f32 v49, v60  }
0x2cb: {  	s31 =	sor.u32 $0x840, s25;
	v52 =	vld.idx.msk [tilespmem:v63+s11+$0x0], $0xffff;
	v62 =	vmul.f32 v55, v47;
	v63 =	vadd.s32 v21, v38;
	v50 =	vmul.f32 v50, v39  }
0x2cc: {  	v60 =	vadd.s32 v22, v44;
	[tilespmem:s31+$0x4980] =	vst v49;
	v49 =	vadd.s32 v21, v36  }
0x2cd: {  	v56 =	vmul.f32 v56, v35;
	v51 =	vmul.f32 v51, v32;
	v57 =	vld.idx.msk [tilespmem:v61+s11+$0x0], $0xffff;
	v50 =	vadd.f32 v50, v62  }
0x2ce: {  	s3 =	sor.u32 $0x840, s26;
	v61 =	vadd.s32 v22, v45;
	v48 =	vld.idx.msk [tilespmem:v48+s11+$0x0], $0xffff  }
0x2cf: {  	v51 =	vadd.f32 v51, v56;
	[tilespmem:s3+$0x4980] =	vst v50  }
0x2d0: {  	s28 =	sor.u32 $0x850, s23;
	v62 =	vmul.f32 v53, v40;
	v52 =	vmul.f32 v52, v33;
	v53 =	vadd.s32 v22, v42;
	v55 =	vld.idx.msk [tilespmem:v63+s11+$0x0], $0xffff  }
0x2d1: {  	[tilespmem:s28+$0x4980] =	vst v51;
	v63 =	vadd.s32 v22, v43;
	v49 =	vld.idx.msk [tilespmem:v49+s11+$0x0], $0xffff  }
0x2d2: {  	v50 =	vadd.f32 v52, v62;
	v56 =	vld.idx.msk [tilespmem:v60+s11+$0x0], $0xffff  }
0x2d3: {  	s29 =	sor.u32 $0x850, s24;
	v52 =	vld.idx.msk [tilespmem:v61+s11+$0x0], $0xffff;
	v60 =	vmul.f32 v57, v46;
	v61 =	vadd.s32 v22, v41;
	v48 =	vmul.f32 v48, v34  }
0x2d4: {  	v62 =	vadd.s32 v22, v37;
	[tilespmem:s29+$0x4980] =	vst v50  }
0x2d5: {  	v53 =	vld.idx.msk [tilespmem:v53+s11+$0x0], $0xffff;
	v48 =	vadd.f32 v48, v60  }
0x2d6: {  	s30 =	sor.u32 $0x850, s25;
	v60 =	vadd.s32 v22, v38;
	v51 =	vld.idx.msk [tilespmem:v63+s11+$0x0], $0xffff;
	v63 =	vmul.f32 v55, v47;
	v49 =	vmul.f32 v49, v39  }
0x2d7: {  	v58 =	vadd.s32 v23, v44;
	[tilespmem:s30+$0x4980] =	vst v48;
	v48 =	vadd.s32 v22, v36  }
0x2d8: {  	v56 =	vmul.f32 v56, v35;
	v52 =	vmul.f32 v52, v32;
	v57 =	vld.idx.msk [tilespmem:v61+s11+$0x0], $0xffff;
	v49 =	vadd.f32 v49, v63  }
0x2d9: {  	s31 =	sor.u32 $0x850, s26;
	v61 =	vadd.s32 v23, v45;
	v50 =	vld.idx.msk [tilespmem:v62+s11+$0x0], $0xffff  }
0x2da: {  	v52 =	vadd.f32 v52, v56;
	[tilespmem:s31+$0x4980] =	vst v49  }
0x2db: {  	s3 =	sor.u32 $0x860, s23;
	v63 =	vadd.s32 v23, v42;
	v62 =	vmul.f32 v53, v40;
	v51 =	vmul.f32 v51, v33;
	v55 =	vld.idx.msk [tilespmem:v60+s11+$0x0], $0xffff  }
0x2dc: {  	[tilespmem:s3+$0x4980] =	vst v52;
	v60 =	vadd.s32 v23, v43;
	v48 =	vld.idx.msk [tilespmem:v48+s11+$0x0], $0xffff  }
0x2dd: {  	v56 =	vld.idx.msk [tilespmem:v58+s11+$0x0], $0xffff;
	v49 =	vadd.f32 v51, v62  }
0x2de: {  	s28 =	sor.u32 $0x860, s24;
	v51 =	vld.idx.msk [tilespmem:v61+s11+$0x0], $0xffff;
	v61 =	vmul.f32 v57, v46;
	v50 =	vmul.f32 v50, v34;
	v62 =	vadd.s32 v23, v41  }
0x2df: {  	[tilespmem:s28+$0x4980] =	vst v49;
	v49 =	vadd.s32 v23, v37  }
0x2e0: {  	v50 =	vadd.f32 v50, v61;
	v53 =	vld.idx.msk [tilespmem:v63+s11+$0x0], $0xffff  }
0x2e1: {  	s29 =	sor.u32 $0x860, s25;
	v52 =	vld.idx.msk [tilespmem:v60+s11+$0x0], $0xffff;
	v63 =	vmul.f32 v55, v47;
	v60 =	vadd.s32 v23, v38;
	v48 =	vmul.f32 v48, v39  }
0x2e2: {  	v61 =	vadd.s32 v24, v44;
	[tilespmem:s29+$0x4980] =	vst v50;
	v50 =	vadd.s32 v23, v36  }
0x2e3: {  	v56 =	vmul.f32 v56, v35;
	v51 =	vmul.f32 v51, v32;
	v57 =	vld.idx.msk [tilespmem:v62+s11+$0x0], $0xffff;
	v48 =	vadd.f32 v48, v63  }
0x2e4: {  	s30 =	sor.u32 $0x860, s26;
	v62 =	vadd.s32 v24, v45;
	v49 =	vld.idx.msk [tilespmem:v49+s11+$0x0], $0xffff  }
0x2e5: {  	v51 =	vadd.f32 v51, v56;
	[tilespmem:s30+$0x4980] =	vst v48  }
0x2e6: {  	s31 =	sor.u32 $0x870, s23;
	v63 =	vmul.f32 v53, v40;
	v52 =	vmul.f32 v52, v33;
	v53 =	vadd.s32 v24, v42;
	v55 =	vld.idx.msk [tilespmem:v60+s11+$0x0], $0xffff  }
0x2e7: {  	[tilespmem:s31+$0x4980] =	vst v51;
	v60 =	vadd.s32 v24, v43;
	v50 =	vld.idx.msk [tilespmem:v50+s11+$0x0], $0xffff  }
0x2e8: {  	v56 =	vld.idx.msk [tilespmem:v61+s11+$0x0], $0xffff;
	v48 =	vadd.f32 v52, v63  }
0x2e9: {  	s3 =	sor.u32 $0x870, s24;
	v52 =	vld.idx.msk [tilespmem:v62+s11+$0x0], $0xffff;
	v61 =	vmul.f32 v57, v46;
	v62 =	vadd.s32 v24, v41;
	v49 =	vmul.f32 v49, v34  }
0x2ea: {  	v63 =	vadd.s32 v24, v37;
	[tilespmem:s3+$0x4980] =	vst v48  }
0x2eb: {  	v53 =	vld.idx.msk [tilespmem:v53+s11+$0x0], $0xffff;
	v49 =	vadd.f32 v49, v61  }
0x2ec: {  	s28 =	sor.u32 $0x870, s25;
	v51 =	vld.idx.msk [tilespmem:v60+s11+$0x0], $0xffff;
	v60 =	vmul.f32 v55, v47;
	v50 =	vmul.f32 v50, v39;
	v61 =	vadd.s32 v24, v38  }
0x2ed: {  	v58 =	vadd.s32 v25, v44;
	[tilespmem:s28+$0x4980] =	vst v49;
	v49 =	vadd.s32 v24, v36  }
0x2ee: {  	v56 =	vmul.f32 v56, v35;
	v52 =	vmul.f32 v52, v32;
	v50 =	vadd.f32 v50, v60;
	v57 =	vld.idx.msk [tilespmem:v62+s11+$0x0], $0xffff  }
0x2ef: {  	s29 =	sor.u32 $0x870, s26;
	v62 =	vadd.s32 v25, v45;
	v48 =	vld.idx.msk [tilespmem:v63+s11+$0x0], $0xffff  }
0x2f0: {  	v52 =	vadd.f32 v52, v56;
	[tilespmem:s29+$0x4980] =	vst v50  }
0x2f1: {  	s30 =	sor.u32 $0xC00, s23;
	v60 =	vadd.s32 v25, v42;
	v63 =	vmul.f32 v53, v40;
	v51 =	vmul.f32 v51, v33;
	v55 =	vld.idx.msk [tilespmem:v61+s11+$0x0], $0xffff  }
0x2f2: {  	[tilespmem:s30+$0x4980] =	vst v52;
	v61 =	vadd.s32 v25, v43;
	v49 =	vld.idx.msk [tilespmem:v49+s11+$0x0], $0xffff  }
0x2f3: {  	v56 =	vld.idx.msk [tilespmem:v58+s11+$0x0], $0xffff;
	v50 =	vadd.f32 v51, v63  }
0x2f4: {  	s31 =	sor.u32 $0xC00, s24;
	v63 =	vadd.s32 v25, v41;
	v51 =	vld.idx.msk [tilespmem:v62+s11+$0x0], $0xffff;
	v62 =	vmul.f32 v57, v46;
	v48 =	vmul.f32 v48, v34  }
0x2f5: {  	[tilespmem:s31+$0x4980] =	vst v50;
	v50 =	vadd.s32 v25, v37  }
0x2f6: {  	v53 =	vld.idx.msk [tilespmem:v60+s11+$0x0], $0xffff;
	v48 =	vadd.f32 v48, v62  }
0x2f7: {  	s3 =	sor.u32 $0xC00, s25;
	v52 =	vld.idx.msk [tilespmem:v61+s11+$0x0], $0xffff;
	v60 =	vmul.f32 v55, v47;
	v61 =	vadd.s32 v25, v38;
	v49 =	vmul.f32 v49, v39  }
0x2f8: {  	v62 =	vadd.s32 v26, v44;
	[tilespmem:s3+$0x4980] =	vst v48;
	v48 =	vadd.s32 v25, v36  }
0x2f9: {  	v56 =	vmul.f32 v56, v35;
	v51 =	vmul.f32 v51, v32;
	v57 =	vld.idx.msk [tilespmem:v63+s11+$0x0], $0xffff;
	v49 =	vadd.f32 v49, v60  }
0x2fa: {  	s28 =	sor.u32 $0xC00, s26;
	v63 =	vadd.s32 v26, v45;
	v50 =	vld.idx.msk [tilespmem:v50+s11+$0x0], $0xffff  }
0x2fb: {  	v51 =	vadd.f32 v51, v56;
	[tilespmem:s28+$0x4980] =	vst v49  }
0x2fc: {  	s29 =	sor.u32 $0xC10, s23;
	v60 =	vmul.f32 v53, v40;
	v52 =	vmul.f32 v52, v33;
	v53 =	vadd.s32 v26, v42;
	v55 =	vld.idx.msk [tilespmem:v61+s11+$0x0], $0xffff  }
0x2fd: {  	[tilespmem:s29+$0x4980] =	vst v51;
	v61 =	vadd.s32 v26, v43;
	v48 =	vld.idx.msk [tilespmem:v48+s11+$0x0], $0xffff  }
0x2fe: {  	v49 =	vadd.f32 v52, v60;
	v56 =	vld.idx.msk [tilespmem:v62+s11+$0x0], $0xffff  }
0x2ff: {  	s30 =	sor.u32 $0xC10, s24;
	v52 =	vld.idx.msk [tilespmem:v63+s11+$0x0], $0xffff;
	v62 =	vmul.f32 v57, v46;
	v63 =	vadd.s32 v26, v41;
	v50 =	vmul.f32 v50, v34  }
0x300: {  	v60 =	vadd.s32 v26, v37;
	[tilespmem:s30+$0x4980] =	vst v49  }
0x301: {  	v53 =	vld.idx.msk [tilespmem:v53+s11+$0x0], $0xffff;
	v50 =	vadd.f32 v50, v62  }
0x302: {  	s31 =	sor.u32 $0xC10, s25;
	v62 =	vadd.s32 v26, v38;
	v51 =	vld.idx.msk [tilespmem:v61+s11+$0x0], $0xffff;
	v61 =	vmul.f32 v55, v47;
	v48 =	vmul.f32 v48, v39  }
0x303: {  	v58 =	vadd.s32 v27, v44;
	[tilespmem:s31+$0x4980] =	vst v50;
	v50 =	vadd.s32 v26, v36  }
0x304: {  	v56 =	vmul.f32 v56, v35;
	v52 =	vmul.f32 v52, v32;
	v57 =	vld.idx.msk [tilespmem:v63+s11+$0x0], $0xffff;
	v48 =	vadd.f32 v48, v61  }
0x305: {  	s3 =	sor.u32 $0xC10, s26;
	v63 =	vadd.s32 v27, v45;
	v49 =	vld.idx.msk [tilespmem:v60+s11+$0x0], $0xffff  }
0x306: {  	v52 =	vadd.f32 v52, v56;
	[tilespmem:s3+$0x4980] =	vst v48  }
0x307: {  	s28 =	sor.u32 $0xC20, s23;
	v61 =	vadd.s32 v27, v42;
	v60 =	vmul.f32 v53, v40;
	v51 =	vmul.f32 v51, v33;
	v55 =	vld.idx.msk [tilespmem:v62+s11+$0x0], $0xffff  }
0x308: {  	[tilespmem:s28+$0x4980] =	vst v52;
	v62 =	vadd.s32 v27, v43;
	v50 =	vld.idx.msk [tilespmem:v50+s11+$0x0], $0xffff  }
0x309: {  	v56 =	vld.idx.msk [tilespmem:v58+s11+$0x0], $0xffff;
	v48 =	vadd.f32 v51, v60  }
0x30a: {  	s29 =	sor.u32 $0xC20, s24;
	v51 =	vld.idx.msk [tilespmem:v63+s11+$0x0], $0xffff;
	v63 =	vmul.f32 v57, v46;
	v49 =	vmul.f32 v49, v34;
	v60 =	vadd.s32 v27, v41  }
0x30b: {  	[tilespmem:s29+$0x4980] =	vst v48;
	v48 =	vadd.s32 v27, v37  }
0x30c: {  	v49 =	vadd.f32 v49, v63;
	v53 =	vld.idx.msk [tilespmem:v61+s11+$0x0], $0xffff  }
0x30d: {  	s30 =	sor.u32 $0xC20, s25;
	v52 =	vld.idx.msk [tilespmem:v62+s11+$0x0], $0xffff;
	v61 =	vmul.f32 v55, v47;
	v62 =	vadd.s32 v27, v38;
	v50 =	vmul.f32 v50, v39  }
0x30e: {  	v63 =	vadd.s32 v28, v44;
	[tilespmem:s30+$0x4980] =	vst v49;
	v49 =	vadd.s32 v27, v36  }
0x30f: {  	v56 =	vmul.f32 v56, v35;
	v51 =	vmul.f32 v51, v32;
	v57 =	vld.idx.msk [tilespmem:v60+s11+$0x0], $0xffff;
	v50 =	vadd.f32 v50, v61  }
0x310: {  	s31 =	sor.u32 $0xC20, s26;
	v60 =	vadd.s32 v28, v45;
	v48 =	vld.idx.msk [tilespmem:v48+s11+$0x0], $0xffff  }
0x311: {  	v51 =	vadd.f32 v51, v56;
	[tilespmem:s31+$0x4980] =	vst v50  }
0x312: {  	s3 =	sor.u32 $0xC30, s23;
	v61 =	vmul.f32 v53, v40;
	v52 =	vmul.f32 v52, v33;
	v53 =	vadd.s32 v28, v42;
	v55 =	vld.idx.msk [tilespmem:v62+s11+$0x0], $0xffff  }
0x313: {  	[tilespmem:s3+$0x4980] =	vst v51;
	v62 =	vadd.s32 v28, v43;
	v49 =	vld.idx.msk [tilespmem:v49+s11+$0x0], $0xffff  }
0x314: {  	v56 =	vld.idx.msk [tilespmem:v63+s11+$0x0], $0xffff;
	v50 =	vadd.f32 v52, v61  }
0x315: {  	s28 =	sor.u32 $0xC30, s24;
	v52 =	vld.idx.msk [tilespmem:v60+s11+$0x0], $0xffff;
	v63 =	vmul.f32 v57, v46;
	v60 =	vadd.s32 v28, v41;
	v48 =	vmul.f32 v48, v34  }
0x316: {  	v61 =	vadd.s32 v28, v37;
	[tilespmem:s28+$0x4980] =	vst v50  }
0x317: {  	v53 =	vld.idx.msk [tilespmem:v53+s11+$0x0], $0xffff;
	v48 =	vadd.f32 v48, v63  }
0x318: {  	s29 =	sor.u32 $0xC30, s25;
	v51 =	vld.idx.msk [tilespmem:v62+s11+$0x0], $0xffff;
	v62 =	vmul.f32 v55, v47;
	v49 =	vmul.f32 v49, v39;
	v63 =	vadd.s32 v28, v38  }
0x319: {  	[tilespmem:s29+$0x4980] =	vst v48;
	v48 =	vadd.s32 v28, v36  }
0x31a: {  	v49 =	vadd.f32 v49, v62;
	v57 =	vld.idx.msk [tilespmem:v60+s11+$0x0], $0xffff  }
0x31b: {  	s30 =	sor.u32 $0xC30, s26;
	v56 =	vmul.f32 v56, v35;
	v52 =	vmul.f32 v52, v32;
	v60 =	vadd.s32 v29, v45;
	v50 =	vld.idx.msk [tilespmem:v61+s11+$0x0], $0xffff  }
0x31c: {  	v58 =	vadd.s32 v29, v44;
	v62 =	vadd.s32 v29, v42;
	[tilespmem:s30+$0x4980] =	vst v49  }
0x31d: {  	v52 =	vadd.f32 v52, v56;
	v61 =	vmul.f32 v53, v40;
	v51 =	vmul.f32 v51, v33;
	v55 =	vld.idx.msk [tilespmem:v63+s11+$0x0], $0xffff  }
0x31e: {  	s31 =	sor.u32 $0xC40, s23;
	v63 =	vadd.s32 v29, v43;
	v48 =	vld.idx.msk [tilespmem:v48+s11+$0x0], $0xffff  }
0x31f: {  	[tilespmem:s31+$0x4980] =	vst v52;
	v49 =	vadd.f32 v51, v61  }
0x320: {  	s3 =	sor.u32 $0xC40, s24;
	v61 =	vadd.s32 v29, v41;
	v51 =	vld.idx.msk [tilespmem:v60+s11+$0x0], $0xffff;
	v60 =	vmul.f32 v57, v46;
	v50 =	vmul.f32 v50, v34  }
0x321: {  	v56 =	vld.idx.msk [tilespmem:v58+s11+$0x0], $0xffff;
	[tilespmem:s3+$0x4980] =	vst v49;
	v49 =	vadd.s32 v29, v37  }
0x322: {  	v53 =	vld.idx.msk [tilespmem:v62+s11+$0x0], $0xffff;
	v50 =	vadd.f32 v50, v60  }
0x323: {  	s28 =	sor.u32 $0xC40, s25;
	v52 =	vld.idx.msk [tilespmem:v63+s11+$0x0], $0xffff;
	v62 =	vmul.f32 v55, v47;
	v63 =	vadd.s32 v29, v38;
	v48 =	vmul.f32 v48, v39  }
0x324: {  	v60 =	vadd.s32 v29, v36;
	[tilespmem:s28+$0x4980] =	vst v50  }
0x325: {  	v57 =	vld.idx.msk [tilespmem:v61+s11+$0x0], $0xffff;
	v48 =	vadd.f32 v48, v62  }
0x326: {  	s29 =	sor.u32 $0xC40, s26;
	v56 =	vmul.f32 v56, v35;
	v51 =	vmul.f32 v51, v32;
	v49 =	vld.idx.msk [tilespmem:v49+s11+$0x0], $0xffff  }
0x327: {  	v61 =	vadd.s32 v30, v44;
	[tilespmem:s29+$0x4980] =	vst v48  }
0x328: {  	v51 =	vadd.f32 v51, v56;
	v56 =	vadd.s32 v30, v45;
	v55 =	vld.idx.msk [tilespmem:v63+s11+$0x0], $0xffff  }
0x329: {  	v62 =	vmul.f32 v53, v40;
	v52 =	vmul.f32 v52, v33;
	v63 =	vadd.s32 v30, v43;
	v50 =	vld.idx.msk [tilespmem:v60+s11+$0x0], $0xffff  }
0x32a: {  	s30 =	sor.u32 $0xC50, s23;
	v53 =	vadd.s32 v30, v42  }
0x32b: {  	[tilespmem:s30+$0x4980] =	vst v51;
	v48 =	vadd.f32 v52, v62;
	v60 =	vmul.f32 v57, v46;
	v49 =	vmul.f32 v49, v34  }
0x32c: {  	s31 =	sor.u32 $0xC50, s24;
	v51 =	vld.idx.msk [tilespmem:v61+s11+$0x0], $0xffff;
	v61 =	vadd.s32 v30, v41  }
0x32d: {  	v62 =	vadd.s32 v30, v37;
	[tilespmem:s31+$0x4980] =	vst v48;
	v56 =	vld.idx.msk [tilespmem:v56+s11+$0x0], $0xffff;
	v49 =	vadd.f32 v49, v60  }
0x32e: {  	v52 =	vld.idx.msk [tilespmem:v63+s11+$0x0], $0xffff;
	v55 =	vmul.f32 v55, v47;
	v50 =	vmul.f32 v50, v39;
	v63 =	vadd.s32 v30, v38  }
0x32f: {  	s3 =	sor.u32 $0xC50, s25;
	v60 =	vadd.s32 v30, v36  }
0x330: {  	v53 =	vld.idx.msk [tilespmem:v53+s11+$0x0], $0xffff;
	[tilespmem:s3+$0x4980] =	vst v49;
	v50 =	vadd.f32 v50, v55  }
0x331: {  	s28 =	sor.u32 $0xC50, s26;
	v44 =	vadd.s32 v31, v44;
	v54 =	vld.idx.msk [tilespmem:v61+s11+$0x0], $0xffff  }
0x332: {  	v48 =	vld.idx.msk [tilespmem:v62+s11+$0x0], $0xffff;
	v61 =	vmul.f32 v51, v35;
	v62 =	vmul.f32 v56, v32;
	[tilespmem:s28+$0x4980] =	vst v50  }
0x333: {  	v45 =	vadd.s32 v31, v45;
	v63 =	vld.idx.msk [tilespmem:v63+s11+$0x0], $0xffff  }
0x334: {  	v49 =	vld.idx.msk [tilespmem:v60+s11+$0x0], $0xffff;
	v50 =	vadd.f32 v62, v61  }
0x335: {  	v42 =	vadd.s32 v31, v42;
	s29 =	sor.u32 $0xC60, s23;
	v53 =	vmul.f32 v53, v40;
	v52 =	vmul.f32 v52, v33  }
0x336: {  	v43 =	vadd.s32 v31, v43;
	v41 =	vadd.s32 v31, v41;
	[tilespmem:s29+$0x4980] =	vst v50  }
0x337: {  	v56 =	vadd.f32 v52, v53;
	v57 =	vmul.f32 v54, v46;
	v48 =	vmul.f32 v48, v34;
	v44 =	vld.idx.msk [tilespmem:v44+s11+$0x0], $0xffff  }
0x338: {  	s30 =	sor.u32 $0xC60, s24;
	v37 =	vadd.s32 v31, v37;
	v38 =	vadd.s32 v31, v38;
	v45 =	vld.idx.msk [tilespmem:v45+s11+$0x0], $0xffff  }
0x339: {  	[tilespmem:s30+$0x4980] =	vst v56;
	v48 =	vadd.f32 v48, v57;
	v58 =	vmul.f32 v63, v47;
	v49 =	vmul.f32 v49, v39  }
0x33a: {  	s31 =	sor.u32 $0xC60, s25;
	v36 =	vadd.s32 v31, v36;
	v42 =	vld.idx.msk [tilespmem:v42+s11+$0x0], $0xffff  }
0x33b: {  	v43 =	vld.idx.msk [tilespmem:v43+s11+$0x0], $0xffff;
	[tilespmem:s31+$0x4980] =	vst v48;
	v59 =	vadd.f32 v49, v58  }
0x33c: {  	s3 =	sor.u32 $0xC60, s26;
	v41 =	vld.idx.msk [tilespmem:v41+s11+$0x0], $0xffff  }
0x33d: {  	v37 =	vld.idx.msk [tilespmem:v37+s11+$0x0], $0xffff;
	[tilespmem:s3+$0x4980] =	vst v59  }
0x33e: {  	v38 =	vld.idx.msk [tilespmem:v38+s11+$0x0], $0xffff  }
0x33f: {  	v36 =	vld.idx.msk [tilespmem:v36+s11+$0x0], $0xffff;
	_ =	sdelay $0x1  }
0x340: {  	v35 =	vmul.f32 v44, v35;
	v32 =	vmul.f32 v45, v32  }
0x341: {  	s21 =	sadd.s32 $0x4, s21;
	v40 =	vmul.f32 v42, v40;
	v33 =	vmul.f32 v43, v33  }
0x342: {  	p1 =	slt.u32 s21, $0xC;
	v32 =	vadd.f32 v32, v35;
	v60 =	vmul.f32 v41, v46;
	v34 =	vmul.f32 v37, v34  }
.Ltmp2:
0x343: {  	s28 =	sor.u32 $0xC70, s23;
	v33 =	vadd.f32 v33, v40;
	v61 =	vmul.f32 v38, v47;
	v36 =	vmul.f32 v36, v39;
	(pc) =	sbr.rel @p1 .LBB2_6-.Ltmp2, $4  }
0x344: {  	s29 =	sor.u32 $0xC70, s24;
	[tilespmem:s28+$0x4980] =	vst v32;
	v62 =	vadd.f32 v34, v60  }
0x345: {  	s30 =	sor.u32 $0xC70, s25;
	[tilespmem:s29+$0x4980] =	vst v33;
	v63 =	vadd.f32 v36, v61  }
0x346: {  	s31 =	sor.u32 $0xC70, s26;
	[tilespmem:s30+$0x4980] =	vst v62  }
0x347: {  	s22 =	sadd.s32 $0x200, s22;
	p0 =	por !p0, !p0;
	s20 =	sadd.s32 $0x800, s20;
	[tilespmem:s31+$0x4980] =	vst v63  }
0x348: {  	s20 =	simm.s32 $0x0;
	s21 =	simm.s32 $0x1  }
0x349: {  	[hbm4b:s8+s20] =	stream.linear.scatter [tilespmem:s17], [sflag:$0x2], $0x2000, $0x38;
	[tilespmem:$0x6980] =	vst v63  }
.LBB2_8:
0x34a: {  	_ =	swait.ge [sflag:s12], $0x2000  }
0x34b: {  	s22 =	sshll.u32 s21, $0x5;
	s23 =	simm.s32 $0xFFFFFFFC;
	s24 =	simm.s32 $0x180  }
0x34c: {  	p0 =	por $0x0, $0x0;
	s25 =	simm.s32 $0x0;
	[sflag:s12] =	ssyncset.done $0x0  }
0x34d: {  	s26 =	simm.s32 $0x0;
	s28 =	simm.s32 $0x0;
	[sflag:s12] =	ssyncadd.s32 $0xFFFFE000  }
.LBB2_9:
0x34e: {  	s0 =	sadd.s32 s23, s20  }
0x34f: {  	s29 =	sadd.s32 $0x24, s0  }
0x350: {  	v32 =	vmov s29  }
0x351: {  	v32 =	vand.u32 $0xFFFFFFFC, v32  }
0x352: {  	s31 =	sadd.s32 $0x25, s0;
	v32 =	vbroadcast v32, $0x0  }
0x353: {  	v33 =	vmov s31  }
0x354: {  	v33 =	vand.u32 $0xFFFFFFFD, v33  }
0x355: {  	s3 =	sadd.s32 $0x26, s0;
	v33 =	vbroadcast v33, $0x0  }
0x356: {  	v34 =	vmov s3  }
0x357: {  	s0 =	sadd.s32 $0x27, s0;
	v34 =	vand.u32 $0xFFFFFFFE, v34  }
0x358: {  	v39 =	vmov s0;
	v34 =	vbroadcast v34, $0x0;
	v44 =	vld.idx.msk [tilespmem:v32+s13+$0x0], $0xffff  }
0x359: {  	v45 =	vld.idx.msk [tilespmem:v32+s14+$0x0], $0xffff;
	_ =	sdelay $0x1  }
0x35a: {  	v41 =	vld.idx.msk [tilespmem:v33+s13+$0x0], $0xffff  }
0x35b: {  	v42 =	vld.idx.msk [tilespmem:v33+s14+$0x0], $0xffff  }
0x35c: {  	v38 =	vld.idx.msk [tilespmem:v39+s13+$0x0], $0xffff;
	v35 =	vadd.s32 v0, v44  }
0x35d: {  	v40 =	vld.idx.msk [tilespmem:v34+s13+$0x0], $0xffff;
	v43 =	vadd.s32 v0, v45  }
0x35e: {  	v37 =	vld.idx.msk [tilespmem:v34+s14+$0x0], $0xffff  }
0x35f: {  	v36 =	vld.idx.msk [tilespmem:v39+s14+$0x0], $0xffff;
	v62 =	vadd.s32 v0, v41  }
0x360: {  	v32 =	vld.idx.msk [tilespmem:v32+s15+$0x0], $0xffff;
	v47 =	vadd.s32 v0, v42  }
0x361: {  	v46 =	vld.idx.msk [tilespmem:v35+s11+$0x0], $0xffff  }
0x362: {  	v48 =	vadd.s32 v0, v40;
	v43 =	vld.idx.msk [tilespmem:v43+s11+$0x0], $0xffff  }
0x363: {  	v33 =	vld.idx.msk [tilespmem:v33+s15+$0x0], $0xffff;
	v49 =	vadd.s32 v0, v37  }
0x364: {  	v50 =	vld.idx.msk [tilespmem:v62+s11+$0x0], $0xffff  }
0x365: {  	v51 =	vadd.s32 v0, v38;
	v35 =	vsub.f32 $1.000000000e+00, v32;
	v47 =	vld.idx.msk [tilespmem:v47+s11+$0x0], $0xffff  }
0x366: {  	v34 =	vld.idx.msk [tilespmem:v34+s15+$0x0], $0xffff;
	v52 =	vadd.s32 v0, v36  }
0x367: {  	v54 =	vadd.s32 v1, v44;
	v48 =	vld.idx.msk [tilespmem:v48+s11+$0x0], $0xffff;
	v46 =	vmul.f32 v46, v35;
	v53 =	vmul.f32 v43, v32  }
0x368: {  	s30 =	sand.u32 $0x1000, s26;
	s31 =	sadd.s32 $0xFFFFFE80, s24;
	v55 =	vadd.s32 v1, v45;
	v49 =	vld.idx.msk [tilespmem:v49+s11+$0x0], $0xffff;
	v43 =	vsub.f32 $1.000000000e+00, v33  }
0x369: {  	s29 =	sand.u32 $0x200, s31;
	s31 =	sor.u32 $0x2980, s30;
	v39 =	vld.idx.msk [tilespmem:v39+s15+$0x0], $0xffff;
	v46 =	vadd.f32 v53, v46  }
0x36a: {  	s0 =	sor.u32 s29, s31;
	v63 =	vadd.s32 v1, v41;
	v51 =	vld.idx.msk [tilespmem:v51+s11+$0x0], $0xffff;
	v47 =	vmul.f32 v47, v33;
	v50 =	vmul.f32 v50, v43  }
0x36b: {  	s3 =	sadd.s32 $0xFFFFFF00, s24;
	v56 =	vadd.s32 v1, v42;
	v52 =	vld.idx.msk [tilespmem:v52+s11+$0x0], $0xffff;
	[tilespmem:s0+$0x0] =	vst v46;
	v46 =	vsub.f32 $1.000000000e+00, v34  }
0x36c: {  	s29 =	sand.u32 $0x280, s3;
	v47 =	vadd.f32 v47, v50;
	v54 =	vld.idx.msk [tilespmem:v54+s11+$0x0], $0xffff  }
0x36d: {  	s29 =	sadd.s32 s29, s31;
	v61 =	vadd.s32 v1, v40;
	v49 =	vmul.f32 v49, v34;
	v60 =	vld.idx.msk [tilespmem:v55+s11+$0x0], $0xffff;
	v48 =	vmul.f32 v48, v46  }
0x36e: {  	s30 =	sadd.s32 $0xFFFFFF80, s24;
	v57 =	vadd.s32 v1, v37;
	[tilespmem:s29+$0x0] =	vst v47;
	v47 =	vsub.f32 $1.000000000e+00, v39  }
0x36f: {  	s30 =	sand.u32 $0x300, s30;
	v53 =	vld.idx.msk [tilespmem:v63+s11+$0x0], $0xffff;
	v48 =	vadd.f32 v49, v48  }
0x370: {  	s30 =	sadd.s32 s30, s31;
	v62 =	vadd.s32 v1, v38;
	v52 =	vmul.f32 v52, v39;
	v49 =	vld.idx.msk [tilespmem:v56+s11+$0x0], $0xffff;
	v51 =	vmul.f32 v51, v47  }
0x371: {  	v58 =	vadd.s32 v2, v44;
	v63 =	vadd.s32 v1, v36;
	[tilespmem:s30+$0x0] =	vst v48  }
0x372: {  	s3 =	sand.u32 $0x380, s24;
	v54 =	vmul.f32 v54, v35;
	v50 =	vmul.f32 v60, v32;
	v51 =	vadd.f32 v52, v51;
	v55 =	vld.idx.msk [tilespmem:v61+s11+$0x0], $0xffff  }
0x373: {  	s31 =	sadd.s32 s3, s31;
	v60 =	vadd.s32 v2, v45;
	v57 =	vld.idx.msk [tilespmem:v57+s11+$0x0], $0xffff  }
0x374: {  	v50 =	vadd.f32 v50, v54;
	[tilespmem:s31+$0x0] =	vst v51  }
0x375: {  	v61 =	vmul.f32 v53, v43;
	v53 =	vadd.s32 v2, v41;
	v49 =	vmul.f32 v49, v33;
	v54 =	vld.idx.msk [tilespmem:v62+s11+$0x0], $0xffff  }
0x376: {  	v48 =	vld.idx.msk [tilespmem:v63+s11+$0x0], $0xffff;
	[tilespmem:s0+$0x10] =	vst v50;
	v50 =	vadd.s32 v2, v42  }
0x377: {  	v56 =	vld.idx.msk [tilespmem:v58+s11+$0x0], $0xffff;
	v49 =	vadd.f32 v49, v61  }
0x378: {  	v51 =	vld.idx.msk [tilespmem:v60+s11+$0x0], $0xffff;
	v60 =	vadd.s32 v2, v40;
	v62 =	vmul.f32 v55, v46;
	v63 =	vmul.f32 v57, v34  }
0x379: {  	v61 =	vadd.s32 v2, v37;
	[tilespmem:s29+$0x10] =	vst v49  }
0x37a: {  	v53 =	vld.idx.msk [tilespmem:v53+s11+$0x0], $0xffff;
	v52 =	vadd.f32 v63, v62  }
0x37b: {  	v54 =	vmul.f32 v54, v47;
	v48 =	vmul.f32 v48, v39;
	v62 =	vadd.s32 v2, v38;
	v50 =	vld.idx.msk [tilespmem:v50+s11+$0x0], $0xffff  }
0x37c: {  	v58 =	vadd.s32 v3, v44;
	[tilespmem:s30+$0x10] =	vst v52;
	v52 =	vadd.s32 v2, v36  }
0x37d: {  	v56 =	vmul.f32 v56, v35;
	v51 =	vmul.f32 v51, v32;
	v48 =	vadd.f32 v48, v54;
	v57 =	vld.idx.msk [tilespmem:v60+s11+$0x0], $0xffff  }
0x37e: {  	v63 =	vadd.s32 v3, v45;
	v49 =	vld.idx.msk [tilespmem:v61+s11+$0x0], $0xffff  }
0x37f: {  	v51 =	vadd.f32 v51, v56;
	[tilespmem:s31+$0x10] =	vst v48  }
0x380: {  	v61 =	vadd.s32 v3, v41;
	v60 =	vmul.f32 v53, v43;
	v55 =	vld.idx.msk [tilespmem:v62+s11+$0x0], $0xffff;
	v50 =	vmul.f32 v50, v33  }
0x381: {  	v62 =	vadd.s32 v3, v42;
	[tilespmem:s0+$0x20] =	vst v51;
	v52 =	vld.idx.msk [tilespmem:v52+s11+$0x0], $0xffff  }
0x382: {  	v56 =	vld.idx.msk [tilespmem:v58+s11+$0x0], $0xffff;
	v48 =	vadd.f32 v50, v60  }
0x383: {  	v50 =	vld.idx.msk [tilespmem:v63+s11+$0x0], $0xffff;
	v63 =	vmul.f32 v57, v46;
	v49 =	vmul.f32 v49, v34;
	v60 =	vadd.s32 v3, v40  }
0x384: {  	[tilespmem:s29+$0x20] =	vst v48;
	v48 =	vadd.s32 v3, v37  }
0x385: {  	v49 =	vadd.f32 v49, v63;
	v53 =	vld.idx.msk [tilespmem:v61+s11+$0x0], $0xffff  }
0x386: {  	v51 =	vld.idx.msk [tilespmem:v62+s11+$0x0], $0xffff;
	v61 =	vmul.f32 v55, v47;
	v62 =	vadd.s32 v3, v38;
	v52 =	vmul.f32 v52, v39  }
0x387: {  	v63 =	vadd.s32 v4, v44;
	[tilespmem:s30+$0x20] =	vst v49;
	v49 =	vadd.s32 v3, v36  }
0x388: {  	v56 =	vmul.f32 v56, v35;
	v50 =	vmul.f32 v50, v32;
	v57 =	vld.idx.msk [tilespmem:v60+s11+$0x0], $0xffff;
	v52 =	vadd.f32 v52, v61  }
0x389: {  	v60 =	vadd.s32 v4, v45;
	v48 =	vld.idx.msk [tilespmem:v48+s11+$0x0], $0xffff  }
0x38a: {  	v50 =	vadd.f32 v50, v56;
	[tilespmem:s31+$0x20] =	vst v52  }
0x38b: {  	v61 =	vmul.f32 v53, v43;
	v51 =	vmul.f32 v51, v33;
	v53 =	vadd.s32 v4, v41;
	v55 =	vld.idx.msk [tilespmem:v62+s11+$0x0], $0xffff  }
0x38c: {  	[tilespmem:s0+$0x30] =	vst v50;
	v62 =	vadd.s32 v4, v42;
	v49 =	vld.idx.msk [tilespmem:v49+s11+$0x0], $0xffff  }
0x38d: {  	v56 =	vld.idx.msk [tilespmem:v63+s11+$0x0], $0xffff;
	v51 =	vadd.f32 v51, v61  }
0x38e: {  	v52 =	vld.idx.msk [tilespmem:v60+s11+$0x0], $0xffff;
	v63 =	vmul.f32 v57, v46;
	v60 =	vadd.s32 v4, v40;
	v48 =	vmul.f32 v48, v34  }
0x38f: {  	v61 =	vadd.s32 v4, v37;
	[tilespmem:s29+$0x30] =	vst v51  }
0x390: {  	v53 =	vld.idx.msk [tilespmem:v53+s11+$0x0], $0xffff;
	v48 =	vadd.f32 v48, v63  }
0x391: {  	v50 =	vld.idx.msk [tilespmem:v62+s11+$0x0], $0xffff;
	v62 =	vmul.f32 v55, v47;
	v49 =	vmul.f32 v49, v39;
	v63 =	vadd.s32 v4, v38  }
0x392: {  	v58 =	vadd.s32 v5, v44;
	[tilespmem:s30+$0x30] =	vst v48;
	v48 =	vadd.s32 v4, v36  }
0x393: {  	v56 =	vmul.f32 v56, v35;
	v52 =	vmul.f32 v52, v32;
	v49 =	vadd.f32 v49, v62;
	v57 =	vld.idx.msk [tilespmem:v60+s11+$0x0], $0xffff  }
0x394: {  	v60 =	vadd.s32 v5, v45;
	v51 =	vld.idx.msk [tilespmem:v61+s11+$0x0], $0xffff  }
0x395: {  	v52 =	vadd.f32 v52, v56;
	[tilespmem:s31+$0x30] =	vst v49  }
0x396: {  	v62 =	vadd.s32 v5, v41;
	v61 =	vmul.f32 v53, v43;
	v50 =	vmul.f32 v50, v33;
	v55 =	vld.idx.msk [tilespmem:v63+s11+$0x0], $0xffff  }
0x397: {  	[tilespmem:s0+$0x40] =	vst v52;
	v63 =	vadd.s32 v5, v42;
	v48 =	vld.idx.msk [tilespmem:v48+s11+$0x0], $0xffff  }
0x398: {  	v56 =	vld.idx.msk [tilespmem:v58+s11+$0x0], $0xffff;
	v49 =	vadd.f32 v50, v61  }
0x399: {  	v61 =	vadd.s32 v5, v40;
	v50 =	vld.idx.msk [tilespmem:v60+s11+$0x0], $0xffff;
	v60 =	vmul.f32 v57, v46;
	v51 =	vmul.f32 v51, v34  }
0x39a: {  	[tilespmem:s29+$0x40] =	vst v49;
	v49 =	vadd.s32 v5, v37  }
0x39b: {  	v53 =	vld.idx.msk [tilespmem:v62+s11+$0x0], $0xffff;
	v51 =	vadd.f32 v51, v60  }
0x39c: {  	v52 =	vld.idx.msk [tilespmem:v63+s11+$0x0], $0xffff;
	v62 =	vmul.f32 v55, v47;
	v63 =	vadd.s32 v5, v38;
	v48 =	vmul.f32 v48, v39  }
0x39d: {  	v60 =	vadd.s32 v6, v44;
	[tilespmem:s30+$0x40] =	vst v51;
	v51 =	vadd.s32 v5, v36  }
0x39e: {  	v56 =	vmul.f32 v56, v35;
	v50 =	vmul.f32 v50, v32;
	v57 =	vld.idx.msk [tilespmem:v61+s11+$0x0], $0xffff;
	v48 =	vadd.f32 v48, v62  }
0x39f: {  	v61 =	vadd.s32 v6, v45;
	v49 =	vld.idx.msk [tilespmem:v49+s11+$0x0], $0xffff  }
0x3a0: {  	v50 =	vadd.f32 v50, v56;
	[tilespmem:s31+$0x40] =	vst v48  }
0x3a1: {  	v62 =	vmul.f32 v53, v43;
	v52 =	vmul.f32 v52, v33;
	v53 =	vadd.s32 v6, v41;
	v55 =	vld.idx.msk [tilespmem:v63+s11+$0x0], $0xffff  }
0x3a2: {  	[tilespmem:s0+$0x50] =	vst v50;
	v63 =	vadd.s32 v6, v42;
	v51 =	vld.idx.msk [tilespmem:v51+s11+$0x0], $0xffff  }
0x3a3: {  	v48 =	vadd.f32 v52, v62;
	v56 =	vld.idx.msk [tilespmem:v60+s11+$0x0], $0xffff  }
0x3a4: {  	v52 =	vld.idx.msk [tilespmem:v61+s11+$0x0], $0xffff;
	v60 =	vmul.f32 v57, v46;
	v61 =	vadd.s32 v6, v40;
	v49 =	vmul.f32 v49, v34  }
0x3a5: {  	v62 =	vadd.s32 v6, v37;
	[tilespmem:s29+$0x50] =	vst v48  }
0x3a6: {  	v53 =	vld.idx.msk [tilespmem:v53+s11+$0x0], $0xffff;
	v49 =	vadd.f32 v49, v60  }
0x3a7: {  	v60 =	vadd.s32 v6, v38;
	v50 =	vld.idx.msk [tilespmem:v63+s11+$0x0], $0xffff;
	v63 =	vmul.f32 v55, v47;
	v51 =	vmul.f32 v51, v39  }
0x3a8: {  	v58 =	vadd.s32 v7, v44;
	[tilespmem:s30+$0x50] =	vst v49;
	v49 =	vadd.s32 v6, v36  }
0x3a9: {  	v56 =	vmul.f32 v56, v35;
	v52 =	vmul.f32 v52, v32;
	v57 =	vld.idx.msk [tilespmem:v61+s11+$0x0], $0xffff;
	v51 =	vadd.f32 v51, v63  }
0x3aa: {  	v61 =	vadd.s32 v7, v45;
	v48 =	vld.idx.msk [tilespmem:v62+s11+$0x0], $0xffff  }
0x3ab: {  	v52 =	vadd.f32 v52, v56;
	[tilespmem:s31+$0x50] =	vst v51  }
0x3ac: {  	v63 =	vadd.s32 v7, v41;
	v62 =	vmul.f32 v53, v43;
	v50 =	vmul.f32 v50, v33;
	v55 =	vld.idx.msk [tilespmem:v60+s11+$0x0], $0xffff  }
0x3ad: {  	[tilespmem:s0+$0x60] =	vst v52;
	v60 =	vadd.s32 v7, v42;
	v49 =	vld.idx.msk [tilespmem:v49+s11+$0x0], $0xffff  }
0x3ae: {  	v56 =	vld.idx.msk [tilespmem:v58+s11+$0x0], $0xffff;
	v50 =	vadd.f32 v50, v62  }
0x3af: {  	v51 =	vld.idx.msk [tilespmem:v61+s11+$0x0], $0xffff;
	v61 =	vmul.f32 v57, v46;
	v48 =	vmul.f32 v48, v34;
	v62 =	vadd.s32 v7, v40  }
0x3b0: {  	[tilespmem:s29+$0x60] =	vst v50;
	v50 =	vadd.s32 v7, v37  }
0x3b1: {  	v48 =	vadd.f32 v48, v61;
	v53 =	vld.idx.msk [tilespmem:v63+s11+$0x0], $0xffff  }
0x3b2: {  	v52 =	vld.idx.msk [tilespmem:v60+s11+$0x0], $0xffff;
	v63 =	vmul.f32 v55, v47;
	v60 =	vadd.s32 v7, v38;
	v49 =	vmul.f32 v49, v39  }
0x3b3: {  	v61 =	vadd.s32 v8, v44;
	[tilespmem:s30+$0x60] =	vst v48;
	v48 =	vadd.s32 v7, v36  }
0x3b4: {  	v56 =	vmul.f32 v56, v35;
	v51 =	vmul.f32 v51, v32;
	v57 =	vld.idx.msk [tilespmem:v62+s11+$0x0], $0xffff;
	v49 =	vadd.f32 v49, v63  }
0x3b5: {  	v62 =	vadd.s32 v8, v45;
	v50 =	vld.idx.msk [tilespmem:v50+s11+$0x0], $0xffff  }
0x3b6: {  	v51 =	vadd.f32 v51, v56;
	[tilespmem:s31+$0x60] =	vst v49  }
0x3b7: {  	v63 =	vmul.f32 v53, v43;
	v52 =	vmul.f32 v52, v33;
	v53 =	vadd.s32 v8, v41;
	v55 =	vld.idx.msk [tilespmem:v60+s11+$0x0], $0xffff  }
0x3b8: {  	[tilespmem:s0+$0x70] =	vst v51;
	v60 =	vadd.s32 v8, v42;
	v48 =	vld.idx.msk [tilespmem:v48+s11+$0x0], $0xffff  }
0x3b9: {  	v56 =	vld.idx.msk [tilespmem:v61+s11+$0x0], $0xffff;
	v49 =	vadd.f32 v52, v63  }
0x3ba: {  	v52 =	vld.idx.msk [tilespmem:v62+s11+$0x0], $0xffff;
	v61 =	vmul.f32 v57, v46;
	v62 =	vadd.s32 v8, v40;
	v50 =	vmul.f32 v50, v34  }
0x3bb: {  	v63 =	vadd.s32 v8, v37;
	[tilespmem:s29+$0x70] =	vst v49  }
0x3bc: {  	v53 =	vld.idx.msk [tilespmem:v53+s11+$0x0], $0xffff;
	v50 =	vadd.f32 v50, v61  }
0x3bd: {  	v51 =	vld.idx.msk [tilespmem:v60+s11+$0x0], $0xffff;
	v60 =	vmul.f32 v55, v47;
	v48 =	vmul.f32 v48, v39;
	v61 =	vadd.s32 v8, v38  }
0x3be: {  	v58 =	vadd.s32 v9, v44;
	[tilespmem:s30+$0x70] =	vst v50;
	v50 =	vadd.s32 v8, v36  }
0x3bf: {  	v56 =	vmul.f32 v56, v35;
	v52 =	vmul.f32 v52, v32;
	v48 =	vadd.f32 v48, v60;
	v57 =	vld.idx.msk [tilespmem:v62+s11+$0x0], $0xffff  }
0x3c0: {  	v62 =	vadd.s32 v9, v45;
	v49 =	vld.idx.msk [tilespmem:v63+s11+$0x0], $0xffff  }
0x3c1: {  	v52 =	vadd.f32 v52, v56;
	[tilespmem:s31+$0x70] =	vst v48  }
0x3c2: {  	v60 =	vadd.s32 v9, v41;
	v63 =	vmul.f32 v53, v43;
	v51 =	vmul.f32 v51, v33;
	v55 =	vld.idx.msk [tilespmem:v61+s11+$0x0], $0xffff  }
0x3c3: {  	[tilespmem:s0+$0x400] =	vst v52;
	v61 =	vadd.s32 v9, v42;
	v50 =	vld.idx.msk [tilespmem:v50+s11+$0x0], $0xffff  }
0x3c4: {  	v56 =	vld.idx.msk [tilespmem:v58+s11+$0x0], $0xffff;
	v48 =	vadd.f32 v51, v63  }
0x3c5: {  	v63 =	vadd.s32 v9, v40;
	v51 =	vld.idx.msk [tilespmem:v62+s11+$0x0], $0xffff;
	v62 =	vmul.f32 v57, v46;
	v49 =	vmul.f32 v49, v34  }
0x3c6: {  	[tilespmem:s29+$0x400] =	vst v48;
	v48 =	vadd.s32 v9, v37  }
0x3c7: {  	v53 =	vld.idx.msk [tilespmem:v60+s11+$0x0], $0xffff;
	v49 =	vadd.f32 v49, v62  }
0x3c8: {  	v52 =	vld.idx.msk [tilespmem:v61+s11+$0x0], $0xffff;
	v60 =	vmul.f32 v55, v47;
	v61 =	vadd.s32 v9, v38;
	v50 =	vmul.f32 v50, v39  }
0x3c9: {  	v62 =	vadd.s32 v10, v44;
	[tilespmem:s30+$0x400] =	vst v49;
	v49 =	vadd.s32 v9, v36  }
0x3ca: {  	v56 =	vmul.f32 v56, v35;
	v51 =	vmul.f32 v51, v32;
	v57 =	vld.idx.msk [tilespmem:v63+s11+$0x0], $0xffff;
	v50 =	vadd.f32 v50, v60  }
0x3cb: {  	v63 =	vadd.s32 v10, v45;
	v48 =	vld.idx.msk [tilespmem:v48+s11+$0x0], $0xffff  }
0x3cc: {  	v51 =	vadd.f32 v51, v56;
	[tilespmem:s31+$0x400] =	vst v50  }
0x3cd: {  	v60 =	vmul.f32 v53, v43;
	v52 =	vmul.f32 v52, v33;
	v53 =	vadd.s32 v10, v41;
	v55 =	vld.idx.msk [tilespmem:v61+s11+$0x0], $0xffff  }
0x3ce: {  	[tilespmem:s0+$0x410] =	vst v51;
	v61 =	vadd.s32 v10, v42;
	v49 =	vld.idx.msk [tilespmem:v49+s11+$0x0], $0xffff  }
0x3cf: {  	v50 =	vadd.f32 v52, v60;
	v56 =	vld.idx.msk [tilespmem:v62+s11+$0x0], $0xffff  }
0x3d0: {  	v52 =	vld.idx.msk [tilespmem:v63+s11+$0x0], $0xffff;
	v62 =	vmul.f32 v57, v46;
	v63 =	vadd.s32 v10, v40;
	v48 =	vmul.f32 v48, v34  }
0x3d1: {  	v60 =	vadd.s32 v10, v37;
	[tilespmem:s29+$0x410] =	vst v50  }
0x3d2: {  	v53 =	vld.idx.msk [tilespmem:v53+s11+$0x0], $0xffff;
	v48 =	vadd.f32 v48, v62  }
0x3d3: {  	v62 =	vadd.s32 v10, v38;
	v51 =	vld.idx.msk [tilespmem:v61+s11+$0x0], $0xffff;
	v61 =	vmul.f32 v55, v47;
	v49 =	vmul.f32 v49, v39  }
0x3d4: {  	v58 =	vadd.s32 v11, v44;
	[tilespmem:s30+$0x410] =	vst v48;
	v48 =	vadd.s32 v10, v36  }
0x3d5: {  	v56 =	vmul.f32 v56, v35;
	v52 =	vmul.f32 v52, v32;
	v57 =	vld.idx.msk [tilespmem:v63+s11+$0x0], $0xffff;
	v49 =	vadd.f32 v49, v61  }
0x3d6: {  	v63 =	vadd.s32 v11, v45;
	v50 =	vld.idx.msk [tilespmem:v60+s11+$0x0], $0xffff  }
0x3d7: {  	v52 =	vadd.f32 v52, v56;
	[tilespmem:s31+$0x410] =	vst v49  }
0x3d8: {  	v61 =	vadd.s32 v11, v41;
	v60 =	vmul.f32 v53, v43;
	v51 =	vmul.f32 v51, v33;
	v55 =	vld.idx.msk [tilespmem:v62+s11+$0x0], $0xffff  }
0x3d9: {  	[tilespmem:s0+$0x420] =	vst v52;
	v62 =	vadd.s32 v11, v42;
	v48 =	vld.idx.msk [tilespmem:v48+s11+$0x0], $0xffff  }
0x3da: {  	v56 =	vld.idx.msk [tilespmem:v58+s11+$0x0], $0xffff;
	v49 =	vadd.f32 v51, v60  }
0x3db: {  	v51 =	vld.idx.msk [tilespmem:v63+s11+$0x0], $0xffff;
	v63 =	vmul.f32 v57, v46;
	v50 =	vmul.f32 v50, v34;
	v60 =	vadd.s32 v11, v40  }
0x3dc: {  	[tilespmem:s29+$0x420] =	vst v49;
	v49 =	vadd.s32 v11, v37  }
0x3dd: {  	v50 =	vadd.f32 v50, v63;
	v53 =	vld.idx.msk [tilespmem:v61+s11+$0x0], $0xffff  }
0x3de: {  	v52 =	vld.idx.msk [tilespmem:v62+s11+$0x0], $0xffff;
	v61 =	vmul.f32 v55, v47;
	v62 =	vadd.s32 v11, v38;
	v48 =	vmul.f32 v48, v39  }
0x3df: {  	v63 =	vadd.s32 v12, v44;
	[tilespmem:s30+$0x420] =	vst v50;
	v50 =	vadd.s32 v11, v36  }
0x3e0: {  	v56 =	vmul.f32 v56, v35;
	v51 =	vmul.f32 v51, v32;
	v57 =	vld.idx.msk [tilespmem:v60+s11+$0x0], $0xffff;
	v48 =	vadd.f32 v48, v61  }
0x3e1: {  	v60 =	vadd.s32 v12, v45;
	v49 =	vld.idx.msk [tilespmem:v49+s11+$0x0], $0xffff  }
0x3e2: {  	v51 =	vadd.f32 v51, v56;
	[tilespmem:s31+$0x420] =	vst v48  }
0x3e3: {  	v61 =	vmul.f32 v53, v43;
	v52 =	vmul.f32 v52, v33;
	v53 =	vadd.s32 v12, v41;
	v55 =	vld.idx.msk [tilespmem:v62+s11+$0x0], $0xffff  }
0x3e4: {  	[tilespmem:s0+$0x430] =	vst v51;
	v62 =	vadd.s32 v12, v42;
	v50 =	vld.idx.msk [tilespmem:v50+s11+$0x0], $0xffff  }
0x3e5: {  	v56 =	vld.idx.msk [tilespmem:v63+s11+$0x0], $0xffff;
	v48 =	vadd.f32 v52, v61  }
0x3e6: {  	v52 =	vld.idx.msk [tilespmem:v60+s11+$0x0], $0xffff;
	v63 =	vmul.f32 v57, v46;
	v60 =	vadd.s32 v12, v40;
	v49 =	vmul.f32 v49, v34  }
0x3e7: {  	v61 =	vadd.s32 v12, v37;
	[tilespmem:s29+$0x430] =	vst v48  }
0x3e8: {  	v53 =	vld.idx.msk [tilespmem:v53+s11+$0x0], $0xffff;
	v49 =	vadd.f32 v49, v63  }
0x3e9: {  	v51 =	vld.idx.msk [tilespmem:v62+s11+$0x0], $0xffff;
	v62 =	vmul.f32 v55, v47;
	v50 =	vmul.f32 v50, v39;
	v63 =	vadd.s32 v12, v38  }
0x3ea: {  	v58 =	vadd.s32 v13, v44;
	[tilespmem:s30+$0x430] =	vst v49;
	v49 =	vadd.s32 v12, v36  }
0x3eb: {  	v56 =	vmul.f32 v56, v35;
	v52 =	vmul.f32 v52, v32;
	v50 =	vadd.f32 v50, v62;
	v57 =	vld.idx.msk [tilespmem:v60+s11+$0x0], $0xffff  }
0x3ec: {  	v60 =	vadd.s32 v13, v45;
	v48 =	vld.idx.msk [tilespmem:v61+s11+$0x0], $0xffff  }
0x3ed: {  	v52 =	vadd.f32 v52, v56;
	[tilespmem:s31+$0x430] =	vst v50  }
0x3ee: {  	v62 =	vadd.s32 v13, v41;
	v61 =	vmul.f32 v53, v43;
	v51 =	vmul.f32 v51, v33;
	v55 =	vld.idx.msk [tilespmem:v63+s11+$0x0], $0xffff  }
0x3ef: {  	[tilespmem:s0+$0x440] =	vst v52;
	v63 =	vadd.s32 v13, v42;
	v49 =	vld.idx.msk [tilespmem:v49+s11+$0x0], $0xffff  }
0x3f0: {  	v56 =	vld.idx.msk [tilespmem:v58+s11+$0x0], $0xffff;
	v50 =	vadd.f32 v51, v61  }
0x3f1: {  	v61 =	vadd.s32 v13, v40;
	v51 =	vld.idx.msk [tilespmem:v60+s11+$0x0], $0xffff;
	v60 =	vmul.f32 v57, v46;
	v48 =	vmul.f32 v48, v34  }
0x3f2: {  	[tilespmem:s29+$0x440] =	vst v50;
	v50 =	vadd.s32 v13, v37  }
0x3f3: {  	v53 =	vld.idx.msk [tilespmem:v62+s11+$0x0], $0xffff;
	v48 =	vadd.f32 v48, v60  }
0x3f4: {  	v52 =	vld.idx.msk [tilespmem:v63+s11+$0x0], $0xffff;
	v62 =	vmul.f32 v55, v47;
	v63 =	vadd.s32 v13, v38;
	v49 =	vmul.f32 v49, v39  }
0x3f5: {  	v60 =	vadd.s32 v14, v44;
	[tilespmem:s30+$0x440] =	vst v48;
	v48 =	vadd.s32 v13, v36  }
0x3f6: {  	v56 =	vmul.f32 v56, v35;
	v51 =	vmul.f32 v51, v32;
	v57 =	vld.idx.msk [tilespmem:v61+s11+$0x0], $0xffff;
	v49 =	vadd.f32 v49, v62  }
0x3f7: {  	v61 =	vadd.s32 v14, v45;
	v50 =	vld.idx.msk [tilespmem:v50+s11+$0x0], $0xffff  }
0x3f8: {  	v51 =	vadd.f32 v51, v56;
	[tilespmem:s31+$0x440] =	vst v49  }
0x3f9: {  	v62 =	vmul.f32 v53, v43;
	v52 =	vmul.f32 v52, v33;
	v53 =	vadd.s32 v14, v41;
	v55 =	vld.idx.msk [tilespmem:v63+s11+$0x0], $0xffff  }
0x3fa: {  	[tilespmem:s0+$0x450] =	vst v51;
	v63 =	vadd.s32 v14, v42;
	v48 =	vld.idx.msk [tilespmem:v48+s11+$0x0], $0xffff  }
0x3fb: {  	v49 =	vadd.f32 v52, v62;
	v56 =	vld.idx.msk [tilespmem:v60+s11+$0x0], $0xffff  }
0x3fc: {  	v52 =	vld.idx.msk [tilespmem:v61+s11+$0x0], $0xffff;
	v60 =	vmul.f32 v57, v46;
	v61 =	vadd.s32 v14, v40;
	v50 =	vmul.f32 v50, v34  }
0x3fd: {  	v62 =	vadd.s32 v14, v37;
	[tilespmem:s29+$0x450] =	vst v49  }
0x3fe: {  	v53 =	vld.idx.msk [tilespmem:v53+s11+$0x0], $0xffff;
	v50 =	vadd.f32 v50, v60  }
0x3ff: {  	v60 =	vadd.s32 v14, v38;
	v51 =	vld.idx.msk [tilespmem:v63+s11+$0x0], $0xffff;
	v63 =	vmul.f32 v55, v47;
	v48 =	vmul.f32 v48, v39  }
0x400: {  	v58 =	vadd.s32 v15, v44;
	[tilespmem:s30+$0x450] =	vst v50;
	v50 =	vadd.s32 v14, v36  }
0x401: {  	v56 =	vmul.f32 v56, v35;
	v52 =	vmul.f32 v52, v32;
	v57 =	vld.idx.msk [tilespmem:v61+s11+$0x0], $0xffff;
	v48 =	vadd.f32 v48, v63  }
0x402: {  	v61 =	vadd.s32 v15, v45;
	v49 =	vld.idx.msk [tilespmem:v62+s11+$0x0], $0xffff  }
0x403: {  	v52 =	vadd.f32 v52, v56;
	[tilespmem:s31+$0x450] =	vst v48  }
0x404: {  	v63 =	vadd.s32 v15, v41;
	v62 =	vmul.f32 v53, v43;
	v51 =	vmul.f32 v51, v33;
	v55 =	vld.idx.msk [tilespmem:v60+s11+$0x0], $0xffff  }
0x405: {  	[tilespmem:s0+$0x460] =	vst v52;
	v60 =	vadd.s32 v15, v42;
	v50 =	vld.idx.msk [tilespmem:v50+s11+$0x0], $0xffff  }
0x406: {  	v56 =	vld.idx.msk [tilespmem:v58+s11+$0x0], $0xffff;
	v48 =	vadd.f32 v51, v62  }
0x407: {  	v51 =	vld.idx.msk [tilespmem:v61+s11+$0x0], $0xffff;
	v61 =	vmul.f32 v57, v46;
	v49 =	vmul.f32 v49, v34;
	v62 =	vadd.s32 v15, v40  }
0x408: {  	[tilespmem:s29+$0x460] =	vst v48;
	v48 =	vadd.s32 v15, v37  }
0x409: {  	v49 =	vadd.f32 v49, v61;
	v53 =	vld.idx.msk [tilespmem:v63+s11+$0x0], $0xffff  }
0x40a: {  	v52 =	vld.idx.msk [tilespmem:v60+s11+$0x0], $0xffff;
	v63 =	vmul.f32 v55, v47;
	v60 =	vadd.s32 v15, v38;
	v50 =	vmul.f32 v50, v39  }
0x40b: {  	v61 =	vadd.s32 v16, v44;
	[tilespmem:s30+$0x460] =	vst v49;
	v49 =	vadd.s32 v15, v36  }
0x40c: {  	v56 =	vmul.f32 v56, v35;
	v51 =	vmul.f32 v51, v32;
	v57 =	vld.idx.msk [tilespmem:v62+s11+$0x0], $0xffff;
	v50 =	vadd.f32 v50, v63  }
0x40d: {  	v62 =	vadd.s32 v16, v45;
	v48 =	vld.idx.msk [tilespmem:v48+s11+$0x0], $0xffff  }
0x40e: {  	v51 =	vadd.f32 v51, v56;
	[tilespmem:s31+$0x460] =	vst v50  }
0x40f: {  	v63 =	vmul.f32 v53, v43;
	v52 =	vmul.f32 v52, v33;
	v53 =	vadd.s32 v16, v41;
	v55 =	vld.idx.msk [tilespmem:v60+s11+$0x0], $0xffff  }
0x410: {  	[tilespmem:s0+$0x470] =	vst v51;
	v60 =	vadd.s32 v16, v42;
	v49 =	vld.idx.msk [tilespmem:v49+s11+$0x0], $0xffff  }
0x411: {  	v56 =	vld.idx.msk [tilespmem:v61+s11+$0x0], $0xffff;
	v50 =	vadd.f32 v52, v63  }
0x412: {  	v52 =	vld.idx.msk [tilespmem:v62+s11+$0x0], $0xffff;
	v61 =	vmul.f32 v57, v46;
	v62 =	vadd.s32 v16, v40;
	v48 =	vmul.f32 v48, v34  }
0x413: {  	v63 =	vadd.s32 v16, v37;
	[tilespmem:s29+$0x470] =	vst v50  }
0x414: {  	v53 =	vld.idx.msk [tilespmem:v53+s11+$0x0], $0xffff;
	v48 =	vadd.f32 v48, v61  }
0x415: {  	v51 =	vld.idx.msk [tilespmem:v60+s11+$0x0], $0xffff;
	v60 =	vmul.f32 v55, v47;
	v49 =	vmul.f32 v49, v39;
	v61 =	vadd.s32 v16, v38  }
0x416: {  	v58 =	vadd.s32 v17, v44;
	s0 =	simm.s32 $0x1;
	[tilespmem:s30+$0x470] =	vst v48;
	v48 =	vadd.s32 v16, v36  }
0x417: {  	s0 =	simm.s32 @!p0 $0x0;
	v56 =	vmul.f32 v56, v35;
	v52 =	vmul.f32 v52, v32;
	v49 =	vadd.f32 v49, v60;
	v57 =	vld.idx.msk [tilespmem:v62+s11+$0x0], $0xffff  }
0x418: {  	s0 =	sshll.u32 s0, $0x9;
	v62 =	vadd.s32 v17, v45;
	v50 =	vld.idx.msk [tilespmem:v63+s11+$0x0], $0xffff  }
0x419: {  	s29 =	sadd.s32 s0, s26;
	s30 =	sand.u32 $0x7, s28;
	v52 =	vadd.f32 v52, v56;
	[tilespmem:s31+$0x470] =	vst v49  }
0x41a: {  	v60 =	vadd.s32 v17, v41;
	s3 =	sshll.u32 s30, $0x7;
	s30 =	sor.u32 $0x800, s29;
	v63 =	vmul.f32 v53, v43;
	v51 =	vmul.f32 v51, v33;
	v55 =	vld.idx.msk [tilespmem:v61+s11+$0x0], $0xffff  }
0x41b: {  	s0 =	sadd.s32 s26, s3;
	[tilespmem:s30+$0x2980] =	vst v52;
	v61 =	vadd.s32 v17, v42;
	v48 =	vld.idx.msk [tilespmem:v48+s11+$0x0], $0xffff  }
0x41c: {  	s31 =	sand.u32 $0x3, s25;
	s30 =	sadd.s32 $0x80, s0;
	v56 =	vld.idx.msk [tilespmem:v58+s11+$0x0], $0xffff;
	v49 =	vadd.f32 v51, v63  }
0x41d: {  	s3 =	sshll.u32 s31, $0x8;
	s31 =	sor.u32 $0x800, s30;
	v63 =	vadd.s32 v17, v40;
	v51 =	vld.idx.msk [tilespmem:v62+s11+$0x0], $0xffff;
	v62 =	vmul.f32 v57, v46;
	v50 =	vmul.f32 v50, v34  }
0x41e: {  	s3 =	sadd.s32 s26, s3;
	[tilespmem:s31+$0x2980] =	vst v49;
	v49 =	vadd.s32 v17, v37  }
0x41f: {  	s31 =	sadd.s32 $0x100, s3;
	v53 =	vld.idx.msk [tilespmem:v60+s11+$0x0], $0xffff;
	v50 =	vadd.f32 v50, v62  }
0x420: {  	v52 =	vld.idx.msk [tilespmem:v61+s11+$0x0], $0xffff;
	s3 =	sor.u32 $0x800, s31;
	v60 =	vmul.f32 v55, v47;
	v61 =	vadd.s32 v17, v38;
	v48 =	vmul.f32 v48, v39  }
0x421: {  	v62 =	vadd.s32 v18, v44;
	[tilespmem:s3+$0x2980] =	vst v50;
	v50 =	vadd.s32 v17, v36  }
0x422: {  	s0 =	sadd.s32 $0x180, s0;
	v56 =	vmul.f32 v56, v35;
	v51 =	vmul.f32 v51, v32;
	v57 =	vld.idx.msk [tilespmem:v63+s11+$0x0], $0xffff;
	v48 =	vadd.f32 v48, v60  }
0x423: {  	s3 =	sor.u32 $0x800, s0;
	v63 =	vadd.s32 v18, v45;
	v49 =	vld.idx.msk [tilespmem:v49+s11+$0x0], $0xffff  }
0x424: {  	v51 =	vadd.f32 v51, v56;
	[tilespmem:s3+$0x2980] =	vst v48  }
0x425: {  	v60 =	vmul.f32 v53, v43;
	v52 =	vmul.f32 v52, v33;
	v53 =	vadd.s32 v18, v41;
	s3 =	sor.u32 $0x810, s29;
	v55 =	vld.idx.msk [tilespmem:v61+s11+$0x0], $0xffff  }
0x426: {  	[tilespmem:s3+$0x2980] =	vst v51;
	v61 =	vadd.s32 v18, v42;
	v50 =	vld.idx.msk [tilespmem:v50+s11+$0x0], $0xffff  }
0x427: {  	v48 =	vadd.f32 v52, v60;
	v56 =	vld.idx.msk [tilespmem:v62+s11+$0x0], $0xffff  }
0x428: {  	s3 =	sor.u32 $0x810, s30;
	v52 =	vld.idx.msk [tilespmem:v63+s11+$0x0], $0xffff;
	v62 =	vmul.f32 v57, v46;
	v63 =	vadd.s32 v18, v40;
	v49 =	vmul.f32 v49, v34  }
0x429: {  	v60 =	vadd.s32 v18, v37;
	[tilespmem:s3+$0x2980] =	vst v48  }
0x42a: {  	v53 =	vld.idx.msk [tilespmem:v53+s11+$0x0], $0xffff;
	v49 =	vadd.f32 v49, v62  }
0x42b: {  	s3 =	sor.u32 $0x810, s31;
	v62 =	vadd.s32 v18, v38;
	v51 =	vld.idx.msk [tilespmem:v61+s11+$0x0], $0xffff;
	v61 =	vmul.f32 v55, v47;
	v50 =	vmul.f32 v50, v39  }
0x42c: {  	v58 =	vadd.s32 v19, v44;
	[tilespmem:s3+$0x2980] =	vst v49;
	v49 =	vadd.s32 v18, v36  }
0x42d: {  	v56 =	vmul.f32 v56, v35;
	v52 =	vmul.f32 v52, v32;
	v57 =	vld.idx.msk [tilespmem:v63+s11+$0x0], $0xffff;
	v50 =	vadd.f32 v50, v61  }
0x42e: {  	s3 =	sor.u32 $0x810, s0;
	v63 =	vadd.s32 v19, v45;
	v48 =	vld.idx.msk [tilespmem:v60+s11+$0x0], $0xffff  }
0x42f: {  	v52 =	vadd.f32 v52, v56;
	[tilespmem:s3+$0x2980] =	vst v50  }
0x430: {  	v61 =	vadd.s32 v19, v41;
	v60 =	vmul.f32 v53, v43;
	s3 =	sor.u32 $0x820, s29;
	v51 =	vmul.f32 v51, v33;
	v55 =	vld.idx.msk [tilespmem:v62+s11+$0x0], $0xffff  }
0x431: {  	[tilespmem:s3+$0x2980] =	vst v52;
	v62 =	vadd.s32 v19, v42;
	v49 =	vld.idx.msk [tilespmem:v49+s11+$0x0], $0xffff  }
0x432: {  	v56 =	vld.idx.msk [tilespmem:v58+s11+$0x0], $0xffff;
	v50 =	vadd.f32 v51, v60  }
0x433: {  	s3 =	sor.u32 $0x820, s30;
	v51 =	vld.idx.msk [tilespmem:v63+s11+$0x0], $0xffff;
	v63 =	vmul.f32 v57, v46;
	v48 =	vmul.f32 v48, v34;
	v60 =	vadd.s32 v19, v40  }
0x434: {  	[tilespmem:s3+$0x2980] =	vst v50;
	v50 =	vadd.s32 v19, v37  }
0x435: {  	v48 =	vadd.f32 v48, v63;
	v53 =	vld.idx.msk [tilespmem:v61+s11+$0x0], $0xffff  }
0x436: {  	s3 =	sor.u32 $0x820, s31;
	v52 =	vld.idx.msk [tilespmem:v62+s11+$0x0], $0xffff;
	v61 =	vmul.f32 v55, v47;
	v62 =	vadd.s32 v19, v38;
	v49 =	vmul.f32 v49, v39  }
0x437: {  	v63 =	vadd.s32 v20, v44;
	[tilespmem:s3+$0x2980] =	vst v48;
	v48 =	vadd.s32 v19, v36  }
0x438: {  	v56 =	vmul.f32 v56, v35;
	v51 =	vmul.f32 v51, v32;
	v57 =	vld.idx.msk [tilespmem:v60+s11+$0x0], $0xffff;
	v49 =	vadd.f32 v49, v61  }
0x439: {  	s3 =	sor.u32 $0x820, s0;
	v60 =	vadd.s32 v20, v45;
	v50 =	vld.idx.msk [tilespmem:v50+s11+$0x0], $0xffff  }
0x43a: {  	v51 =	vadd.f32 v51, v56;
	[tilespmem:s3+$0x2980] =	vst v49  }
0x43b: {  	s3 =	sor.u32 $0x830, s29;
	v61 =	vmul.f32 v53, v43;
	v52 =	vmul.f32 v52, v33;
	v53 =	vadd.s32 v20, v41;
	v55 =	vld.idx.msk [tilespmem:v62+s11+$0x0], $0xffff  }
0x43c: {  	[tilespmem:s3+$0x2980] =	vst v51;
	v62 =	vadd.s32 v20, v42;
	v48 =	vld.idx.msk [tilespmem:v48+s11+$0x0], $0xffff  }
0x43d: {  	v56 =	vld.idx.msk [tilespmem:v63+s11+$0x0], $0xffff;
	v49 =	vadd.f32 v52, v61  }
0x43e: {  	s3 =	sor.u32 $0x830, s30;
	v52 =	vld.idx.msk [tilespmem:v60+s11+$0x0], $0xffff;
	v63 =	vmul.f32 v57, v46;
	v60 =	vadd.s32 v20, v40;
	v50 =	vmul.f32 v50, v34  }
0x43f: {  	v61 =	vadd.s32 v20, v37;
	[tilespmem:s3+$0x2980] =	vst v49  }
0x440: {  	v53 =	vld.idx.msk [tilespmem:v53+s11+$0x0], $0xffff;
	v50 =	vadd.f32 v50, v63  }
0x441: {  	s3 =	sor.u32 $0x830, s31;
	v51 =	vld.idx.msk [tilespmem:v62+s11+$0x0], $0xffff;
	v62 =	vmul.f32 v55, v47;
	v48 =	vmul.f32 v48, v39;
	v63 =	vadd.s32 v20, v38  }
0x442: {  	v58 =	vadd.s32 v21, v44;
	[tilespmem:s3+$0x2980] =	vst v50;
	v50 =	vadd.s32 v20, v36  }
0x443: {  	v56 =	vmul.f32 v56, v35;
	v52 =	vmul.f32 v52, v32;
	v48 =	vadd.f32 v48, v62;
	v57 =	vld.idx.msk [tilespmem:v60+s11+$0x0], $0xffff  }
0x444: {  	s3 =	sor.u32 $0x830, s0;
	v60 =	vadd.s32 v21, v45;
	v49 =	vld.idx.msk [tilespmem:v61+s11+$0x0], $0xffff  }
0x445: {  	v52 =	vadd.f32 v52, v56;
	[tilespmem:s3+$0x2980] =	vst v48  }
0x446: {  	v62 =	vadd.s32 v21, v41;
	s3 =	sor.u32 $0x840, s29;
	v61 =	vmul.f32 v53, v43;
	v51 =	vmul.f32 v51, v33;
	v55 =	vld.idx.msk [tilespmem:v63+s11+$0x0], $0xffff  }
0x447: {  	[tilespmem:s3+$0x2980] =	vst v52;
	v63 =	vadd.s32 v21, v42;
	v50 =	vld.idx.msk [tilespmem:v50+s11+$0x0], $0xffff  }
0x448: {  	v56 =	vld.idx.msk [tilespmem:v58+s11+$0x0], $0xffff;
	v48 =	vadd.f32 v51, v61  }
0x449: {  	s3 =	sor.u32 $0x840, s30;
	v61 =	vadd.s32 v21, v40;
	v51 =	vld.idx.msk [tilespmem:v60+s11+$0x0], $0xffff;
	v60 =	vmul.f32 v57, v46;
	v49 =	vmul.f32 v49, v34  }
0x44a: {  	[tilespmem:s3+$0x2980] =	vst v48;
	v48 =	vadd.s32 v21, v37  }
0x44b: {  	v53 =	vld.idx.msk [tilespmem:v62+s11+$0x0], $0xffff;
	v49 =	vadd.f32 v49, v60  }
0x44c: {  	s3 =	sor.u32 $0x840, s31;
	v52 =	vld.idx.msk [tilespmem:v63+s11+$0x0], $0xffff;
	v62 =	vmul.f32 v55, v47;
	v63 =	vadd.s32 v21, v38;
	v50 =	vmul.f32 v50, v39  }
0x44d: {  	v60 =	vadd.s32 v22, v44;
	[tilespmem:s3+$0x2980] =	vst v49;
	v49 =	vadd.s32 v21, v36  }
0x44e: {  	v56 =	vmul.f32 v56, v35;
	v51 =	vmul.f32 v51, v32;
	v57 =	vld.idx.msk [tilespmem:v61+s11+$0x0], $0xffff;
	v50 =	vadd.f32 v50, v62  }
0x44f: {  	s3 =	sor.u32 $0x840, s0;
	v61 =	vadd.s32 v22, v45;
	v48 =	vld.idx.msk [tilespmem:v48+s11+$0x0], $0xffff  }
0x450: {  	v51 =	vadd.f32 v51, v56;
	[tilespmem:s3+$0x2980] =	vst v50  }
0x451: {  	v62 =	vmul.f32 v53, v43;
	v52 =	vmul.f32 v52, v33;
	v53 =	vadd.s32 v22, v41;
	s3 =	sor.u32 $0x850, s29;
	v55 =	vld.idx.msk [tilespmem:v63+s11+$0x0], $0xffff  }
0x452: {  	[tilespmem:s3+$0x2980] =	vst v51;
	v63 =	vadd.s32 v22, v42;
	v49 =	vld.idx.msk [tilespmem:v49+s11+$0x0], $0xffff  }
0x453: {  	v50 =	vadd.f32 v52, v62;
	v56 =	vld.idx.msk [tilespmem:v60+s11+$0x0], $0xffff  }
0x454: {  	s3 =	sor.u32 $0x850, s30;
	v52 =	vld.idx.msk [tilespmem:v61+s11+$0x0], $0xffff;
	v60 =	vmul.f32 v57, v46;
	v61 =	vadd.s32 v22, v40;
	v48 =	vmul.f32 v48, v34  }
0x455: {  	v62 =	vadd.s32 v22, v37;
	[tilespmem:s3+$0x2980] =	vst v50  }
0x456: {  	v53 =	vld.idx.msk [tilespmem:v53+s11+$0x0], $0xffff;
	v48 =	vadd.f32 v48, v60  }
0x457: {  	s3 =	sor.u32 $0x850, s31;
	v60 =	vadd.s32 v22, v38;
	v51 =	vld.idx.msk [tilespmem:v63+s11+$0x0], $0xffff;
	v63 =	vmul.f32 v55, v47;
	v49 =	vmul.f32 v49, v39  }
0x458: {  	v58 =	vadd.s32 v23, v44;
	[tilespmem:s3+$0x2980] =	vst v48;
	v48 =	vadd.s32 v22, v36  }
0x459: {  	v56 =	vmul.f32 v56, v35;
	v52 =	vmul.f32 v52, v32;
	v57 =	vld.idx.msk [tilespmem:v61+s11+$0x0], $0xffff;
	v49 =	vadd.f32 v49, v63  }
0x45a: {  	s3 =	sor.u32 $0x850, s0;
	v61 =	vadd.s32 v23, v45;
	v50 =	vld.idx.msk [tilespmem:v62+s11+$0x0], $0xffff  }
0x45b: {  	v52 =	vadd.f32 v52, v56;
	[tilespmem:s3+$0x2980] =	vst v49  }
0x45c: {  	v63 =	vadd.s32 v23, v41;
	v62 =	vmul.f32 v53, v43;
	s3 =	sor.u32 $0x860, s29;
	v51 =	vmul.f32 v51, v33;
	v55 =	vld.idx.msk [tilespmem:v60+s11+$0x0], $0xffff  }
0x45d: {  	[tilespmem:s3+$0x2980] =	vst v52;
	v60 =	vadd.s32 v23, v42;
	v48 =	vld.idx.msk [tilespmem:v48+s11+$0x0], $0xffff  }
0x45e: {  	v56 =	vld.idx.msk [tilespmem:v58+s11+$0x0], $0xffff;
	v49 =	vadd.f32 v51, v62  }
0x45f: {  	s3 =	sor.u32 $0x860, s30;
	v51 =	vld.idx.msk [tilespmem:v61+s11+$0x0], $0xffff;
	v61 =	vmul.f32 v57, v46;
	v50 =	vmul.f32 v50, v34;
	v62 =	vadd.s32 v23, v40  }
0x460: {  	[tilespmem:s3+$0x2980] =	vst v49;
	v49 =	vadd.s32 v23, v37  }
0x461: {  	v50 =	vadd.f32 v50, v61;
	v53 =	vld.idx.msk [tilespmem:v63+s11+$0x0], $0xffff  }
0x462: {  	s3 =	sor.u32 $0x860, s31;
	v52 =	vld.idx.msk [tilespmem:v60+s11+$0x0], $0xffff;
	v63 =	vmul.f32 v55, v47;
	v60 =	vadd.s32 v23, v38;
	v48 =	vmul.f32 v48, v39  }
0x463: {  	v61 =	vadd.s32 v24, v44;
	[tilespmem:s3+$0x2980] =	vst v50;
	v50 =	vadd.s32 v23, v36  }
0x464: {  	v56 =	vmul.f32 v56, v35;
	v51 =	vmul.f32 v51, v32;
	v57 =	vld.idx.msk [tilespmem:v62+s11+$0x0], $0xffff;
	v48 =	vadd.f32 v48, v63  }
0x465: {  	s3 =	sor.u32 $0x860, s0;
	v62 =	vadd.s32 v24, v45;
	v49 =	vld.idx.msk [tilespmem:v49+s11+$0x0], $0xffff  }
0x466: {  	v51 =	vadd.f32 v51, v56;
	[tilespmem:s3+$0x2980] =	vst v48  }
0x467: {  	s3 =	sor.u32 $0x870, s29;
	v63 =	vmul.f32 v53, v43;
	v52 =	vmul.f32 v52, v33;
	v53 =	vadd.s32 v24, v41;
	v55 =	vld.idx.msk [tilespmem:v60+s11+$0x0], $0xffff  }
0x468: {  	[tilespmem:s3+$0x2980] =	vst v51;
	v60 =	vadd.s32 v24, v42;
	v50 =	vld.idx.msk [tilespmem:v50+s11+$0x0], $0xffff  }
0x469: {  	v56 =	vld.idx.msk [tilespmem:v61+s11+$0x0], $0xffff;
	v48 =	vadd.f32 v52, v63  }
0x46a: {  	s3 =	sor.u32 $0x870, s30;
	v52 =	vld.idx.msk [tilespmem:v62+s11+$0x0], $0xffff;
	v61 =	vmul.f32 v57, v46;
	v62 =	vadd.s32 v24, v40;
	v49 =	vmul.f32 v49, v34  }
0x46b: {  	v63 =	vadd.s32 v24, v37;
	[tilespmem:s3+$0x2980] =	vst v48  }
0x46c: {  	v53 =	vld.idx.msk [tilespmem:v53+s11+$0x0], $0xffff;
	v49 =	vadd.f32 v49, v61  }
0x46d: {  	s3 =	sor.u32 $0x870, s31;
	v51 =	vld.idx.msk [tilespmem:v60+s11+$0x0], $0xffff;
	v60 =	vmul.f32 v55, v47;
	v50 =	vmul.f32 v50, v39;
	v61 =	vadd.s32 v24, v38  }
0x46e: {  	v58 =	vadd.s32 v25, v44;
	[tilespmem:s3+$0x2980] =	vst v49;
	v49 =	vadd.s32 v24, v36  }
0x46f: {  	v56 =	vmul.f32 v56, v35;
	v52 =	vmul.f32 v52, v32;
	v50 =	vadd.f32 v50, v60;
	v57 =	vld.idx.msk [tilespmem:v62+s11+$0x0], $0xffff  }
0x470: {  	s3 =	sor.u32 $0x870, s0;
	v62 =	vadd.s32 v25, v45;
	v48 =	vld.idx.msk [tilespmem:v63+s11+$0x0], $0xffff  }
0x471: {  	v52 =	vadd.f32 v52, v56;
	[tilespmem:s3+$0x2980] =	vst v50  }
0x472: {  	v60 =	vadd.s32 v25, v41;
	s3 =	sor.u32 $0xC00, s29;
	v63 =	vmul.f32 v53, v43;
	v51 =	vmul.f32 v51, v33;
	v55 =	vld.idx.msk [tilespmem:v61+s11+$0x0], $0xffff  }
0x473: {  	[tilespmem:s3+$0x2980] =	vst v52;
	v61 =	vadd.s32 v25, v42;
	v49 =	vld.idx.msk [tilespmem:v49+s11+$0x0], $0xffff  }
0x474: {  	v56 =	vld.idx.msk [tilespmem:v58+s11+$0x0], $0xffff;
	v50 =	vadd.f32 v51, v63  }
0x475: {  	s3 =	sor.u32 $0xC00, s30;
	v63 =	vadd.s32 v25, v40;
	v51 =	vld.idx.msk [tilespmem:v62+s11+$0x0], $0xffff;
	v62 =	vmul.f32 v57, v46;
	v48 =	vmul.f32 v48, v34  }
0x476: {  	[tilespmem:s3+$0x2980] =	vst v50;
	v50 =	vadd.s32 v25, v37  }
0x477: {  	v53 =	vld.idx.msk [tilespmem:v60+s11+$0x0], $0xffff;
	v48 =	vadd.f32 v48, v62  }
0x478: {  	s3 =	sor.u32 $0xC00, s31;
	v52 =	vld.idx.msk [tilespmem:v61+s11+$0x0], $0xffff;
	v60 =	vmul.f32 v55, v47;
	v61 =	vadd.s32 v25, v38;
	v49 =	vmul.f32 v49, v39  }
0x479: {  	v62 =	vadd.s32 v26, v44;
	[tilespmem:s3+$0x2980] =	vst v48;
	v48 =	vadd.s32 v25, v36  }
0x47a: {  	v56 =	vmul.f32 v56, v35;
	v51 =	vmul.f32 v51, v32;
	v57 =	vld.idx.msk [tilespmem:v63+s11+$0x0], $0xffff;
	v49 =	vadd.f32 v49, v60  }
0x47b: {  	s3 =	sor.u32 $0xC00, s0;
	v63 =	vadd.s32 v26, v45;
	v50 =	vld.idx.msk [tilespmem:v50+s11+$0x0], $0xffff  }
0x47c: {  	v51 =	vadd.f32 v51, v56;
	[tilespmem:s3+$0x2980] =	vst v49  }
0x47d: {  	v60 =	vmul.f32 v53, v43;
	v52 =	vmul.f32 v52, v33;
	v53 =	vadd.s32 v26, v41;
	s3 =	sor.u32 $0xC10, s29;
	v55 =	vld.idx.msk [tilespmem:v61+s11+$0x0], $0xffff  }
0x47e: {  	[tilespmem:s3+$0x2980] =	vst v51;
	v61 =	vadd.s32 v26, v42;
	v48 =	vld.idx.msk [tilespmem:v48+s11+$0x0], $0xffff  }
0x47f: {  	v49 =	vadd.f32 v52, v60;
	v56 =	vld.idx.msk [tilespmem:v62+s11+$0x0], $0xffff  }
0x480: {  	s3 =	sor.u32 $0xC10, s30;
	v52 =	vld.idx.msk [tilespmem:v63+s11+$0x0], $0xffff;
	v62 =	vmul.f32 v57, v46;
	v63 =	vadd.s32 v26, v40;
	v50 =	vmul.f32 v50, v34  }
0x481: {  	v60 =	vadd.s32 v26, v37;
	[tilespmem:s3+$0x2980] =	vst v49  }
0x482: {  	v53 =	vld.idx.msk [tilespmem:v53+s11+$0x0], $0xffff;
	v50 =	vadd.f32 v50, v62  }
0x483: {  	s3 =	sor.u32 $0xC10, s31;
	v62 =	vadd.s32 v26, v38;
	v51 =	vld.idx.msk [tilespmem:v61+s11+$0x0], $0xffff;
	v61 =	vmul.f32 v55, v47;
	v48 =	vmul.f32 v48, v39  }
0x484: {  	v58 =	vadd.s32 v27, v44;
	[tilespmem:s3+$0x2980] =	vst v50;
	v50 =	vadd.s32 v26, v36  }
0x485: {  	v56 =	vmul.f32 v56, v35;
	v52 =	vmul.f32 v52, v32;
	v57 =	vld.idx.msk [tilespmem:v63+s11+$0x0], $0xffff;
	v48 =	vadd.f32 v48, v61  }
0x486: {  	s3 =	sor.u32 $0xC10, s0;
	v63 =	vadd.s32 v27, v45;
	v49 =	vld.idx.msk [tilespmem:v60+s11+$0x0], $0xffff  }
0x487: {  	v52 =	vadd.f32 v52, v56;
	[tilespmem:s3+$0x2980] =	vst v48  }
0x488: {  	v61 =	vadd.s32 v27, v41;
	v60 =	vmul.f32 v53, v43;
	s3 =	sor.u32 $0xC20, s29;
	v51 =	vmul.f32 v51, v33;
	v55 =	vld.idx.msk [tilespmem:v62+s11+$0x0], $0xffff  }
0x489: {  	[tilespmem:s3+$0x2980] =	vst v52;
	v62 =	vadd.s32 v27, v42;
	v50 =	vld.idx.msk [tilespmem:v50+s11+$0x0], $0xffff  }
0x48a: {  	v56 =	vld.idx.msk [tilespmem:v58+s11+$0x0], $0xffff;
	v48 =	vadd.f32 v51, v60  }
0x48b: {  	s3 =	sor.u32 $0xC20, s30;
	v51 =	vld.idx.msk [tilespmem:v63+s11+$0x0], $0xffff;
	v63 =	vmul.f32 v57, v46;
	v49 =	vmul.f32 v49, v34;
	v60 =	vadd.s32 v27, v40  }
0x48c: {  	[tilespmem:s3+$0x2980] =	vst v48;
	v48 =	vadd.s32 v27, v37  }
0x48d: {  	v49 =	vadd.f32 v49, v63;
	v53 =	vld.idx.msk [tilespmem:v61+s11+$0x0], $0xffff  }
0x48e: {  	s3 =	sor.u32 $0xC20, s31;
	v52 =	vld.idx.msk [tilespmem:v62+s11+$0x0], $0xffff;
	v61 =	vmul.f32 v55, v47;
	v62 =	vadd.s32 v27, v38;
	v50 =	vmul.f32 v50, v39  }
0x48f: {  	v63 =	vadd.s32 v28, v44;
	[tilespmem:s3+$0x2980] =	vst v49;
	v49 =	vadd.s32 v27, v36  }
0x490: {  	v56 =	vmul.f32 v56, v35;
	v51 =	vmul.f32 v51, v32;
	v57 =	vld.idx.msk [tilespmem:v60+s11+$0x0], $0xffff;
	v50 =	vadd.f32 v50, v61  }
0x491: {  	s3 =	sor.u32 $0xC20, s0;
	v60 =	vadd.s32 v28, v45;
	v48 =	vld.idx.msk [tilespmem:v48+s11+$0x0], $0xffff  }
0x492: {  	v51 =	vadd.f32 v51, v56;
	[tilespmem:s3+$0x2980] =	vst v50  }
0x493: {  	s3 =	sor.u32 $0xC30, s29;
	v61 =	vmul.f32 v53, v43;
	v52 =	vmul.f32 v52, v33;
	v53 =	vadd.s32 v28, v41;
	v55 =	vld.idx.msk [tilespmem:v62+s11+$0x0], $0xffff  }
0x494: {  	[tilespmem:s3+$0x2980] =	vst v51;
	v62 =	vadd.s32 v28, v42;
	v49 =	vld.idx.msk [tilespmem:v49+s11+$0x0], $0xffff  }
0x495: {  	v56 =	vld.idx.msk [tilespmem:v63+s11+$0x0], $0xffff;
	v50 =	vadd.f32 v52, v61  }
0x496: {  	s3 =	sor.u32 $0xC30, s30;
	v52 =	vld.idx.msk [tilespmem:v60+s11+$0x0], $0xffff;
	v63 =	vmul.f32 v57, v46;
	v60 =	vadd.s32 v28, v40;
	v48 =	vmul.f32 v48, v34  }
0x497: {  	v61 =	vadd.s32 v28, v37;
	[tilespmem:s3+$0x2980] =	vst v50  }
0x498: {  	v53 =	vld.idx.msk [tilespmem:v53+s11+$0x0], $0xffff;
	v48 =	vadd.f32 v48, v63  }
0x499: {  	s3 =	sor.u32 $0xC30, s31;
	v51 =	vld.idx.msk [tilespmem:v62+s11+$0x0], $0xffff;
	v62 =	vmul.f32 v55, v47;
	v49 =	vmul.f32 v49, v39;
	v63 =	vadd.s32 v28, v38  }
0x49a: {  	[tilespmem:s3+$0x2980] =	vst v48;
	v48 =	vadd.s32 v28, v36  }
0x49b: {  	v49 =	vadd.f32 v49, v62;
	v57 =	vld.idx.msk [tilespmem:v60+s11+$0x0], $0xffff  }
0x49c: {  	v56 =	vmul.f32 v56, v35;
	v52 =	vmul.f32 v52, v32;
	s3 =	sor.u32 $0xC30, s0;
	v60 =	vadd.s32 v29, v45;
	v50 =	vld.idx.msk [tilespmem:v61+s11+$0x0], $0xffff  }
0x49d: {  	v58 =	vadd.s32 v29, v44;
	v62 =	vadd.s32 v29, v41;
	[tilespmem:s3+$0x2980] =	vst v49  }
0x49e: {  	v52 =	vadd.f32 v52, v56;
	v61 =	vmul.f32 v53, v43;
	v51 =	vmul.f32 v51, v33;
	v55 =	vld.idx.msk [tilespmem:v63+s11+$0x0], $0xffff  }
0x49f: {  	s3 =	sor.u32 $0xC40, s29;
	v63 =	vadd.s32 v29, v42;
	v48 =	vld.idx.msk [tilespmem:v48+s11+$0x0], $0xffff  }
0x4a0: {  	[tilespmem:s3+$0x2980] =	vst v52;
	v49 =	vadd.f32 v51, v61  }
0x4a1: {  	s3 =	sor.u32 $0xC40, s30;
	v61 =	vadd.s32 v29, v40;
	v51 =	vld.idx.msk [tilespmem:v60+s11+$0x0], $0xffff;
	v60 =	vmul.f32 v57, v46;
	v50 =	vmul.f32 v50, v34  }
0x4a2: {  	v56 =	vld.idx.msk [tilespmem:v58+s11+$0x0], $0xffff;
	[tilespmem:s3+$0x2980] =	vst v49;
	v49 =	vadd.s32 v29, v37  }
0x4a3: {  	v53 =	vld.idx.msk [tilespmem:v62+s11+$0x0], $0xffff;
	v50 =	vadd.f32 v50, v60  }
0x4a4: {  	s3 =	sor.u32 $0xC40, s31;
	v52 =	vld.idx.msk [tilespmem:v63+s11+$0x0], $0xffff;
	v62 =	vmul.f32 v55, v47;
	v63 =	vadd.s32 v29, v38;
	v48 =	vmul.f32 v48, v39  }
0x4a5: {  	v60 =	vadd.s32 v29, v36;
	[tilespmem:s3+$0x2980] =	vst v50  }
0x4a6: {  	v57 =	vld.idx.msk [tilespmem:v61+s11+$0x0], $0xffff;
	v48 =	vadd.f32 v48, v62  }
0x4a7: {  	v56 =	vmul.f32 v56, v35;
	s3 =	sor.u32 $0xC40, s0;
	v51 =	vmul.f32 v51, v32;
	v49 =	vld.idx.msk [tilespmem:v49+s11+$0x0], $0xffff  }
0x4a8: {  	v61 =	vadd.s32 v30, v44;
	[tilespmem:s3+$0x2980] =	vst v48  }
0x4a9: {  	v51 =	vadd.f32 v51, v56;
	v56 =	vadd.s32 v30, v45;
	v55 =	vld.idx.msk [tilespmem:v63+s11+$0x0], $0xffff  }
0x4aa: {  	v62 =	vmul.f32 v53, v43;
	v52 =	vmul.f32 v52, v33;
	v63 =	vadd.s32 v30, v42;
	v50 =	vld.idx.msk [tilespmem:v60+s11+$0x0], $0xffff  }
0x4ab: {  	v53 =	vadd.s32 v30, v41;
	s3 =	sor.u32 $0xC50, s29  }
0x4ac: {  	[tilespmem:s3+$0x2980] =	vst v51;
	v48 =	vadd.f32 v52, v62;
	v60 =	vmul.f32 v57, v46;
	v49 =	vmul.f32 v49, v34  }
0x4ad: {  	s3 =	sor.u32 $0xC50, s30;
	v51 =	vld.idx.msk [tilespmem:v61+s11+$0x0], $0xffff;
	v61 =	vadd.s32 v30, v40  }
0x4ae: {  	v62 =	vadd.s32 v30, v37;
	[tilespmem:s3+$0x2980] =	vst v48;
	v56 =	vld.idx.msk [tilespmem:v56+s11+$0x0], $0xffff;
	v49 =	vadd.f32 v49, v60  }
0x4af: {  	v52 =	vld.idx.msk [tilespmem:v63+s11+$0x0], $0xffff;
	v55 =	vmul.f32 v55, v47;
	v50 =	vmul.f32 v50, v39;
	v63 =	vadd.s32 v30, v38  }
0x4b0: {  	s3 =	sor.u32 $0xC50, s31;
	v60 =	vadd.s32 v30, v36  }
0x4b1: {  	v53 =	vld.idx.msk [tilespmem:v53+s11+$0x0], $0xffff;
	[tilespmem:s3+$0x2980] =	vst v49;
	v50 =	vadd.f32 v50, v55  }
0x4b2: {  	v44 =	vadd.s32 v31, v44;
	s3 =	sor.u32 $0xC50, s0;
	v54 =	vld.idx.msk [tilespmem:v61+s11+$0x0], $0xffff  }
0x4b3: {  	v48 =	vld.idx.msk [tilespmem:v62+s11+$0x0], $0xffff;
	v61 =	vmul.f32 v51, v35;
	v62 =	vmul.f32 v56, v32;
	[tilespmem:s3+$0x2980] =	vst v50  }
0x4b4: {  	v45 =	vadd.s32 v31, v45;
	v63 =	vld.idx.msk [tilespmem:v63+s11+$0x0], $0xffff  }
0x4b5: {  	v49 =	vld.idx.msk [tilespmem:v60+s11+$0x0], $0xffff;
	v50 =	vadd.f32 v62, v61  }
0x4b6: {  	v41 =	vadd.s32 v31, v41;
	v53 =	vmul.f32 v53, v43;
	s3 =	sor.u32 $0xC60, s29;
	v52 =	vmul.f32 v52, v33  }
0x4b7: {  	v42 =	vadd.s32 v31, v42;
	v40 =	vadd.s32 v31, v40;
	[tilespmem:s3+$0x2980] =	vst v50  }
0x4b8: {  	v56 =	vadd.f32 v52, v53;
	v57 =	vmul.f32 v54, v46;
	v48 =	vmul.f32 v48, v34;
	v44 =	vld.idx.msk [tilespmem:v44+s11+$0x0], $0xffff  }
0x4b9: {  	v37 =	vadd.s32 v31, v37;
	v38 =	vadd.s32 v31, v38;
	s3 =	sor.u32 $0xC60, s30;
	v45 =	vld.idx.msk [tilespmem:v45+s11+$0x0], $0xffff  }
0x4ba: {  	[tilespmem:s3+$0x2980] =	vst v56;
	v48 =	vadd.f32 v48, v57;
	v58 =	vmul.f32 v63, v47;
	v49 =	vmul.f32 v49, v39  }
0x4bb: {  	v36 =	vadd.s32 v31, v36;
	s3 =	sor.u32 $0xC60, s31;
	v41 =	vld.idx.msk [tilespmem:v41+s11+$0x0], $0xffff  }
0x4bc: {  	v42 =	vld.idx.msk [tilespmem:v42+s11+$0x0], $0xffff;
	[tilespmem:s3+$0x2980] =	vst v48;
	v59 =	vadd.f32 v49, v58  }
0x4bd: {  	s3 =	sor.u32 $0xC60, s0;
	v40 =	vld.idx.msk [tilespmem:v40+s11+$0x0], $0xffff  }
0x4be: {  	v37 =	vld.idx.msk [tilespmem:v37+s11+$0x0], $0xffff;
	[tilespmem:s3+$0x2980] =	vst v59  }
0x4bf: {  	v38 =	vld.idx.msk [tilespmem:v38+s11+$0x0], $0xffff  }
0x4c0: {  	v36 =	vld.idx.msk [tilespmem:v36+s11+$0x0], $0xffff;
	_ =	sdelay $0x1  }
0x4c1: {  	v35 =	vmul.f32 v44, v35;
	v32 =	vmul.f32 v45, v32  }
0x4c2: {  	s23 =	sadd.s32 $0x4, s23;
	v41 =	vmul.f32 v41, v43;
	v33 =	vmul.f32 v42, v33  }
0x4c3: {  	p1 =	slt.u32 s23, $0xC;
	v32 =	vadd.f32 v32, v35;
	v60 =	vmul.f32 v40, v46;
	v34 =	vmul.f32 v37, v34  }
.Ltmp3:
0x4c4: {  	s29 =	sor.u32 $0xC70, s29;
	v33 =	vadd.f32 v33, v41;
	v61 =	vmul.f32 v38, v47;
	v36 =	vmul.f32 v36, v39;
	(pc) =	sbr.rel @p1 .LBB2_9-.Ltmp3, $4  }
0x4c5: {  	s30 =	sor.u32 $0xC70, s30;
	[tilespmem:s29+$0x2980] =	vst v32;
	v62 =	vadd.f32 v34, v60  }
0x4c6: {  	s31 =	sor.u32 $0xC70, s31;
	[tilespmem:s30+$0x2980] =	vst v33;
	v63 =	vadd.f32 v36, v61  }
0x4c7: {  	s24 =	sadd.s32 $0x200, s24;
	p0 =	por !p0, !p0;
	s0 =	sor.u32 $0xC70, s0;
	[tilespmem:s31+$0x2980] =	vst v62  }
0x4c8: {  	s28 =	sadd.s32 $0x4, s28;
	s25 =	sadd.s32 $0x2, s25;
	s26 =	sadd.s32 $0x800, s26;
	[tilespmem:s0+$0x2980] =	vst v63  }
0x4c9: {  	s0 =	sadd.s32 s5, s22  }
0x4ca: {  	s0 =	sshll.u32 s0, $0x6  }
0x4cb: {  	s23 =	simm.s32 $0x0;
	s0 =	sadd.s32 s1, s0  }
0x4cc: {  	[hbm4b:s0+s23] =	stream.linear.scatter [tilespmem:s16], [sflag:$0x1], $0x2000, $0x38;
	[tilespmem:$0x6980] =	vst v63  }
0x4cd: {  	s22 =	sor.u32 $0x10, s22;
	s24 =	simm.s32 $0xFFFFFFFC;
	_ =	swait.ge [sflag:s18], $0x2000  }
0x4ce: {  	s25 =	simm.s32 $0x180;
	p0 =	por $0x0, $0x0;
	[sflag:s18] =	ssyncset.done $0x0  }
0x4cf: {  	s26 =	simm.s32 $0x0;
	s28 =	simm.s32 $0x0;
	[sflag:s18] =	ssyncadd.s32 $0xFFFFE000  }
.LBB2_11:
0x4d0: {  	s0 =	sadd.s32 s24, s20  }
0x4d1: {  	s3 =	sadd.s32 $0x34, s0  }
0x4d2: {  	v32 =	vmov s3  }
0x4d3: {  	v32 =	vand.u32 $0xFFFFFFFC, v32  }
0x4d4: {  	s31 =	sadd.s32 $0x35, s0;
	v32 =	vbroadcast v32, $0x0  }
0x4d5: {  	v33 =	vmov s31  }
0x4d6: {  	v33 =	vand.u32 $0xFFFFFFFD, v33  }
0x4d7: {  	s29 =	sadd.s32 $0x36, s0;
	v33 =	vbroadcast v33, $0x0  }
0x4d8: {  	v34 =	vmov s29  }
0x4d9: {  	s0 =	sadd.s32 $0x37, s0;
	v34 =	vand.u32 $0xFFFFFFFE, v34  }
0x4da: {  	v39 =	vmov s0;
	v34 =	vbroadcast v34, $0x0;
	v44 =	vld.idx.msk [tilespmem:v32+s13+$0x0], $0xffff  }
0x4db: {  	v45 =	vld.idx.msk [tilespmem:v32+s14+$0x0], $0xffff;
	_ =	sdelay $0x1  }
0x4dc: {  	v41 =	vld.idx.msk [tilespmem:v33+s13+$0x0], $0xffff  }
0x4dd: {  	v42 =	vld.idx.msk [tilespmem:v33+s14+$0x0], $0xffff  }
0x4de: {  	v38 =	vld.idx.msk [tilespmem:v39+s13+$0x0], $0xffff;
	v35 =	vadd.s32 v0, v44  }
0x4df: {  	v40 =	vld.idx.msk [tilespmem:v34+s13+$0x0], $0xffff;
	v43 =	vadd.s32 v0, v45  }
0x4e0: {  	v37 =	vld.idx.msk [tilespmem:v34+s14+$0x0], $0xffff  }
0x4e1: {  	v36 =	vld.idx.msk [tilespmem:v39+s14+$0x0], $0xffff;
	v62 =	vadd.s32 v0, v41  }
0x4e2: {  	v32 =	vld.idx.msk [tilespmem:v32+s15+$0x0], $0xffff;
	v47 =	vadd.s32 v0, v42  }
0x4e3: {  	v46 =	vld.idx.msk [tilespmem:v35+s11+$0x0], $0xffff  }
0x4e4: {  	v48 =	vadd.s32 v0, v40;
	v43 =	vld.idx.msk [tilespmem:v43+s11+$0x0], $0xffff  }
0x4e5: {  	v33 =	vld.idx.msk [tilespmem:v33+s15+$0x0], $0xffff;
	v49 =	vadd.s32 v0, v37  }
0x4e6: {  	v50 =	vld.idx.msk [tilespmem:v62+s11+$0x0], $0xffff  }
0x4e7: {  	v51 =	vadd.s32 v0, v38;
	v35 =	vsub.f32 $1.000000000e+00, v32;
	v47 =	vld.idx.msk [tilespmem:v47+s11+$0x0], $0xffff  }
0x4e8: {  	v34 =	vld.idx.msk [tilespmem:v34+s15+$0x0], $0xffff;
	v52 =	vadd.s32 v0, v36  }
0x4e9: {  	v54 =	vadd.s32 v1, v44;
	v48 =	vld.idx.msk [tilespmem:v48+s11+$0x0], $0xffff;
	v46 =	vmul.f32 v46, v35;
	v53 =	vmul.f32 v43, v32  }
0x4ea: {  	s30 =	sand.u32 $0x1000, s26;
	s31 =	sadd.s32 $0xFFFFFE80, s25;
	v55 =	vadd.s32 v1, v45;
	v49 =	vld.idx.msk [tilespmem:v49+s11+$0x0], $0xffff;
	v43 =	vsub.f32 $1.000000000e+00, v33  }
0x4eb: {  	s3 =	sand.u32 $0x200, s31;
	s31 =	sor.u32 $0x4980, s30;
	v39 =	vld.idx.msk [tilespmem:v39+s15+$0x0], $0xffff;
	v46 =	vadd.f32 v53, v46  }
0x4ec: {  	s0 =	sor.u32 s3, s31;
	v63 =	vadd.s32 v1, v41;
	v51 =	vld.idx.msk [tilespmem:v51+s11+$0x0], $0xffff;
	v47 =	vmul.f32 v47, v33;
	v50 =	vmul.f32 v50, v43  }
0x4ed: {  	s29 =	sadd.s32 $0xFFFFFF00, s25;
	v56 =	vadd.s32 v1, v42;
	v52 =	vld.idx.msk [tilespmem:v52+s11+$0x0], $0xffff;
	[tilespmem:s0+$0x0] =	vst v46;
	v46 =	vsub.f32 $1.000000000e+00, v34  }
0x4ee: {  	s3 =	sand.u32 $0x280, s29;
	v47 =	vadd.f32 v47, v50;
	v54 =	vld.idx.msk [tilespmem:v54+s11+$0x0], $0xffff  }
0x4ef: {  	s29 =	sadd.s32 s3, s31;
	v61 =	vadd.s32 v1, v40;
	v49 =	vmul.f32 v49, v34;
	v60 =	vld.idx.msk [tilespmem:v55+s11+$0x0], $0xffff;
	v48 =	vmul.f32 v48, v46  }
0x4f0: {  	s30 =	sadd.s32 $0xFFFFFF80, s25;
	v57 =	vadd.s32 v1, v37;
	[tilespmem:s29+$0x0] =	vst v47;
	v47 =	vsub.f32 $1.000000000e+00, v39  }
0x4f1: {  	s3 =	sand.u32 $0x300, s30;
	v53 =	vld.idx.msk [tilespmem:v63+s11+$0x0], $0xffff;
	v48 =	vadd.f32 v49, v48  }
0x4f2: {  	s30 =	sadd.s32 s3, s31;
	v62 =	vadd.s32 v1, v38;
	v52 =	vmul.f32 v52, v39;
	v49 =	vld.idx.msk [tilespmem:v56+s11+$0x0], $0xffff;
	v51 =	vmul.f32 v51, v47  }
0x4f3: {  	v58 =	vadd.s32 v2, v44;
	v63 =	vadd.s32 v1, v36;
	[tilespmem:s30+$0x0] =	vst v48  }
0x4f4: {  	s3 =	sand.u32 $0x380, s25;
	v54 =	vmul.f32 v54, v35;
	v50 =	vmul.f32 v60, v32;
	v51 =	vadd.f32 v52, v51;
	v55 =	vld.idx.msk [tilespmem:v61+s11+$0x0], $0xffff  }
0x4f5: {  	s31 =	sadd.s32 s3, s31;
	v60 =	vadd.s32 v2, v45;
	v57 =	vld.idx.msk [tilespmem:v57+s11+$0x0], $0xffff  }
0x4f6: {  	v50 =	vadd.f32 v50, v54;
	[tilespmem:s31+$0x0] =	vst v51  }
0x4f7: {  	v61 =	vmul.f32 v53, v43;
	v53 =	vadd.s32 v2, v41;
	v49 =	vmul.f32 v49, v33;
	v54 =	vld.idx.msk [tilespmem:v62+s11+$0x0], $0xffff  }
0x4f8: {  	v48 =	vld.idx.msk [tilespmem:v63+s11+$0x0], $0xffff;
	[tilespmem:s0+$0x10] =	vst v50;
	v50 =	vadd.s32 v2, v42  }
0x4f9: {  	v56 =	vld.idx.msk [tilespmem:v58+s11+$0x0], $0xffff;
	v49 =	vadd.f32 v49, v61  }
0x4fa: {  	v51 =	vld.idx.msk [tilespmem:v60+s11+$0x0], $0xffff;
	v60 =	vadd.s32 v2, v40;
	v62 =	vmul.f32 v55, v46;
	v63 =	vmul.f32 v57, v34  }
0x4fb: {  	v61 =	vadd.s32 v2, v37;
	[tilespmem:s29+$0x10] =	vst v49  }
0x4fc: {  	v53 =	vld.idx.msk [tilespmem:v53+s11+$0x0], $0xffff;
	v52 =	vadd.f32 v63, v62  }
0x4fd: {  	v54 =	vmul.f32 v54, v47;
	v48 =	vmul.f32 v48, v39;
	v62 =	vadd.s32 v2, v38;
	v50 =	vld.idx.msk [tilespmem:v50+s11+$0x0], $0xffff  }
0x4fe: {  	v58 =	vadd.s32 v3, v44;
	[tilespmem:s30+$0x10] =	vst v52;
	v52 =	vadd.s32 v2, v36  }
0x4ff: {  	v56 =	vmul.f32 v56, v35;
	v51 =	vmul.f32 v51, v32;
	v48 =	vadd.f32 v48, v54;
	v57 =	vld.idx.msk [tilespmem:v60+s11+$0x0], $0xffff  }
0x500: {  	v63 =	vadd.s32 v3, v45;
	v49 =	vld.idx.msk [tilespmem:v61+s11+$0x0], $0xffff  }
0x501: {  	v51 =	vadd.f32 v51, v56;
	[tilespmem:s31+$0x10] =	vst v48  }
0x502: {  	v61 =	vadd.s32 v3, v41;
	v60 =	vmul.f32 v53, v43;
	v55 =	vld.idx.msk [tilespmem:v62+s11+$0x0], $0xffff;
	v50 =	vmul.f32 v50, v33  }
0x503: {  	v62 =	vadd.s32 v3, v42;
	[tilespmem:s0+$0x20] =	vst v51;
	v52 =	vld.idx.msk [tilespmem:v52+s11+$0x0], $0xffff  }
0x504: {  	v56 =	vld.idx.msk [tilespmem:v58+s11+$0x0], $0xffff;
	v48 =	vadd.f32 v50, v60  }
0x505: {  	v50 =	vld.idx.msk [tilespmem:v63+s11+$0x0], $0xffff;
	v63 =	vmul.f32 v57, v46;
	v49 =	vmul.f32 v49, v34;
	v60 =	vadd.s32 v3, v40  }
0x506: {  	[tilespmem:s29+$0x20] =	vst v48;
	v48 =	vadd.s32 v3, v37  }
0x507: {  	v49 =	vadd.f32 v49, v63;
	v53 =	vld.idx.msk [tilespmem:v61+s11+$0x0], $0xffff  }
0x508: {  	v51 =	vld.idx.msk [tilespmem:v62+s11+$0x0], $0xffff;
	v61 =	vmul.f32 v55, v47;
	v62 =	vadd.s32 v3, v38;
	v52 =	vmul.f32 v52, v39  }
0x509: {  	v63 =	vadd.s32 v4, v44;
	[tilespmem:s30+$0x20] =	vst v49;
	v49 =	vadd.s32 v3, v36  }
0x50a: {  	v56 =	vmul.f32 v56, v35;
	v50 =	vmul.f32 v50, v32;
	v57 =	vld.idx.msk [tilespmem:v60+s11+$0x0], $0xffff;
	v52 =	vadd.f32 v52, v61  }
0x50b: {  	v60 =	vadd.s32 v4, v45;
	v48 =	vld.idx.msk [tilespmem:v48+s11+$0x0], $0xffff  }
0x50c: {  	v50 =	vadd.f32 v50, v56;
	[tilespmem:s31+$0x20] =	vst v52  }
0x50d: {  	v61 =	vmul.f32 v53, v43;
	v51 =	vmul.f32 v51, v33;
	v53 =	vadd.s32 v4, v41;
	v55 =	vld.idx.msk [tilespmem:v62+s11+$0x0], $0xffff  }
0x50e: {  	[tilespmem:s0+$0x30] =	vst v50;
	v62 =	vadd.s32 v4, v42;
	v49 =	vld.idx.msk [tilespmem:v49+s11+$0x0], $0xffff  }
0x50f: {  	v56 =	vld.idx.msk [tilespmem:v63+s11+$0x0], $0xffff;
	v51 =	vadd.f32 v51, v61  }
0x510: {  	v52 =	vld.idx.msk [tilespmem:v60+s11+$0x0], $0xffff;
	v63 =	vmul.f32 v57, v46;
	v60 =	vadd.s32 v4, v40;
	v48 =	vmul.f32 v48, v34  }
0x511: {  	v61 =	vadd.s32 v4, v37;
	[tilespmem:s29+$0x30] =	vst v51  }
0x512: {  	v53 =	vld.idx.msk [tilespmem:v53+s11+$0x0], $0xffff;
	v48 =	vadd.f32 v48, v63  }
0x513: {  	v50 =	vld.idx.msk [tilespmem:v62+s11+$0x0], $0xffff;
	v62 =	vmul.f32 v55, v47;
	v49 =	vmul.f32 v49, v39;
	v63 =	vadd.s32 v4, v38  }
0x514: {  	v58 =	vadd.s32 v5, v44;
	[tilespmem:s30+$0x30] =	vst v48;
	v48 =	vadd.s32 v4, v36  }
0x515: {  	v56 =	vmul.f32 v56, v35;
	v52 =	vmul.f32 v52, v32;
	v49 =	vadd.f32 v49, v62;
	v57 =	vld.idx.msk [tilespmem:v60+s11+$0x0], $0xffff  }
0x516: {  	v60 =	vadd.s32 v5, v45;
	v51 =	vld.idx.msk [tilespmem:v61+s11+$0x0], $0xffff  }
0x517: {  	v52 =	vadd.f32 v52, v56;
	[tilespmem:s31+$0x30] =	vst v49  }
0x518: {  	v62 =	vadd.s32 v5, v41;
	v61 =	vmul.f32 v53, v43;
	v50 =	vmul.f32 v50, v33;
	v55 =	vld.idx.msk [tilespmem:v63+s11+$0x0], $0xffff  }
0x519: {  	[tilespmem:s0+$0x40] =	vst v52;
	v63 =	vadd.s32 v5, v42;
	v48 =	vld.idx.msk [tilespmem:v48+s11+$0x0], $0xffff  }
0x51a: {  	v56 =	vld.idx.msk [tilespmem:v58+s11+$0x0], $0xffff;
	v49 =	vadd.f32 v50, v61  }
0x51b: {  	v61 =	vadd.s32 v5, v40;
	v50 =	vld.idx.msk [tilespmem:v60+s11+$0x0], $0xffff;
	v60 =	vmul.f32 v57, v46;
	v51 =	vmul.f32 v51, v34  }
0x51c: {  	[tilespmem:s29+$0x40] =	vst v49;
	v49 =	vadd.s32 v5, v37  }
0x51d: {  	v53 =	vld.idx.msk [tilespmem:v62+s11+$0x0], $0xffff;
	v51 =	vadd.f32 v51, v60  }
0x51e: {  	v52 =	vld.idx.msk [tilespmem:v63+s11+$0x0], $0xffff;
	v62 =	vmul.f32 v55, v47;
	v63 =	vadd.s32 v5, v38;
	v48 =	vmul.f32 v48, v39  }
0x51f: {  	v60 =	vadd.s32 v6, v44;
	[tilespmem:s30+$0x40] =	vst v51;
	v51 =	vadd.s32 v5, v36  }
0x520: {  	v56 =	vmul.f32 v56, v35;
	v50 =	vmul.f32 v50, v32;
	v57 =	vld.idx.msk [tilespmem:v61+s11+$0x0], $0xffff;
	v48 =	vadd.f32 v48, v62  }
0x521: {  	v61 =	vadd.s32 v6, v45;
	v49 =	vld.idx.msk [tilespmem:v49+s11+$0x0], $0xffff  }
0x522: {  	v50 =	vadd.f32 v50, v56;
	[tilespmem:s31+$0x40] =	vst v48  }
0x523: {  	v62 =	vmul.f32 v53, v43;
	v52 =	vmul.f32 v52, v33;
	v53 =	vadd.s32 v6, v41;
	v55 =	vld.idx.msk [tilespmem:v63+s11+$0x0], $0xffff  }
0x524: {  	[tilespmem:s0+$0x50] =	vst v50;
	v63 =	vadd.s32 v6, v42;
	v51 =	vld.idx.msk [tilespmem:v51+s11+$0x0], $0xffff  }
0x525: {  	v48 =	vadd.f32 v52, v62;
	v56 =	vld.idx.msk [tilespmem:v60+s11+$0x0], $0xffff  }
0x526: {  	v52 =	vld.idx.msk [tilespmem:v61+s11+$0x0], $0xffff;
	v60 =	vmul.f32 v57, v46;
	v61 =	vadd.s32 v6, v40;
	v49 =	vmul.f32 v49, v34  }
0x527: {  	v62 =	vadd.s32 v6, v37;
	[tilespmem:s29+$0x50] =	vst v48  }
0x528: {  	v53 =	vld.idx.msk [tilespmem:v53+s11+$0x0], $0xffff;
	v49 =	vadd.f32 v49, v60  }
0x529: {  	v60 =	vadd.s32 v6, v38;
	v50 =	vld.idx.msk [tilespmem:v63+s11+$0x0], $0xffff;
	v63 =	vmul.f32 v55, v47;
	v51 =	vmul.f32 v51, v39  }
0x52a: {  	v58 =	vadd.s32 v7, v44;
	[tilespmem:s30+$0x50] =	vst v49;
	v49 =	vadd.s32 v6, v36  }
0x52b: {  	v56 =	vmul.f32 v56, v35;
	v52 =	vmul.f32 v52, v32;
	v57 =	vld.idx.msk [tilespmem:v61+s11+$0x0], $0xffff;
	v51 =	vadd.f32 v51, v63  }
0x52c: {  	v61 =	vadd.s32 v7, v45;
	v48 =	vld.idx.msk [tilespmem:v62+s11+$0x0], $0xffff  }
0x52d: {  	v52 =	vadd.f32 v52, v56;
	[tilespmem:s31+$0x50] =	vst v51  }
0x52e: {  	v63 =	vadd.s32 v7, v41;
	v62 =	vmul.f32 v53, v43;
	v50 =	vmul.f32 v50, v33;
	v55 =	vld.idx.msk [tilespmem:v60+s11+$0x0], $0xffff  }
0x52f: {  	[tilespmem:s0+$0x60] =	vst v52;
	v60 =	vadd.s32 v7, v42;
	v49 =	vld.idx.msk [tilespmem:v49+s11+$0x0], $0xffff  }
0x530: {  	v56 =	vld.idx.msk [tilespmem:v58+s11+$0x0], $0xffff;
	v50 =	vadd.f32 v50, v62  }
0x531: {  	v51 =	vld.idx.msk [tilespmem:v61+s11+$0x0], $0xffff;
	v61 =	vmul.f32 v57, v46;
	v48 =	vmul.f32 v48, v34;
	v62 =	vadd.s32 v7, v40  }
0x532: {  	[tilespmem:s29+$0x60] =	vst v50;
	v50 =	vadd.s32 v7, v37  }
0x533: {  	v48 =	vadd.f32 v48, v61;
	v53 =	vld.idx.msk [tilespmem:v63+s11+$0x0], $0xffff  }
0x534: {  	v52 =	vld.idx.msk [tilespmem:v60+s11+$0x0], $0xffff;
	v63 =	vmul.f32 v55, v47;
	v60 =	vadd.s32 v7, v38;
	v49 =	vmul.f32 v49, v39  }
0x535: {  	v61 =	vadd.s32 v8, v44;
	[tilespmem:s30+$0x60] =	vst v48;
	v48 =	vadd.s32 v7, v36  }
0x536: {  	v56 =	vmul.f32 v56, v35;
	v51 =	vmul.f32 v51, v32;
	v57 =	vld.idx.msk [tilespmem:v62+s11+$0x0], $0xffff;
	v49 =	vadd.f32 v49, v63  }
0x537: {  	v62 =	vadd.s32 v8, v45;
	v50 =	vld.idx.msk [tilespmem:v50+s11+$0x0], $0xffff  }
0x538: {  	v51 =	vadd.f32 v51, v56;
	[tilespmem:s31+$0x60] =	vst v49  }
0x539: {  	v63 =	vmul.f32 v53, v43;
	v52 =	vmul.f32 v52, v33;
	v53 =	vadd.s32 v8, v41;
	v55 =	vld.idx.msk [tilespmem:v60+s11+$0x0], $0xffff  }
0x53a: {  	[tilespmem:s0+$0x70] =	vst v51;
	v60 =	vadd.s32 v8, v42;
	v48 =	vld.idx.msk [tilespmem:v48+s11+$0x0], $0xffff  }
0x53b: {  	v56 =	vld.idx.msk [tilespmem:v61+s11+$0x0], $0xffff;
	v49 =	vadd.f32 v52, v63  }
0x53c: {  	v52 =	vld.idx.msk [tilespmem:v62+s11+$0x0], $0xffff;
	v61 =	vmul.f32 v57, v46;
	v62 =	vadd.s32 v8, v40;
	v50 =	vmul.f32 v50, v34  }
0x53d: {  	v63 =	vadd.s32 v8, v37;
	[tilespmem:s29+$0x70] =	vst v49  }
0x53e: {  	v53 =	vld.idx.msk [tilespmem:v53+s11+$0x0], $0xffff;
	v50 =	vadd.f32 v50, v61  }
0x53f: {  	v51 =	vld.idx.msk [tilespmem:v60+s11+$0x0], $0xffff;
	v60 =	vmul.f32 v55, v47;
	v48 =	vmul.f32 v48, v39;
	v61 =	vadd.s32 v8, v38  }
0x540: {  	v58 =	vadd.s32 v9, v44;
	[tilespmem:s30+$0x70] =	vst v50;
	v50 =	vadd.s32 v8, v36  }
0x541: {  	v56 =	vmul.f32 v56, v35;
	v52 =	vmul.f32 v52, v32;
	v48 =	vadd.f32 v48, v60;
	v57 =	vld.idx.msk [tilespmem:v62+s11+$0x0], $0xffff  }
0x542: {  	v62 =	vadd.s32 v9, v45;
	v49 =	vld.idx.msk [tilespmem:v63+s11+$0x0], $0xffff  }
0x543: {  	v52 =	vadd.f32 v52, v56;
	[tilespmem:s31+$0x70] =	vst v48  }
0x544: {  	v60 =	vadd.s32 v9, v41;
	v63 =	vmul.f32 v53, v43;
	v51 =	vmul.f32 v51, v33;
	v55 =	vld.idx.msk [tilespmem:v61+s11+$0x0], $0xffff  }
0x545: {  	[tilespmem:s0+$0x400] =	vst v52;
	v61 =	vadd.s32 v9, v42;
	v50 =	vld.idx.msk [tilespmem:v50+s11+$0x0], $0xffff  }
0x546: {  	v56 =	vld.idx.msk [tilespmem:v58+s11+$0x0], $0xffff;
	v48 =	vadd.f32 v51, v63  }
0x547: {  	v63 =	vadd.s32 v9, v40;
	v51 =	vld.idx.msk [tilespmem:v62+s11+$0x0], $0xffff;
	v62 =	vmul.f32 v57, v46;
	v49 =	vmul.f32 v49, v34  }
0x548: {  	[tilespmem:s29+$0x400] =	vst v48;
	v48 =	vadd.s32 v9, v37  }
0x549: {  	v53 =	vld.idx.msk [tilespmem:v60+s11+$0x0], $0xffff;
	v49 =	vadd.f32 v49, v62  }
0x54a: {  	v52 =	vld.idx.msk [tilespmem:v61+s11+$0x0], $0xffff;
	v60 =	vmul.f32 v55, v47;
	v61 =	vadd.s32 v9, v38;
	v50 =	vmul.f32 v50, v39  }
0x54b: {  	v62 =	vadd.s32 v10, v44;
	[tilespmem:s30+$0x400] =	vst v49;
	v49 =	vadd.s32 v9, v36  }
0x54c: {  	v56 =	vmul.f32 v56, v35;
	v51 =	vmul.f32 v51, v32;
	v57 =	vld.idx.msk [tilespmem:v63+s11+$0x0], $0xffff;
	v50 =	vadd.f32 v50, v60  }
0x54d: {  	v63 =	vadd.s32 v10, v45;
	v48 =	vld.idx.msk [tilespmem:v48+s11+$0x0], $0xffff  }
0x54e: {  	v51 =	vadd.f32 v51, v56;
	[tilespmem:s31+$0x400] =	vst v50  }
0x54f: {  	v60 =	vmul.f32 v53, v43;
	v52 =	vmul.f32 v52, v33;
	v53 =	vadd.s32 v10, v41;
	v55 =	vld.idx.msk [tilespmem:v61+s11+$0x0], $0xffff  }
0x550: {  	[tilespmem:s0+$0x410] =	vst v51;
	v61 =	vadd.s32 v10, v42;
	v49 =	vld.idx.msk [tilespmem:v49+s11+$0x0], $0xffff  }
0x551: {  	v50 =	vadd.f32 v52, v60;
	v56 =	vld.idx.msk [tilespmem:v62+s11+$0x0], $0xffff  }
0x552: {  	v52 =	vld.idx.msk [tilespmem:v63+s11+$0x0], $0xffff;
	v62 =	vmul.f32 v57, v46;
	v63 =	vadd.s32 v10, v40;
	v48 =	vmul.f32 v48, v34  }
0x553: {  	v60 =	vadd.s32 v10, v37;
	[tilespmem:s29+$0x410] =	vst v50  }
0x554: {  	v53 =	vld.idx.msk [tilespmem:v53+s11+$0x0], $0xffff;
	v48 =	vadd.f32 v48, v62  }
0x555: {  	v62 =	vadd.s32 v10, v38;
	v51 =	vld.idx.msk [tilespmem:v61+s11+$0x0], $0xffff;
	v61 =	vmul.f32 v55, v47;
	v49 =	vmul.f32 v49, v39  }
0x556: {  	v58 =	vadd.s32 v11, v44;
	[tilespmem:s30+$0x410] =	vst v48;
	v48 =	vadd.s32 v10, v36  }
0x557: {  	v56 =	vmul.f32 v56, v35;
	v52 =	vmul.f32 v52, v32;
	v57 =	vld.idx.msk [tilespmem:v63+s11+$0x0], $0xffff;
	v49 =	vadd.f32 v49, v61  }
0x558: {  	v63 =	vadd.s32 v11, v45;
	v50 =	vld.idx.msk [tilespmem:v60+s11+$0x0], $0xffff  }
0x559: {  	v52 =	vadd.f32 v52, v56;
	[tilespmem:s31+$0x410] =	vst v49  }
0x55a: {  	v61 =	vadd.s32 v11, v41;
	v60 =	vmul.f32 v53, v43;
	v51 =	vmul.f32 v51, v33;
	v55 =	vld.idx.msk [tilespmem:v62+s11+$0x0], $0xffff  }
0x55b: {  	[tilespmem:s0+$0x420] =	vst v52;
	v62 =	vadd.s32 v11, v42;
	v48 =	vld.idx.msk [tilespmem:v48+s11+$0x0], $0xffff  }
0x55c: {  	v56 =	vld.idx.msk [tilespmem:v58+s11+$0x0], $0xffff;
	v49 =	vadd.f32 v51, v60  }
0x55d: {  	v51 =	vld.idx.msk [tilespmem:v63+s11+$0x0], $0xffff;
	v63 =	vmul.f32 v57, v46;
	v50 =	vmul.f32 v50, v34;
	v60 =	vadd.s32 v11, v40  }
0x55e: {  	[tilespmem:s29+$0x420] =	vst v49;
	v49 =	vadd.s32 v11, v37  }
0x55f: {  	v50 =	vadd.f32 v50, v63;
	v53 =	vld.idx.msk [tilespmem:v61+s11+$0x0], $0xffff  }
0x560: {  	v52 =	vld.idx.msk [tilespmem:v62+s11+$0x0], $0xffff;
	v61 =	vmul.f32 v55, v47;
	v62 =	vadd.s32 v11, v38;
	v48 =	vmul.f32 v48, v39  }
0x561: {  	v63 =	vadd.s32 v12, v44;
	[tilespmem:s30+$0x420] =	vst v50;
	v50 =	vadd.s32 v11, v36  }
0x562: {  	v56 =	vmul.f32 v56, v35;
	v51 =	vmul.f32 v51, v32;
	v57 =	vld.idx.msk [tilespmem:v60+s11+$0x0], $0xffff;
	v48 =	vadd.f32 v48, v61  }
0x563: {  	v60 =	vadd.s32 v12, v45;
	v49 =	vld.idx.msk [tilespmem:v49+s11+$0x0], $0xffff  }
0x564: {  	v51 =	vadd.f32 v51, v56;
	[tilespmem:s31+$0x420] =	vst v48  }
0x565: {  	v61 =	vmul.f32 v53, v43;
	v52 =	vmul.f32 v52, v33;
	v53 =	vadd.s32 v12, v41;
	v55 =	vld.idx.msk [tilespmem:v62+s11+$0x0], $0xffff  }
0x566: {  	[tilespmem:s0+$0x430] =	vst v51;
	v62 =	vadd.s32 v12, v42;
	v50 =	vld.idx.msk [tilespmem:v50+s11+$0x0], $0xffff  }
0x567: {  	v56 =	vld.idx.msk [tilespmem:v63+s11+$0x0], $0xffff;
	v48 =	vadd.f32 v52, v61  }
0x568: {  	v52 =	vld.idx.msk [tilespmem:v60+s11+$0x0], $0xffff;
	v63 =	vmul.f32 v57, v46;
	v60 =	vadd.s32 v12, v40;
	v49 =	vmul.f32 v49, v34  }
0x569: {  	v61 =	vadd.s32 v12, v37;
	[tilespmem:s29+$0x430] =	vst v48  }
0x56a: {  	v53 =	vld.idx.msk [tilespmem:v53+s11+$0x0], $0xffff;
	v49 =	vadd.f32 v49, v63  }
0x56b: {  	v51 =	vld.idx.msk [tilespmem:v62+s11+$0x0], $0xffff;
	v62 =	vmul.f32 v55, v47;
	v50 =	vmul.f32 v50, v39;
	v63 =	vadd.s32 v12, v38  }
0x56c: {  	v58 =	vadd.s32 v13, v44;
	[tilespmem:s30+$0x430] =	vst v49;
	v49 =	vadd.s32 v12, v36  }
0x56d: {  	v56 =	vmul.f32 v56, v35;
	v52 =	vmul.f32 v52, v32;
	v50 =	vadd.f32 v50, v62;
	v57 =	vld.idx.msk [tilespmem:v60+s11+$0x0], $0xffff  }
0x56e: {  	v60 =	vadd.s32 v13, v45;
	v48 =	vld.idx.msk [tilespmem:v61+s11+$0x0], $0xffff  }
0x56f: {  	v52 =	vadd.f32 v52, v56;
	[tilespmem:s31+$0x430] =	vst v50  }
0x570: {  	v62 =	vadd.s32 v13, v41;
	v61 =	vmul.f32 v53, v43;
	v51 =	vmul.f32 v51, v33;
	v55 =	vld.idx.msk [tilespmem:v63+s11+$0x0], $0xffff  }
0x571: {  	[tilespmem:s0+$0x440] =	vst v52;
	v63 =	vadd.s32 v13, v42;
	v49 =	vld.idx.msk [tilespmem:v49+s11+$0x0], $0xffff  }
0x572: {  	v56 =	vld.idx.msk [tilespmem:v58+s11+$0x0], $0xffff;
	v50 =	vadd.f32 v51, v61  }
0x573: {  	v61 =	vadd.s32 v13, v40;
	v51 =	vld.idx.msk [tilespmem:v60+s11+$0x0], $0xffff;
	v60 =	vmul.f32 v57, v46;
	v48 =	vmul.f32 v48, v34  }
0x574: {  	[tilespmem:s29+$0x440] =	vst v50;
	v50 =	vadd.s32 v13, v37  }
0x575: {  	v53 =	vld.idx.msk [tilespmem:v62+s11+$0x0], $0xffff;
	v48 =	vadd.f32 v48, v60  }
0x576: {  	v52 =	vld.idx.msk [tilespmem:v63+s11+$0x0], $0xffff;
	v62 =	vmul.f32 v55, v47;
	v63 =	vadd.s32 v13, v38;
	v49 =	vmul.f32 v49, v39  }
0x577: {  	v60 =	vadd.s32 v14, v44;
	[tilespmem:s30+$0x440] =	vst v48;
	v48 =	vadd.s32 v13, v36  }
0x578: {  	v56 =	vmul.f32 v56, v35;
	v51 =	vmul.f32 v51, v32;
	v57 =	vld.idx.msk [tilespmem:v61+s11+$0x0], $0xffff;
	v49 =	vadd.f32 v49, v62  }
0x579: {  	v61 =	vadd.s32 v14, v45;
	v50 =	vld.idx.msk [tilespmem:v50+s11+$0x0], $0xffff  }
0x57a: {  	v51 =	vadd.f32 v51, v56;
	[tilespmem:s31+$0x440] =	vst v49  }
0x57b: {  	v62 =	vmul.f32 v53, v43;
	v52 =	vmul.f32 v52, v33;
	v53 =	vadd.s32 v14, v41;
	v55 =	vld.idx.msk [tilespmem:v63+s11+$0x0], $0xffff  }
0x57c: {  	[tilespmem:s0+$0x450] =	vst v51;
	v63 =	vadd.s32 v14, v42;
	v48 =	vld.idx.msk [tilespmem:v48+s11+$0x0], $0xffff  }
0x57d: {  	v49 =	vadd.f32 v52, v62;
	v56 =	vld.idx.msk [tilespmem:v60+s11+$0x0], $0xffff  }
0x57e: {  	v52 =	vld.idx.msk [tilespmem:v61+s11+$0x0], $0xffff;
	v60 =	vmul.f32 v57, v46;
	v61 =	vadd.s32 v14, v40;
	v50 =	vmul.f32 v50, v34  }
0x57f: {  	v62 =	vadd.s32 v14, v37;
	[tilespmem:s29+$0x450] =	vst v49  }
0x580: {  	v53 =	vld.idx.msk [tilespmem:v53+s11+$0x0], $0xffff;
	v50 =	vadd.f32 v50, v60  }
0x581: {  	v60 =	vadd.s32 v14, v38;
	v51 =	vld.idx.msk [tilespmem:v63+s11+$0x0], $0xffff;
	v63 =	vmul.f32 v55, v47;
	v48 =	vmul.f32 v48, v39  }
0x582: {  	v58 =	vadd.s32 v15, v44;
	[tilespmem:s30+$0x450] =	vst v50;
	v50 =	vadd.s32 v14, v36  }
0x583: {  	v56 =	vmul.f32 v56, v35;
	v52 =	vmul.f32 v52, v32;
	v57 =	vld.idx.msk [tilespmem:v61+s11+$0x0], $0xffff;
	v48 =	vadd.f32 v48, v63  }
0x584: {  	v61 =	vadd.s32 v15, v45;
	v49 =	vld.idx.msk [tilespmem:v62+s11+$0x0], $0xffff  }
0x585: {  	v52 =	vadd.f32 v52, v56;
	[tilespmem:s31+$0x450] =	vst v48  }
0x586: {  	v63 =	vadd.s32 v15, v41;
	v62 =	vmul.f32 v53, v43;
	v51 =	vmul.f32 v51, v33;
	v55 =	vld.idx.msk [tilespmem:v60+s11+$0x0], $0xffff  }
0x587: {  	[tilespmem:s0+$0x460] =	vst v52;
	v60 =	vadd.s32 v15, v42;
	v50 =	vld.idx.msk [tilespmem:v50+s11+$0x0], $0xffff  }
0x588: {  	v56 =	vld.idx.msk [tilespmem:v58+s11+$0x0], $0xffff;
	v48 =	vadd.f32 v51, v62  }
0x589: {  	v51 =	vld.idx.msk [tilespmem:v61+s11+$0x0], $0xffff;
	v61 =	vmul.f32 v57, v46;
	v49 =	vmul.f32 v49, v34;
	v62 =	vadd.s32 v15, v40  }
0x58a: {  	[tilespmem:s29+$0x460] =	vst v48;
	v48 =	vadd.s32 v15, v37  }
0x58b: {  	v49 =	vadd.f32 v49, v61;
	v53 =	vld.idx.msk [tilespmem:v63+s11+$0x0], $0xffff  }
0x58c: {  	v52 =	vld.idx.msk [tilespmem:v60+s11+$0x0], $0xffff;
	v63 =	vmul.f32 v55, v47;
	v60 =	vadd.s32 v15, v38;
	v50 =	vmul.f32 v50, v39  }
0x58d: {  	v61 =	vadd.s32 v16, v44;
	[tilespmem:s30+$0x460] =	vst v49;
	v49 =	vadd.s32 v15, v36  }
0x58e: {  	v56 =	vmul.f32 v56, v35;
	v51 =	vmul.f32 v51, v32;
	v57 =	vld.idx.msk [tilespmem:v62+s11+$0x0], $0xffff;
	v50 =	vadd.f32 v50, v63  }
0x58f: {  	v62 =	vadd.s32 v16, v45;
	v48 =	vld.idx.msk [tilespmem:v48+s11+$0x0], $0xffff  }
0x590: {  	v51 =	vadd.f32 v51, v56;
	[tilespmem:s31+$0x460] =	vst v50  }
0x591: {  	v63 =	vmul.f32 v53, v43;
	v52 =	vmul.f32 v52, v33;
	v53 =	vadd.s32 v16, v41;
	v55 =	vld.idx.msk [tilespmem:v60+s11+$0x0], $0xffff  }
0x592: {  	[tilespmem:s0+$0x470] =	vst v51;
	v60 =	vadd.s32 v16, v42;
	v49 =	vld.idx.msk [tilespmem:v49+s11+$0x0], $0xffff  }
0x593: {  	v56 =	vld.idx.msk [tilespmem:v61+s11+$0x0], $0xffff;
	v50 =	vadd.f32 v52, v63  }
0x594: {  	v52 =	vld.idx.msk [tilespmem:v62+s11+$0x0], $0xffff;
	v61 =	vmul.f32 v57, v46;
	v62 =	vadd.s32 v16, v40;
	v48 =	vmul.f32 v48, v34  }
0x595: {  	v63 =	vadd.s32 v16, v37;
	[tilespmem:s29+$0x470] =	vst v50  }
0x596: {  	v53 =	vld.idx.msk [tilespmem:v53+s11+$0x0], $0xffff;
	v48 =	vadd.f32 v48, v61  }
0x597: {  	v51 =	vld.idx.msk [tilespmem:v60+s11+$0x0], $0xffff;
	v60 =	vmul.f32 v55, v47;
	v49 =	vmul.f32 v49, v39;
	v61 =	vadd.s32 v16, v38  }
0x598: {  	v58 =	vadd.s32 v17, v44;
	s0 =	simm.s32 $0x1;
	[tilespmem:s30+$0x470] =	vst v48;
	v48 =	vadd.s32 v16, v36  }
0x599: {  	s0 =	simm.s32 @!p0 $0x0;
	v56 =	vmul.f32 v56, v35;
	v52 =	vmul.f32 v52, v32;
	v49 =	vadd.f32 v49, v60;
	v57 =	vld.idx.msk [tilespmem:v62+s11+$0x0], $0xffff  }
0x59a: {  	s0 =	sshll.u32 s0, $0x9;
	v62 =	vadd.s32 v17, v45;
	v50 =	vld.idx.msk [tilespmem:v63+s11+$0x0], $0xffff  }
0x59b: {  	s29 =	sadd.s32 s0, s26;
	s30 =	sand.u32 $0x7, s28;
	v52 =	vadd.f32 v52, v56;
	[tilespmem:s31+$0x470] =	vst v49  }
0x59c: {  	v60 =	vadd.s32 v17, v41;
	s3 =	sshll.u32 s30, $0x7;
	s30 =	sor.u32 $0x800, s29;
	v63 =	vmul.f32 v53, v43;
	v51 =	vmul.f32 v51, v33;
	v55 =	vld.idx.msk [tilespmem:v61+s11+$0x0], $0xffff  }
0x59d: {  	s0 =	sadd.s32 s26, s3;
	[tilespmem:s30+$0x4980] =	vst v52;
	v61 =	vadd.s32 v17, v42;
	v48 =	vld.idx.msk [tilespmem:v48+s11+$0x0], $0xffff  }
0x59e: {  	s31 =	sand.u32 $0x3, s23;
	s30 =	sadd.s32 $0x80, s0;
	v56 =	vld.idx.msk [tilespmem:v58+s11+$0x0], $0xffff;
	v49 =	vadd.f32 v51, v63  }
0x59f: {  	s3 =	sshll.u32 s31, $0x8;
	s31 =	sor.u32 $0x800, s30;
	v63 =	vadd.s32 v17, v40;
	v51 =	vld.idx.msk [tilespmem:v62+s11+$0x0], $0xffff;
	v62 =	vmul.f32 v57, v46;
	v50 =	vmul.f32 v50, v34  }
0x5a0: {  	s3 =	sadd.s32 s26, s3;
	[tilespmem:s31+$0x4980] =	vst v49;
	v49 =	vadd.s32 v17, v37  }
0x5a1: {  	s31 =	sadd.s32 $0x100, s3;
	v53 =	vld.idx.msk [tilespmem:v60+s11+$0x0], $0xffff;
	v50 =	vadd.f32 v50, v62  }
0x5a2: {  	v52 =	vld.idx.msk [tilespmem:v61+s11+$0x0], $0xffff;
	s3 =	sor.u32 $0x800, s31;
	v60 =	vmul.f32 v55, v47;
	v61 =	vadd.s32 v17, v38;
	v48 =	vmul.f32 v48, v39  }
0x5a3: {  	v62 =	vadd.s32 v18, v44;
	[tilespmem:s3+$0x4980] =	vst v50;
	v50 =	vadd.s32 v17, v36  }
0x5a4: {  	s0 =	sadd.s32 $0x180, s0;
	v56 =	vmul.f32 v56, v35;
	v51 =	vmul.f32 v51, v32;
	v57 =	vld.idx.msk [tilespmem:v63+s11+$0x0], $0xffff;
	v48 =	vadd.f32 v48, v60  }
0x5a5: {  	s3 =	sor.u32 $0x800, s0;
	v63 =	vadd.s32 v18, v45;
	v49 =	vld.idx.msk [tilespmem:v49+s11+$0x0], $0xffff  }
0x5a6: {  	v51 =	vadd.f32 v51, v56;
	[tilespmem:s3+$0x4980] =	vst v48  }
0x5a7: {  	v60 =	vmul.f32 v53, v43;
	v52 =	vmul.f32 v52, v33;
	v53 =	vadd.s32 v18, v41;
	s3 =	sor.u32 $0x810, s29;
	v55 =	vld.idx.msk [tilespmem:v61+s11+$0x0], $0xffff  }
0x5a8: {  	[tilespmem:s3+$0x4980] =	vst v51;
	v61 =	vadd.s32 v18, v42;
	v50 =	vld.idx.msk [tilespmem:v50+s11+$0x0], $0xffff  }
0x5a9: {  	v48 =	vadd.f32 v52, v60;
	v56 =	vld.idx.msk [tilespmem:v62+s11+$0x0], $0xffff  }
0x5aa: {  	s3 =	sor.u32 $0x810, s30;
	v52 =	vld.idx.msk [tilespmem:v63+s11+$0x0], $0xffff;
	v62 =	vmul.f32 v57, v46;
	v63 =	vadd.s32 v18, v40;
	v49 =	vmul.f32 v49, v34  }
0x5ab: {  	v60 =	vadd.s32 v18, v37;
	[tilespmem:s3+$0x4980] =	vst v48  }
0x5ac: {  	v53 =	vld.idx.msk [tilespmem:v53+s11+$0x0], $0xffff;
	v49 =	vadd.f32 v49, v62  }
0x5ad: {  	s3 =	sor.u32 $0x810, s31;
	v62 =	vadd.s32 v18, v38;
	v51 =	vld.idx.msk [tilespmem:v61+s11+$0x0], $0xffff;
	v61 =	vmul.f32 v55, v47;
	v50 =	vmul.f32 v50, v39  }
0x5ae: {  	v58 =	vadd.s32 v19, v44;
	[tilespmem:s3+$0x4980] =	vst v49;
	v49 =	vadd.s32 v18, v36  }
0x5af: {  	v56 =	vmul.f32 v56, v35;
	v52 =	vmul.f32 v52, v32;
	v57 =	vld.idx.msk [tilespmem:v63+s11+$0x0], $0xffff;
	v50 =	vadd.f32 v50, v61  }
0x5b0: {  	s3 =	sor.u32 $0x810, s0;
	v63 =	vadd.s32 v19, v45;
	v48 =	vld.idx.msk [tilespmem:v60+s11+$0x0], $0xffff  }
0x5b1: {  	v52 =	vadd.f32 v52, v56;
	[tilespmem:s3+$0x4980] =	vst v50  }
0x5b2: {  	v61 =	vadd.s32 v19, v41;
	v60 =	vmul.f32 v53, v43;
	s3 =	sor.u32 $0x820, s29;
	v51 =	vmul.f32 v51, v33;
	v55 =	vld.idx.msk [tilespmem:v62+s11+$0x0], $0xffff  }
0x5b3: {  	[tilespmem:s3+$0x4980] =	vst v52;
	v62 =	vadd.s32 v19, v42;
	v49 =	vld.idx.msk [tilespmem:v49+s11+$0x0], $0xffff  }
0x5b4: {  	v56 =	vld.idx.msk [tilespmem:v58+s11+$0x0], $0xffff;
	v50 =	vadd.f32 v51, v60  }
0x5b5: {  	s3 =	sor.u32 $0x820, s30;
	v51 =	vld.idx.msk [tilespmem:v63+s11+$0x0], $0xffff;
	v63 =	vmul.f32 v57, v46;
	v48 =	vmul.f32 v48, v34;
	v60 =	vadd.s32 v19, v40  }
0x5b6: {  	[tilespmem:s3+$0x4980] =	vst v50;
	v50 =	vadd.s32 v19, v37  }
0x5b7: {  	v48 =	vadd.f32 v48, v63;
	v53 =	vld.idx.msk [tilespmem:v61+s11+$0x0], $0xffff  }
0x5b8: {  	s3 =	sor.u32 $0x820, s31;
	v52 =	vld.idx.msk [tilespmem:v62+s11+$0x0], $0xffff;
	v61 =	vmul.f32 v55, v47;
	v62 =	vadd.s32 v19, v38;
	v49 =	vmul.f32 v49, v39  }
0x5b9: {  	v63 =	vadd.s32 v20, v44;
	[tilespmem:s3+$0x4980] =	vst v48;
	v48 =	vadd.s32 v19, v36  }
0x5ba: {  	v56 =	vmul.f32 v56, v35;
	v51 =	vmul.f32 v51, v32;
	v57 =	vld.idx.msk [tilespmem:v60+s11+$0x0], $0xffff;
	v49 =	vadd.f32 v49, v61  }
0x5bb: {  	s3 =	sor.u32 $0x820, s0;
	v60 =	vadd.s32 v20, v45;
	v50 =	vld.idx.msk [tilespmem:v50+s11+$0x0], $0xffff  }
0x5bc: {  	v51 =	vadd.f32 v51, v56;
	[tilespmem:s3+$0x4980] =	vst v49  }
0x5bd: {  	s3 =	sor.u32 $0x830, s29;
	v61 =	vmul.f32 v53, v43;
	v52 =	vmul.f32 v52, v33;
	v53 =	vadd.s32 v20, v41;
	v55 =	vld.idx.msk [tilespmem:v62+s11+$0x0], $0xffff  }
0x5be: {  	[tilespmem:s3+$0x4980] =	vst v51;
	v62 =	vadd.s32 v20, v42;
	v48 =	vld.idx.msk [tilespmem:v48+s11+$0x0], $0xffff  }
0x5bf: {  	v56 =	vld.idx.msk [tilespmem:v63+s11+$0x0], $0xffff;
	v49 =	vadd.f32 v52, v61  }
0x5c0: {  	s3 =	sor.u32 $0x830, s30;
	v52 =	vld.idx.msk [tilespmem:v60+s11+$0x0], $0xffff;
	v63 =	vmul.f32 v57, v46;
	v60 =	vadd.s32 v20, v40;
	v50 =	vmul.f32 v50, v34  }
0x5c1: {  	v61 =	vadd.s32 v20, v37;
	[tilespmem:s3+$0x4980] =	vst v49  }
0x5c2: {  	v53 =	vld.idx.msk [tilespmem:v53+s11+$0x0], $0xffff;
	v50 =	vadd.f32 v50, v63  }
0x5c3: {  	s3 =	sor.u32 $0x830, s31;
	v51 =	vld.idx.msk [tilespmem:v62+s11+$0x0], $0xffff;
	v62 =	vmul.f32 v55, v47;
	v48 =	vmul.f32 v48, v39;
	v63 =	vadd.s32 v20, v38  }
0x5c4: {  	v58 =	vadd.s32 v21, v44;
	[tilespmem:s3+$0x4980] =	vst v50;
	v50 =	vadd.s32 v20, v36  }
0x5c5: {  	v56 =	vmul.f32 v56, v35;
	v52 =	vmul.f32 v52, v32;
	v48 =	vadd.f32 v48, v62;
	v57 =	vld.idx.msk [tilespmem:v60+s11+$0x0], $0xffff  }
0x5c6: {  	s3 =	sor.u32 $0x830, s0;
	v60 =	vadd.s32 v21, v45;
	v49 =	vld.idx.msk [tilespmem:v61+s11+$0x0], $0xffff  }
0x5c7: {  	v52 =	vadd.f32 v52, v56;
	[tilespmem:s3+$0x4980] =	vst v48  }
0x5c8: {  	v62 =	vadd.s32 v21, v41;
	s3 =	sor.u32 $0x840, s29;
	v61 =	vmul.f32 v53, v43;
	v51 =	vmul.f32 v51, v33;
	v55 =	vld.idx.msk [tilespmem:v63+s11+$0x0], $0xffff  }
0x5c9: {  	[tilespmem:s3+$0x4980] =	vst v52;
	v63 =	vadd.s32 v21, v42;
	v50 =	vld.idx.msk [tilespmem:v50+s11+$0x0], $0xffff  }
0x5ca: {  	v56 =	vld.idx.msk [tilespmem:v58+s11+$0x0], $0xffff;
	v48 =	vadd.f32 v51, v61  }
0x5cb: {  	s3 =	sor.u32 $0x840, s30;
	v61 =	vadd.s32 v21, v40;
	v51 =	vld.idx.msk [tilespmem:v60+s11+$0x0], $0xffff;
	v60 =	vmul.f32 v57, v46;
	v49 =	vmul.f32 v49, v34  }
0x5cc: {  	[tilespmem:s3+$0x4980] =	vst v48;
	v48 =	vadd.s32 v21, v37  }
0x5cd: {  	v53 =	vld.idx.msk [tilespmem:v62+s11+$0x0], $0xffff;
	v49 =	vadd.f32 v49, v60  }
0x5ce: {  	s3 =	sor.u32 $0x840, s31;
	v52 =	vld.idx.msk [tilespmem:v63+s11+$0x0], $0xffff;
	v62 =	vmul.f32 v55, v47;
	v63 =	vadd.s32 v21, v38;
	v50 =	vmul.f32 v50, v39  }
0x5cf: {  	v60 =	vadd.s32 v22, v44;
	[tilespmem:s3+$0x4980] =	vst v49;
	v49 =	vadd.s32 v21, v36  }
0x5d0: {  	v56 =	vmul.f32 v56, v35;
	v51 =	vmul.f32 v51, v32;
	v57 =	vld.idx.msk [tilespmem:v61+s11+$0x0], $0xffff;
	v50 =	vadd.f32 v50, v62  }
0x5d1: {  	s3 =	sor.u32 $0x840, s0;
	v61 =	vadd.s32 v22, v45;
	v48 =	vld.idx.msk [tilespmem:v48+s11+$0x0], $0xffff  }
0x5d2: {  	v51 =	vadd.f32 v51, v56;
	[tilespmem:s3+$0x4980] =	vst v50  }
0x5d3: {  	v62 =	vmul.f32 v53, v43;
	v52 =	vmul.f32 v52, v33;
	v53 =	vadd.s32 v22, v41;
	s3 =	sor.u32 $0x850, s29;
	v55 =	vld.idx.msk [tilespmem:v63+s11+$0x0], $0xffff  }
0x5d4: {  	[tilespmem:s3+$0x4980] =	vst v51;
	v63 =	vadd.s32 v22, v42;
	v49 =	vld.idx.msk [tilespmem:v49+s11+$0x0], $0xffff  }
0x5d5: {  	v50 =	vadd.f32 v52, v62;
	v56 =	vld.idx.msk [tilespmem:v60+s11+$0x0], $0xffff  }
0x5d6: {  	s3 =	sor.u32 $0x850, s30;
	v52 =	vld.idx.msk [tilespmem:v61+s11+$0x0], $0xffff;
	v60 =	vmul.f32 v57, v46;
	v61 =	vadd.s32 v22, v40;
	v48 =	vmul.f32 v48, v34  }
0x5d7: {  	v62 =	vadd.s32 v22, v37;
	[tilespmem:s3+$0x4980] =	vst v50  }
0x5d8: {  	v53 =	vld.idx.msk [tilespmem:v53+s11+$0x0], $0xffff;
	v48 =	vadd.f32 v48, v60  }
0x5d9: {  	s3 =	sor.u32 $0x850, s31;
	v60 =	vadd.s32 v22, v38;
	v51 =	vld.idx.msk [tilespmem:v63+s11+$0x0], $0xffff;
	v63 =	vmul.f32 v55, v47;
	v49 =	vmul.f32 v49, v39  }
0x5da: {  	v58 =	vadd.s32 v23, v44;
	[tilespmem:s3+$0x4980] =	vst v48;
	v48 =	vadd.s32 v22, v36  }
0x5db: {  	v56 =	vmul.f32 v56, v35;
	v52 =	vmul.f32 v52, v32;
	v57 =	vld.idx.msk [tilespmem:v61+s11+$0x0], $0xffff;
	v49 =	vadd.f32 v49, v63  }
0x5dc: {  	s3 =	sor.u32 $0x850, s0;
	v61 =	vadd.s32 v23, v45;
	v50 =	vld.idx.msk [tilespmem:v62+s11+$0x0], $0xffff  }
0x5dd: {  	v52 =	vadd.f32 v52, v56;
	[tilespmem:s3+$0x4980] =	vst v49  }
0x5de: {  	v63 =	vadd.s32 v23, v41;
	v62 =	vmul.f32 v53, v43;
	s3 =	sor.u32 $0x860, s29;
	v51 =	vmul.f32 v51, v33;
	v55 =	vld.idx.msk [tilespmem:v60+s11+$0x0], $0xffff  }
0x5df: {  	[tilespmem:s3+$0x4980] =	vst v52;
	v60 =	vadd.s32 v23, v42;
	v48 =	vld.idx.msk [tilespmem:v48+s11+$0x0], $0xffff  }
0x5e0: {  	v56 =	vld.idx.msk [tilespmem:v58+s11+$0x0], $0xffff;
	v49 =	vadd.f32 v51, v62  }
0x5e1: {  	s3 =	sor.u32 $0x860, s30;
	v51 =	vld.idx.msk [tilespmem:v61+s11+$0x0], $0xffff;
	v61 =	vmul.f32 v57, v46;
	v50 =	vmul.f32 v50, v34;
	v62 =	vadd.s32 v23, v40  }
0x5e2: {  	[tilespmem:s3+$0x4980] =	vst v49;
	v49 =	vadd.s32 v23, v37  }
0x5e3: {  	v50 =	vadd.f32 v50, v61;
	v53 =	vld.idx.msk [tilespmem:v63+s11+$0x0], $0xffff  }
0x5e4: {  	s3 =	sor.u32 $0x860, s31;
	v52 =	vld.idx.msk [tilespmem:v60+s11+$0x0], $0xffff;
	v63 =	vmul.f32 v55, v47;
	v60 =	vadd.s32 v23, v38;
	v48 =	vmul.f32 v48, v39  }
0x5e5: {  	v61 =	vadd.s32 v24, v44;
	[tilespmem:s3+$0x4980] =	vst v50;
	v50 =	vadd.s32 v23, v36  }
0x5e6: {  	v56 =	vmul.f32 v56, v35;
	v51 =	vmul.f32 v51, v32;
	v57 =	vld.idx.msk [tilespmem:v62+s11+$0x0], $0xffff;
	v48 =	vadd.f32 v48, v63  }
0x5e7: {  	s3 =	sor.u32 $0x860, s0;
	v62 =	vadd.s32 v24, v45;
	v49 =	vld.idx.msk [tilespmem:v49+s11+$0x0], $0xffff  }
0x5e8: {  	v51 =	vadd.f32 v51, v56;
	[tilespmem:s3+$0x4980] =	vst v48  }
0x5e9: {  	s3 =	sor.u32 $0x870, s29;
	v63 =	vmul.f32 v53, v43;
	v52 =	vmul.f32 v52, v33;
	v53 =	vadd.s32 v24, v41;
	v55 =	vld.idx.msk [tilespmem:v60+s11+$0x0], $0xffff  }
0x5ea: {  	[tilespmem:s3+$0x4980] =	vst v51;
	v60 =	vadd.s32 v24, v42;
	v50 =	vld.idx.msk [tilespmem:v50+s11+$0x0], $0xffff  }
0x5eb: {  	v56 =	vld.idx.msk [tilespmem:v61+s11+$0x0], $0xffff;
	v48 =	vadd.f32 v52, v63  }
0x5ec: {  	s3 =	sor.u32 $0x870, s30;
	v52 =	vld.idx.msk [tilespmem:v62+s11+$0x0], $0xffff;
	v61 =	vmul.f32 v57, v46;
	v62 =	vadd.s32 v24, v40;
	v49 =	vmul.f32 v49, v34  }
0x5ed: {  	v63 =	vadd.s32 v24, v37;
	[tilespmem:s3+$0x4980] =	vst v48  }
0x5ee: {  	v53 =	vld.idx.msk [tilespmem:v53+s11+$0x0], $0xffff;
	v49 =	vadd.f32 v49, v61  }
0x5ef: {  	s3 =	sor.u32 $0x870, s31;
	v51 =	vld.idx.msk [tilespmem:v60+s11+$0x0], $0xffff;
	v60 =	vmul.f32 v55, v47;
	v50 =	vmul.f32 v50, v39;
	v61 =	vadd.s32 v24, v38  }
0x5f0: {  	v58 =	vadd.s32 v25, v44;
	[tilespmem:s3+$0x4980] =	vst v49;
	v49 =	vadd.s32 v24, v36  }
0x5f1: {  	v56 =	vmul.f32 v56, v35;
	v52 =	vmul.f32 v52, v32;
	v50 =	vadd.f32 v50, v60;
	v57 =	vld.idx.msk [tilespmem:v62+s11+$0x0], $0xffff  }
0x5f2: {  	s3 =	sor.u32 $0x870, s0;
	v62 =	vadd.s32 v25, v45;
	v48 =	vld.idx.msk [tilespmem:v63+s11+$0x0], $0xffff  }
0x5f3: {  	v52 =	vadd.f32 v52, v56;
	[tilespmem:s3+$0x4980] =	vst v50  }
0x5f4: {  	v60 =	vadd.s32 v25, v41;
	s3 =	sor.u32 $0xC00, s29;
	v63 =	vmul.f32 v53, v43;
	v51 =	vmul.f32 v51, v33;
	v55 =	vld.idx.msk [tilespmem:v61+s11+$0x0], $0xffff  }
0x5f5: {  	[tilespmem:s3+$0x4980] =	vst v52;
	v61 =	vadd.s32 v25, v42;
	v49 =	vld.idx.msk [tilespmem:v49+s11+$0x0], $0xffff  }
0x5f6: {  	v56 =	vld.idx.msk [tilespmem:v58+s11+$0x0], $0xffff;
	v50 =	vadd.f32 v51, v63  }
0x5f7: {  	s3 =	sor.u32 $0xC00, s30;
	v63 =	vadd.s32 v25, v40;
	v51 =	vld.idx.msk [tilespmem:v62+s11+$0x0], $0xffff;
	v62 =	vmul.f32 v57, v46;
	v48 =	vmul.f32 v48, v34  }
0x5f8: {  	[tilespmem:s3+$0x4980] =	vst v50;
	v50 =	vadd.s32 v25, v37  }
0x5f9: {  	v53 =	vld.idx.msk [tilespmem:v60+s11+$0x0], $0xffff;
	v48 =	vadd.f32 v48, v62  }
0x5fa: {  	s3 =	sor.u32 $0xC00, s31;
	v52 =	vld.idx.msk [tilespmem:v61+s11+$0x0], $0xffff;
	v60 =	vmul.f32 v55, v47;
	v61 =	vadd.s32 v25, v38;
	v49 =	vmul.f32 v49, v39  }
0x5fb: {  	v62 =	vadd.s32 v26, v44;
	[tilespmem:s3+$0x4980] =	vst v48;
	v48 =	vadd.s32 v25, v36  }
0x5fc: {  	v56 =	vmul.f32 v56, v35;
	v51 =	vmul.f32 v51, v32;
	v57 =	vld.idx.msk [tilespmem:v63+s11+$0x0], $0xffff;
	v49 =	vadd.f32 v49, v60  }
0x5fd: {  	s3 =	sor.u32 $0xC00, s0;
	v63 =	vadd.s32 v26, v45;
	v50 =	vld.idx.msk [tilespmem:v50+s11+$0x0], $0xffff  }
0x5fe: {  	v51 =	vadd.f32 v51, v56;
	[tilespmem:s3+$0x4980] =	vst v49  }
0x5ff: {  	v60 =	vmul.f32 v53, v43;
	v52 =	vmul.f32 v52, v33;
	v53 =	vadd.s32 v26, v41;
	s3 =	sor.u32 $0xC10, s29;
	v55 =	vld.idx.msk [tilespmem:v61+s11+$0x0], $0xffff  }
0x600: {  	[tilespmem:s3+$0x4980] =	vst v51;
	v61 =	vadd.s32 v26, v42;
	v48 =	vld.idx.msk [tilespmem:v48+s11+$0x0], $0xffff  }
0x601: {  	v49 =	vadd.f32 v52, v60;
	v56 =	vld.idx.msk [tilespmem:v62+s11+$0x0], $0xffff  }
0x602: {  	s3 =	sor.u32 $0xC10, s30;
	v52 =	vld.idx.msk [tilespmem:v63+s11+$0x0], $0xffff;
	v62 =	vmul.f32 v57, v46;
	v63 =	vadd.s32 v26, v40;
	v50 =	vmul.f32 v50, v34  }
0x603: {  	v60 =	vadd.s32 v26, v37;
	[tilespmem:s3+$0x4980] =	vst v49  }
0x604: {  	v53 =	vld.idx.msk [tilespmem:v53+s11+$0x0], $0xffff;
	v50 =	vadd.f32 v50, v62  }
0x605: {  	s3 =	sor.u32 $0xC10, s31;
	v62 =	vadd.s32 v26, v38;
	v51 =	vld.idx.msk [tilespmem:v61+s11+$0x0], $0xffff;
	v61 =	vmul.f32 v55, v47;
	v48 =	vmul.f32 v48, v39  }
0x606: {  	v58 =	vadd.s32 v27, v44;
	[tilespmem:s3+$0x4980] =	vst v50;
	v50 =	vadd.s32 v26, v36  }
0x607: {  	v56 =	vmul.f32 v56, v35;
	v52 =	vmul.f32 v52, v32;
	v57 =	vld.idx.msk [tilespmem:v63+s11+$0x0], $0xffff;
	v48 =	vadd.f32 v48, v61  }
0x608: {  	s3 =	sor.u32 $0xC10, s0;
	v63 =	vadd.s32 v27, v45;
	v49 =	vld.idx.msk [tilespmem:v60+s11+$0x0], $0xffff  }
0x609: {  	v52 =	vadd.f32 v52, v56;
	[tilespmem:s3+$0x4980] =	vst v48  }
0x60a: {  	v61 =	vadd.s32 v27, v41;
	v60 =	vmul.f32 v53, v43;
	s3 =	sor.u32 $0xC20, s29;
	v51 =	vmul.f32 v51, v33;
	v55 =	vld.idx.msk [tilespmem:v62+s11+$0x0], $0xffff  }
0x60b: {  	[tilespmem:s3+$0x4980] =	vst v52;
	v62 =	vadd.s32 v27, v42;
	v50 =	vld.idx.msk [tilespmem:v50+s11+$0x0], $0xffff  }
0x60c: {  	v56 =	vld.idx.msk [tilespmem:v58+s11+$0x0], $0xffff;
	v48 =	vadd.f32 v51, v60  }
0x60d: {  	s3 =	sor.u32 $0xC20, s30;
	v51 =	vld.idx.msk [tilespmem:v63+s11+$0x0], $0xffff;
	v63 =	vmul.f32 v57, v46;
	v49 =	vmul.f32 v49, v34;
	v60 =	vadd.s32 v27, v40  }
0x60e: {  	[tilespmem:s3+$0x4980] =	vst v48;
	v48 =	vadd.s32 v27, v37  }
0x60f: {  	v49 =	vadd.f32 v49, v63;
	v53 =	vld.idx.msk [tilespmem:v61+s11+$0x0], $0xffff  }
0x610: {  	s3 =	sor.u32 $0xC20, s31;
	v52 =	vld.idx.msk [tilespmem:v62+s11+$0x0], $0xffff;
	v61 =	vmul.f32 v55, v47;
	v62 =	vadd.s32 v27, v38;
	v50 =	vmul.f32 v50, v39  }
0x611: {  	v63 =	vadd.s32 v28, v44;
	[tilespmem:s3+$0x4980] =	vst v49;
	v49 =	vadd.s32 v27, v36  }
0x612: {  	v56 =	vmul.f32 v56, v35;
	v51 =	vmul.f32 v51, v32;
	v57 =	vld.idx.msk [tilespmem:v60+s11+$0x0], $0xffff;
	v50 =	vadd.f32 v50, v61  }
0x613: {  	s3 =	sor.u32 $0xC20, s0;
	v60 =	vadd.s32 v28, v45;
	v48 =	vld.idx.msk [tilespmem:v48+s11+$0x0], $0xffff  }
0x614: {  	v51 =	vadd.f32 v51, v56;
	[tilespmem:s3+$0x4980] =	vst v50  }
0x615: {  	s3 =	sor.u32 $0xC30, s29;
	v61 =	vmul.f32 v53, v43;
	v52 =	vmul.f32 v52, v33;
	v53 =	vadd.s32 v28, v41;
	v55 =	vld.idx.msk [tilespmem:v62+s11+$0x0], $0xffff  }
0x616: {  	[tilespmem:s3+$0x4980] =	vst v51;
	v62 =	vadd.s32 v28, v42;
	v49 =	vld.idx.msk [tilespmem:v49+s11+$0x0], $0xffff  }
0x617: {  	v56 =	vld.idx.msk [tilespmem:v63+s11+$0x0], $0xffff;
	v50 =	vadd.f32 v52, v61  }
0x618: {  	s3 =	sor.u32 $0xC30, s30;
	v52 =	vld.idx.msk [tilespmem:v60+s11+$0x0], $0xffff;
	v63 =	vmul.f32 v57, v46;
	v60 =	vadd.s32 v28, v40;
	v48 =	vmul.f32 v48, v34  }
0x619: {  	v61 =	vadd.s32 v28, v37;
	[tilespmem:s3+$0x4980] =	vst v50  }
0x61a: {  	v53 =	vld.idx.msk [tilespmem:v53+s11+$0x0], $0xffff;
	v48 =	vadd.f32 v48, v63  }
0x61b: {  	s3 =	sor.u32 $0xC30, s31;
	v51 =	vld.idx.msk [tilespmem:v62+s11+$0x0], $0xffff;
	v62 =	vmul.f32 v55, v47;
	v49 =	vmul.f32 v49, v39;
	v63 =	vadd.s32 v28, v38  }
0x61c: {  	[tilespmem:s3+$0x4980] =	vst v48;
	v48 =	vadd.s32 v28, v36  }
0x61d: {  	v49 =	vadd.f32 v49, v62;
	v57 =	vld.idx.msk [tilespmem:v60+s11+$0x0], $0xffff  }
0x61e: {  	v56 =	vmul.f32 v56, v35;
	v52 =	vmul.f32 v52, v32;
	s3 =	sor.u32 $0xC30, s0;
	v60 =	vadd.s32 v29, v45;
	v50 =	vld.idx.msk [tilespmem:v61+s11+$0x0], $0xffff  }
0x61f: {  	v58 =	vadd.s32 v29, v44;
	v62 =	vadd.s32 v29, v41;
	[tilespmem:s3+$0x4980] =	vst v49  }
0x620: {  	v52 =	vadd.f32 v52, v56;
	v61 =	vmul.f32 v53, v43;
	v51 =	vmul.f32 v51, v33;
	v55 =	vld.idx.msk [tilespmem:v63+s11+$0x0], $0xffff  }
0x621: {  	s3 =	sor.u32 $0xC40, s29;
	v63 =	vadd.s32 v29, v42;
	v48 =	vld.idx.msk [tilespmem:v48+s11+$0x0], $0xffff  }
0x622: {  	[tilespmem:s3+$0x4980] =	vst v52;
	v49 =	vadd.f32 v51, v61  }
0x623: {  	s3 =	sor.u32 $0xC40, s30;
	v61 =	vadd.s32 v29, v40;
	v51 =	vld.idx.msk [tilespmem:v60+s11+$0x0], $0xffff;
	v60 =	vmul.f32 v57, v46;
	v50 =	vmul.f32 v50, v34  }
0x624: {  	v56 =	vld.idx.msk [tilespmem:v58+s11+$0x0], $0xffff;
	[tilespmem:s3+$0x4980] =	vst v49;
	v49 =	vadd.s32 v29, v37  }
0x625: {  	v53 =	vld.idx.msk [tilespmem:v62+s11+$0x0], $0xffff;
	v50 =	vadd.f32 v50, v60  }
0x626: {  	s3 =	sor.u32 $0xC40, s31;
	v52 =	vld.idx.msk [tilespmem:v63+s11+$0x0], $0xffff;
	v62 =	vmul.f32 v55, v47;
	v63 =	vadd.s32 v29, v38;
	v48 =	vmul.f32 v48, v39  }
0x627: {  	v60 =	vadd.s32 v29, v36;
	[tilespmem:s3+$0x4980] =	vst v50  }
0x628: {  	v57 =	vld.idx.msk [tilespmem:v61+s11+$0x0], $0xffff;
	v48 =	vadd.f32 v48, v62  }
0x629: {  	v56 =	vmul.f32 v56, v35;
	s3 =	sor.u32 $0xC40, s0;
	v51 =	vmul.f32 v51, v32;
	v49 =	vld.idx.msk [tilespmem:v49+s11+$0x0], $0xffff  }
0x62a: {  	v61 =	vadd.s32 v30, v44;
	[tilespmem:s3+$0x4980] =	vst v48  }
0x62b: {  	v51 =	vadd.f32 v51, v56;
	v56 =	vadd.s32 v30, v45;
	v55 =	vld.idx.msk [tilespmem:v63+s11+$0x0], $0xffff  }
0x62c: {  	v62 =	vmul.f32 v53, v43;
	v52 =	vmul.f32 v52, v33;
	v63 =	vadd.s32 v30, v42;
	v50 =	vld.idx.msk [tilespmem:v60+s11+$0x0], $0xffff  }
0x62d: {  	v53 =	vadd.s32 v30, v41;
	s3 =	sor.u32 $0xC50, s29  }
0x62e: {  	[tilespmem:s3+$0x4980] =	vst v51;
	v48 =	vadd.f32 v52, v62;
	v60 =	vmul.f32 v57, v46;
	v49 =	vmul.f32 v49, v34  }
0x62f: {  	s3 =	sor.u32 $0xC50, s30;
	v51 =	vld.idx.msk [tilespmem:v61+s11+$0x0], $0xffff;
	v61 =	vadd.s32 v30, v40  }
0x630: {  	v62 =	vadd.s32 v30, v37;
	[tilespmem:s3+$0x4980] =	vst v48;
	v56 =	vld.idx.msk [tilespmem:v56+s11+$0x0], $0xffff;
	v49 =	vadd.f32 v49, v60  }
0x631: {  	v52 =	vld.idx.msk [tilespmem:v63+s11+$0x0], $0xffff;
	v55 =	vmul.f32 v55, v47;
	v50 =	vmul.f32 v50, v39;
	v63 =	vadd.s32 v30, v38  }
0x632: {  	s3 =	sor.u32 $0xC50, s31;
	v60 =	vadd.s32 v30, v36  }
0x633: {  	v53 =	vld.idx.msk [tilespmem:v53+s11+$0x0], $0xffff;
	[tilespmem:s3+$0x4980] =	vst v49;
	v50 =	vadd.f32 v50, v55  }
0x634: {  	v44 =	vadd.s32 v31, v44;
	s3 =	sor.u32 $0xC50, s0;
	v54 =	vld.idx.msk [tilespmem:v61+s11+$0x0], $0xffff  }
0x635: {  	v48 =	vld.idx.msk [tilespmem:v62+s11+$0x0], $0xffff;
	v61 =	vmul.f32 v51, v35;
	v62 =	vmul.f32 v56, v32;
	[tilespmem:s3+$0x4980] =	vst v50  }
0x636: {  	v45 =	vadd.s32 v31, v45;
	v63 =	vld.idx.msk [tilespmem:v63+s11+$0x0], $0xffff  }
0x637: {  	v49 =	vld.idx.msk [tilespmem:v60+s11+$0x0], $0xffff;
	v50 =	vadd.f32 v62, v61  }
0x638: {  	v41 =	vadd.s32 v31, v41;
	v53 =	vmul.f32 v53, v43;
	s3 =	sor.u32 $0xC60, s29;
	v52 =	vmul.f32 v52, v33  }
0x639: {  	v42 =	vadd.s32 v31, v42;
	v40 =	vadd.s32 v31, v40;
	[tilespmem:s3+$0x4980] =	vst v50  }
0x63a: {  	v56 =	vadd.f32 v52, v53;
	v57 =	vmul.f32 v54, v46;
	v48 =	vmul.f32 v48, v34;
	v44 =	vld.idx.msk [tilespmem:v44+s11+$0x0], $0xffff  }
0x63b: {  	v37 =	vadd.s32 v31, v37;
	v38 =	vadd.s32 v31, v38;
	s3 =	sor.u32 $0xC60, s30;
	v45 =	vld.idx.msk [tilespmem:v45+s11+$0x0], $0xffff  }
0x63c: {  	[tilespmem:s3+$0x4980] =	vst v56;
	v48 =	vadd.f32 v48, v57;
	v58 =	vmul.f32 v63, v47;
	v49 =	vmul.f32 v49, v39  }
0x63d: {  	v36 =	vadd.s32 v31, v36;
	s3 =	sor.u32 $0xC60, s31;
	v41 =	vld.idx.msk [tilespmem:v41+s11+$0x0], $0xffff  }
0x63e: {  	v42 =	vld.idx.msk [tilespmem:v42+s11+$0x0], $0xffff;
	[tilespmem:s3+$0x4980] =	vst v48;
	v59 =	vadd.f32 v49, v58  }
0x63f: {  	s3 =	sor.u32 $0xC60, s0;
	v40 =	vld.idx.msk [tilespmem:v40+s11+$0x0], $0xffff  }
0x640: {  	v37 =	vld.idx.msk [tilespmem:v37+s11+$0x0], $0xffff;
	[tilespmem:s3+$0x4980] =	vst v59  }
0x641: {  	v38 =	vld.idx.msk [tilespmem:v38+s11+$0x0], $0xffff  }
0x642: {  	v36 =	vld.idx.msk [tilespmem:v36+s11+$0x0], $0xffff;
	_ =	sdelay $0x1  }
0x643: {  	v35 =	vmul.f32 v44, v35;
	v32 =	vmul.f32 v45, v32  }
0x644: {  	s24 =	sadd.s32 $0x4, s24;
	v41 =	vmul.f32 v41, v43;
	v33 =	vmul.f32 v42, v33  }
0x645: {  	p1 =	slt.u32 s24, $0xC;
	v32 =	vadd.f32 v32, v35;
	v60 =	vmul.f32 v40, v46;
	v34 =	vmul.f32 v37, v34  }
.Ltmp4:
0x646: {  	s29 =	sor.u32 $0xC70, s29;
	v33 =	vadd.f32 v33, v41;
	v61 =	vmul.f32 v38, v47;
	v36 =	vmul.f32 v36, v39;
	(pc) =	sbr.rel @p1 .LBB2_11-.Ltmp4, $4  }
0x647: {  	s30 =	sor.u32 $0xC70, s30;
	[tilespmem:s29+$0x4980] =	vst v32;
	v62 =	vadd.f32 v34, v60  }
0x648: {  	s31 =	sor.u32 $0xC70, s31;
	[tilespmem:s30+$0x4980] =	vst v33;
	v63 =	vadd.f32 v36, v61  }
0x649: {  	s25 =	sadd.s32 $0x200, s25;
	p0 =	por !p0, !p0;
	s0 =	sor.u32 $0xC70, s0;
	[tilespmem:s31+$0x4980] =	vst v62  }
0x64a: {  	s28 =	sadd.s32 $0x4, s28;
	s23 =	sadd.s32 $0x2, s23;
	s26 =	sadd.s32 $0x800, s26;
	[tilespmem:s0+$0x4980] =	vst v63  }
0x64b: {  	s21 =	sadd.s32 $0x1, s21  }
0x64c: {  	p0 =	sne.s32 s21, $0x10  }
.Ltmp5:
0x64d: {  	_ = 	snop;
	(pc) =	sbr.rel @p0 .LBB2_8-.Ltmp5, $4  }
0x64e: {  	s0 =	sadd.s32 s5, s22  }
0x64f: {  	s0 =	sshll.u32 s0, $0x6  }
0x650: {  	s20 =	sadd.s32 $0x20, s20;
	s0 =	sadd.s32 s1, s0  }
0x651: {  	[hbm4b:s0+s2] =	stream.linear.scatter [tilespmem:s17], [sflag:$0x2], $0x2000, $0x38;
	[tilespmem:$0x6980] =	vst v63  }
0x652: {  	s19 =	sadd.s32 $0x1, s19  }
0x653: {  	_ =	swait.ge [sflag:s12], $0x2000;
	p0 =	sne.s32 s19, s9  }
.Ltmp6:
0x654: {  	[sflag:s12] =	ssyncset.done $0x0;
	(pc) =	sbr.rel @p0 .LBB2_1-.Ltmp6, $4  }
0x655: {  	[sflag:s12] =	ssyncadd.s32 $0xFFFFE000  }
0x656: {  	_ =	swait.ge [sflag:s18], $0x2000  }
0x657: {  	[sflag:s18] =	ssyncset.done $0x0  }
0x658: {  	[sflag:s18] =	ssyncadd.s32 $0xFFFFE000  }
0x659: {  	_ =	sfence.sel $0x180000  }
0x65a: {  	[bflag:$0x0] =	sbarrier.arrive $0xFFFF  }
0x65b: {  	_ =	strace $0x90000047  }
0x65c: {  	s0 =	stileid.u32;
	[bflag:$0x2] =	sbarrier.arrive $0xFFFF  }
0x65d: {  	p0 =	sne.s32 s0, $0x0;
	s0 =	rddreg [dreg:$0x3]  }
0x65e: {  	s0 =	sadd.s32 @!p0 $0x100000, s0  }
0x65f: {  	[sflag:s0] =	ssyncadd.tile.s32 @!p0 $0x1;
	_ =	shalt  }
.Lfunc_end2:
_tile_overlayer_lowered:
.L_overlay_start_2:
0x660: {  	(tag) =	ssettag $0x2  }
0x661: {  	s0 =	rddreg [dreg:$0x0];
	s2 =	stileid.u32  }
0x662: {  	s1 =	rddreg [dreg:$0x1];
	p0 =	sne.s32 s2, $0x0  }
0x663: {  	s3 =	rddreg [dreg:$0x2];
	[bflag:$0x3] =	sbarrier.arrive $0xFFFF;
	s2 =	simm.s32 @!p0 $0x1C03  }
0x664: {  	[timem:s3], [sflag:s2] =	dma.local @!p0 [hbm:s0], s1  }
0x665: {  	s0 =	simm.s32 @!p0 $0x3  }
0x666: {  	_ =	swait.ge @!p0 [sflag:s0], s1  }
0x667: {  	s1 =	ssub.s32 @!p0 $0x0, s1;
	[sflag:s0] =	ssyncset.done @!p0 $0x0  }
0x668: {  	[sflag:s0] =	ssyncadd.s32 @!p0 s1  }
0x669: {  	[bflag:$0x3] =	sbarrier.arrive $0xFFFF  }
0x66a: {  	_ =	shalt  }

</sc_bundles>
